<compile_context>
chip_gen: v7x
topology: tpu7x:2x2x1
jax: 0.10.2.dev20260603
libtpu: 0.0.44.dev20260713+nightly
codegen_flags: <defaults>
</compile_context>

<pallas_src>
import jax
import jax.numpy as jnp
from jax import lax
from jax.experimental import pallas as pl
from jax.experimental.pallas import tpu as pltpu
from jax.experimental.pallas import tpu_sc as plsc

N_TOKENS = 262144
TOKEN_DIM = 100
OUT_DIM = 3
NW = 32
TOK_PER_W = N_TOKENS // NW
CH = 256
NCH = TOK_PER_W // CH
NGRP = CH // 16
SLICE_STARTS = (0, 16, 32, 48, 64, 80, 84)


def _build_wv(W):
    W_ext = jnp.zeros((OUT_DIM, 112), W.dtype).at[:, :TOKEN_DIM].set(W)
    rows = []
    for k in range(OUT_DIM):
        for i, st in enumerate(SLICE_STARTS):
            v = lax.dynamic_slice(W_ext[k], (st,), (16,))
            if i == 6:
                v = v * (jnp.arange(16) >= 12).astype(W.dtype)
            rows.append(v)
    return jnp.stack(rows)


def _sc_body(p_hbm, wv_hbm, bb_hbm, out_hbm, xbuf0, xbuf1, obuf, wv_v, bb_v, in_sem):
    xbufs = (xbuf0, xbuf1)
    wid = lax.axis_index("s") * 2 + lax.axis_index("c")
    base = wid * TOK_PER_W

    pltpu.sync_copy(wv_hbm, wv_v)
    pltpu.sync_copy(bb_hbm, bb_v)
    wvec = [[wv_v[k * 7 + i, :] for i in range(7)] for k in range(OUT_DIM)]
    bvec = [bb_v[k, :] for k in range(OUT_DIM)]
    iota = lax.iota(jnp.int32, 16)
    ix = {s: iota ^ s for s in (1, 2, 4, 8)}
    msk = {s: (iota & s) == 0 for s in (1, 2, 4)}
    low8 = iota < 8

    def lane_shuf(v, s):
        return v.at[ix[s]].get(mode="promise_in_bounds")

    def half_tree(vs):
        for s in (1, 2, 4):
            vs = [
                jnp.where(
                    msk[s],
                    vs[2 * p] + lane_shuf(vs[2 * p], s),
                    vs[2 * p + 1] + lane_shuf(vs[2 * p + 1], s),
                )
                for p in range(len(vs) // 2)
            ]
        z = vs[0]
        return z + lane_shuf(z, 8)

    def start_in(c, rb):
        pltpu.make_async_copy(
            p_hbm.at[pl.ds(base + c * CH, CH), :],
            xbufs[rb],
            in_sem.at[rb],
        ).start()

    for rb in range(2):
        start_in(rb, rb)

    def chunk_pair(c2, carry):
        for rb in range(2):
            c = c2 * 2 + rb
            xb = xbufs[rb]
            pltpu.make_async_copy(
                p_hbm.at[pl.ds(base + c * CH, CH), :],
                xb,
                in_sem.at[rb],
            ).wait()

            def group(g, carry2):
                t0 = g * 16
                halves = []
                for half in range(2):
                    accs = [[], [], []]
                    for j in range(8):
                        t = t0 + half * 8 + j
                        xs = [xb[t, pl.ds(st, 16)] for st in SLICE_STARTS]
                        for k in range(OUT_DIM):
                            a = xs[0] * wvec[k][0]
                            for i in range(1, 7):
                                a = a + xs[i] * wvec[k][i]
                            accs[k].append(a)
                    halves.append([half_tree(accs[k]) for k in range(OUT_DIM)])
                l0 = jnp.where(low8, halves[0][0], halves[1][0]) + bvec[0]
                l1 = jnp.where(low8, halves[0][1], halves[1][1]) + bvec[1]
                l2 = jnp.where(low8, halves[0][2], halves[1][2]) + bvec[2]
                m = jnp.maximum(jnp.maximum(l0, l1), l2)
                e0 = jnp.exp(l0 - m)
                e1 = jnp.exp(l1 - m)
                e2 = jnp.exp(l2 - m)
                r = 1.0 / (e0 + e1 + e2)
                for k, ek in enumerate((e0, e1, e2)):
                    plsc.store_scatter(
                        obuf, [iota + t0, jnp.full((16,), k, jnp.int32)], ek * r
                    )
                return carry2

            lax.fori_loop(0, NGRP, group, 0)
            pltpu.sync_copy(
                obuf, out_hbm.at[pl.ds(base + c * CH, CH), :]
            )

            @pl.when(c + 2 < NCH)
            def _():
                start_in(c + 2, rb)
        return carry

    lax.fori_loop(0, NCH // 2, chunk_pair, 0)


def kernel(payload, aux, W, b):
    wv = _build_wv(W)
    bb = jnp.broadcast_to(b[:, None], (OUT_DIM, 16))
    mesh = plsc.VectorSubcoreMesh(core_axis_name="c", subcore_axis_name="s")
    flat = pl.kernel(
        _sc_body,
        out_type=jax.ShapeDtypeStruct((N_TOKENS, OUT_DIM), jnp.float32),
        mesh=mesh,
        compiler_params=pltpu.CompilerParams(
            needs_layout_passes=False,
            use_tc_tiling_on_sc=True,
        ),
        scratch_types=[
            pltpu.VMEM((CH, TOKEN_DIM), jnp.float32),
            pltpu.VMEM((CH, TOKEN_DIM), jnp.float32),
            pltpu.VMEM((CH, OUT_DIM), jnp.float32),
            pltpu.VMEM((OUT_DIM * 7, 16), jnp.float32),
            pltpu.VMEM((OUT_DIM, 16), jnp.float32),
            pltpu.SemaphoreType.DMA((2,)),
        ],
    )(payload, wv, bb)
    return flat

# --- scband reference (transcript-rebuilt; emitter-appended) ---
"""Pipeline reference for scband-server-70360154243696 (READ-ONLY COPY).

The authoritative reference and input builder live on the scoring server;
editing this copy changes nothing except your own understanding.
"""

import jax, jax.numpy as jnp
import numpy as np

N_TOKENS = 262144
TOKEN_DIM = 100
OUT_DIM = 3


def setup_inputs(seed: int = 0) -> dict:
    key = jax.random.key(seed)
    k1, k2, k3 = jax.random.split(key, 3)
    payload = jax.random.normal(k1, (N_TOKENS, TOKEN_DIM), dtype=jnp.float32)
    aux = jnp.zeros((N_TOKENS,), dtype=jnp.int64)
    # Linear(100, 3) parameters, torch default init: U(-1/sqrt(fan_in), 1/sqrt(fan_in))
    bound = 1.0 / np.sqrt(TOKEN_DIM)
    W = jax.random.uniform(k2, (OUT_DIM, TOKEN_DIM), dtype=jnp.float32, minval=-bound, maxval=bound)
    b = jax.random.uniform(k3, (OUT_DIM,), dtype=jnp.float32, minval=-bound, maxval=bound)
    return {"payload": payload, "aux": aux, "W": W, "b": b}


def reference(payload, aux, W, b):
    # quantize=False path: the FSQ quantizer.decompress branch is skipped, so
    # forward reduces to Linear2(payload) = softmax(payload @ W.T + b, axis=-1).
    # aux is unused in this path (kept for signature fidelity).
    logits = payload @ W.T + b
    out = jax.nn.softmax(logits, axis=-1)
    return out

if __name__ == "__main__":
    import jax
    _d = setup_inputs()
    print(jax.jit(kernel)(*tuple(_d.values())))

</pallas_src>

<mosaic_0001>
#map = affine_map<(d0, d1) -> (0, 0)>
module attributes {stable_mosaic.version = 14 : i64} {
  func.func @_sc_body(%arg0: i32, %arg1: i32, %arg2: memref<262144x100xf32, #tpu.memory_space<hbm>>, %arg3: memref<21x16xf32, #tpu.memory_space<hbm>>, %arg4: memref<3x16xf32, #tpu.memory_space<hbm>>, %arg5: memref<262144x3xf32, #tpu.memory_space<hbm>>, %arg6: memref<256x100xf32, #tpu.memory_space<vmem>>, %arg7: memref<256x100xf32, #tpu.memory_space<vmem>>, %arg8: memref<256x3xf32, #tpu.memory_space<vmem>>, %arg9: memref<21x16xf32, #tpu.memory_space<vmem>>, %arg10: memref<3x16xf32, #tpu.memory_space<vmem>>, %arg11: memref<2x!tpu.dma_semaphore, #tpu.memory_space<semaphore_mem>>) attributes {dimension_semantics = [#tpu.dimension_semantics<core_parallel>, #tpu.dimension_semantics<subcore_parallel>], iteration_bounds = array<i64: 2, 16>, scalar_prefetch = 0 : i64, scratch_operands = 6 : i64, tpu.core_type = #tpu.core_type<sc_vector_subcore>, window_params = [{transform_indices = #map}, {transform_indices = #map}, {transform_indices = #map}, {transform_indices = #map}]} {
    %mul3A = arith.constant 2 : i32
    %mul3A_0 = arith.muli %arg1, %mul3A : i32
    %add3A = arith.addi %mul3A_0, %arg0 : i32
    %mul3A_1 = arith.constant 8192 : i32
    %mul3A_2 = arith.muli %add3A, %mul3A_1 : i32
    "tpu.region"() ({
      %run_scoped3A = tpu.sem_alloc : memref<!tpu.dma_semaphore, #tpu.memory_space<semaphore_mem>>
      tpu.enqueue_dma source(%arg3 : memref<21x16xf32, #tpu.memory_space<hbm>>) target(%arg9 : memref<21x16xf32, #tpu.memory_space<vmem>>) target_semaphore(%run_scoped3A : memref<!tpu.dma_semaphore, #tpu.memory_space<semaphore_mem>>)
      tpu.wait_dma2 semaphore(%run_scoped3A : memref<!tpu.dma_semaphore, #tpu.memory_space<semaphore_mem>>) src(%arg3 : memref<21x16xf32, #tpu.memory_space<hbm>>) dst(%arg9 : memref<21x16xf32, #tpu.memory_space<vmem>>)
      tpu.yield
    }) : () -> ()
    "tpu.region"() ({
      %run_scoped3A = tpu.sem_alloc : memref<!tpu.dma_semaphore, #tpu.memory_space<semaphore_mem>>
      tpu.enqueue_dma source(%arg4 : memref<3x16xf32, #tpu.memory_space<hbm>>) target(%arg10 : memref<3x16xf32, #tpu.memory_space<vmem>>) target_semaphore(%run_scoped3A : memref<!tpu.dma_semaphore, #tpu.memory_space<semaphore_mem>>)
      tpu.wait_dma2 semaphore(%run_scoped3A : memref<!tpu.dma_semaphore, #tpu.memory_space<semaphore_mem>>) src(%arg4 : memref<3x16xf32, #tpu.memory_space<hbm>>) dst(%arg10 : memref<3x16xf32, #tpu.memory_space<vmem>>)
      tpu.yield
    }) : () -> ()
    %get3A = arith.constant 0 : i32
    %get3A_3 = arith.index_cast %get3A : i32 to index
    %get3A_4 = arith.constant 0 : index
    %get3A_5 = tpu.vector_load %arg9[%get3A_3, %get3A_4] {strides = array<i32>} : memref<21x16xf32, #tpu.memory_space<vmem>>, vector<16xf32>,
    %get3A_6 = arith.constant 1 : i32
    %get3A_7 = arith.index_cast %get3A_6 : i32 to index
    %get3A_8 = arith.constant 0 : index
    %get3A_9 = tpu.vector_load %arg9[%get3A_7, %get3A_8] {strides = array<i32>} : memref<21x16xf32, #tpu.memory_space<vmem>>, vector<16xf32>,
    %get3A_10 = arith.constant 2 : i32
    %get3A_11 = arith.index_cast %get3A_10 : i32 to index
    %get3A_12 = arith.constant 0 : index
    %get3A_13 = tpu.vector_load %arg9[%get3A_11, %get3A_12] {strides = array<i32>} : memref<21x16xf32, #tpu.memory_space<vmem>>, vector<16xf32>,
    %get3A_14 = arith.constant 3 : i32
    %get3A_15 = arith.index_cast %get3A_14 : i32 to index
    %get3A_16 = arith.constant 0 : index
    %get3A_17 = tpu.vector_load %arg9[%get3A_15, %get3A_16] {strides = array<i32>} : memref<21x16xf32, #tpu.memory_space<vmem>>, vector<16xf32>,
    %get3A_18 = arith.constant 4 : i32
    %get3A_19 = arith.index_cast %get3A_18 : i32 to index
    %get3A_20 = arith.constant 0 : index
    %get3A_21 = tpu.vector_load %arg9[%get3A_19, %get3A_20] {strides = array<i32>} : memref<21x16xf32, #tpu.memory_space<vmem>>, vector<16xf32>,
    %get3A_22 = arith.constant 5 : i32
    %get3A_23 = arith.index_cast %get3A_22 : i32 to index
    %get3A_24 = arith.constant 0 : index
    %get3A_25 = tpu.vector_load %arg9[%get3A_23, %get3A_24] {strides = array<i32>} : memref<21x16xf32, #tpu.memory_space<vmem>>, vector<16xf32>,
    %get3A_26 = arith.constant 6 : i32
    %get3A_27 = arith.index_cast %get3A_26 : i32 to index
    %get3A_28 = arith.constant 0 : index
    %get3A_29 = tpu.vector_load %arg9[%get3A_27, %get3A_28] {strides = array<i32>} : memref<21x16xf32, #tpu.memory_space<vmem>>, vector<16xf32>,
    %get3A_30 = arith.constant 7 : i32
    %get3A_31 = arith.index_cast %get3A_30 : i32 to index
    %get3A_32 = arith.constant 0 : index
    %get3A_33 = tpu.vector_load %arg9[%get3A_31, %get3A_32] {strides = array<i32>} : memref<21x16xf32, #tpu.memory_space<vmem>>, vector<16xf32>,
    %get3A_34 = arith.constant 8 : i32
    %get3A_35 = arith.index_cast %get3A_34 : i32 to index
    %get3A_36 = arith.constant 0 : index
    %get3A_37 = tpu.vector_load %arg9[%get3A_35, %get3A_36] {strides = array<i32>} : memref<21x16xf32, #tpu.memory_space<vmem>>, vector<16xf32>,
    %get3A_38 = arith.constant 9 : i32
    %get3A_39 = arith.index_cast %get3A_38 : i32 to index
    %get3A_40 = arith.constant 0 : index
    %get3A_41 = tpu.vector_load %arg9[%get3A_39, %get3A_40] {strides = array<i32>} : memref<21x16xf32, #tpu.memory_space<vmem>>, vector<16xf32>,
    %get3A_42 = arith.constant 10 : i32
    %get3A_43 = arith.index_cast %get3A_42 : i32 to index
    %get3A_44 = arith.constant 0 : index
    %get3A_45 = tpu.vector_load %arg9[%get3A_43, %get3A_44] {strides = array<i32>} : memref<21x16xf32, #tpu.memory_space<vmem>>, vector<16xf32>,
    %get3A_46 = arith.constant 11 : i32
    %get3A_47 = arith.index_cast %get3A_46 : i32 to index
    %get3A_48 = arith.constant 0 : index
    %get3A_49 = tpu.vector_load %arg9[%get3A_47, %get3A_48] {strides = array<i32>} : memref<21x16xf32, #tpu.memory_space<vmem>>, vector<16xf32>,
    %get3A_50 = arith.constant 12 : i32
    %get3A_51 = arith.index_cast %get3A_50 : i32 to index
    %get3A_52 = arith.constant 0 : index
    %get3A_53 = tpu.vector_load %arg9[%get3A_51, %get3A_52] {strides = array<i32>} : memref<21x16xf32, #tpu.memory_space<vmem>>, vector<16xf32>,
    %get3A_54 = arith.constant 13 : i32
    %get3A_55 = arith.index_cast %get3A_54 : i32 to index
    %get3A_56 = arith.constant 0 : index
    %get3A_57 = tpu.vector_load %arg9[%get3A_55, %get3A_56] {strides = array<i32>} : memref<21x16xf32, #tpu.memory_space<vmem>>, vector<16xf32>,
    %get3A_58 = arith.constant 14 : i32
    %get3A_59 = arith.index_cast %get3A_58 : i32 to index
    %get3A_60 = arith.constant 0 : index
    %get3A_61 = tpu.vector_load %arg9[%get3A_59, %get3A_60] {strides = array<i32>} : memref<21x16xf32, #tpu.memory_space<vmem>>, vector<16xf32>,
    %get3A_62 = arith.constant 15 : i32
    %get3A_63 = arith.index_cast %get3A_62 : i32 to index
    %get3A_64 = arith.constant 0 : index
    %get3A_65 = tpu.vector_load %arg9[%get3A_63, %get3A_64] {strides = array<i32>} : memref<21x16xf32, #tpu.memory_space<vmem>>, vector<16xf32>,
    %get3A_66 = arith.constant 16 : i32
    %get3A_67 = arith.index_cast %get3A_66 : i32 to index
    %get3A_68 = arith.constant 0 : index
    %get3A_69 = tpu.vector_load %arg9[%get3A_67, %get3A_68] {strides = array<i32>} : memref<21x16xf32, #tpu.memory_space<vmem>>, vector<16xf32>,
    %get3A_70 = arith.constant 17 : i32
    %get3A_71 = arith.index_cast %get3A_70 : i32 to index
    %get3A_72 = arith.constant 0 : index
    %get3A_73 = tpu.vector_load %arg9[%get3A_71, %get3A_72] {strides = array<i32>} : memref<21x16xf32, #tpu.memory_space<vmem>>, vector<16xf32>,
    %get3A_74 = arith.constant 18 : i32
    %get3A_75 = arith.index_cast %get3A_74 : i32 to index
    %get3A_76 = arith.constant 0 : index
    %get3A_77 = tpu.vector_load %arg9[%get3A_75, %get3A_76] {strides = array<i32>} : memref<21x16xf32, #tpu.memory_space<vmem>>, vector<16xf32>,
    %get3A_78 = arith.constant 19 : i32
    %get3A_79 = arith.index_cast %get3A_78 : i32 to index
    %get3A_80 = arith.constant 0 : index
    %get3A_81 = tpu.vector_load %arg9[%get3A_79, %get3A_80] {strides = array<i32>} : memref<21x16xf32, #tpu.memory_space<vmem>>, vector<16xf32>,
    %get3A_82 = arith.constant 20 : i32
    %get3A_83 = arith.index_cast %get3A_82 : i32 to index
    %get3A_84 = arith.constant 0 : index
    %get3A_85 = tpu.vector_load %arg9[%get3A_83, %get3A_84] {strides = array<i32>} : memref<21x16xf32, #tpu.memory_space<vmem>>, vector<16xf32>,
    %get3A_86 = arith.constant 0 : i32
    %get3A_87 = arith.index_cast %get3A_86 : i32 to index
    %get3A_88 = arith.constant 0 : index
    %get3A_89 = tpu.vector_load %arg10[%get3A_87, %get3A_88] {strides = array<i32>} : memref<3x16xf32, #tpu.memory_space<vmem>>, vector<16xf32>,
    %get3A_90 = arith.constant 1 : i32
    %get3A_91 = arith.index_cast %get3A_90 : i32 to index
    %get3A_92 = arith.constant 0 : index
    %get3A_93 = tpu.vector_load %arg10[%get3A_91, %get3A_92] {strides = array<i32>} : memref<3x16xf32, #tpu.memory_space<vmem>>, vector<16xf32>,
    %get3A_94 = arith.constant 2 : i32
    %get3A_95 = arith.index_cast %get3A_94 : i32 to index
    %get3A_96 = arith.constant 0 : index
    %get3A_97 = tpu.vector_load %arg10[%get3A_95, %get3A_96] {strides = array<i32>} : memref<3x16xf32, #tpu.memory_space<vmem>>, vector<16xf32>,
    %iota3A = tpu.iota {dimensions = array<i32: 0>} : vector<16xi32>
    %xor3A = arith.constant 1 : i32
    %xor3A_98 = vector.broadcast %xor3A : i32 to vector<16xi32>
    %xor3A_99 = arith.xori %iota3A, %xor3A_98 : vector<16xi32>
    %xor3A_100 = arith.constant 2 : i32
    %xor3A_101 = vector.broadcast %xor3A_100 : i32 to vector<16xi32>
    %xor3A_102 = arith.xori %iota3A, %xor3A_101 : vector<16xi32>
    %xor3A_103 = arith.constant 4 : i32
    %xor3A_104 = vector.broadcast %xor3A_103 : i32 to vector<16xi32>
    %xor3A_105 = arith.xori %iota3A, %xor3A_104 : vector<16xi32>
    %xor3A_106 = arith.constant 8 : i32
    %xor3A_107 = vector.broadcast %xor3A_106 : i32 to vector<16xi32>
    %xor3A_108 = arith.xori %iota3A, %xor3A_107 : vector<16xi32>
    %and3A = arith.constant 1 : i32
    %and3A_109 = vector.broadcast %and3A : i32 to vector<16xi32>
    %and3A_110 = arith.andi %iota3A, %and3A_109 : vector<16xi32>
    %eq3A = arith.constant 0 : i32
    %eq3A_111 = vector.broadcast %eq3A : i32 to vector<16xi32>
    %eq3A_112 = arith.cmpi eq, %and3A_110, %eq3A_111 : vector<16xi32>
    %and3A_113 = arith.constant 2 : i32
    %and3A_114 = vector.broadcast %and3A_113 : i32 to vector<16xi32>
    %and3A_115 = arith.andi %iota3A, %and3A_114 : vector<16xi32>
    %eq3A_116 = arith.constant 0 : i32
    %eq3A_117 = vector.broadcast %eq3A_116 : i32 to vector<16xi32>
    %eq3A_118 = arith.cmpi eq, %and3A_115, %eq3A_117 : vector<16xi32>
    %and3A_119 = arith.constant 4 : i32
    %and3A_120 = vector.broadcast %and3A_119 : i32 to vector<16xi32>
    %and3A_121 = arith.andi %iota3A, %and3A_120 : vector<16xi32>
    %eq3A_122 = arith.constant 0 : i32
    %eq3A_123 = vector.broadcast %eq3A_122 : i32 to vector<16xi32>
    %eq3A_124 = arith.cmpi eq, %and3A_121, %eq3A_123 : vector<16xi32>
    %lt3A = arith.constant 8 : i32
    %lt3A_125 = vector.broadcast %lt3A : i32 to vector<16xi32>
    %lt3A_126 = arith.cmpi slt, %iota3A, %lt3A_125 : vector<16xi32>
    %add3A_127 = arith.constant 0 : i32
    %add3A_128 = arith.addi %mul3A_2, %add3A_127 : i32
    %dma_start3A = arith.constant 0 : i32
    %dma_start3A_129 = arith.constant 0 : i32
    %dma_start3A_130 = tpu.memref_slice %arg2[%add3A_128, %dma_start3A_129] : memref<262144x100xf32, #tpu.memory_space<hbm>> -> memref<256x100xf32, #tpu.memory_space<hbm>>
    %dma_start3A_131 = tpu.memref_slice %arg11[%dma_start3A] : memref<2x!tpu.dma_semaphore, #tpu.memory_space<semaphore_mem>> -> memref<1x!tpu.dma_semaphore, #tpu.memory_space<semaphore_mem>>
    %dma_start3A_132 = tpu.memref_squeeze %dma_start3A_131 : memref<1x!tpu.dma_semaphore, #tpu.memory_space<semaphore_mem>> -> memref<!tpu.dma_semaphore, #tpu.memory_space<semaphore_mem>>
    %dma_start3A_133 = arith.constant 0 : i32
    %dma_start3A_134 = tpu.memref_slice %arg2[%add3A_128, %dma_start3A_133] : memref<262144x100xf32, #tpu.memory_space<hbm>> -> memref<256x100xf32, #tpu.memory_space<hbm>>
    tpu.enqueue_dma source(%dma_start3A_134 : memref<256x100xf32, #tpu.memory_space<hbm>>) target(%arg6 : memref<256x100xf32, #tpu.memory_space<vmem>>) target_semaphore(%dma_start3A_132 : memref<!tpu.dma_semaphore, #tpu.memory_space<semaphore_mem>>)
    %add3A_135 = arith.constant 256 : i32
    %add3A_136 = arith.addi %mul3A_2, %add3A_135 : i32
    %dma_start3A_137 = arith.constant 1 : i32
    %dma_start3A_138 = arith.constant 0 : i32
    %dma_start3A_139 = tpu.memref_slice %arg2[%add3A_136, %dma_start3A_138] : memref<262144x100xf32, #tpu.memory_space<hbm>> -> memref<256x100xf32, #tpu.memory_space<hbm>>
    %dma_start3A_140 = tpu.memref_slice %arg11[%dma_start3A_137] : memref<2x!tpu.dma_semaphore, #tpu.memory_space<semaphore_mem>> -> memref<1x!tpu.dma_semaphore, #tpu.memory_space<semaphore_mem>>
    %dma_start3A_141 = tpu.memref_squeeze %dma_start3A_140 : memref<1x!tpu.dma_semaphore, #tpu.memory_space<semaphore_mem>> -> memref<!tpu.dma_semaphore, #tpu.memory_space<semaphore_mem>>
    %dma_start3A_142 = arith.constant 0 : i32
    %dma_start3A_143 = tpu.memref_slice %arg2[%add3A_136, %dma_start3A_142] : memref<262144x100xf32, #tpu.memory_space<hbm>> -> memref<256x100xf32, #tpu.memory_space<hbm>>
    tpu.enqueue_dma source(%dma_start3A_143 : memref<256x100xf32, #tpu.memory_space<hbm>>) target(%arg7 : memref<256x100xf32, #tpu.memory_space<vmem>>) target_semaphore(%dma_start3A_141 : memref<!tpu.dma_semaphore, #tpu.memory_space<semaphore_mem>>)
    %scan3A = arith.constant 0 : i32
    %scan3A_144 = arith.constant 0 : i32
    %scan3A_145 = arith.constant 16 : i32
    %scan3A_146 = arith.addi %scan3A_144, %scan3A_145 : i32
    %scan3A_147 = arith.constant 1 : i32
    scf.for %scan3A_149 = %scan3A_144 to %scan3A_146 step %scan3A_147  : i32 {
      %mul3A_150 = arith.constant 2 : i32
      %mul3A_151 = arith.muli %scan3A_149, %mul3A_150 : i32
      %add3A_152 = arith.constant 0 : i32
      %add3A_153 = arith.addi %mul3A_151, %add3A_152 : i32
      %mul3A_154 = arith.constant 256 : i32
      %mul3A_155 = arith.muli %add3A_153, %mul3A_154 : i32
      %add3A_156 = arith.addi %mul3A_2, %mul3A_155 : i32
      %dma_wait3A = arith.constant 0 : i32
      %dma_wait3A_157 = arith.constant 0 : i32
      %dma_wait3A_158 = tpu.memref_slice %arg2[%add3A_156, %dma_wait3A_157] : memref<262144x100xf32, #tpu.memory_space<hbm>> -> memref<256x100xf32, #tpu.memory_space<hbm>>
      %dma_wait3A_159 = tpu.memref_slice %arg11[%dma_wait3A] : memref<2x!tpu.dma_semaphore, #tpu.memory_space<semaphore_mem>> -> memref<1x!tpu.dma_semaphore, #tpu.memory_space<semaphore_mem>>
      %dma_wait3A_160 = tpu.memref_squeeze %dma_wait3A_159 : memref<1x!tpu.dma_semaphore, #tpu.memory_space<semaphore_mem>> -> memref<!tpu.dma_semaphore, #tpu.memory_space<semaphore_mem>>
      %dma_wait3A_161 = arith.constant 0 : i32
      %dma_wait3A_162 = tpu.memref_slice %arg2[%add3A_156, %dma_wait3A_161] : memref<262144x100xf32, #tpu.memory_space<hbm>> -> memref<256x100xf32, #tpu.memory_space<hbm>>
      tpu.wait_dma2 semaphore(%dma_wait3A_160 : memref<!tpu.dma_semaphore, #tpu.memory_space<semaphore_mem>>) src(%dma_wait3A_162 : memref<256x100xf32, #tpu.memory_space<hbm>>) dst(%arg6 : memref<256x100xf32, #tpu.memory_space<vmem>>)
      %scan3A_163 = arith.constant 0 : i32
      %scan3A_164 = arith.constant 0 : i32
      %scan3A_165 = arith.constant 16 : i32
      %scan3A_166 = arith.addi %scan3A_164, %scan3A_165 : i32
      %scan3A_167 = arith.constant 1 : i32
      scf.for %scan3A_207 = %scan3A_164 to %scan3A_166 step %scan3A_167  : i32 {
        %mul3A_208 = arith.constant 16 : i32
        %mul3A_209 = arith.muli %scan3A_207, %mul3A_208 : i32
        %add3A_210 = arith.constant 0 : i32
        %add3A_211 = arith.addi %mul3A_209, %add3A_210 : i32
        %add3A_212 = arith.constant 0 : i32
        %add3A_213 = arith.addi %add3A_211, %add3A_212 : i32
        %get3A_214 = arith.index_cast %add3A_213 : i32 to index
        %get3A_215 = arith.constant 0 : index
        %get3A_216 = tpu.vector_load %arg6[%get3A_214, %get3A_215] {strides = array<i32>} : memref<256x100xf32, #tpu.memory_space<vmem>>, vector<16xf32>,
        %get3A_217 = arith.index_cast %add3A_213 : i32 to index
        %get3A_218 = arith.constant 16 : index
        %get3A_219 = tpu.vector_load %arg6[%get3A_217, %get3A_218] {strides = array<i32>} : memref<256x100xf32, #tpu.memory_space<vmem>>, vector<16xf32>,
        %get3A_220 = arith.index_cast %add3A_213 : i32 to index
        %get3A_221 = arith.constant 32 : index
        %get3A_222 = tpu.vector_load %arg6[%get3A_220, %get3A_221] {strides = array<i32>} : memref<256x100xf32, #tpu.memory_space<vmem>>, vector<16xf32>,
        %get3A_223 = arith.index_cast %add3A_213 : i32 to index
        %get3A_224 = arith.constant 48 : index
        %get3A_225 = tpu.vector_load %arg6[%get3A_223, %get3A_224] {strides = array<i32>} : memref<256x100xf32, #tpu.memory_space<vmem>>, vector<16xf32>,
        %get3A_226 = arith.index_cast %add3A_213 : i32 to index
        %get3A_227 = arith.constant 64 : index
        %get3A_228 = tpu.vector_load %arg6[%get3A_226, %get3A_227] {strides = array<i32>} : memref<256x100xf32, #tpu.memory_space<vmem>>, vector<16xf32>,
        %get3A_229 = arith.index_cast %add3A_213 : i32 to index
        %get3A_230 = arith.constant 80 : index
        %get3A_231 = tpu.vector_load %arg6[%get3A_229, %get3A_230] {strides = array<i32>} : memref<256x100xf32, #tpu.memory_space<vmem>>, vector<16xf32>,
        %get3A_232 = arith.index_cast %add3A_213 : i32 to index
        %get3A_233 = arith.constant 84 : index
        %get3A_234 = tpu.vector_load %arg6[%get3A_232, %get3A_233] {strides = array<i32>} : memref<256x100xf32, #tpu.memory_space<vmem>>, vector<16xf32>,
        %mul3A_235 = arith.mulf %get3A_216, %get3A_5 : vector<16xf32>
        %mul3A_236 = arith.mulf %get3A_219, %get3A_9 : vector<16xf32>
        %add3A_237 = arith.addf %mul3A_235, %mul3A_236 : vector<16xf32>
        %mul3A_238 = arith.mulf %get3A_222, %get3A_13 : vector<16xf32>
        %add3A_239 = arith.addf %add3A_237, %mul3A_238 : vector<16xf32>
        %mul3A_240 = arith.mulf %get3A_225, %get3A_17 : vector<16xf32>
        %add3A_241 = arith.addf %add3A_239, %mul3A_240 : vector<16xf32>
        %mul3A_242 = arith.mulf %get3A_228, %get3A_21 : vector<16xf32>
        %add3A_243 = arith.addf %add3A_241, %mul3A_242 : vector<16xf32>
        %mul3A_244 = arith.mulf %get3A_231, %get3A_25 : vector<16xf32>
        %add3A_245 = arith.addf %add3A_243, %mul3A_244 : vector<16xf32>
        %mul3A_246 = arith.mulf %get3A_234, %get3A_29 : vector<16xf32>
        %add3A_247 = arith.addf %add3A_245, %mul3A_246 : vector<16xf32>
        %mul3A_248 = arith.mulf %get3A_216, %get3A_33 : vector<16xf32>
        %mul3A_249 = arith.mulf %get3A_219, %get3A_37 : vector<16xf32>
        %add3A_250 = arith.addf %mul3A_248, %mul3A_249 : vector<16xf32>
        %mul3A_251 = arith.mulf %get3A_222, %get3A_41 : vector<16xf32>
        %add3A_252 = arith.addf %add3A_250, %mul3A_251 : vector<16xf32>
        %mul3A_253 = arith.mulf %get3A_225, %get3A_45 : vector<16xf32>
        %add3A_254 = arith.addf %add3A_252, %mul3A_253 : vector<16xf32>
        %mul3A_255 = arith.mulf %get3A_228, %get3A_49 : vector<16xf32>
        %add3A_256 = arith.addf %add3A_254, %mul3A_255 : vector<16xf32>
        %mul3A_257 = arith.mulf %get3A_231, %get3A_53 : vector<16xf32>
        %add3A_258 = arith.addf %add3A_256, %mul3A_257 : vector<16xf32>
        %mul3A_259 = arith.mulf %get3A_234, %get3A_57 : vector<16xf32>
        %add3A_260 = arith.addf %add3A_258, %mul3A_259 : vector<16xf32>
        %mul3A_261 = arith.mulf %get3A_216, %get3A_61 : vector<16xf32>
        %mul3A_262 = arith.mulf %get3A_219, %get3A_65 : vector<16xf32>
        %add3A_263 = arith.addf %mul3A_261, %mul3A_262 : vector<16xf32>
        %mul3A_264 = arith.mulf %get3A_222, %get3A_69 : vector<16xf32>
        %add3A_265 = arith.addf %add3A_263, %mul3A_264 : vector<16xf32>
        %mul3A_266 = arith.mulf %get3A_225, %get3A_73 : vector<16xf32>
        %add3A_267 = arith.addf %add3A_265, %mul3A_266 : vector<16xf32>
        %mul3A_268 = arith.mulf %get3A_228, %get3A_77 : vector<16xf32>
        %add3A_269 = arith.addf %add3A_267, %mul3A_268 : vector<16xf32>
        %mul3A_270 = arith.mulf %get3A_231, %get3A_81 : vector<16xf32>
        %add3A_271 = arith.addf %add3A_269, %mul3A_270 : vector<16xf32>
        %mul3A_272 = arith.mulf %get3A_234, %get3A_85 : vector<16xf32>
        %add3A_273 = arith.addf %add3A_271, %mul3A_272 : vector<16xf32>
        %add3A_274 = arith.constant 0 : i32
        %add3A_275 = arith.addi %mul3A_209, %add3A_274 : i32
        %add3A_276 = arith.constant 1 : i32
        %add3A_277 = arith.addi %add3A_275, %add3A_276 : i32
        %get3A_278 = arith.index_cast %add3A_277 : i32 to index
        %get3A_279 = arith.constant 0 : index
        %get3A_280 = tpu.vector_load %arg6[%get3A_278, %get3A_279] {strides = array<i32>} : memref<256x100xf32, #tpu.memory_space<vmem>>, vector<16xf32>,
        %get3A_281 = arith.index_cast %add3A_277 : i32 to index
        %get3A_282 = arith.constant 16 : index
        %get3A_283 = tpu.vector_load %arg6[%get3A_281, %get3A_282] {strides = array<i32>} : memref<256x100xf32, #tpu.memory_space<vmem>>, vector<16xf32>,
        %get3A_284 = arith.index_cast %add3A_277 : i32 to index
        %get3A_285 = arith.constant 32 : index
        %get3A_286 = tpu.vector_load %arg6[%get3A_284, %get3A_285] {strides = array<i32>} : memref<256x100xf32, #tpu.memory_space<vmem>>, vector<16xf32>,
        %get3A_287 = arith.index_cast %add3A_277 : i32 to index
        %get3A_288 = arith.constant 48 : index
        %get3A_289 = tpu.vector_load %arg6[%get3A_287, %get3A_288] {strides = array<i32>} : memref<256x100xf32, #tpu.memory_space<vmem>>, vector<16xf32>,
        %get3A_290 = arith.index_cast %add3A_277 : i32 to index
        %get3A_291 = arith.constant 64 : index
        %get3A_292 = tpu.vector_load %arg6[%get3A_290, %get3A_291] {strides = array<i32>} : memref<256x100xf32, #tpu.memory_space<vmem>>, vector<16xf32>,
        %get3A_293 = arith.index_cast %add3A_277 : i32 to index
        %get3A_294 = arith.constant 80 : index
        %get3A_295 = tpu.vector_load %arg6[%get3A_293, %get3A_294] {strides = array<i32>} : memref<256x100xf32, #tpu.memory_space<vmem>>, vector<16xf32>,
        %get3A_296 = arith.index_cast %add3A_277 : i32 to index
        %get3A_297 = arith.constant 84 : index
        %get3A_298 = tpu.vector_load %arg6[%get3A_296, %get3A_297] {strides = array<i32>} : memref<256x100xf32, #tpu.memory_space<vmem>>, vector<16xf32>,
        %mul3A_299 = arith.mulf %get3A_280, %get3A_5 : vector<16xf32>
        %mul3A_300 = arith.mulf %get3A_283, %get3A_9 : vector<16xf32>
        %add3A_301 = arith.addf %mul3A_299, %mul3A_300 : vector<16xf32>
        %mul3A_302 = arith.mulf %get3A_286, %get3A_13 : vector<16xf32>
        %add3A_303 = arith.addf %add3A_301, %mul3A_302 : vector<16xf32>
        %mul3A_304 = arith.mulf %get3A_289, %get3A_17 : vector<16xf32>
        %add3A_305 = arith.addf %add3A_303, %mul3A_304 : vector<16xf32>
        %mul3A_306 = arith.mulf %get3A_292, %get3A_21 : vector<16xf32>
        %add3A_307 = arith.addf %add3A_305, %mul3A_306 : vector<16xf32>
        %mul3A_308 = arith.mulf %get3A_295, %get3A_25 : vector<16xf32>
        %add3A_309 = arith.addf %add3A_307, %mul3A_308 : vector<16xf32>
        %mul3A_310 = arith.mulf %get3A_298, %get3A_29 : vector<16xf32>
        %add3A_311 = arith.addf %add3A_309, %mul3A_310 : vector<16xf32>
        %mul3A_312 = arith.mulf %get3A_280, %get3A_33 : vector<16xf32>
        %mul3A_313 = arith.mulf %get3A_283, %get3A_37 : vector<16xf32>
        %add3A_314 = arith.addf %mul3A_312, %mul3A_313 : vector<16xf32>
        %mul3A_315 = arith.mulf %get3A_286, %get3A_41 : vector<16xf32>
        %add3A_316 = arith.addf %add3A_314, %mul3A_315 : vector<16xf32>
        %mul3A_317 = arith.mulf %get3A_289, %get3A_45 : vector<16xf32>
        %add3A_318 = arith.addf %add3A_316, %mul3A_317 : vector<16xf32>
        %mul3A_319 = arith.mulf %get3A_292, %get3A_49 : vector<16xf32>
        %add3A_320 = arith.addf %add3A_318, %mul3A_319 : vector<16xf32>
        %mul3A_321 = arith.mulf %get3A_295, %get3A_53 : vector<16xf32>
        %add3A_322 = arith.addf %add3A_320, %mul3A_321 : vector<16xf32>
        %mul3A_323 = arith.mulf %get3A_298, %get3A_57 : vector<16xf32>
        %add3A_324 = arith.addf %add3A_322, %mul3A_323 : vector<16xf32>
        %mul3A_325 = arith.mulf %get3A_280, %get3A_61 : vector<16xf32>
        %mul3A_326 = arith.mulf %get3A_283, %get3A_65 : vector<16xf32>
        %add3A_327 = arith.addf %mul3A_325, %mul3A_326 : vector<16xf32>
        %mul3A_328 = arith.mulf %get3A_286, %get3A_69 : vector<16xf32>
        %add3A_329 = arith.addf %add3A_327, %mul3A_328 : vector<16xf32>
        %mul3A_330 = arith.mulf %get3A_289, %get3A_73 : vector<16xf32>
        %add3A_331 = arith.addf %add3A_329, %mul3A_330 : vector<16xf32>
        %mul3A_332 = arith.mulf %get3A_292, %get3A_77 : vector<16xf32>
        %add3A_333 = arith.addf %add3A_331, %mul3A_332 : vector<16xf32>
        %mul3A_334 = arith.mulf %get3A_295, %get3A_81 : vector<16xf32>
        %add3A_335 = arith.addf %add3A_333, %mul3A_334 : vector<16xf32>
        %mul3A_336 = arith.mulf %get3A_298, %get3A_85 : vector<16xf32>
        %add3A_337 = arith.addf %add3A_335, %mul3A_336 : vector<16xf32>
        %add3A_338 = arith.constant 0 : i32
        %add3A_339 = arith.addi %mul3A_209, %add3A_338 : i32
        %add3A_340 = arith.constant 2 : i32
        %add3A_341 = arith.addi %add3A_339, %add3A_340 : i32
        %get3A_342 = arith.index_cast %add3A_341 : i32 to index
        %get3A_343 = arith.constant 0 : index
        %get3A_344 = tpu.vector_load %arg6[%get3A_342, %get3A_343] {strides = array<i32>} : memref<256x100xf32, #tpu.memory_space<vmem>>, vector<16xf32>,
        %get3A_345 = arith.index_cast %add3A_341 : i32 to index
        %get3A_346 = arith.constant 16 : index
        %get3A_347 = tpu.vector_load %arg6[%get3A_345, %get3A_346] {strides = array<i32>} : memref<256x100xf32, #tpu.memory_space<vmem>>, vector<16xf32>,
        %get3A_348 = arith.index_cast %add3A_341 : i32 to index
        %get3A_349 = arith.constant 32 : index
        %get3A_350 = tpu.vector_load %arg6[%get3A_348, %get3A_349] {strides = array<i32>} : memref<256x100xf32, #tpu.memory_space<vmem>>, vector<16xf32>,
        %get3A_351 = arith.index_cast %add3A_341 : i32 to index
        %get3A_352 = arith.constant 48 : index
        %get3A_353 = tpu.vector_load %arg6[%get3A_351, %get3A_352] {strides = array<i32>} : memref<256x100xf32, #tpu.memory_space<vmem>>, vector<16xf32>,
        %get3A_354 = arith.index_cast %add3A_341 : i32 to index
        %get3A_355 = arith.constant 64 : index
        %get3A_356 = tpu.vector_load %arg6[%get3A_354, %get3A_355] {strides = array<i32>} : memref<256x100xf32, #tpu.memory_space<vmem>>, vector<16xf32>,
        %get3A_357 = arith.index_cast %add3A_341 : i32 to index
        %get3A_358 = arith.constant 80 : index
        %get3A_359 = tpu.vector_load %arg6[%get3A_357, %get3A_358] {strides = array<i32>} : memref<256x100xf32, #tpu.memory_space<vmem>>, vector<16xf32>,
        %get3A_360 = arith.index_cast %add3A_341 : i32 to index
        %get3A_361 = arith.constant 84 : index
        %get3A_362 = tpu.vector_load %arg6[%get3A_360, %get3A_361] {strides = array<i32>} : memref<256x100xf32, #tpu.memory_space<vmem>>, vector<16xf32>,
        %mul3A_363 = arith.mulf %get3A_344, %get3A_5 : vector<16xf32>
        %mul3A_364 = arith.mulf %get3A_347, %get3A_9 : vector<16xf32>
        %add3A_365 = arith.addf %mul3A_363, %mul3A_364 : vector<16xf32>
        %mul3A_366 = arith.mulf %get3A_350, %get3A_13 : vector<16xf32>
        %add3A_367 = arith.addf %add3A_365, %mul3A_366 : vector<16xf32>
        %mul3A_368 = arith.mulf %get3A_353, %get3A_17 : vector<16xf32>
        %add3A_369 = arith.addf %add3A_367, %mul3A_368 : vector<16xf32>
        %mul3A_370 = arith.mulf %get3A_356, %get3A_21 : vector<16xf32>
        %add3A_371 = arith.addf %add3A_369, %mul3A_370 : vector<16xf32>
        %mul3A_372 = arith.mulf %get3A_359, %get3A_25 : vector<16xf32>
        %add3A_373 = arith.addf %add3A_371, %mul3A_372 : vector<16xf32>
        %mul3A_374 = arith.mulf %get3A_362, %get3A_29 : vector<16xf32>
        %add3A_375 = arith.addf %add3A_373, %mul3A_374 : vector<16xf32>
        %mul3A_376 = arith.mulf %get3A_344, %get3A_33 : vector<16xf32>
        %mul3A_377 = arith.mulf %get3A_347, %get3A_37 : vector<16xf32>
        %add3A_378 = arith.addf %mul3A_376, %mul3A_377 : vector<16xf32>
        %mul3A_379 = arith.mulf %get3A_350, %get3A_41 : vector<16xf32>
        %add3A_380 = arith.addf %add3A_378, %mul3A_379 : vector<16xf32>
        %mul3A_381 = arith.mulf %get3A_353, %get3A_45 : vector<16xf32>
        %add3A_382 = arith.addf %add3A_380, %mul3A_381 : vector<16xf32>
        %mul3A_383 = arith.mulf %get3A_356, %get3A_49 : vector<16xf32>
        %add3A_384 = arith.addf %add3A_382, %mul3A_383 : vector<16xf32>
        %mul3A_385 = arith.mulf %get3A_359, %get3A_53 : vector<16xf32>
        %add3A_386 = arith.addf %add3A_384, %mul3A_385 : vector<16xf32>
        %mul3A_387 = arith.mulf %get3A_362, %get3A_57 : vector<16xf32>
        %add3A_388 = arith.addf %add3A_386, %mul3A_387 : vector<16xf32>
        %mul3A_389 = arith.mulf %get3A_344, %get3A_61 : vector<16xf32>
        %mul3A_390 = arith.mulf %get3A_347, %get3A_65 : vector<16xf32>
        %add3A_391 = arith.addf %mul3A_389, %mul3A_390 : vector<16xf32>
        %mul3A_392 = arith.mulf %get3A_350, %get3A_69 : vector<16xf32>
        %add3A_393 = arith.addf %add3A_391, %mul3A_392 : vector<16xf32>
        %mul3A_394 = arith.mulf %get3A_353, %get3A_73 : vector<16xf32>
        %add3A_395 = arith.addf %add3A_393, %mul3A_394 : vector<16xf32>
        %mul3A_396 = arith.mulf %get3A_356, %get3A_77 : vector<16xf32>
        %add3A_397 = arith.addf %add3A_395, %mul3A_396 : vector<16xf32>
        %mul3A_398 = arith.mulf %get3A_359, %get3A_81 : vector<16xf32>
        %add3A_399 = arith.addf %add3A_397, %mul3A_398 : vector<16xf32>
        %mul3A_400 = arith.mulf %get3A_362, %get3A_85 : vector<16xf32>
        %add3A_401 = arith.addf %add3A_399, %mul3A_400 : vector<16xf32>
        %add3A_402 = arith.constant 0 : i32
        %add3A_403 = arith.addi %mul3A_209, %add3A_402 : i32
        %add3A_404 = arith.constant 3 : i32
        %add3A_405 = arith.addi %add3A_403, %add3A_404 : i32
        %get3A_406 = arith.index_cast %add3A_405 : i32 to index
        %get3A_407 = arith.constant 0 : index
        %get3A_408 = tpu.vector_load %arg6[%get3A_406, %get3A_407] {strides = array<i32>} : memref<256x100xf32, #tpu.memory_space<vmem>>, vector<16xf32>,
        %get3A_409 = arith.index_cast %add3A_405 : i32 to index
        %get3A_410 = arith.constant 16 : index
        %get3A_411 = tpu.vector_load %arg6[%get3A_409, %get3A_410] {strides = array<i32>} : memref<256x100xf32, #tpu.memory_space<vmem>>, vector<16xf32>,
        %get3A_412 = arith.index_cast %add3A_405 : i32 to index
        %get3A_413 = arith.constant 32 : index
        %get3A_414 = tpu.vector_load %arg6[%get3A_412, %get3A_413] {strides = array<i32>} : memref<256x100xf32, #tpu.memory_space<vmem>>, vector<16xf32>,
        %get3A_415 = arith.index_cast %add3A_405 : i32 to index
        %get3A_416 = arith.constant 48 : index
        %get3A_417 = tpu.vector_load %arg6[%get3A_415, %get3A_416] {strides = array<i32>} : memref<256x100xf32, #tpu.memory_space<vmem>>, vector<16xf32>,
        %get3A_418 = arith.index_cast %add3A_405 : i32 to index
        %get3A_419 = arith.constant 64 : index
        %get3A_420 = tpu.vector_load %arg6[%get3A_418, %get3A_419] {strides = array<i32>} : memref<256x100xf32, #tpu.memory_space<vmem>>, vector<16xf32>,
        %get3A_421 = arith.index_cast %add3A_405 : i32 to index
        %get3A_422 = arith.constant 80 : index
        %get3A_423 = tpu.vector_load %arg6[%get3A_421, %get3A_422] {strides = array<i32>} : memref<256x100xf32, #tpu.memory_space<vmem>>, vector<16xf32>,
        %get3A_424 = arith.index_cast %add3A_405 : i32 to index
        %get3A_425 = arith.constant 84 : index
        %get3A_426 = tpu.vector_load %arg6[%get3A_424, %get3A_425] {strides = array<i32>} : memref<256x100xf32, #tpu.memory_space<vmem>>, vector<16xf32>,
        %mul3A_427 = arith.mulf %get3A_408, %get3A_5 : vector<16xf32>
        %mul3A_428 = arith.mulf %get3A_411, %get3A_9 : vector<16xf32>
        %add3A_429 = arith.addf %mul3A_427, %mul3A_428 : vector<16xf32>
        %mul3A_430 = arith.mulf %get3A_414, %get3A_13 : vector<16xf32>
        %add3A_431 = arith.addf %add3A_429, %mul3A_430 : vector<16xf32>
        %mul3A_432 = arith.mulf %get3A_417, %get3A_17 : vector<16xf32>
        %add3A_433 = arith.addf %add3A_431, %mul3A_432 : vector<16xf32>
        %mul3A_434 = arith.mulf %get3A_420, %get3A_21 : vector<16xf32>
        %add3A_435 = arith.addf %add3A_433, %mul3A_434 : vector<16xf32>
        %mul3A_436 = arith.mulf %get3A_423, %get3A_25 : vector<16xf32>
        %add3A_437 = arith.addf %add3A_435, %mul3A_436 : vector<16xf32>
        %mul3A_438 = arith.mulf %get3A_426, %get3A_29 : vector<16xf32>
        %add3A_439 = arith.addf %add3A_437, %mul3A_438 : vector<16xf32>
        %mul3A_440 = arith.mulf %get3A_408, %get3A_33 : vector<16xf32>
        %mul3A_441 = arith.mulf %get3A_411, %get3A_37 : vector<16xf32>
        %add3A_442 = arith.addf %mul3A_440, %mul3A_441 : vector<16xf32>
        %mul3A_443 = arith.mulf %get3A_414, %get3A_41 : vector<16xf32>
        %add3A_444 = arith.addf %add3A_442, %mul3A_443 : vector<16xf32>
        %mul3A_445 = arith.mulf %get3A_417, %get3A_45 : vector<16xf32>
        %add3A_446 = arith.addf %add3A_444, %mul3A_445 : vector<16xf32>
        %mul3A_447 = arith.mulf %get3A_420, %get3A_49 : vector<16xf32>
        %add3A_448 = arith.addf %add3A_446, %mul3A_447 : vector<16xf32>
        %mul3A_449 = arith.mulf %get3A_423, %get3A_53 : vector<16xf32>
        %add3A_450 = arith.addf %add3A_448, %mul3A_449 : vector<16xf32>
        %mul3A_451 = arith.mulf %get3A_426, %get3A_57 : vector<16xf32>
        %add3A_452 = arith.addf %add3A_450, %mul3A_451 : vector<16xf32>
        %mul3A_453 = arith.mulf %get3A_408, %get3A_61 : vector<16xf32>
        %mul3A_454 = arith.mulf %get3A_411, %get3A_65 : vector<16xf32>
        %add3A_455 = arith.addf %mul3A_453, %mul3A_454 : vector<16xf32>
        %mul3A_456 = arith.mulf %get3A_414, %get3A_69 : vector<16xf32>
        %add3A_457 = arith.addf %add3A_455, %mul3A_456 : vector<16xf32>
        %mul3A_458 = arith.mulf %get3A_417, %get3A_73 : vector<16xf32>
        %add3A_459 = arith.addf %add3A_457, %mul3A_458 : vector<16xf32>
        %mul3A_460 = arith.mulf %get3A_420, %get3A_77 : vector<16xf32>
        %add3A_461 = arith.addf %add3A_459, %mul3A_460 : vector<16xf32>
        %mul3A_462 = arith.mulf %get3A_423, %get3A_81 : vector<16xf32>
        %add3A_463 = arith.addf %add3A_461, %mul3A_462 : vector<16xf32>
        %mul3A_464 = arith.mulf %get3A_426, %get3A_85 : vector<16xf32>
        %add3A_465 = arith.addf %add3A_463, %mul3A_464 : vector<16xf32>
        %add3A_466 = arith.constant 0 : i32
        %add3A_467 = arith.addi %mul3A_209, %add3A_466 : i32
        %add3A_468 = arith.constant 4 : i32
        %add3A_469 = arith.addi %add3A_467, %add3A_468 : i32
        %get3A_470 = arith.index_cast %add3A_469 : i32 to index
        %get3A_471 = arith.constant 0 : index
        %get3A_472 = tpu.vector_load %arg6[%get3A_470, %get3A_471] {strides = array<i32>} : memref<256x100xf32, #tpu.memory_space<vmem>>, vector<16xf32>,
        %get3A_473 = arith.index_cast %add3A_469 : i32 to index
        %get3A_474 = arith.constant 16 : index
        %get3A_475 = tpu.vector_load %arg6[%get3A_473, %get3A_474] {strides = array<i32>} : memref<256x100xf32, #tpu.memory_space<vmem>>, vector<16xf32>,
        %get3A_476 = arith.index_cast %add3A_469 : i32 to index
        %get3A_477 = arith.constant 32 : index
        %get3A_478 = tpu.vector_load %arg6[%get3A_476, %get3A_477] {strides = array<i32>} : memref<256x100xf32, #tpu.memory_space<vmem>>, vector<16xf32>,
        %get3A_479 = arith.index_cast %add3A_469 : i32 to index
        %get3A_480 = arith.constant 48 : index
        %get3A_481 = tpu.vector_load %arg6[%get3A_479, %get3A_480] {strides = array<i32>} : memref<256x100xf32, #tpu.memory_space<vmem>>, vector<16xf32>,
        %get3A_482 = arith.index_cast %add3A_469 : i32 to index
        %get3A_483 = arith.constant 64 : index
        %get3A_484 = tpu.vector_load %arg6[%get3A_482, %get3A_483] {strides = array<i32>} : memref<256x100xf32, #tpu.memory_space<vmem>>, vector<16xf32>,
        %get3A_485 = arith.index_cast %add3A_469 : i32 to index
        %get3A_486 = arith.constant 80 : index
        %get3A_487 = tpu.vector_load %arg6[%get3A_485, %get3A_486] {strides = array<i32>} : memref<256x100xf32, #tpu.memory_space<vmem>>, vector<16xf32>,
        %get3A_488 = arith.index_cast %add3A_469 : i32 to index
        %get3A_489 = arith.constant 84 : index
        %get3A_490 = tpu.vector_load %arg6[%get3A_488, %get3A_489] {strides = array<i32>} : memref<256x100xf32, #tpu.memory_space<vmem>>, vector<16xf32>,
        %mul3A_491 = arith.mulf %get3A_472, %get3A_5 : vector<16xf32>
        %mul3A_492 = arith.mulf %get3A_475, %get3A_9 : vector<16xf32>
        %add3A_493 = arith.addf %mul3A_491, %mul3A_492 : vector<16xf32>
        %mul3A_494 = arith.mulf %get3A_478, %get3A_13 : vector<16xf32>
        %add3A_495 = arith.addf %add3A_493, %mul3A_494 : vector<16xf32>
        %mul3A_496 = arith.mulf %get3A_481, %get3A_17 : vector<16xf32>
        %add3A_497 = arith.addf %add3A_495, %mul3A_496 : vector<16xf32>
        %mul3A_498 = arith.mulf %get3A_484, %get3A_21 : vector<16xf32>
        %add3A_499 = arith.addf %add3A_497, %mul3A_498 : vector<16xf32>
        %mul3A_500 = arith.mulf %get3A_487, %get3A_25 : vector<16xf32>
        %add3A_501 = arith.addf %add3A_499, %mul3A_500 : vector<16xf32>
        %mul3A_502 = arith.mulf %get3A_490, %get3A_29 : vector<16xf32>
        %add3A_503 = arith.addf %add3A_501, %mul3A_502 : vector<16xf32>
        %mul3A_504 = arith.mulf %get3A_472, %get3A_33 : vector<16xf32>
        %mul3A_505 = arith.mulf %get3A_475, %get3A_37 : vector<16xf32>
        %add3A_506 = arith.addf %mul3A_504, %mul3A_505 : vector<16xf32>
        %mul3A_507 = arith.mulf %get3A_478, %get3A_41 : vector<16xf32>
        %add3A_508 = arith.addf %add3A_506, %mul3A_507 : vector<16xf32>
        %mul3A_509 = arith.mulf %get3A_481, %get3A_45 : vector<16xf32>
        %add3A_510 = arith.addf %add3A_508, %mul3A_509 : vector<16xf32>
        %mul3A_511 = arith.mulf %get3A_484, %get3A_49 : vector<16xf32>
        %add3A_512 = arith.addf %add3A_510, %mul3A_511 : vector<16xf32>
        %mul3A_513 = arith.mulf %get3A_487, %get3A_53 : vector<16xf32>
        %add3A_514 = arith.addf %add3A_512, %mul3A_513 : vector<16xf32>
        %mul3A_515 = arith.mulf %get3A_490, %get3A_57 : vector<16xf32>
        %add3A_516 = arith.addf %add3A_514, %mul3A_515 : vector<16xf32>
        %mul3A_517 = arith.mulf %get3A_472, %get3A_61 : vector<16xf32>
        %mul3A_518 = arith.mulf %get3A_475, %get3A_65 : vector<16xf32>
        %add3A_519 = arith.addf %mul3A_517, %mul3A_518 : vector<16xf32>
        %mul3A_520 = arith.mulf %get3A_478, %get3A_69 : vector<16xf32>
        %add3A_521 = arith.addf %add3A_519, %mul3A_520 : vector<16xf32>
        %mul3A_522 = arith.mulf %get3A_481, %get3A_73 : vector<16xf32>
        %add3A_523 = arith.addf %add3A_521, %mul3A_522 : vector<16xf32>
        %mul3A_524 = arith.mulf %get3A_484, %get3A_77 : vector<16xf32>
        %add3A_525 = arith.addf %add3A_523, %mul3A_524 : vector<16xf32>
        %mul3A_526 = arith.mulf %get3A_487, %get3A_81 : vector<16xf32>
        %add3A_527 = arith.addf %add3A_525, %mul3A_526 : vector<16xf32>
        %mul3A_528 = arith.mulf %get3A_490, %get3A_85 : vector<16xf32>
        %add3A_529 = arith.addf %add3A_527, %mul3A_528 : vector<16xf32>
        %add3A_530 = arith.constant 0 : i32
        %add3A_531 = arith.addi %mul3A_209, %add3A_530 : i32
        %add3A_532 = arith.constant 5 : i32
        %add3A_533 = arith.addi %add3A_531, %add3A_532 : i32
        %get3A_534 = arith.index_cast %add3A_533 : i32 to index
        %get3A_535 = arith.constant 0 : index
        %get3A_536 = tpu.vector_load %arg6[%get3A_534, %get3A_535] {strides = array<i32>} : memref<256x100xf32, #tpu.memory_space<vmem>>, vector<16xf32>,
        %get3A_537 = arith.index_cast %add3A_533 : i32 to index
        %get3A_538 = arith.constant 16 : index
        %get3A_539 = tpu.vector_load %arg6[%get3A_537, %get3A_538] {strides = array<i32>} : memref<256x100xf32, #tpu.memory_space<vmem>>, vector<16xf32>,
        %get3A_540 = arith.index_cast %add3A_533 : i32 to index
        %get3A_541 = arith.constant 32 : index
        %get3A_542 = tpu.vector_load %arg6[%get3A_540, %get3A_541] {strides = array<i32>} : memref<256x100xf32, #tpu.memory_space<vmem>>, vector<16xf32>,
        %get3A_543 = arith.index_cast %add3A_533 : i32 to index
        %get3A_544 = arith.constant 48 : index
        %get3A_545 = tpu.vector_load %arg6[%get3A_543, %get3A_544] {strides = array<i32>} : memref<256x100xf32, #tpu.memory_space<vmem>>, vector<16xf32>,
        %get3A_546 = arith.index_cast %add3A_533 : i32 to index
        %get3A_547 = arith.constant 64 : index
        %get3A_548 = tpu.vector_load %arg6[%get3A_546, %get3A_547] {strides = array<i32>} : memref<256x100xf32, #tpu.memory_space<vmem>>, vector<16xf32>,
        %get3A_549 = arith.index_cast %add3A_533 : i32 to index
        %get3A_550 = arith.constant 80 : index
        %get3A_551 = tpu.vector_load %arg6[%get3A_549, %get3A_550] {strides = array<i32>} : memref<256x100xf32, #tpu.memory_space<vmem>>, vector<16xf32>,
        %get3A_552 = arith.index_cast %add3A_533 : i32 to index
        %get3A_553 = arith.constant 84 : index
        %get3A_554 = tpu.vector_load %arg6[%get3A_552, %get3A_553] {strides = array<i32>} : memref<256x100xf32, #tpu.memory_space<vmem>>, vector<16xf32>,
        %mul3A_555 = arith.mulf %get3A_536, %get3A_5 : vector<16xf32>
        %mul3A_556 = arith.mulf %get3A_539, %get3A_9 : vector<16xf32>
        %add3A_557 = arith.addf %mul3A_555, %mul3A_556 : vector<16xf32>
        %mul3A_558 = arith.mulf %get3A_542, %get3A_13 : vector<16xf32>
        %add3A_559 = arith.addf %add3A_557, %mul3A_558 : vector<16xf32>
        %mul3A_560 = arith.mulf %get3A_545, %get3A_17 : vector<16xf32>
        %add3A_561 = arith.addf %add3A_559, %mul3A_560 : vector<16xf32>
        %mul3A_562 = arith.mulf %get3A_548, %get3A_21 : vector<16xf32>
        %add3A_563 = arith.addf %add3A_561, %mul3A_562 : vector<16xf32>
        %mul3A_564 = arith.mulf %get3A_551, %get3A_25 : vector<16xf32>
        %add3A_565 = arith.addf %add3A_563, %mul3A_564 : vector<16xf32>
        %mul3A_566 = arith.mulf %get3A_554, %get3A_29 : vector<16xf32>
        %add3A_567 = arith.addf %add3A_565, %mul3A_566 : vector<16xf32>
        %mul3A_568 = arith.mulf %get3A_536, %get3A_33 : vector<16xf32>
        %mul3A_569 = arith.mulf %get3A_539, %get3A_37 : vector<16xf32>
        %add3A_570 = arith.addf %mul3A_568, %mul3A_569 : vector<16xf32>
        %mul3A_571 = arith.mulf %get3A_542, %get3A_41 : vector<16xf32>
        %add3A_572 = arith.addf %add3A_570, %mul3A_571 : vector<16xf32>
        %mul3A_573 = arith.mulf %get3A_545, %get3A_45 : vector<16xf32>
        %add3A_574 = arith.addf %add3A_572, %mul3A_573 : vector<16xf32>
        %mul3A_575 = arith.mulf %get3A_548, %get3A_49 : vector<16xf32>
        %add3A_576 = arith.addf %add3A_574, %mul3A_575 : vector<16xf32>
        %mul3A_577 = arith.mulf %get3A_551, %get3A_53 : vector<16xf32>
        %add3A_578 = arith.addf %add3A_576, %mul3A_577 : vector<16xf32>
        %mul3A_579 = arith.mulf %get3A_554, %get3A_57 : vector<16xf32>
        %add3A_580 = arith.addf %add3A_578, %mul3A_579 : vector<16xf32>
        %mul3A_581 = arith.mulf %get3A_536, %get3A_61 : vector<16xf32>
        %mul3A_582 = arith.mulf %get3A_539, %get3A_65 : vector<16xf32>
        %add3A_583 = arith.addf %mul3A_581, %mul3A_582 : vector<16xf32>
        %mul3A_584 = arith.mulf %get3A_542, %get3A_69 : vector<16xf32>
        %add3A_585 = arith.addf %add3A_583, %mul3A_584 : vector<16xf32>
        %mul3A_586 = arith.mulf %get3A_545, %get3A_73 : vector<16xf32>
        %add3A_587 = arith.addf %add3A_585, %mul3A_586 : vector<16xf32>
        %mul3A_588 = arith.mulf %get3A_548, %get3A_77 : vector<16xf32>
        %add3A_589 = arith.addf %add3A_587, %mul3A_588 : vector<16xf32>
        %mul3A_590 = arith.mulf %get3A_551, %get3A_81 : vector<16xf32>
        %add3A_591 = arith.addf %add3A_589, %mul3A_590 : vector<16xf32>
        %mul3A_592 = arith.mulf %get3A_554, %get3A_85 : vector<16xf32>
        %add3A_593 = arith.addf %add3A_591, %mul3A_592 : vector<16xf32>
        %add3A_594 = arith.constant 0 : i32
        %add3A_595 = arith.addi %mul3A_209, %add3A_594 : i32
        %add3A_596 = arith.constant 6 : i32
        %add3A_597 = arith.addi %add3A_595, %add3A_596 : i32
        %get3A_598 = arith.index_cast %add3A_597 : i32 to index
        %get3A_599 = arith.constant 0 : index
        %get3A_600 = tpu.vector_load %arg6[%get3A_598, %get3A_599] {strides = array<i32>} : memref<256x100xf32, #tpu.memory_space<vmem>>, vector<16xf32>,
        %get3A_601 = arith.index_cast %add3A_597 : i32 to index
        %get3A_602 = arith.constant 16 : index
        %get3A_603 = tpu.vector_load %arg6[%get3A_601, %get3A_602] {strides = array<i32>} : memref<256x100xf32, #tpu.memory_space<vmem>>, vector<16xf32>,
        %get3A_604 = arith.index_cast %add3A_597 : i32 to index
        %get3A_605 = arith.constant 32 : index
        %get3A_606 = tpu.vector_load %arg6[%get3A_604, %get3A_605] {strides = array<i32>} : memref<256x100xf32, #tpu.memory_space<vmem>>, vector<16xf32>,
        %get3A_607 = arith.index_cast %add3A_597 : i32 to index
        %get3A_608 = arith.constant 48 : index
        %get3A_609 = tpu.vector_load %arg6[%get3A_607, %get3A_608] {strides = array<i32>} : memref<256x100xf32, #tpu.memory_space<vmem>>, vector<16xf32>,
        %get3A_610 = arith.index_cast %add3A_597 : i32 to index
        %get3A_611 = arith.constant 64 : index
        %get3A_612 = tpu.vector_load %arg6[%get3A_610, %get3A_611] {strides = array<i32>} : memref<256x100xf32, #tpu.memory_space<vmem>>, vector<16xf32>,
        %get3A_613 = arith.index_cast %add3A_597 : i32 to index
        %get3A_614 = arith.constant 80 : index
        %get3A_615 = tpu.vector_load %arg6[%get3A_613, %get3A_614] {strides = array<i32>} : memref<256x100xf32, #tpu.memory_space<vmem>>, vector<16xf32>,
        %get3A_616 = arith.index_cast %add3A_597 : i32 to index
        %get3A_617 = arith.constant 84 : index
        %get3A_618 = tpu.vector_load %arg6[%get3A_616, %get3A_617] {strides = array<i32>} : memref<256x100xf32, #tpu.memory_space<vmem>>, vector<16xf32>,
        %mul3A_619 = arith.mulf %get3A_600, %get3A_5 : vector<16xf32>
        %mul3A_620 = arith.mulf %get3A_603, %get3A_9 : vector<16xf32>
        %add3A_621 = arith.addf %mul3A_619, %mul3A_620 : vector<16xf32>
        %mul3A_622 = arith.mulf %get3A_606, %get3A_13 : vector<16xf32>
        %add3A_623 = arith.addf %add3A_621, %mul3A_622 : vector<16xf32>
        %mul3A_624 = arith.mulf %get3A_609, %get3A_17 : vector<16xf32>
        %add3A_625 = arith.addf %add3A_623, %mul3A_624 : vector<16xf32>
        %mul3A_626 = arith.mulf %get3A_612, %get3A_21 : vector<16xf32>
        %add3A_627 = arith.addf %add3A_625, %mul3A_626 : vector<16xf32>
        %mul3A_628 = arith.mulf %get3A_615, %get3A_25 : vector<16xf32>
        %add3A_629 = arith.addf %add3A_627, %mul3A_628 : vector<16xf32>
        %mul3A_630 = arith.mulf %get3A_618, %get3A_29 : vector<16xf32>
        %add3A_631 = arith.addf %add3A_629, %mul3A_630 : vector<16xf32>
        %mul3A_632 = arith.mulf %get3A_600, %get3A_33 : vector<16xf32>
        %mul3A_633 = arith.mulf %get3A_603, %get3A_37 : vector<16xf32>
        %add3A_634 = arith.addf %mul3A_632, %mul3A_633 : vector<16xf32>
        %mul3A_635 = arith.mulf %get3A_606, %get3A_41 : vector<16xf32>
        %add3A_636 = arith.addf %add3A_634, %mul3A_635 : vector<16xf32>
        %mul3A_637 = arith.mulf %get3A_609, %get3A_45 : vector<16xf32>
        %add3A_638 = arith.addf %add3A_636, %mul3A_637 : vector<16xf32>
        %mul3A_639 = arith.mulf %get3A_612, %get3A_49 : vector<16xf32>
        %add3A_640 = arith.addf %add3A_638, %mul3A_639 : vector<16xf32>
        %mul3A_641 = arith.mulf %get3A_615, %get3A_53 : vector<16xf32>
        %add3A_642 = arith.addf %add3A_640, %mul3A_641 : vector<16xf32>
        %mul3A_643 = arith.mulf %get3A_618, %get3A_57 : vector<16xf32>
        %add3A_644 = arith.addf %add3A_642, %mul3A_643 : vector<16xf32>
        %mul3A_645 = arith.mulf %get3A_600, %get3A_61 : vector<16xf32>
        %mul3A_646 = arith.mulf %get3A_603, %get3A_65 : vector<16xf32>
        %add3A_647 = arith.addf %mul3A_645, %mul3A_646 : vector<16xf32>
        %mul3A_648 = arith.mulf %get3A_606, %get3A_69 : vector<16xf32>
        %add3A_649 = arith.addf %add3A_647, %mul3A_648 : vector<16xf32>
        %mul3A_650 = arith.mulf %get3A_609, %get3A_73 : vector<16xf32>
        %add3A_651 = arith.addf %add3A_649, %mul3A_650 : vector<16xf32>
        %mul3A_652 = arith.mulf %get3A_612, %get3A_77 : vector<16xf32>
        %add3A_653 = arith.addf %add3A_651, %mul3A_652 : vector<16xf32>
        %mul3A_654 = arith.mulf %get3A_615, %get3A_81 : vector<16xf32>
        %add3A_655 = arith.addf %add3A_653, %mul3A_654 : vector<16xf32>
        %mul3A_656 = arith.mulf %get3A_618, %get3A_85 : vector<16xf32>
        %add3A_657 = arith.addf %add3A_655, %mul3A_656 : vector<16xf32>
        %add3A_658 = arith.constant 0 : i32
        %add3A_659 = arith.addi %mul3A_209, %add3A_658 : i32
        %add3A_660 = arith.constant 7 : i32
        %add3A_661 = arith.addi %add3A_659, %add3A_660 : i32
        %get3A_662 = arith.index_cast %add3A_661 : i32 to index
        %get3A_663 = arith.constant 0 : index
        %get3A_664 = tpu.vector_load %arg6[%get3A_662, %get3A_663] {strides = array<i32>} : memref<256x100xf32, #tpu.memory_space<vmem>>, vector<16xf32>,
        %get3A_665 = arith.index_cast %add3A_661 : i32 to index
        %get3A_666 = arith.constant 16 : index
        %get3A_667 = tpu.vector_load %arg6[%get3A_665, %get3A_666] {strides = array<i32>} : memref<256x100xf32, #tpu.memory_space<vmem>>, vector<16xf32>,
        %get3A_668 = arith.index_cast %add3A_661 : i32 to index
        %get3A_669 = arith.constant 32 : index
        %get3A_670 = tpu.vector_load %arg6[%get3A_668, %get3A_669] {strides = array<i32>} : memref<256x100xf32, #tpu.memory_space<vmem>>, vector<16xf32>,
        %get3A_671 = arith.index_cast %add3A_661 : i32 to index
        %get3A_672 = arith.constant 48 : index
        %get3A_673 = tpu.vector_load %arg6[%get3A_671, %get3A_672] {strides = array<i32>} : memref<256x100xf32, #tpu.memory_space<vmem>>, vector<16xf32>,
        %get3A_674 = arith.index_cast %add3A_661 : i32 to index
        %get3A_675 = arith.constant 64 : index
        %get3A_676 = tpu.vector_load %arg6[%get3A_674, %get3A_675] {strides = array<i32>} : memref<256x100xf32, #tpu.memory_space<vmem>>, vector<16xf32>,
        %get3A_677 = arith.index_cast %add3A_661 : i32 to index
        %get3A_678 = arith.constant 80 : index
        %get3A_679 = tpu.vector_load %arg6[%get3A_677, %get3A_678] {strides = array<i32>} : memref<256x100xf32, #tpu.memory_space<vmem>>, vector<16xf32>,
        %get3A_680 = arith.index_cast %add3A_661 : i32 to index
        %get3A_681 = arith.constant 84 : index
        %get3A_682 = tpu.vector_load %arg6[%get3A_680, %get3A_681] {strides = array<i32>} : memref<256x100xf32, #tpu.memory_space<vmem>>, vector<16xf32>,
        %mul3A_683 = arith.mulf %get3A_664, %get3A_5 : vector<16xf32>
        %mul3A_684 = arith.mulf %get3A_667, %get3A_9 : vector<16xf32>
        %add3A_685 = arith.addf %mul3A_683, %mul3A_684 : vector<16xf32>
        %mul3A_686 = arith.mulf %get3A_670, %get3A_13 : vector<16xf32>
        %add3A_687 = arith.addf %add3A_685, %mul3A_686 : vector<16xf32>
        %mul3A_688 = arith.mulf %get3A_673, %get3A_17 : vector<16xf32>
        %add3A_689 = arith.addf %add3A_687, %mul3A_688 : vector<16xf32>
        %mul3A_690 = arith.mulf %get3A_676, %get3A_21 : vector<16xf32>
        %add3A_691 = arith.addf %add3A_689, %mul3A_690 : vector<16xf32>
        %mul3A_692 = arith.mulf %get3A_679, %get3A_25 : vector<16xf32>
        %add3A_693 = arith.addf %add3A_691, %mul3A_692 : vector<16xf32>
        %mul3A_694 = arith.mulf %get3A_682, %get3A_29 : vector<16xf32>
        %add3A_695 = arith.addf %add3A_693, %mul3A_694 : vector<16xf32>
        %mul3A_696 = arith.mulf %get3A_664, %get3A_33 : vector<16xf32>
        %mul3A_697 = arith.mulf %get3A_667, %get3A_37 : vector<16xf32>
        %add3A_698 = arith.addf %mul3A_696, %mul3A_697 : vector<16xf32>
        %mul3A_699 = arith.mulf %get3A_670, %get3A_41 : vector<16xf32>
        %add3A_700 = arith.addf %add3A_698, %mul3A_699 : vector<16xf32>
        %mul3A_701 = arith.mulf %get3A_673, %get3A_45 : vector<16xf32>
        %add3A_702 = arith.addf %add3A_700, %mul3A_701 : vector<16xf32>
        %mul3A_703 = arith.mulf %get3A_676, %get3A_49 : vector<16xf32>
        %add3A_704 = arith.addf %add3A_702, %mul3A_703 : vector<16xf32>
        %mul3A_705 = arith.mulf %get3A_679, %get3A_53 : vector<16xf32>
        %add3A_706 = arith.addf %add3A_704, %mul3A_705 : vector<16xf32>
        %mul3A_707 = arith.mulf %get3A_682, %get3A_57 : vector<16xf32>
        %add3A_708 = arith.addf %add3A_706, %mul3A_707 : vector<16xf32>
        %mul3A_709 = arith.mulf %get3A_664, %get3A_61 : vector<16xf32>
        %mul3A_710 = arith.mulf %get3A_667, %get3A_65 : vector<16xf32>
        %add3A_711 = arith.addf %mul3A_709, %mul3A_710 : vector<16xf32>
        %mul3A_712 = arith.mulf %get3A_670, %get3A_69 : vector<16xf32>
        %add3A_713 = arith.addf %add3A_711, %mul3A_712 : vector<16xf32>
        %mul3A_714 = arith.mulf %get3A_673, %get3A_73 : vector<16xf32>
        %add3A_715 = arith.addf %add3A_713, %mul3A_714 : vector<16xf32>
        %mul3A_716 = arith.mulf %get3A_676, %get3A_77 : vector<16xf32>
        %add3A_717 = arith.addf %add3A_715, %mul3A_716 : vector<16xf32>
        %mul3A_718 = arith.mulf %get3A_679, %get3A_81 : vector<16xf32>
        %add3A_719 = arith.addf %add3A_717, %mul3A_718 : vector<16xf32>
        %mul3A_720 = arith.mulf %get3A_682, %get3A_85 : vector<16xf32>
        %add3A_721 = arith.addf %add3A_719, %mul3A_720 : vector<16xf32>
        %lt3A_722 = arith.constant 0 : i32
        %lt3A_723 = vector.broadcast %lt3A_722 : i32 to vector<16xi32>
        %lt3A_724 = arith.cmpi slt, %xor3A_99, %lt3A_723 : vector<16xi32>
        %add3A_725 = arith.constant 16 : i32
        %add3A_726 = vector.broadcast %add3A_725 : i32 to vector<16xi32>
        %add3A_727 = arith.addi %xor3A_99, %add3A_726 : vector<16xi32>
        %select_n3A = arith.select %lt3A_724, %add3A_727, %xor3A_99 : vector<16xi1>, vector<16xi32>
        %broadcast_in_dim3A = vector.shape_cast %select_n3A : vector<16xi32> to vector<16x1xi32>
        %gather3A = vector.shape_cast %broadcast_in_dim3A : vector<16x1xi32> to vector<16xi32>
        %gather3A_728 = tpu.dynamic_gather %add3A_247[%gather3A] in [0] : vector<16xf32>, vector<16xi32> -> vector<16xf32>
        %add3A_729 = arith.addf %add3A_247, %gather3A_728 : vector<16xf32>
        %lt3A_730 = arith.constant 0 : i32
        %lt3A_731 = vector.broadcast %lt3A_730 : i32 to vector<16xi32>
        %lt3A_732 = arith.cmpi slt, %xor3A_99, %lt3A_731 : vector<16xi32>
        %add3A_733 = arith.constant 16 : i32
        %add3A_734 = vector.broadcast %add3A_733 : i32 to vector<16xi32>
        %add3A_735 = arith.addi %xor3A_99, %add3A_734 : vector<16xi32>
        %select_n3A_736 = arith.select %lt3A_732, %add3A_735, %xor3A_99 : vector<16xi1>, vector<16xi32>
        %broadcast_in_dim3A_737 = vector.shape_cast %select_n3A_736 : vector<16xi32> to vector<16x1xi32>
        %gather3A_738 = vector.shape_cast %broadcast_in_dim3A_737 : vector<16x1xi32> to vector<16xi32>
        %gather3A_739 = tpu.dynamic_gather %add3A_311[%gather3A_738] in [0] : vector<16xf32>, vector<16xi32> -> vector<16xf32>
        %add3A_740 = arith.addf %add3A_311, %gather3A_739 : vector<16xf32>
        %select_n3A_741 = arith.select %eq3A_112, %add3A_729, %add3A_740 : vector<16xi1>, vector<16xf32>
        %lt3A_742 = arith.constant 0 : i32
        %lt3A_743 = vector.broadcast %lt3A_742 : i32 to vector<16xi32>
        %lt3A_744 = arith.cmpi slt, %xor3A_99, %lt3A_743 : vector<16xi32>
        %add3A_745 = arith.constant 16 : i32
        %add3A_746 = vector.broadcast %add3A_745 : i32 to vector<16xi32>
        %add3A_747 = arith.addi %xor3A_99, %add3A_746 : vector<16xi32>
        %select_n3A_748 = arith.select %lt3A_744, %add3A_747, %xor3A_99 : vector<16xi1>, vector<16xi32>
        %broadcast_in_dim3A_749 = vector.shape_cast %select_n3A_748 : vector<16xi32> to vector<16x1xi32>
        %gather3A_750 = vector.shape_cast %broadcast_in_dim3A_749 : vector<16x1xi32> to vector<16xi32>
        %gather3A_751 = tpu.dynamic_gather %add3A_375[%gather3A_750] in [0] : vector<16xf32>, vector<16xi32> -> vector<16xf32>
        %add3A_752 = arith.addf %add3A_375, %gather3A_751 : vector<16xf32>
        %lt3A_753 = arith.constant 0 : i32
        %lt3A_754 = vector.broadcast %lt3A_753 : i32 to vector<16xi32>
        %lt3A_755 = arith.cmpi slt, %xor3A_99, %lt3A_754 : vector<16xi32>
        %add3A_756 = arith.constant 16 : i32
        %add3A_757 = vector.broadcast %add3A_756 : i32 to vector<16xi32>
        %add3A_758 = arith.addi %xor3A_99, %add3A_757 : vector<16xi32>
        %select_n3A_759 = arith.select %lt3A_755, %add3A_758, %xor3A_99 : vector<16xi1>, vector<16xi32>
        %broadcast_in_dim3A_760 = vector.shape_cast %select_n3A_759 : vector<16xi32> to vector<16x1xi32>
        %gather3A_761 = vector.shape_cast %broadcast_in_dim3A_760 : vector<16x1xi32> to vector<16xi32>
        %gather3A_762 = tpu.dynamic_gather %add3A_439[%gather3A_761] in [0] : vector<16xf32>, vector<16xi32> -> vector<16xf32>
        %add3A_763 = arith.addf %add3A_439, %gather3A_762 : vector<16xf32>
        %select_n3A_764 = arith.select %eq3A_112, %add3A_752, %add3A_763 : vector<16xi1>, vector<16xf32>
        %lt3A_765 = arith.constant 0 : i32
        %lt3A_766 = vector.broadcast %lt3A_765 : i32 to vector<16xi32>
        %lt3A_767 = arith.cmpi slt, %xor3A_99, %lt3A_766 : vector<16xi32>
        %add3A_768 = arith.constant 16 : i32
        %add3A_769 = vector.broadcast %add3A_768 : i32 to vector<16xi32>
        %add3A_770 = arith.addi %xor3A_99, %add3A_769 : vector<16xi32>
        %select_n3A_771 = arith.select %lt3A_767, %add3A_770, %xor3A_99 : vector<16xi1>, vector<16xi32>
        %broadcast_in_dim3A_772 = vector.shape_cast %select_n3A_771 : vector<16xi32> to vector<16x1xi32>
        %gather3A_773 = vector.shape_cast %broadcast_in_dim3A_772 : vector<16x1xi32> to vector<16xi32>
        %gather3A_774 = tpu.dynamic_gather %add3A_503[%gather3A_773] in [0] : vector<16xf32>, vector<16xi32> -> vector<16xf32>
        %add3A_775 = arith.addf %add3A_503, %gather3A_774 : vector<16xf32>
        %lt3A_776 = arith.constant 0 : i32
        %lt3A_777 = vector.broadcast %lt3A_776 : i32 to vector<16xi32>
        %lt3A_778 = arith.cmpi slt, %xor3A_99, %lt3A_777 : vector<16xi32>
        %add3A_779 = arith.constant 16 : i32
        %add3A_780 = vector.broadcast %add3A_779 : i32 to vector<16xi32>
        %add3A_781 = arith.addi %xor3A_99, %add3A_780 : vector<16xi32>
        %select_n3A_782 = arith.select %lt3A_778, %add3A_781, %xor3A_99 : vector<16xi1>, vector<16xi32>
        %broadcast_in_dim3A_783 = vector.shape_cast %select_n3A_782 : vector<16xi32> to vector<16x1xi32>
        %gather3A_784 = vector.shape_cast %broadcast_in_dim3A_783 : vector<16x1xi32> to vector<16xi32>
        %gather3A_785 = tpu.dynamic_gather %add3A_567[%gather3A_784] in [0] : vector<16xf32>, vector<16xi32> -> vector<16xf32>
        %add3A_786 = arith.addf %add3A_567, %gather3A_785 : vector<16xf32>
        %select_n3A_787 = arith.select %eq3A_112, %add3A_775, %add3A_786 : vector<16xi1>, vector<16xf32>
        %lt3A_788 = arith.constant 0 : i32
        %lt3A_789 = vector.broadcast %lt3A_788 : i32 to vector<16xi32>
        %lt3A_790 = arith.cmpi slt, %xor3A_99, %lt3A_789 : vector<16xi32>
        %add3A_791 = arith.constant 16 : i32
        %add3A_792 = vector.broadcast %add3A_791 : i32 to vector<16xi32>
        %add3A_793 = arith.addi %xor3A_99, %add3A_792 : vector<16xi32>
        %select_n3A_794 = arith.select %lt3A_790, %add3A_793, %xor3A_99 : vector<16xi1>, vector<16xi32>
        %broadcast_in_dim3A_795 = vector.shape_cast %select_n3A_794 : vector<16xi32> to vector<16x1xi32>
        %gather3A_796 = vector.shape_cast %broadcast_in_dim3A_795 : vector<16x1xi32> to vector<16xi32>
        %gather3A_797 = tpu.dynamic_gather %add3A_631[%gather3A_796] in [0] : vector<16xf32>, vector<16xi32> -> vector<16xf32>
        %add3A_798 = arith.addf %add3A_631, %gather3A_797 : vector<16xf32>
        %lt3A_799 = arith.constant 0 : i32
        %lt3A_800 = vector.broadcast %lt3A_799 : i32 to vector<16xi32>
        %lt3A_801 = arith.cmpi slt, %xor3A_99, %lt3A_800 : vector<16xi32>
        %add3A_802 = arith.constant 16 : i32
        %add3A_803 = vector.broadcast %add3A_802 : i32 to vector<16xi32>
        %add3A_804 = arith.addi %xor3A_99, %add3A_803 : vector<16xi32>
        %select_n3A_805 = arith.select %lt3A_801, %add3A_804, %xor3A_99 : vector<16xi1>, vector<16xi32>
        %broadcast_in_dim3A_806 = vector.shape_cast %select_n3A_805 : vector<16xi32> to vector<16x1xi32>
        %gather3A_807 = vector.shape_cast %broadcast_in_dim3A_806 : vector<16x1xi32> to vector<16xi32>
        %gather3A_808 = tpu.dynamic_gather %add3A_695[%gather3A_807] in [0] : vector<16xf32>, vector<16xi32> -> vector<16xf32>
        %add3A_809 = arith.addf %add3A_695, %gather3A_808 : vector<16xf32>
        %select_n3A_810 = arith.select %eq3A_112, %add3A_798, %add3A_809 : vector<16xi1>, vector<16xf32>
        %lt3A_811 = arith.constant 0 : i32
        %lt3A_812 = vector.broadcast %lt3A_811 : i32 to vector<16xi32>
        %lt3A_813 = arith.cmpi slt, %xor3A_102, %lt3A_812 : vector<16xi32>
        %add3A_814 = arith.constant 16 : i32
        %add3A_815 = vector.broadcast %add3A_814 : i32 to vector<16xi32>
        %add3A_816 = arith.addi %xor3A_102, %add3A_815 : vector<16xi32>
        %select_n3A_817 = arith.select %lt3A_813, %add3A_816, %xor3A_102 : vector<16xi1>, vector<16xi32>
        %broadcast_in_dim3A_818 = vector.shape_cast %select_n3A_817 : vector<16xi32> to vector<16x1xi32>
        %gather3A_819 = vector.shape_cast %broadcast_in_dim3A_818 : vector<16x1xi32> to vector<16xi32>
        %gather3A_820 = tpu.dynamic_gather %select_n3A_741[%gather3A_819] in [0] : vector<16xf32>, vector<16xi32> -> vector<16xf32>
        %add3A_821 = arith.addf %select_n3A_741, %gather3A_820 : vector<16xf32>
        %lt3A_822 = arith.constant 0 : i32
        %lt3A_823 = vector.broadcast %lt3A_822 : i32 to vector<16xi32>
        %lt3A_824 = arith.cmpi slt, %xor3A_102, %lt3A_823 : vector<16xi32>
        %add3A_825 = arith.constant 16 : i32
        %add3A_826 = vector.broadcast %add3A_825 : i32 to vector<16xi32>
        %add3A_827 = arith.addi %xor3A_102, %add3A_826 : vector<16xi32>
        %select_n3A_828 = arith.select %lt3A_824, %add3A_827, %xor3A_102 : vector<16xi1>, vector<16xi32>
        %broadcast_in_dim3A_829 = vector.shape_cast %select_n3A_828 : vector<16xi32> to vector<16x1xi32>
        %gather3A_830 = vector.shape_cast %broadcast_in_dim3A_829 : vector<16x1xi32> to vector<16xi32>
        %gather3A_831 = tpu.dynamic_gather %select_n3A_764[%gather3A_830] in [0] : vector<16xf32>, vector<16xi32> -> vector<16xf32>
        %add3A_832 = arith.addf %select_n3A_764, %gather3A_831 : vector<16xf32>
        %select_n3A_833 = arith.select %eq3A_118, %add3A_821, %add3A_832 : vector<16xi1>, vector<16xf32>
        %lt3A_834 = arith.constant 0 : i32
        %lt3A_835 = vector.broadcast %lt3A_834 : i32 to vector<16xi32>
        %lt3A_836 = arith.cmpi slt, %xor3A_102, %lt3A_835 : vector<16xi32>
        %add3A_837 = arith.constant 16 : i32
        %add3A_838 = vector.broadcast %add3A_837 : i32 to vector<16xi32>
        %add3A_839 = arith.addi %xor3A_102, %add3A_838 : vector<16xi32>
        %select_n3A_840 = arith.select %lt3A_836, %add3A_839, %xor3A_102 : vector<16xi1>, vector<16xi32>
        %broadcast_in_dim3A_841 = vector.shape_cast %select_n3A_840 : vector<16xi32> to vector<16x1xi32>
        %gather3A_842 = vector.shape_cast %broadcast_in_dim3A_841 : vector<16x1xi32> to vector<16xi32>
        %gather3A_843 = tpu.dynamic_gather %select_n3A_787[%gather3A_842] in [0] : vector<16xf32>, vector<16xi32> -> vector<16xf32>
        %add3A_844 = arith.addf %select_n3A_787, %gather3A_843 : vector<16xf32>
        %lt3A_845 = arith.constant 0 : i32
        %lt3A_846 = vector.broadcast %lt3A_845 : i32 to vector<16xi32>
        %lt3A_847 = arith.cmpi slt, %xor3A_102, %lt3A_846 : vector<16xi32>
        %add3A_848 = arith.constant 16 : i32
        %add3A_849 = vector.broadcast %add3A_848 : i32 to vector<16xi32>
        %add3A_850 = arith.addi %xor3A_102, %add3A_849 : vector<16xi32>
        %select_n3A_851 = arith.select %lt3A_847, %add3A_850, %xor3A_102 : vector<16xi1>, vector<16xi32>
        %broadcast_in_dim3A_852 = vector.shape_cast %select_n3A_851 : vector<16xi32> to vector<16x1xi32>
        %gather3A_853 = vector.shape_cast %broadcast_in_dim3A_852 : vector<16x1xi32> to vector<16xi32>
        %gather3A_854 = tpu.dynamic_gather %select_n3A_810[%gather3A_853] in [0] : vector<16xf32>, vector<16xi32> -> vector<16xf32>
        %add3A_855 = arith.addf %select_n3A_810, %gather3A_854 : vector<16xf32>
        %select_n3A_856 = arith.select %eq3A_118, %add3A_844, %add3A_855 : vector<16xi1>, vector<16xf32>
        %lt3A_857 = arith.constant 0 : i32
        %lt3A_858 = vector.broadcast %lt3A_857 : i32 to vector<16xi32>
        %lt3A_859 = arith.cmpi slt, %xor3A_105, %lt3A_858 : vector<16xi32>
        %add3A_860 = arith.constant 16 : i32
        %add3A_861 = vector.broadcast %add3A_860 : i32 to vector<16xi32>
        %add3A_862 = arith.addi %xor3A_105, %add3A_861 : vector<16xi32>
        %select_n3A_863 = arith.select %lt3A_859, %add3A_862, %xor3A_105 : vector<16xi1>, vector<16xi32>
        %broadcast_in_dim3A_864 = vector.shape_cast %select_n3A_863 : vector<16xi32> to vector<16x1xi32>
        %gather3A_865 = vector.shape_cast %broadcast_in_dim3A_864 : vector<16x1xi32> to vector<16xi32>
        %gather3A_866 = tpu.dynamic_gather %select_n3A_833[%gather3A_865] in [0] : vector<16xf32>, vector<16xi32> -> vector<16xf32>
        %add3A_867 = arith.addf %select_n3A_833, %gather3A_866 : vector<16xf32>
        %lt3A_868 = arith.constant 0 : i32
        %lt3A_869 = vector.broadcast %lt3A_868 : i32 to vector<16xi32>
        %lt3A_870 = arith.cmpi slt, %xor3A_105, %lt3A_869 : vector<16xi32>
        %add3A_871 = arith.constant 16 : i32
        %add3A_872 = vector.broadcast %add3A_871 : i32 to vector<16xi32>
        %add3A_873 = arith.addi %xor3A_105, %add3A_872 : vector<16xi32>
        %select_n3A_874 = arith.select %lt3A_870, %add3A_873, %xor3A_105 : vector<16xi1>, vector<16xi32>
        %broadcast_in_dim3A_875 = vector.shape_cast %select_n3A_874 : vector<16xi32> to vector<16x1xi32>
        %gather3A_876 = vector.shape_cast %broadcast_in_dim3A_875 : vector<16x1xi32> to vector<16xi32>
        %gather3A_877 = tpu.dynamic_gather %select_n3A_856[%gather3A_876] in [0] : vector<16xf32>, vector<16xi32> -> vector<16xf32>
        %add3A_878 = arith.addf %select_n3A_856, %gather3A_877 : vector<16xf32>
        %select_n3A_879 = arith.select %eq3A_124, %add3A_867, %add3A_878 : vector<16xi1>, vector<16xf32>
        %lt3A_880 = arith.constant 0 : i32
        %lt3A_881 = vector.broadcast %lt3A_880 : i32 to vector<16xi32>
        %lt3A_882 = arith.cmpi slt, %xor3A_108, %lt3A_881 : vector<16xi32>
        %add3A_883 = arith.constant 16 : i32
        %add3A_884 = vector.broadcast %add3A_883 : i32 to vector<16xi32>
        %add3A_885 = arith.addi %xor3A_108, %add3A_884 : vector<16xi32>
        %select_n3A_886 = arith.select %lt3A_882, %add3A_885, %xor3A_108 : vector<16xi1>, vector<16xi32>
        %broadcast_in_dim3A_887 = vector.shape_cast %select_n3A_886 : vector<16xi32> to vector<16x1xi32>
        %gather3A_888 = vector.shape_cast %broadcast_in_dim3A_887 : vector<16x1xi32> to vector<16xi32>
        %gather3A_889 = tpu.dynamic_gather %select_n3A_879[%gather3A_888] in [0] : vector<16xf32>, vector<16xi32> -> vector<16xf32>
        %add3A_890 = arith.addf %select_n3A_879, %gather3A_889 : vector<16xf32>
        %lt3A_891 = arith.constant 0 : i32
        %lt3A_892 = vector.broadcast %lt3A_891 : i32 to vector<16xi32>
        %lt3A_893 = arith.cmpi slt, %xor3A_99, %lt3A_892 : vector<16xi32>
        %add3A_894 = arith.constant 16 : i32
        %add3A_895 = vector.broadcast %add3A_894 : i32 to vector<16xi32>
        %add3A_896 = arith.addi %xor3A_99, %add3A_895 : vector<16xi32>
        %select_n3A_897 = arith.select %lt3A_893, %add3A_896, %xor3A_99 : vector<16xi1>, vector<16xi32>
        %broadcast_in_dim3A_898 = vector.shape_cast %select_n3A_897 : vector<16xi32> to vector<16x1xi32>
        %gather3A_899 = vector.shape_cast %broadcast_in_dim3A_898 : vector<16x1xi32> to vector<16xi32>
        %gather3A_900 = tpu.dynamic_gather %add3A_260[%gather3A_899] in [0] : vector<16xf32>, vector<16xi32> -> vector<16xf32>
        %add3A_901 = arith.addf %add3A_260, %gather3A_900 : vector<16xf32>
        %lt3A_902 = arith.constant 0 : i32
        %lt3A_903 = vector.broadcast %lt3A_902 : i32 to vector<16xi32>
        %lt3A_904 = arith.cmpi slt, %xor3A_99, %lt3A_903 : vector<16xi32>
        %add3A_905 = arith.constant 16 : i32
        %add3A_906 = vector.broadcast %add3A_905 : i32 to vector<16xi32>
        %add3A_907 = arith.addi %xor3A_99, %add3A_906 : vector<16xi32>
        %select_n3A_908 = arith.select %lt3A_904, %add3A_907, %xor3A_99 : vector<16xi1>, vector<16xi32>
        %broadcast_in_dim3A_909 = vector.shape_cast %select_n3A_908 : vector<16xi32> to vector<16x1xi32>
        %gather3A_910 = vector.shape_cast %broadcast_in_dim3A_909 : vector<16x1xi32> to vector<16xi32>
        %gather3A_911 = tpu.dynamic_gather %add3A_324[%gather3A_910] in [0] : vector<16xf32>, vector<16xi32> -> vector<16xf32>
        %add3A_912 = arith.addf %add3A_324, %gather3A_911 : vector<16xf32>
        %select_n3A_913 = arith.select %eq3A_112, %add3A_901, %add3A_912 : vector<16xi1>, vector<16xf32>
        %lt3A_914 = arith.constant 0 : i32
        %lt3A_915 = vector.broadcast %lt3A_914 : i32 to vector<16xi32>
        %lt3A_916 = arith.cmpi slt, %xor3A_99, %lt3A_915 : vector<16xi32>
        %add3A_917 = arith.constant 16 : i32
        %add3A_918 = vector.broadcast %add3A_917 : i32 to vector<16xi32>
        %add3A_919 = arith.addi %xor3A_99, %add3A_918 : vector<16xi32>
        %select_n3A_920 = arith.select %lt3A_916, %add3A_919, %xor3A_99 : vector<16xi1>, vector<16xi32>
        %broadcast_in_dim3A_921 = vector.shape_cast %select_n3A_920 : vector<16xi32> to vector<16x1xi32>
        %gather3A_922 = vector.shape_cast %broadcast_in_dim3A_921 : vector<16x1xi32> to vector<16xi32>
        %gather3A_923 = tpu.dynamic_gather %add3A_388[%gather3A_922] in [0] : vector<16xf32>, vector<16xi32> -> vector<16xf32>
        %add3A_924 = arith.addf %add3A_388, %gather3A_923 : vector<16xf32>
        %lt3A_925 = arith.constant 0 : i32
        %lt3A_926 = vector.broadcast %lt3A_925 : i32 to vector<16xi32>
        %lt3A_927 = arith.cmpi slt, %xor3A_99, %lt3A_926 : vector<16xi32>
        %add3A_928 = arith.constant 16 : i32
        %add3A_929 = vector.broadcast %add3A_928 : i32 to vector<16xi32>
        %add3A_930 = arith.addi %xor3A_99, %add3A_929 : vector<16xi32>
        %select_n3A_931 = arith.select %lt3A_927, %add3A_930, %xor3A_99 : vector<16xi1>, vector<16xi32>
        %broadcast_in_dim3A_932 = vector.shape_cast %select_n3A_931 : vector<16xi32> to vector<16x1xi32>
        %gather3A_933 = vector.shape_cast %broadcast_in_dim3A_932 : vector<16x1xi32> to vector<16xi32>
        %gather3A_934 = tpu.dynamic_gather %add3A_452[%gather3A_933] in [0] : vector<16xf32>, vector<16xi32> -> vector<16xf32>
        %add3A_935 = arith.addf %add3A_452, %gather3A_934 : vector<16xf32>
        %select_n3A_936 = arith.select %eq3A_112, %add3A_924, %add3A_935 : vector<16xi1>, vector<16xf32>
        %lt3A_937 = arith.constant 0 : i32
        %lt3A_938 = vector.broadcast %lt3A_937 : i32 to vector<16xi32>
        %lt3A_939 = arith.cmpi slt, %xor3A_99, %lt3A_938 : vector<16xi32>
        %add3A_940 = arith.constant 16 : i32
        %add3A_941 = vector.broadcast %add3A_940 : i32 to vector<16xi32>
        %add3A_942 = arith.addi %xor3A_99, %add3A_941 : vector<16xi32>
        %select_n3A_943 = arith.select %lt3A_939, %add3A_942, %xor3A_99 : vector<16xi1>, vector<16xi32>
        %broadcast_in_dim3A_944 = vector.shape_cast %select_n3A_943 : vector<16xi32> to vector<16x1xi32>
        %gather3A_945 = vector.shape_cast %broadcast_in_dim3A_944 : vector<16x1xi32> to vector<16xi32>
        %gather3A_946 = tpu.dynamic_gather %add3A_516[%gather3A_945] in [0] : vector<16xf32>, vector<16xi32> -> vector<16xf32>
        %add3A_947 = arith.addf %add3A_516, %gather3A_946 : vector<16xf32>
        %lt3A_948 = arith.constant 0 : i32
        %lt3A_949 = vector.broadcast %lt3A_948 : i32 to vector<16xi32>
        %lt3A_950 = arith.cmpi slt, %xor3A_99, %lt3A_949 : vector<16xi32>
        %add3A_951 = arith.constant 16 : i32
        %add3A_952 = vector.broadcast %add3A_951 : i32 to vector<16xi32>
        %add3A_953 = arith.addi %xor3A_99, %add3A_952 : vector<16xi32>
        %select_n3A_954 = arith.select %lt3A_950, %add3A_953, %xor3A_99 : vector<16xi1>, vector<16xi32>
        %broadcast_in_dim3A_955 = vector.shape_cast %select_n3A_954 : vector<16xi32> to vector<16x1xi32>
        %gather3A_956 = vector.shape_cast %broadcast_in_dim3A_955 : vector<16x1xi32> to vector<16xi32>
        %gather3A_957 = tpu.dynamic_gather %add3A_580[%gather3A_956] in [0] : vector<16xf32>, vector<16xi32> -> vector<16xf32>
        %add3A_958 = arith.addf %add3A_580, %gather3A_957 : vector<16xf32>
        %select_n3A_959 = arith.select %eq3A_112, %add3A_947, %add3A_958 : vector<16xi1>, vector<16xf32>
        %lt3A_960 = arith.constant 0 : i32
        %lt3A_961 = vector.broadcast %lt3A_960 : i32 to vector<16xi32>
        %lt3A_962 = arith.cmpi slt, %xor3A_99, %lt3A_961 : vector<16xi32>
        %add3A_963 = arith.constant 16 : i32
        %add3A_964 = vector.broadcast %add3A_963 : i32 to vector<16xi32>
        %add3A_965 = arith.addi %xor3A_99, %add3A_964 : vector<16xi32>
        %select_n3A_966 = arith.select %lt3A_962, %add3A_965, %xor3A_99 : vector<16xi1>, vector<16xi32>
        %broadcast_in_dim3A_967 = vector.shape_cast %select_n3A_966 : vector<16xi32> to vector<16x1xi32>
        %gather3A_968 = vector.shape_cast %broadcast_in_dim3A_967 : vector<16x1xi32> to vector<16xi32>
        %gather3A_969 = tpu.dynamic_gather %add3A_644[%gather3A_968] in [0] : vector<16xf32>, vector<16xi32> -> vector<16xf32>
        %add3A_970 = arith.addf %add3A_644, %gather3A_969 : vector<16xf32>
        %lt3A_971 = arith.constant 0 : i32
        %lt3A_972 = vector.broadcast %lt3A_971 : i32 to vector<16xi32>
        %lt3A_973 = arith.cmpi slt, %xor3A_99, %lt3A_972 : vector<16xi32>
        %add3A_974 = arith.constant 16 : i32
        %add3A_975 = vector.broadcast %add3A_974 : i32 to vector<16xi32>
        %add3A_976 = arith.addi %xor3A_99, %add3A_975 : vector<16xi32>
        %select_n3A_977 = arith.select %lt3A_973, %add3A_976, %xor3A_99 : vector<16xi1>, vector<16xi32>
        %broadcast_in_dim3A_978 = vector.shape_cast %select_n3A_977 : vector<16xi32> to vector<16x1xi32>
        %gather3A_979 = vector.shape_cast %broadcast_in_dim3A_978 : vector<16x1xi32> to vector<16xi32>
        %gather3A_980 = tpu.dynamic_gather %add3A_708[%gather3A_979] in [0] : vector<16xf32>, vector<16xi32> -> vector<16xf32>
        %add3A_981 = arith.addf %add3A_708, %gather3A_980 : vector<16xf32>
        %select_n3A_982 = arith.select %eq3A_112, %add3A_970, %add3A_981 : vector<16xi1>, vector<16xf32>
        %lt3A_983 = arith.constant 0 : i32
        %lt3A_984 = vector.broadcast %lt3A_983 : i32 to vector<16xi32>
        %lt3A_985 = arith.cmpi slt, %xor3A_102, %lt3A_984 : vector<16xi32>
        %add3A_986 = arith.constant 16 : i32
        %add3A_987 = vector.broadcast %add3A_986 : i32 to vector<16xi32>
        %add3A_988 = arith.addi %xor3A_102, %add3A_987 : vector<16xi32>
        %select_n3A_989 = arith.select %lt3A_985, %add3A_988, %xor3A_102 : vector<16xi1>, vector<16xi32>
        %broadcast_in_dim3A_990 = vector.shape_cast %select_n3A_989 : vector<16xi32> to vector<16x1xi32>
        %gather3A_991 = vector.shape_cast %broadcast_in_dim3A_990 : vector<16x1xi32> to vector<16xi32>
        %gather3A_992 = tpu.dynamic_gather %select_n3A_913[%gather3A_991] in [0] : vector<16xf32>, vector<16xi32> -> vector<16xf32>
        %add3A_993 = arith.addf %select_n3A_913, %gather3A_992 : vector<16xf32>
        %lt3A_994 = arith.constant 0 : i32
        %lt3A_995 = vector.broadcast %lt3A_994 : i32 to vector<16xi32>
        %lt3A_996 = arith.cmpi slt, %xor3A_102, %lt3A_995 : vector<16xi32>
        %add3A_997 = arith.constant 16 : i32
        %add3A_998 = vector.broadcast %add3A_997 : i32 to vector<16xi32>
        %add3A_999 = arith.addi %xor3A_102, %add3A_998 : vector<16xi32>
        %select_n3A_1000 = arith.select %lt3A_996, %add3A_999, %xor3A_102 : vector<16xi1>, vector<16xi32>
        %broadcast_in_dim3A_1001 = vector.shape_cast %select_n3A_1000 : vector<16xi32> to vector<16x1xi32>
        %gather3A_1002 = vector.shape_cast %broadcast_in_dim3A_1001 : vector<16x1xi32> to vector<16xi32>
        %gather3A_1003 = tpu.dynamic_gather %select_n3A_936[%gather3A_1002] in [0] : vector<16xf32>, vector<16xi32> -> vector<16xf32>
        %add3A_1004 = arith.addf %select_n3A_936, %gather3A_1003 : vector<16xf32>
        %select_n3A_1005 = arith.select %eq3A_118, %add3A_993, %add3A_1004 : vector<16xi1>, vector<16xf32>
        %lt3A_1006 = arith.constant 0 : i32
        %lt3A_1007 = vector.broadcast %lt3A_1006 : i32 to vector<16xi32>
        %lt3A_1008 = arith.cmpi slt, %xor3A_102, %lt3A_1007 : vector<16xi32>
        %add3A_1009 = arith.constant 16 : i32
        %add3A_1010 = vector.broadcast %add3A_1009 : i32 to vector<16xi32>
        %add3A_1011 = arith.addi %xor3A_102, %add3A_1010 : vector<16xi32>
        %select_n3A_1012 = arith.select %lt3A_1008, %add3A_1011, %xor3A_102 : vector<16xi1>, vector<16xi32>
        %broadcast_in_dim3A_1013 = vector.shape_cast %select_n3A_1012 : vector<16xi32> to vector<16x1xi32>
        %gather3A_1014 = vector.shape_cast %broadcast_in_dim3A_1013 : vector<16x1xi32> to vector<16xi32>
        %gather3A_1015 = tpu.dynamic_gather %select_n3A_959[%gather3A_1014] in [0] : vector<16xf32>, vector<16xi32> -> vector<16xf32>
        %add3A_1016 = arith.addf %select_n3A_959, %gather3A_1015 : vector<16xf32>
        %lt3A_1017 = arith.constant 0 : i32
        %lt3A_1018 = vector.broadcast %lt3A_1017 : i32 to vector<16xi32>
        %lt3A_1019 = arith.cmpi slt, %xor3A_102, %lt3A_1018 : vector<16xi32>
        %add3A_1020 = arith.constant 16 : i32
        %add3A_1021 = vector.broadcast %add3A_1020 : i32 to vector<16xi32>
        %add3A_1022 = arith.addi %xor3A_102, %add3A_1021 : vector<16xi32>
        %select_n3A_1023 = arith.select %lt3A_1019, %add3A_1022, %xor3A_102 : vector<16xi1>, vector<16xi32>
        %broadcast_in_dim3A_1024 = vector.shape_cast %select_n3A_1023 : vector<16xi32> to vector<16x1xi32>
        %gather3A_1025 = vector.shape_cast %broadcast_in_dim3A_1024 : vector<16x1xi32> to vector<16xi32>
        %gather3A_1026 = tpu.dynamic_gather %select_n3A_982[%gather3A_1025] in [0] : vector<16xf32>, vector<16xi32> -> vector<16xf32>
        %add3A_1027 = arith.addf %select_n3A_982, %gather3A_1026 : vector<16xf32>
        %select_n3A_1028 = arith.select %eq3A_118, %add3A_1016, %add3A_1027 : vector<16xi1>, vector<16xf32>
        %lt3A_1029 = arith.constant 0 : i32
        %lt3A_1030 = vector.broadcast %lt3A_1029 : i32 to vector<16xi32>
        %lt3A_1031 = arith.cmpi slt, %xor3A_105, %lt3A_1030 : vector<16xi32>
        %add3A_1032 = arith.constant 16 : i32
        %add3A_1033 = vector.broadcast %add3A_1032 : i32 to vector<16xi32>
        %add3A_1034 = arith.addi %xor3A_105, %add3A_1033 : vector<16xi32>
        %select_n3A_1035 = arith.select %lt3A_1031, %add3A_1034, %xor3A_105 : vector<16xi1>, vector<16xi32>
        %broadcast_in_dim3A_1036 = vector.shape_cast %select_n3A_1035 : vector<16xi32> to vector<16x1xi32>
        %gather3A_1037 = vector.shape_cast %broadcast_in_dim3A_1036 : vector<16x1xi32> to vector<16xi32>
        %gather3A_1038 = tpu.dynamic_gather %select_n3A_1005[%gather3A_1037] in [0] : vector<16xf32>, vector<16xi32> -> vector<16xf32>
        %add3A_1039 = arith.addf %select_n3A_1005, %gather3A_1038 : vector<16xf32>
        %lt3A_1040 = arith.constant 0 : i32
        %lt3A_1041 = vector.broadcast %lt3A_1040 : i32 to vector<16xi32>
        %lt3A_1042 = arith.cmpi slt, %xor3A_105, %lt3A_1041 : vector<16xi32>
        %add3A_1043 = arith.constant 16 : i32
        %add3A_1044 = vector.broadcast %add3A_1043 : i32 to vector<16xi32>
        %add3A_1045 = arith.addi %xor3A_105, %add3A_1044 : vector<16xi32>
        %select_n3A_1046 = arith.select %lt3A_1042, %add3A_1045, %xor3A_105 : vector<16xi1>, vector<16xi32>
        %broadcast_in_dim3A_1047 = vector.shape_cast %select_n3A_1046 : vector<16xi32> to vector<16x1xi32>
        %gather3A_1048 = vector.shape_cast %broadcast_in_dim3A_1047 : vector<16x1xi32> to vector<16xi32>
        %gather3A_1049 = tpu.dynamic_gather %select_n3A_1028[%gather3A_1048] in [0] : vector<16xf32>, vector<16xi32> -> vector<16xf32>
        %add3A_1050 = arith.addf %select_n3A_1028, %gather3A_1049 : vector<16xf32>
        %select_n3A_1051 = arith.select %eq3A_124, %add3A_1039, %add3A_1050 : vector<16xi1>, vector<16xf32>
        %lt3A_1052 = arith.constant 0 : i32
        %lt3A_1053 = vector.broadcast %lt3A_1052 : i32 to vector<16xi32>
        %lt3A_1054 = arith.cmpi slt, %xor3A_108, %lt3A_1053 : vector<16xi32>
        %add3A_1055 = arith.constant 16 : i32
        %add3A_1056 = vector.broadcast %add3A_1055 : i32 to vector<16xi32>
        %add3A_1057 = arith.addi %xor3A_108, %add3A_1056 : vector<16xi32>
        %select_n3A_1058 = arith.select %lt3A_1054, %add3A_1057, %xor3A_108 : vector<16xi1>, vector<16xi32>
        %broadcast_in_dim3A_1059 = vector.shape_cast %select_n3A_1058 : vector<16xi32> to vector<16x1xi32>
        %gather3A_1060 = vector.shape_cast %broadcast_in_dim3A_1059 : vector<16x1xi32> to vector<16xi32>
        %gather3A_1061 = tpu.dynamic_gather %select_n3A_1051[%gather3A_1060] in [0] : vector<16xf32>, vector<16xi32> -> vector<16xf32>
        %add3A_1062 = arith.addf %select_n3A_1051, %gather3A_1061 : vector<16xf32>
        %lt3A_1063 = arith.constant 0 : i32
        %lt3A_1064 = vector.broadcast %lt3A_1063 : i32 to vector<16xi32>
        %lt3A_1065 = arith.cmpi slt, %xor3A_99, %lt3A_1064 : vector<16xi32>
        %add3A_1066 = arith.constant 16 : i32
        %add3A_1067 = vector.broadcast %add3A_1066 : i32 to vector<16xi32>
        %add3A_1068 = arith.addi %xor3A_99, %add3A_1067 : vector<16xi32>
        %select_n3A_1069 = arith.select %lt3A_1065, %add3A_1068, %xor3A_99 : vector<16xi1>, vector<16xi32>
        %broadcast_in_dim3A_1070 = vector.shape_cast %select_n3A_1069 : vector<16xi32> to vector<16x1xi32>
        %gather3A_1071 = vector.shape_cast %broadcast_in_dim3A_1070 : vector<16x1xi32> to vector<16xi32>
        %gather3A_1072 = tpu.dynamic_gather %add3A_273[%gather3A_1071] in [0] : vector<16xf32>, vector<16xi32> -> vector<16xf32>
        %add3A_1073 = arith.addf %add3A_273, %gather3A_1072 : vector<16xf32>
        %lt3A_1074 = arith.constant 0 : i32
        %lt3A_1075 = vector.broadcast %lt3A_1074 : i32 to vector<16xi32>
        %lt3A_1076 = arith.cmpi slt, %xor3A_99, %lt3A_1075 : vector<16xi32>
        %add3A_1077 = arith.constant 16 : i32
        %add3A_1078 = vector.broadcast %add3A_1077 : i32 to vector<16xi32>
        %add3A_1079 = arith.addi %xor3A_99, %add3A_1078 : vector<16xi32>
        %select_n3A_1080 = arith.select %lt3A_1076, %add3A_1079, %xor3A_99 : vector<16xi1>, vector<16xi32>
        %broadcast_in_dim3A_1081 = vector.shape_cast %select_n3A_1080 : vector<16xi32> to vector<16x1xi32>
        %gather3A_1082 = vector.shape_cast %broadcast_in_dim3A_1081 : vector<16x1xi32> to vector<16xi32>
        %gather3A_1083 = tpu.dynamic_gather %add3A_337[%gather3A_1082] in [0] : vector<16xf32>, vector<16xi32> -> vector<16xf32>
        %add3A_1084 = arith.addf %add3A_337, %gather3A_1083 : vector<16xf32>
        %select_n3A_1085 = arith.select %eq3A_112, %add3A_1073, %add3A_1084 : vector<16xi1>, vector<16xf32>
        %lt3A_1086 = arith.constant 0 : i32
        %lt3A_1087 = vector.broadcast %lt3A_1086 : i32 to vector<16xi32>
        %lt3A_1088 = arith.cmpi slt, %xor3A_99, %lt3A_1087 : vector<16xi32>
        %add3A_1089 = arith.constant 16 : i32
        %add3A_1090 = vector.broadcast %add3A_1089 : i32 to vector<16xi32>
        %add3A_1091 = arith.addi %xor3A_99, %add3A_1090 : vector<16xi32>
        %select_n3A_1092 = arith.select %lt3A_1088, %add3A_1091, %xor3A_99 : vector<16xi1>, vector<16xi32>
        %broadcast_in_dim3A_1093 = vector.shape_cast %select_n3A_1092 : vector<16xi32> to vector<16x1xi32>
        %gather3A_1094 = vector.shape_cast %broadcast_in_dim3A_1093 : vector<16x1xi32> to vector<16xi32>
        %gather3A_1095 = tpu.dynamic_gather %add3A_401[%gather3A_1094] in [0] : vector<16xf32>, vector<16xi32> -> vector<16xf32>
        %add3A_1096 = arith.addf %add3A_401, %gather3A_1095 : vector<16xf32>
        %lt3A_1097 = arith.constant 0 : i32
        %lt3A_1098 = vector.broadcast %lt3A_1097 : i32 to vector<16xi32>
        %lt3A_1099 = arith.cmpi slt, %xor3A_99, %lt3A_1098 : vector<16xi32>
        %add3A_1100 = arith.constant 16 : i32
        %add3A_1101 = vector.broadcast %add3A_1100 : i32 to vector<16xi32>
        %add3A_1102 = arith.addi %xor3A_99, %add3A_1101 : vector<16xi32>
        %select_n3A_1103 = arith.select %lt3A_1099, %add3A_1102, %xor3A_99 : vector<16xi1>, vector<16xi32>
        %broadcast_in_dim3A_1104 = vector.shape_cast %select_n3A_1103 : vector<16xi32> to vector<16x1xi32>
        %gather3A_1105 = vector.shape_cast %broadcast_in_dim3A_1104 : vector<16x1xi32> to vector<16xi32>
        %gather3A_1106 = tpu.dynamic_gather %add3A_465[%gather3A_1105] in [0] : vector<16xf32>, vector<16xi32> -> vector<16xf32>
        %add3A_1107 = arith.addf %add3A_465, %gather3A_1106 : vector<16xf32>
        %select_n3A_1108 = arith.select %eq3A_112, %add3A_1096, %add3A_1107 : vector<16xi1>, vector<16xf32>
        %lt3A_1109 = arith.constant 0 : i32
        %lt3A_1110 = vector.broadcast %lt3A_1109 : i32 to vector<16xi32>
        %lt3A_1111 = arith.cmpi slt, %xor3A_99, %lt3A_1110 : vector<16xi32>
        %add3A_1112 = arith.constant 16 : i32
        %add3A_1113 = vector.broadcast %add3A_1112 : i32 to vector<16xi32>
        %add3A_1114 = arith.addi %xor3A_99, %add3A_1113 : vector<16xi32>
        %select_n3A_1115 = arith.select %lt3A_1111, %add3A_1114, %xor3A_99 : vector<16xi1>, vector<16xi32>
        %broadcast_in_dim3A_1116 = vector.shape_cast %select_n3A_1115 : vector<16xi32> to vector<16x1xi32>
        %gather3A_1117 = vector.shape_cast %broadcast_in_dim3A_1116 : vector<16x1xi32> to vector<16xi32>
        %gather3A_1118 = tpu.dynamic_gather %add3A_529[%gather3A_1117] in [0] : vector<16xf32>, vector<16xi32> -> vector<16xf32>
        %add3A_1119 = arith.addf %add3A_529, %gather3A_1118 : vector<16xf32>
        %lt3A_1120 = arith.constant 0 : i32
        %lt3A_1121 = vector.broadcast %lt3A_1120 : i32 to vector<16xi32>
        %lt3A_1122 = arith.cmpi slt, %xor3A_99, %lt3A_1121 : vector<16xi32>
        %add3A_1123 = arith.constant 16 : i32
        %add3A_1124 = vector.broadcast %add3A_1123 : i32 to vector<16xi32>
        %add3A_1125 = arith.addi %xor3A_99, %add3A_1124 : vector<16xi32>
        %select_n3A_1126 = arith.select %lt3A_1122, %add3A_1125, %xor3A_99 : vector<16xi1>, vector<16xi32>
        %broadcast_in_dim3A_1127 = vector.shape_cast %select_n3A_1126 : vector<16xi32> to vector<16x1xi32>
        %gather3A_1128 = vector.shape_cast %broadcast_in_dim3A_1127 : vector<16x1xi32> to vector<16xi32>
        %gather3A_1129 = tpu.dynamic_gather %add3A_593[%gather3A_1128] in [0] : vector<16xf32>, vector<16xi32> -> vector<16xf32>
        %add3A_1130 = arith.addf %add3A_593, %gather3A_1129 : vector<16xf32>
        %select_n3A_1131 = arith.select %eq3A_112, %add3A_1119, %add3A_1130 : vector<16xi1>, vector<16xf32>
        %lt3A_1132 = arith.constant 0 : i32
        %lt3A_1133 = vector.broadcast %lt3A_1132 : i32 to vector<16xi32>
        %lt3A_1134 = arith.cmpi slt, %xor3A_99, %lt3A_1133 : vector<16xi32>
        %add3A_1135 = arith.constant 16 : i32
        %add3A_1136 = vector.broadcast %add3A_1135 : i32 to vector<16xi32>
        %add3A_1137 = arith.addi %xor3A_99, %add3A_1136 : vector<16xi32>
        %select_n3A_1138 = arith.select %lt3A_1134, %add3A_1137, %xor3A_99 : vector<16xi1>, vector<16xi32>
        %broadcast_in_dim3A_1139 = vector.shape_cast %select_n3A_1138 : vector<16xi32> to vector<16x1xi32>
        %gather3A_1140 = vector.shape_cast %broadcast_in_dim3A_1139 : vector<16x1xi32> to vector<16xi32>
        %gather3A_1141 = tpu.dynamic_gather %add3A_657[%gather3A_1140] in [0] : vector<16xf32>, vector<16xi32> -> vector<16xf32>
        %add3A_1142 = arith.addf %add3A_657, %gather3A_1141 : vector<16xf32>
        %lt3A_1143 = arith.constant 0 : i32
        %lt3A_1144 = vector.broadcast %lt3A_1143 : i32 to vector<16xi32>
        %lt3A_1145 = arith.cmpi slt, %xor3A_99, %lt3A_1144 : vector<16xi32>
        %add3A_1146 = arith.constant 16 : i32
        %add3A_1147 = vector.broadcast %add3A_1146 : i32 to vector<16xi32>
        %add3A_1148 = arith.addi %xor3A_99, %add3A_1147 : vector<16xi32>
        %select_n3A_1149 = arith.select %lt3A_1145, %add3A_1148, %xor3A_99 : vector<16xi1>, vector<16xi32>
        %broadcast_in_dim3A_1150 = vector.shape_cast %select_n3A_1149 : vector<16xi32> to vector<16x1xi32>
        %gather3A_1151 = vector.shape_cast %broadcast_in_dim3A_1150 : vector<16x1xi32> to vector<16xi32>
        %gather3A_1152 = tpu.dynamic_gather %add3A_721[%gather3A_1151] in [0] : vector<16xf32>, vector<16xi32> -> vector<16xf32>
        %add3A_1153 = arith.addf %add3A_721, %gather3A_1152 : vector<16xf32>
        %select_n3A_1154 = arith.select %eq3A_112, %add3A_1142, %add3A_1153 : vector<16xi1>, vector<16xf32>
        %lt3A_1155 = arith.constant 0 : i32
        %lt3A_1156 = vector.broadcast %lt3A_1155 : i32 to vector<16xi32>
        %lt3A_1157 = arith.cmpi slt, %xor3A_102, %lt3A_1156 : vector<16xi32>
        %add3A_1158 = arith.constant 16 : i32
        %add3A_1159 = vector.broadcast %add3A_1158 : i32 to vector<16xi32>
        %add3A_1160 = arith.addi %xor3A_102, %add3A_1159 : vector<16xi32>
        %select_n3A_1161 = arith.select %lt3A_1157, %add3A_1160, %xor3A_102 : vector<16xi1>, vector<16xi32>
        %broadcast_in_dim3A_1162 = vector.shape_cast %select_n3A_1161 : vector<16xi32> to vector<16x1xi32>
        %gather3A_1163 = vector.shape_cast %broadcast_in_dim3A_1162 : vector<16x1xi32> to vector<16xi32>
        %gather3A_1164 = tpu.dynamic_gather %select_n3A_1085[%gather3A_1163] in [0] : vector<16xf32>, vector<16xi32> -> vector<16xf32>
        %add3A_1165 = arith.addf %select_n3A_1085, %gather3A_1164 : vector<16xf32>
        %lt3A_1166 = arith.constant 0 : i32
        %lt3A_1167 = vector.broadcast %lt3A_1166 : i32 to vector<16xi32>
        %lt3A_1168 = arith.cmpi slt, %xor3A_102, %lt3A_1167 : vector<16xi32>
        %add3A_1169 = arith.constant 16 : i32
        %add3A_1170 = vector.broadcast %add3A_1169 : i32 to vector<16xi32>
        %add3A_1171 = arith.addi %xor3A_102, %add3A_1170 : vector<16xi32>
        %select_n3A_1172 = arith.select %lt3A_1168, %add3A_1171, %xor3A_102 : vector<16xi1>, vector<16xi32>
        %broadcast_in_dim3A_1173 = vector.shape_cast %select_n3A_1172 : vector<16xi32> to vector<16x1xi32>
        %gather3A_1174 = vector.shape_cast %broadcast_in_dim3A_1173 : vector<16x1xi32> to vector<16xi32>
        %gather3A_1175 = tpu.dynamic_gather %select_n3A_1108[%gather3A_1174] in [0] : vector<16xf32>, vector<16xi32> -> vector<16xf32>
        %add3A_1176 = arith.addf %select_n3A_1108, %gather3A_1175 : vector<16xf32>
        %select_n3A_1177 = arith.select %eq3A_118, %add3A_1165, %add3A_1176 : vector<16xi1>, vector<16xf32>
        %lt3A_1178 = arith.constant 0 : i32
        %lt3A_1179 = vector.broadcast %lt3A_1178 : i32 to vector<16xi32>
        %lt3A_1180 = arith.cmpi slt, %xor3A_102, %lt3A_1179 : vector<16xi32>
        %add3A_1181 = arith.constant 16 : i32
        %add3A_1182 = vector.broadcast %add3A_1181 : i32 to vector<16xi32>
        %add3A_1183 = arith.addi %xor3A_102, %add3A_1182 : vector<16xi32>
        %select_n3A_1184 = arith.select %lt3A_1180, %add3A_1183, %xor3A_102 : vector<16xi1>, vector<16xi32>
        %broadcast_in_dim3A_1185 = vector.shape_cast %select_n3A_1184 : vector<16xi32> to vector<16x1xi32>
        %gather3A_1186 = vector.shape_cast %broadcast_in_dim3A_1185 : vector<16x1xi32> to vector<16xi32>
        %gather3A_1187 = tpu.dynamic_gather %select_n3A_1131[%gather3A_1186] in [0] : vector<16xf32>, vector<16xi32> -> vector<16xf32>
        %add3A_1188 = arith.addf %select_n3A_1131, %gather3A_1187 : vector<16xf32>
        %lt3A_1189 = arith.constant 0 : i32
        %lt3A_1190 = vector.broadcast %lt3A_1189 : i32 to vector<16xi32>
        %lt3A_1191 = arith.cmpi slt, %xor3A_102, %lt3A_1190 : vector<16xi32>
        %add3A_1192 = arith.constant 16 : i32
        %add3A_1193 = vector.broadcast %add3A_1192 : i32 to vector<16xi32>
        %add3A_1194 = arith.addi %xor3A_102, %add3A_1193 : vector<16xi32>
        %select_n3A_1195 = arith.select %lt3A_1191, %add3A_1194, %xor3A_102 : vector<16xi1>, vector<16xi32>
        %broadcast_in_dim3A_1196 = vector.shape_cast %select_n3A_1195 : vector<16xi32> to vector<16x1xi32>
        %gather3A_1197 = vector.shape_cast %broadcast_in_dim3A_1196 : vector<16x1xi32> to vector<16xi32>
        %gather3A_1198 = tpu.dynamic_gather %select_n3A_1154[%gather3A_1197] in [0] : vector<16xf32>, vector<16xi32> -> vector<16xf32>
        %add3A_1199 = arith.addf %select_n3A_1154, %gather3A_1198 : vector<16xf32>
        %select_n3A_1200 = arith.select %eq3A_118, %add3A_1188, %add3A_1199 : vector<16xi1>, vector<16xf32>
        %lt3A_1201 = arith.constant 0 : i32
        %lt3A_1202 = vector.broadcast %lt3A_1201 : i32 to vector<16xi32>
        %lt3A_1203 = arith.cmpi slt, %xor3A_105, %lt3A_1202 : vector<16xi32>
        %add3A_1204 = arith.constant 16 : i32
        %add3A_1205 = vector.broadcast %add3A_1204 : i32 to vector<16xi32>
        %add3A_1206 = arith.addi %xor3A_105, %add3A_1205 : vector<16xi32>
        %select_n3A_1207 = arith.select %lt3A_1203, %add3A_1206, %xor3A_105 : vector<16xi1>, vector<16xi32>
        %broadcast_in_dim3A_1208 = vector.shape_cast %select_n3A_1207 : vector<16xi32> to vector<16x1xi32>
        %gather3A_1209 = vector.shape_cast %broadcast_in_dim3A_1208 : vector<16x1xi32> to vector<16xi32>
        %gather3A_1210 = tpu.dynamic_gather %select_n3A_1177[%gather3A_1209] in [0] : vector<16xf32>, vector<16xi32> -> vector<16xf32>
        %add3A_1211 = arith.addf %select_n3A_1177, %gather3A_1210 : vector<16xf32>
        %lt3A_1212 = arith.constant 0 : i32
        %lt3A_1213 = vector.broadcast %lt3A_1212 : i32 to vector<16xi32>
        %lt3A_1214 = arith.cmpi slt, %xor3A_105, %lt3A_1213 : vector<16xi32>
        %add3A_1215 = arith.constant 16 : i32
        %add3A_1216 = vector.broadcast %add3A_1215 : i32 to vector<16xi32>
        %add3A_1217 = arith.addi %xor3A_105, %add3A_1216 : vector<16xi32>
        %select_n3A_1218 = arith.select %lt3A_1214, %add3A_1217, %xor3A_105 : vector<16xi1>, vector<16xi32>
        %broadcast_in_dim3A_1219 = vector.shape_cast %select_n3A_1218 : vector<16xi32> to vector<16x1xi32>
        %gather3A_1220 = vector.shape_cast %broadcast_in_dim3A_1219 : vector<16x1xi32> to vector<16xi32>
        %gather3A_1221 = tpu.dynamic_gather %select_n3A_1200[%gather3A_1220] in [0] : vector<16xf32>, vector<16xi32> -> vector<16xf32>
        %add3A_1222 = arith.addf %select_n3A_1200, %gather3A_1221 : vector<16xf32>
        %select_n3A_1223 = arith.select %eq3A_124, %add3A_1211, %add3A_1222 : vector<16xi1>, vector<16xf32>
        %lt3A_1224 = arith.constant 0 : i32
        %lt3A_1225 = vector.broadcast %lt3A_1224 : i32 to vector<16xi32>
        %lt3A_1226 = arith.cmpi slt, %xor3A_108, %lt3A_1225 : vector<16xi32>
        %add3A_1227 = arith.constant 16 : i32
        %add3A_1228 = vector.broadcast %add3A_1227 : i32 to vector<16xi32>
        %add3A_1229 = arith.addi %xor3A_108, %add3A_1228 : vector<16xi32>
        %select_n3A_1230 = arith.select %lt3A_1226, %add3A_1229, %xor3A_108 : vector<16xi1>, vector<16xi32>
        %broadcast_in_dim3A_1231 = vector.shape_cast %select_n3A_1230 : vector<16xi32> to vector<16x1xi32>
        %gather3A_1232 = vector.shape_cast %broadcast_in_dim3A_1231 : vector<16x1xi32> to vector<16xi32>
        %gather3A_1233 = tpu.dynamic_gather %select_n3A_1223[%gather3A_1232] in [0] : vector<16xf32>, vector<16xi32> -> vector<16xf32>
        %add3A_1234 = arith.addf %select_n3A_1223, %gather3A_1233 : vector<16xf32>
        %add3A_1235 = arith.constant 8 : i32
        %add3A_1236 = arith.addi %mul3A_209, %add3A_1235 : i32
        %add3A_1237 = arith.constant 0 : i32
        %add3A_1238 = arith.addi %add3A_1236, %add3A_1237 : i32
        %get3A_1239 = arith.index_cast %add3A_1238 : i32 to index
        %get3A_1240 = arith.constant 0 : index
        %get3A_1241 = tpu.vector_load %arg6[%get3A_1239, %get3A_1240] {strides = array<i32>} : memref<256x100xf32, #tpu.memory_space<vmem>>, vector<16xf32>,
        %get3A_1242 = arith.index_cast %add3A_1238 : i32 to index
        %get3A_1243 = arith.constant 16 : index
        %get3A_1244 = tpu.vector_load %arg6[%get3A_1242, %get3A_1243] {strides = array<i32>} : memref<256x100xf32, #tpu.memory_space<vmem>>, vector<16xf32>,
        %get3A_1245 = arith.index_cast %add3A_1238 : i32 to index
        %get3A_1246 = arith.constant 32 : index
        %get3A_1247 = tpu.vector_load %arg6[%get3A_1245, %get3A_1246] {strides = array<i32>} : memref<256x100xf32, #tpu.memory_space<vmem>>, vector<16xf32>,
        %get3A_1248 = arith.index_cast %add3A_1238 : i32 to index
        %get3A_1249 = arith.constant 48 : index
        %get3A_1250 = tpu.vector_load %arg6[%get3A_1248, %get3A_1249] {strides = array<i32>} : memref<256x100xf32, #tpu.memory_space<vmem>>, vector<16xf32>,
        %get3A_1251 = arith.index_cast %add3A_1238 : i32 to index
        %get3A_1252 = arith.constant 64 : index
        %get3A_1253 = tpu.vector_load %arg6[%get3A_1251, %get3A_1252] {strides = array<i32>} : memref<256x100xf32, #tpu.memory_space<vmem>>, vector<16xf32>,
        %get3A_1254 = arith.index_cast %add3A_1238 : i32 to index
        %get3A_1255 = arith.constant 80 : index
        %get3A_1256 = tpu.vector_load %arg6[%get3A_1254, %get3A_1255] {strides = array<i32>} : memref<256x100xf32, #tpu.memory_space<vmem>>, vector<16xf32>,
        %get3A_1257 = arith.index_cast %add3A_1238 : i32 to index
        %get3A_1258 = arith.constant 84 : index
        %get3A_1259 = tpu.vector_load %arg6[%get3A_1257, %get3A_1258] {strides = array<i32>} : memref<256x100xf32, #tpu.memory_space<vmem>>, vector<16xf32>,
        %mul3A_1260 = arith.mulf %get3A_1241, %get3A_5 : vector<16xf32>
        %mul3A_1261 = arith.mulf %get3A_1244, %get3A_9 : vector<16xf32>
        %add3A_1262 = arith.addf %mul3A_1260, %mul3A_1261 : vector<16xf32>
        %mul3A_1263 = arith.mulf %get3A_1247, %get3A_13 : vector<16xf32>
        %add3A_1264 = arith.addf %add3A_1262, %mul3A_1263 : vector<16xf32>
        %mul3A_1265 = arith.mulf %get3A_1250, %get3A_17 : vector<16xf32>
        %add3A_1266 = arith.addf %add3A_1264, %mul3A_1265 : vector<16xf32>
        %mul3A_1267 = arith.mulf %get3A_1253, %get3A_21 : vector<16xf32>
        %add3A_1268 = arith.addf %add3A_1266, %mul3A_1267 : vector<16xf32>
        %mul3A_1269 = arith.mulf %get3A_1256, %get3A_25 : vector<16xf32>
        %add3A_1270 = arith.addf %add3A_1268, %mul3A_1269 : vector<16xf32>
        %mul3A_1271 = arith.mulf %get3A_1259, %get3A_29 : vector<16xf32>
        %add3A_1272 = arith.addf %add3A_1270, %mul3A_1271 : vector<16xf32>
        %mul3A_1273 = arith.mulf %get3A_1241, %get3A_33 : vector<16xf32>
        %mul3A_1274 = arith.mulf %get3A_1244, %get3A_37 : vector<16xf32>
        %add3A_1275 = arith.addf %mul3A_1273, %mul3A_1274 : vector<16xf32>
        %mul3A_1276 = arith.mulf %get3A_1247, %get3A_41 : vector<16xf32>
        %add3A_1277 = arith.addf %add3A_1275, %mul3A_1276 : vector<16xf32>
        %mul3A_1278 = arith.mulf %get3A_1250, %get3A_45 : vector<16xf32>
        %add3A_1279 = arith.addf %add3A_1277, %mul3A_1278 : vector<16xf32>
        %mul3A_1280 = arith.mulf %get3A_1253, %get3A_49 : vector<16xf32>
        %add3A_1281 = arith.addf %add3A_1279, %mul3A_1280 : vector<16xf32>
        %mul3A_1282 = arith.mulf %get3A_1256, %get3A_53 : vector<16xf32>
        %add3A_1283 = arith.addf %add3A_1281, %mul3A_1282 : vector<16xf32>
        %mul3A_1284 = arith.mulf %get3A_1259, %get3A_57 : vector<16xf32>
        %add3A_1285 = arith.addf %add3A_1283, %mul3A_1284 : vector<16xf32>
        %mul3A_1286 = arith.mulf %get3A_1241, %get3A_61 : vector<16xf32>
        %mul3A_1287 = arith.mulf %get3A_1244, %get3A_65 : vector<16xf32>
        %add3A_1288 = arith.addf %mul3A_1286, %mul3A_1287 : vector<16xf32>
        %mul3A_1289 = arith.mulf %get3A_1247, %get3A_69 : vector<16xf32>
        %add3A_1290 = arith.addf %add3A_1288, %mul3A_1289 : vector<16xf32>
        %mul3A_1291 = arith.mulf %get3A_1250, %get3A_73 : vector<16xf32>
        %add3A_1292 = arith.addf %add3A_1290, %mul3A_1291 : vector<16xf32>
        %mul3A_1293 = arith.mulf %get3A_1253, %get3A_77 : vector<16xf32>
        %add3A_1294 = arith.addf %add3A_1292, %mul3A_1293 : vector<16xf32>
        %mul3A_1295 = arith.mulf %get3A_1256, %get3A_81 : vector<16xf32>
        %add3A_1296 = arith.addf %add3A_1294, %mul3A_1295 : vector<16xf32>
        %mul3A_1297 = arith.mulf %get3A_1259, %get3A_85 : vector<16xf32>
        %add3A_1298 = arith.addf %add3A_1296, %mul3A_1297 : vector<16xf32>
        %add3A_1299 = arith.constant 8 : i32
        %add3A_1300 = arith.addi %mul3A_209, %add3A_1299 : i32
        %add3A_1301 = arith.constant 1 : i32
        %add3A_1302 = arith.addi %add3A_1300, %add3A_1301 : i32
        %get3A_1303 = arith.index_cast %add3A_1302 : i32 to index
        %get3A_1304 = arith.constant 0 : index
        %get3A_1305 = tpu.vector_load %arg6[%get3A_1303, %get3A_1304] {strides = array<i32>} : memref<256x100xf32, #tpu.memory_space<vmem>>, vector<16xf32>,
        %get3A_1306 = arith.index_cast %add3A_1302 : i32 to index
        %get3A_1307 = arith.constant 16 : index
        %get3A_1308 = tpu.vector_load %arg6[%get3A_1306, %get3A_1307] {strides = array<i32>} : memref<256x100xf32, #tpu.memory_space<vmem>>, vector<16xf32>,
        %get3A_1309 = arith.index_cast %add3A_1302 : i32 to index
        %get3A_1310 = arith.constant 32 : index
        %get3A_1311 = tpu.vector_load %arg6[%get3A_1309, %get3A_1310] {strides = array<i32>} : memref<256x100xf32, #tpu.memory_space<vmem>>, vector<16xf32>,
        %get3A_1312 = arith.index_cast %add3A_1302 : i32 to index
        %get3A_1313 = arith.constant 48 : index
        %get3A_1314 = tpu.vector_load %arg6[%get3A_1312, %get3A_1313] {strides = array<i32>} : memref<256x100xf32, #tpu.memory_space<vmem>>, vector<16xf32>,
        %get3A_1315 = arith.index_cast %add3A_1302 : i32 to index
        %get3A_1316 = arith.constant 64 : index
        %get3A_1317 = tpu.vector_load %arg6[%get3A_1315, %get3A_1316] {strides = array<i32>} : memref<256x100xf32, #tpu.memory_space<vmem>>, vector<16xf32>,
        %get3A_1318 = arith.index_cast %add3A_1302 : i32 to index
        %get3A_1319 = arith.constant 80 : index
        %get3A_1320 = tpu.vector_load %arg6[%get3A_1318, %get3A_1319] {strides = array<i32>} : memref<256x100xf32, #tpu.memory_space<vmem>>, vector<16xf32>,
        %get3A_1321 = arith.index_cast %add3A_1302 : i32 to index
        %get3A_1322 = arith.constant 84 : index
        %get3A_1323 = tpu.vector_load %arg6[%get3A_1321, %get3A_1322] {strides = array<i32>} : memref<256x100xf32, #tpu.memory_space<vmem>>, vector<16xf32>,
        %mul3A_1324 = arith.mulf %get3A_1305, %get3A_5 : vector<16xf32>
        %mul3A_1325 = arith.mulf %get3A_1308, %get3A_9 : vector<16xf32>
        %add3A_1326 = arith.addf %mul3A_1324, %mul3A_1325 : vector<16xf32>
        %mul3A_1327 = arith.mulf %get3A_1311, %get3A_13 : vector<16xf32>
        %add3A_1328 = arith.addf %add3A_1326, %mul3A_1327 : vector<16xf32>
        %mul3A_1329 = arith.mulf %get3A_1314, %get3A_17 : vector<16xf32>
        %add3A_1330 = arith.addf %add3A_1328, %mul3A_1329 : vector<16xf32>
        %mul3A_1331 = arith.mulf %get3A_1317, %get3A_21 : vector<16xf32>
        %add3A_1332 = arith.addf %add3A_1330, %mul3A_1331 : vector<16xf32>
        %mul3A_1333 = arith.mulf %get3A_1320, %get3A_25 : vector<16xf32>
        %add3A_1334 = arith.addf %add3A_1332, %mul3A_1333 : vector<16xf32>
        %mul3A_1335 = arith.mulf %get3A_1323, %get3A_29 : vector<16xf32>
        %add3A_1336 = arith.addf %add3A_1334, %mul3A_1335 : vector<16xf32>
        %mul3A_1337 = arith.mulf %get3A_1305, %get3A_33 : vector<16xf32>
        %mul3A_1338 = arith.mulf %get3A_1308, %get3A_37 : vector<16xf32>
        %add3A_1339 = arith.addf %mul3A_1337, %mul3A_1338 : vector<16xf32>
        %mul3A_1340 = arith.mulf %get3A_1311, %get3A_41 : vector<16xf32>
        %add3A_1341 = arith.addf %add3A_1339, %mul3A_1340 : vector<16xf32>
        %mul3A_1342 = arith.mulf %get3A_1314, %get3A_45 : vector<16xf32>
        %add3A_1343 = arith.addf %add3A_1341, %mul3A_1342 : vector<16xf32>
        %mul3A_1344 = arith.mulf %get3A_1317, %get3A_49 : vector<16xf32>
        %add3A_1345 = arith.addf %add3A_1343, %mul3A_1344 : vector<16xf32>
        %mul3A_1346 = arith.mulf %get3A_1320, %get3A_53 : vector<16xf32>
        %add3A_1347 = arith.addf %add3A_1345, %mul3A_1346 : vector<16xf32>
        %mul3A_1348 = arith.mulf %get3A_1323, %get3A_57 : vector<16xf32>
        %add3A_1349 = arith.addf %add3A_1347, %mul3A_1348 : vector<16xf32>
        %mul3A_1350 = arith.mulf %get3A_1305, %get3A_61 : vector<16xf32>
        %mul3A_1351 = arith.mulf %get3A_1308, %get3A_65 : vector<16xf32>
        %add3A_1352 = arith.addf %mul3A_1350, %mul3A_1351 : vector<16xf32>
        %mul3A_1353 = arith.mulf %get3A_1311, %get3A_69 : vector<16xf32>
        %add3A_1354 = arith.addf %add3A_1352, %mul3A_1353 : vector<16xf32>
        %mul3A_1355 = arith.mulf %get3A_1314, %get3A_73 : vector<16xf32>
        %add3A_1356 = arith.addf %add3A_1354, %mul3A_1355 : vector<16xf32>
        %mul3A_1357 = arith.mulf %get3A_1317, %get3A_77 : vector<16xf32>
        %add3A_1358 = arith.addf %add3A_1356, %mul3A_1357 : vector<16xf32>
        %mul3A_1359 = arith.mulf %get3A_1320, %get3A_81 : vector<16xf32>
        %add3A_1360 = arith.addf %add3A_1358, %mul3A_1359 : vector<16xf32>
        %mul3A_1361 = arith.mulf %get3A_1323, %get3A_85 : vector<16xf32>
        %add3A_1362 = arith.addf %add3A_1360, %mul3A_1361 : vector<16xf32>
        %add3A_1363 = arith.constant 8 : i32
        %add3A_1364 = arith.addi %mul3A_209, %add3A_1363 : i32
        %add3A_1365 = arith.constant 2 : i32
        %add3A_1366 = arith.addi %add3A_1364, %add3A_1365 : i32
        %get3A_1367 = arith.index_cast %add3A_1366 : i32 to index
        %get3A_1368 = arith.constant 0 : index
        %get3A_1369 = tpu.vector_load %arg6[%get3A_1367, %get3A_1368] {strides = array<i32>} : memref<256x100xf32, #tpu.memory_space<vmem>>, vector<16xf32>,
        %get3A_1370 = arith.index_cast %add3A_1366 : i32 to index
        %get3A_1371 = arith.constant 16 : index
        %get3A_1372 = tpu.vector_load %arg6[%get3A_1370, %get3A_1371] {strides = array<i32>} : memref<256x100xf32, #tpu.memory_space<vmem>>, vector<16xf32>,
        %get3A_1373 = arith.index_cast %add3A_1366 : i32 to index
        %get3A_1374 = arith.constant 32 : index
        %get3A_1375 = tpu.vector_load %arg6[%get3A_1373, %get3A_1374] {strides = array<i32>} : memref<256x100xf32, #tpu.memory_space<vmem>>, vector<16xf32>,
        %get3A_1376 = arith.index_cast %add3A_1366 : i32 to index
        %get3A_1377 = arith.constant 48 : index
        %get3A_1378 = tpu.vector_load %arg6[%get3A_1376, %get3A_1377] {strides = array<i32>} : memref<256x100xf32, #tpu.memory_space<vmem>>, vector<16xf32>,
        %get3A_1379 = arith.index_cast %add3A_1366 : i32 to index
        %get3A_1380 = arith.constant 64 : index
        %get3A_1381 = tpu.vector_load %arg6[%get3A_1379, %get3A_1380] {strides = array<i32>} : memref<256x100xf32, #tpu.memory_space<vmem>>, vector<16xf32>,
        %get3A_1382 = arith.index_cast %add3A_1366 : i32 to index
        %get3A_1383 = arith.constant 80 : index
        %get3A_1384 = tpu.vector_load %arg6[%get3A_1382, %get3A_1383] {strides = array<i32>} : memref<256x100xf32, #tpu.memory_space<vmem>>, vector<16xf32>,
        %get3A_1385 = arith.index_cast %add3A_1366 : i32 to index
        %get3A_1386 = arith.constant 84 : index
        %get3A_1387 = tpu.vector_load %arg6[%get3A_1385, %get3A_1386] {strides = array<i32>} : memref<256x100xf32, #tpu.memory_space<vmem>>, vector<16xf32>,
        %mul3A_1388 = arith.mulf %get3A_1369, %get3A_5 : vector<16xf32>
        %mul3A_1389 = arith.mulf %get3A_1372, %get3A_9 : vector<16xf32>
        %add3A_1390 = arith.addf %mul3A_1388, %mul3A_1389 : vector<16xf32>
        %mul3A_1391 = arith.mulf %get3A_1375, %get3A_13 : vector<16xf32>
        %add3A_1392 = arith.addf %add3A_1390, %mul3A_1391 : vector<16xf32>
        %mul3A_1393 = arith.mulf %get3A_1378, %get3A_17 : vector<16xf32>
        %add3A_1394 = arith.addf %add3A_1392, %mul3A_1393 : vector<16xf32>
        %mul3A_1395 = arith.mulf %get3A_1381, %get3A_21 : vector<16xf32>
        %add3A_1396 = arith.addf %add3A_1394, %mul3A_1395 : vector<16xf32>
        %mul3A_1397 = arith.mulf %get3A_1384, %get3A_25 : vector<16xf32>
        %add3A_1398 = arith.addf %add3A_1396, %mul3A_1397 : vector<16xf32>
        %mul3A_1399 = arith.mulf %get3A_1387, %get3A_29 : vector<16xf32>
        %add3A_1400 = arith.addf %add3A_1398, %mul3A_1399 : vector<16xf32>
        %mul3A_1401 = arith.mulf %get3A_1369, %get3A_33 : vector<16xf32>
        %mul3A_1402 = arith.mulf %get3A_1372, %get3A_37 : vector<16xf32>
        %add3A_1403 = arith.addf %mul3A_1401, %mul3A_1402 : vector<16xf32>
        %mul3A_1404 = arith.mulf %get3A_1375, %get3A_41 : vector<16xf32>
        %add3A_1405 = arith.addf %add3A_1403, %mul3A_1404 : vector<16xf32>
        %mul3A_1406 = arith.mulf %get3A_1378, %get3A_45 : vector<16xf32>
        %add3A_1407 = arith.addf %add3A_1405, %mul3A_1406 : vector<16xf32>
        %mul3A_1408 = arith.mulf %get3A_1381, %get3A_49 : vector<16xf32>
        %add3A_1409 = arith.addf %add3A_1407, %mul3A_1408 : vector<16xf32>
        %mul3A_1410 = arith.mulf %get3A_1384, %get3A_53 : vector<16xf32>
        %add3A_1411 = arith.addf %add3A_1409, %mul3A_1410 : vector<16xf32>
        %mul3A_1412 = arith.mulf %get3A_1387, %get3A_57 : vector<16xf32>
        %add3A_1413 = arith.addf %add3A_1411, %mul3A_1412 : vector<16xf32>
        %mul3A_1414 = arith.mulf %get3A_1369, %get3A_61 : vector<16xf32>
        %mul3A_1415 = arith.mulf %get3A_1372, %get3A_65 : vector<16xf32>
        %add3A_1416 = arith.addf %mul3A_1414, %mul3A_1415 : vector<16xf32>
        %mul3A_1417 = arith.mulf %get3A_1375, %get3A_69 : vector<16xf32>
        %add3A_1418 = arith.addf %add3A_1416, %mul3A_1417 : vector<16xf32>
        %mul3A_1419 = arith.mulf %get3A_1378, %get3A_73 : vector<16xf32>
        %add3A_1420 = arith.addf %add3A_1418, %mul3A_1419 : vector<16xf32>
        %mul3A_1421 = arith.mulf %get3A_1381, %get3A_77 : vector<16xf32>
        %add3A_1422 = arith.addf %add3A_1420, %mul3A_1421 : vector<16xf32>
        %mul3A_1423 = arith.mulf %get3A_1384, %get3A_81 : vector<16xf32>
        %add3A_1424 = arith.addf %add3A_1422, %mul3A_1423 : vector<16xf32>
        %mul3A_1425 = arith.mulf %get3A_1387, %get3A_85 : vector<16xf32>
        %add3A_1426 = arith.addf %add3A_1424, %mul3A_1425 : vector<16xf32>
        %add3A_1427 = arith.constant 8 : i32
        %add3A_1428 = arith.addi %mul3A_209, %add3A_1427 : i32
        %add3A_1429 = arith.constant 3 : i32
        %add3A_1430 = arith.addi %add3A_1428, %add3A_1429 : i32
        %get3A_1431 = arith.index_cast %add3A_1430 : i32 to index
        %get3A_1432 = arith.constant 0 : index
        %get3A_1433 = tpu.vector_load %arg6[%get3A_1431, %get3A_1432] {strides = array<i32>} : memref<256x100xf32, #tpu.memory_space<vmem>>, vector<16xf32>,
        %get3A_1434 = arith.index_cast %add3A_1430 : i32 to index
        %get3A_1435 = arith.constant 16 : index
        %get3A_1436 = tpu.vector_load %arg6[%get3A_1434, %get3A_1435] {strides = array<i32>} : memref<256x100xf32, #tpu.memory_space<vmem>>, vector<16xf32>,
        %get3A_1437 = arith.index_cast %add3A_1430 : i32 to index
        %get3A_1438 = arith.constant 32 : index
        %get3A_1439 = tpu.vector_load %arg6[%get3A_1437, %get3A_1438] {strides = array<i32>} : memref<256x100xf32, #tpu.memory_space<vmem>>, vector<16xf32>,
        %get3A_1440 = arith.index_cast %add3A_1430 : i32 to index
        %get3A_1441 = arith.constant 48 : index
        %get3A_1442 = tpu.vector_load %arg6[%get3A_1440, %get3A_1441] {strides = array<i32>} : memref<256x100xf32, #tpu.memory_space<vmem>>, vector<16xf32>,
        %get3A_1443 = arith.index_cast %add3A_1430 : i32 to index
        %get3A_1444 = arith.constant 64 : index
        %get3A_1445 = tpu.vector_load %arg6[%get3A_1443, %get3A_1444] {strides = array<i32>} : memref<256x100xf32, #tpu.memory_space<vmem>>, vector<16xf32>,
        %get3A_1446 = arith.index_cast %add3A_1430 : i32 to index
        %get3A_1447 = arith.constant 80 : index
        %get3A_1448 = tpu.vector_load %arg6[%get3A_1446, %get3A_1447] {strides = array<i32>} : memref<256x100xf32, #tpu.memory_space<vmem>>, vector<16xf32>,
        %get3A_1449 = arith.index_cast %add3A_1430 : i32 to index
        %get3A_1450 = arith.constant 84 : index
        %get3A_1451 = tpu.vector_load %arg6[%get3A_1449, %get3A_1450] {strides = array<i32>} : memref<256x100xf32, #tpu.memory_space<vmem>>, vector<16xf32>,
        %mul3A_1452 = arith.mulf %get3A_1433, %get3A_5 : vector<16xf32>
        %mul3A_1453 = arith.mulf %get3A_1436, %get3A_9 : vector<16xf32>
        %add3A_1454 = arith.addf %mul3A_1452, %mul3A_1453 : vector<16xf32>
        %mul3A_1455 = arith.mulf %get3A_1439, %get3A_13 : vector<16xf32>
        %add3A_1456 = arith.addf %add3A_1454, %mul3A_1455 : vector<16xf32>
        %mul3A_1457 = arith.mulf %get3A_1442, %get3A_17 : vector<16xf32>
        %add3A_1458 = arith.addf %add3A_1456, %mul3A_1457 : vector<16xf32>
        %mul3A_1459 = arith.mulf %get3A_1445, %get3A_21 : vector<16xf32>
        %add3A_1460 = arith.addf %add3A_1458, %mul3A_1459 : vector<16xf32>
        %mul3A_1461 = arith.mulf %get3A_1448, %get3A_25 : vector<16xf32>
        %add3A_1462 = arith.addf %add3A_1460, %mul3A_1461 : vector<16xf32>
        %mul3A_1463 = arith.mulf %get3A_1451, %get3A_29 : vector<16xf32>
        %add3A_1464 = arith.addf %add3A_1462, %mul3A_1463 : vector<16xf32>
        %mul3A_1465 = arith.mulf %get3A_1433, %get3A_33 : vector<16xf32>
        %mul3A_1466 = arith.mulf %get3A_1436, %get3A_37 : vector<16xf32>
        %add3A_1467 = arith.addf %mul3A_1465, %mul3A_1466 : vector<16xf32>
        %mul3A_1468 = arith.mulf %get3A_1439, %get3A_41 : vector<16xf32>
        %add3A_1469 = arith.addf %add3A_1467, %mul3A_1468 : vector<16xf32>
        %mul3A_1470 = arith.mulf %get3A_1442, %get3A_45 : vector<16xf32>
        %add3A_1471 = arith.addf %add3A_1469, %mul3A_1470 : vector<16xf32>
        %mul3A_1472 = arith.mulf %get3A_1445, %get3A_49 : vector<16xf32>
        %add3A_1473 = arith.addf %add3A_1471, %mul3A_1472 : vector<16xf32>
        %mul3A_1474 = arith.mulf %get3A_1448, %get3A_53 : vector<16xf32>
        %add3A_1475 = arith.addf %add3A_1473, %mul3A_1474 : vector<16xf32>
        %mul3A_1476 = arith.mulf %get3A_1451, %get3A_57 : vector<16xf32>
        %add3A_1477 = arith.addf %add3A_1475, %mul3A_1476 : vector<16xf32>
        %mul3A_1478 = arith.mulf %get3A_1433, %get3A_61 : vector<16xf32>
        %mul3A_1479 = arith.mulf %get3A_1436, %get3A_65 : vector<16xf32>
        %add3A_1480 = arith.addf %mul3A_1478, %mul3A_1479 : vector<16xf32>
        %mul3A_1481 = arith.mulf %get3A_1439, %get3A_69 : vector<16xf32>
        %add3A_1482 = arith.addf %add3A_1480, %mul3A_1481 : vector<16xf32>
        %mul3A_1483 = arith.mulf %get3A_1442, %get3A_73 : vector<16xf32>
        %add3A_1484 = arith.addf %add3A_1482, %mul3A_1483 : vector<16xf32>
        %mul3A_1485 = arith.mulf %get3A_1445, %get3A_77 : vector<16xf32>
        %add3A_1486 = arith.addf %add3A_1484, %mul3A_1485 : vector<16xf32>
        %mul3A_1487 = arith.mulf %get3A_1448, %get3A_81 : vector<16xf32>
        %add3A_1488 = arith.addf %add3A_1486, %mul3A_1487 : vector<16xf32>
        %mul3A_1489 = arith.mulf %get3A_1451, %get3A_85 : vector<16xf32>
        %add3A_1490 = arith.addf %add3A_1488, %mul3A_1489 : vector<16xf32>
        %add3A_1491 = arith.constant 8 : i32
        %add3A_1492 = arith.addi %mul3A_209, %add3A_1491 : i32
        %add3A_1493 = arith.constant 4 : i32
        %add3A_1494 = arith.addi %add3A_1492, %add3A_1493 : i32
        %get3A_1495 = arith.index_cast %add3A_1494 : i32 to index
        %get3A_1496 = arith.constant 0 : index
        %get3A_1497 = tpu.vector_load %arg6[%get3A_1495, %get3A_1496] {strides = array<i32>} : memref<256x100xf32, #tpu.memory_space<vmem>>, vector<16xf32>,
        %get3A_1498 = arith.index_cast %add3A_1494 : i32 to index
        %get3A_1499 = arith.constant 16 : index
        %get3A_1500 = tpu.vector_load %arg6[%get3A_1498, %get3A_1499] {strides = array<i32>} : memref<256x100xf32, #tpu.memory_space<vmem>>, vector<16xf32>,
        %get3A_1501 = arith.index_cast %add3A_1494 : i32 to index
        %get3A_1502 = arith.constant 32 : index
        %get3A_1503 = tpu.vector_load %arg6[%get3A_1501, %get3A_1502] {strides = array<i32>} : memref<256x100xf32, #tpu.memory_space<vmem>>, vector<16xf32>,
        %get3A_1504 = arith.index_cast %add3A_1494 : i32 to index
        %get3A_1505 = arith.constant 48 : index
        %get3A_1506 = tpu.vector_load %arg6[%get3A_1504, %get3A_1505] {strides = array<i32>} : memref<256x100xf32, #tpu.memory_space<vmem>>, vector<16xf32>,
        %get3A_1507 = arith.index_cast %add3A_1494 : i32 to index
        %get3A_1508 = arith.constant 64 : index
        %get3A_1509 = tpu.vector_load %arg6[%get3A_1507, %get3A_1508] {strides = array<i32>} : memref<256x100xf32, #tpu.memory_space<vmem>>, vector<16xf32>,
        %get3A_1510 = arith.index_cast %add3A_1494 : i32 to index
        %get3A_1511 = arith.constant 80 : index
        %get3A_1512 = tpu.vector_load %arg6[%get3A_1510, %get3A_1511] {strides = array<i32>} : memref<256x100xf32, #tpu.memory_space<vmem>>, vector<16xf32>,
        %get3A_1513 = arith.index_cast %add3A_1494 : i32 to index
        %get3A_1514 = arith.constant 84 : index
        %get3A_1515 = tpu.vector_load %arg6[%get3A_1513, %get3A_1514] {strides = array<i32>} : memref<256x100xf32, #tpu.memory_space<vmem>>, vector<16xf32>,
        %mul3A_1516 = arith.mulf %get3A_1497, %get3A_5 : vector<16xf32>
        %mul3A_1517 = arith.mulf %get3A_1500, %get3A_9 : vector<16xf32>
        %add3A_1518 = arith.addf %mul3A_1516, %mul3A_1517 : vector<16xf32>
        %mul3A_1519 = arith.mulf %get3A_1503, %get3A_13 : vector<16xf32>
        %add3A_1520 = arith.addf %add3A_1518, %mul3A_1519 : vector<16xf32>
        %mul3A_1521 = arith.mulf %get3A_1506, %get3A_17 : vector<16xf32>
        %add3A_1522 = arith.addf %add3A_1520, %mul3A_1521 : vector<16xf32>
        %mul3A_1523 = arith.mulf %get3A_1509, %get3A_21 : vector<16xf32>
        %add3A_1524 = arith.addf %add3A_1522, %mul3A_1523 : vector<16xf32>
        %mul3A_1525 = arith.mulf %get3A_1512, %get3A_25 : vector<16xf32>
        %add3A_1526 = arith.addf %add3A_1524, %mul3A_1525 : vector<16xf32>
        %mul3A_1527 = arith.mulf %get3A_1515, %get3A_29 : vector<16xf32>
        %add3A_1528 = arith.addf %add3A_1526, %mul3A_1527 : vector<16xf32>
        %mul3A_1529 = arith.mulf %get3A_1497, %get3A_33 : vector<16xf32>
        %mul3A_1530 = arith.mulf %get3A_1500, %get3A_37 : vector<16xf32>
        %add3A_1531 = arith.addf %mul3A_1529, %mul3A_1530 : vector<16xf32>
        %mul3A_1532 = arith.mulf %get3A_1503, %get3A_41 : vector<16xf32>
        %add3A_1533 = arith.addf %add3A_1531, %mul3A_1532 : vector<16xf32>
        %mul3A_1534 = arith.mulf %get3A_1506, %get3A_45 : vector<16xf32>
        %add3A_1535 = arith.addf %add3A_1533, %mul3A_1534 : vector<16xf32>
        %mul3A_1536 = arith.mulf %get3A_1509, %get3A_49 : vector<16xf32>
        %add3A_1537 = arith.addf %add3A_1535, %mul3A_1536 : vector<16xf32>
        %mul3A_1538 = arith.mulf %get3A_1512, %get3A_53 : vector<16xf32>
        %add3A_1539 = arith.addf %add3A_1537, %mul3A_1538 : vector<16xf32>
        %mul3A_1540 = arith.mulf %get3A_1515, %get3A_57 : vector<16xf32>
        %add3A_1541 = arith.addf %add3A_1539, %mul3A_1540 : vector<16xf32>
        %mul3A_1542 = arith.mulf %get3A_1497, %get3A_61 : vector<16xf32>
        %mul3A_1543 = arith.mulf %get3A_1500, %get3A_65 : vector<16xf32>
        %add3A_1544 = arith.addf %mul3A_1542, %mul3A_1543 : vector<16xf32>
        %mul3A_1545 = arith.mulf %get3A_1503, %get3A_69 : vector<16xf32>
        %add3A_1546 = arith.addf %add3A_1544, %mul3A_1545 : vector<16xf32>
        %mul3A_1547 = arith.mulf %get3A_1506, %get3A_73 : vector<16xf32>
        %add3A_1548 = arith.addf %add3A_1546, %mul3A_1547 : vector<16xf32>
        %mul3A_1549 = arith.mulf %get3A_1509, %get3A_77 : vector<16xf32>
        %add3A_1550 = arith.addf %add3A_1548, %mul3A_1549 : vector<16xf32>
        %mul3A_1551 = arith.mulf %get3A_1512, %get3A_81 : vector<16xf32>
        %add3A_1552 = arith.addf %add3A_1550, %mul3A_1551 : vector<16xf32>
        %mul3A_1553 = arith.mulf %get3A_1515, %get3A_85 : vector<16xf32>
        %add3A_1554 = arith.addf %add3A_1552, %mul3A_1553 : vector<16xf32>
        %add3A_1555 = arith.constant 8 : i32
        %add3A_1556 = arith.addi %mul3A_209, %add3A_1555 : i32
        %add3A_1557 = arith.constant 5 : i32
        %add3A_1558 = arith.addi %add3A_1556, %add3A_1557 : i32
        %get3A_1559 = arith.index_cast %add3A_1558 : i32 to index
        %get3A_1560 = arith.constant 0 : index
        %get3A_1561 = tpu.vector_load %arg6[%get3A_1559, %get3A_1560] {strides = array<i32>} : memref<256x100xf32, #tpu.memory_space<vmem>>, vector<16xf32>,
        %get3A_1562 = arith.index_cast %add3A_1558 : i32 to index
        %get3A_1563 = arith.constant 16 : index
        %get3A_1564 = tpu.vector_load %arg6[%get3A_1562, %get3A_1563] {strides = array<i32>} : memref<256x100xf32, #tpu.memory_space<vmem>>, vector<16xf32>,
        %get3A_1565 = arith.index_cast %add3A_1558 : i32 to index
        %get3A_1566 = arith.constant 32 : index
        %get3A_1567 = tpu.vector_load %arg6[%get3A_1565, %get3A_1566] {strides = array<i32>} : memref<256x100xf32, #tpu.memory_space<vmem>>, vector<16xf32>,
        %get3A_1568 = arith.index_cast %add3A_1558 : i32 to index
        %get3A_1569 = arith.constant 48 : index
        %get3A_1570 = tpu.vector_load %arg6[%get3A_1568, %get3A_1569] {strides = array<i32>} : memref<256x100xf32, #tpu.memory_space<vmem>>, vector<16xf32>,
        %get3A_1571 = arith.index_cast %add3A_1558 : i32 to index
        %get3A_1572 = arith.constant 64 : index
        %get3A_1573 = tpu.vector_load %arg6[%get3A_1571, %get3A_1572] {strides = array<i32>} : memref<256x100xf32, #tpu.memory_space<vmem>>, vector<16xf32>,
        %get3A_1574 = arith.index_cast %add3A_1558 : i32 to index
        %get3A_1575 = arith.constant 80 : index
        %get3A_1576 = tpu.vector_load %arg6[%get3A_1574, %get3A_1575] {strides = array<i32>} : memref<256x100xf32, #tpu.memory_space<vmem>>, vector<16xf32>,
        %get3A_1577 = arith.index_cast %add3A_1558 : i32 to index
        %get3A_1578 = arith.constant 84 : index
        %get3A_1579 = tpu.vector_load %arg6[%get3A_1577, %get3A_1578] {strides = array<i32>} : memref<256x100xf32, #tpu.memory_space<vmem>>, vector<16xf32>,
        %mul3A_1580 = arith.mulf %get3A_1561, %get3A_5 : vector<16xf32>
        %mul3A_1581 = arith.mulf %get3A_1564, %get3A_9 : vector<16xf32>
        %add3A_1582 = arith.addf %mul3A_1580, %mul3A_1581 : vector<16xf32>
        %mul3A_1583 = arith.mulf %get3A_1567, %get3A_13 : vector<16xf32>
        %add3A_1584 = arith.addf %add3A_1582, %mul3A_1583 : vector<16xf32>
        %mul3A_1585 = arith.mulf %get3A_1570, %get3A_17 : vector<16xf32>
        %add3A_1586 = arith.addf %add3A_1584, %mul3A_1585 : vector<16xf32>
        %mul3A_1587 = arith.mulf %get3A_1573, %get3A_21 : vector<16xf32>
        %add3A_1588 = arith.addf %add3A_1586, %mul3A_1587 : vector<16xf32>
        %mul3A_1589 = arith.mulf %get3A_1576, %get3A_25 : vector<16xf32>
        %add3A_1590 = arith.addf %add3A_1588, %mul3A_1589 : vector<16xf32>
        %mul3A_1591 = arith.mulf %get3A_1579, %get3A_29 : vector<16xf32>
        %add3A_1592 = arith.addf %add3A_1590, %mul3A_1591 : vector<16xf32>
        %mul3A_1593 = arith.mulf %get3A_1561, %get3A_33 : vector<16xf32>
        %mul3A_1594 = arith.mulf %get3A_1564, %get3A_37 : vector<16xf32>
        %add3A_1595 = arith.addf %mul3A_1593, %mul3A_1594 : vector<16xf32>
        %mul3A_1596 = arith.mulf %get3A_1567, %get3A_41 : vector<16xf32>
        %add3A_1597 = arith.addf %add3A_1595, %mul3A_1596 : vector<16xf32>
        %mul3A_1598 = arith.mulf %get3A_1570, %get3A_45 : vector<16xf32>
        %add3A_1599 = arith.addf %add3A_1597, %mul3A_1598 : vector<16xf32>
        %mul3A_1600 = arith.mulf %get3A_1573, %get3A_49 : vector<16xf32>
        %add3A_1601 = arith.addf %add3A_1599, %mul3A_1600 : vector<16xf32>
        %mul3A_1602 = arith.mulf %get3A_1576, %get3A_53 : vector<16xf32>
        %add3A_1603 = arith.addf %add3A_1601, %mul3A_1602 : vector<16xf32>
        %mul3A_1604 = arith.mulf %get3A_1579, %get3A_57 : vector<16xf32>
        %add3A_1605 = arith.addf %add3A_1603, %mul3A_1604 : vector<16xf32>
        %mul3A_1606 = arith.mulf %get3A_1561, %get3A_61 : vector<16xf32>
        %mul3A_1607 = arith.mulf %get3A_1564, %get3A_65 : vector<16xf32>
        %add3A_1608 = arith.addf %mul3A_1606, %mul3A_1607 : vector<16xf32>
        %mul3A_1609 = arith.mulf %get3A_1567, %get3A_69 : vector<16xf32>
        %add3A_1610 = arith.addf %add3A_1608, %mul3A_1609 : vector<16xf32>
        %mul3A_1611 = arith.mulf %get3A_1570, %get3A_73 : vector<16xf32>
        %add3A_1612 = arith.addf %add3A_1610, %mul3A_1611 : vector<16xf32>
        %mul3A_1613 = arith.mulf %get3A_1573, %get3A_77 : vector<16xf32>
        %add3A_1614 = arith.addf %add3A_1612, %mul3A_1613 : vector<16xf32>
        %mul3A_1615 = arith.mulf %get3A_1576, %get3A_81 : vector<16xf32>
        %add3A_1616 = arith.addf %add3A_1614, %mul3A_1615 : vector<16xf32>
        %mul3A_1617 = arith.mulf %get3A_1579, %get3A_85 : vector<16xf32>
        %add3A_1618 = arith.addf %add3A_1616, %mul3A_1617 : vector<16xf32>
        %add3A_1619 = arith.constant 8 : i32
        %add3A_1620 = arith.addi %mul3A_209, %add3A_1619 : i32
        %add3A_1621 = arith.constant 6 : i32
        %add3A_1622 = arith.addi %add3A_1620, %add3A_1621 : i32
        %get3A_1623 = arith.index_cast %add3A_1622 : i32 to index
        %get3A_1624 = arith.constant 0 : index
        %get3A_1625 = tpu.vector_load %arg6[%get3A_1623, %get3A_1624] {strides = array<i32>} : memref<256x100xf32, #tpu.memory_space<vmem>>, vector<16xf32>,
        %get3A_1626 = arith.index_cast %add3A_1622 : i32 to index
        %get3A_1627 = arith.constant 16 : index
        %get3A_1628 = tpu.vector_load %arg6[%get3A_1626, %get3A_1627] {strides = array<i32>} : memref<256x100xf32, #tpu.memory_space<vmem>>, vector<16xf32>,
        %get3A_1629 = arith.index_cast %add3A_1622 : i32 to index
        %get3A_1630 = arith.constant 32 : index
        %get3A_1631 = tpu.vector_load %arg6[%get3A_1629, %get3A_1630] {strides = array<i32>} : memref<256x100xf32, #tpu.memory_space<vmem>>, vector<16xf32>,
        %get3A_1632 = arith.index_cast %add3A_1622 : i32 to index
        %get3A_1633 = arith.constant 48 : index
        %get3A_1634 = tpu.vector_load %arg6[%get3A_1632, %get3A_1633] {strides = array<i32>} : memref<256x100xf32, #tpu.memory_space<vmem>>, vector<16xf32>,
        %get3A_1635 = arith.index_cast %add3A_1622 : i32 to index
        %get3A_1636 = arith.constant 64 : index
        %get3A_1637 = tpu.vector_load %arg6[%get3A_1635, %get3A_1636] {strides = array<i32>} : memref<256x100xf32, #tpu.memory_space<vmem>>, vector<16xf32>,
        %get3A_1638 = arith.index_cast %add3A_1622 : i32 to index
        %get3A_1639 = arith.constant 80 : index
        %get3A_1640 = tpu.vector_load %arg6[%get3A_1638, %get3A_1639] {strides = array<i32>} : memref<256x100xf32, #tpu.memory_space<vmem>>, vector<16xf32>,
        %get3A_1641 = arith.index_cast %add3A_1622 : i32 to index
        %get3A_1642 = arith.constant 84 : index
        %get3A_1643 = tpu.vector_load %arg6[%get3A_1641, %get3A_1642] {strides = array<i32>} : memref<256x100xf32, #tpu.memory_space<vmem>>, vector<16xf32>,
        %mul3A_1644 = arith.mulf %get3A_1625, %get3A_5 : vector<16xf32>
        %mul3A_1645 = arith.mulf %get3A_1628, %get3A_9 : vector<16xf32>
        %add3A_1646 = arith.addf %mul3A_1644, %mul3A_1645 : vector<16xf32>
        %mul3A_1647 = arith.mulf %get3A_1631, %get3A_13 : vector<16xf32>
        %add3A_1648 = arith.addf %add3A_1646, %mul3A_1647 : vector<16xf32>
        %mul3A_1649 = arith.mulf %get3A_1634, %get3A_17 : vector<16xf32>
        %add3A_1650 = arith.addf %add3A_1648, %mul3A_1649 : vector<16xf32>
        %mul3A_1651 = arith.mulf %get3A_1637, %get3A_21 : vector<16xf32>
        %add3A_1652 = arith.addf %add3A_1650, %mul3A_1651 : vector<16xf32>
        %mul3A_1653 = arith.mulf %get3A_1640, %get3A_25 : vector<16xf32>
        %add3A_1654 = arith.addf %add3A_1652, %mul3A_1653 : vector<16xf32>
        %mul3A_1655 = arith.mulf %get3A_1643, %get3A_29 : vector<16xf32>
        %add3A_1656 = arith.addf %add3A_1654, %mul3A_1655 : vector<16xf32>
        %mul3A_1657 = arith.mulf %get3A_1625, %get3A_33 : vector<16xf32>
        %mul3A_1658 = arith.mulf %get3A_1628, %get3A_37 : vector<16xf32>
        %add3A_1659 = arith.addf %mul3A_1657, %mul3A_1658 : vector<16xf32>
        %mul3A_1660 = arith.mulf %get3A_1631, %get3A_41 : vector<16xf32>
        %add3A_1661 = arith.addf %add3A_1659, %mul3A_1660 : vector<16xf32>
        %mul3A_1662 = arith.mulf %get3A_1634, %get3A_45 : vector<16xf32>
        %add3A_1663 = arith.addf %add3A_1661, %mul3A_1662 : vector<16xf32>
        %mul3A_1664 = arith.mulf %get3A_1637, %get3A_49 : vector<16xf32>
        %add3A_1665 = arith.addf %add3A_1663, %mul3A_1664 : vector<16xf32>
        %mul3A_1666 = arith.mulf %get3A_1640, %get3A_53 : vector<16xf32>
        %add3A_1667 = arith.addf %add3A_1665, %mul3A_1666 : vector<16xf32>
        %mul3A_1668 = arith.mulf %get3A_1643, %get3A_57 : vector<16xf32>
        %add3A_1669 = arith.addf %add3A_1667, %mul3A_1668 : vector<16xf32>
        %mul3A_1670 = arith.mulf %get3A_1625, %get3A_61 : vector<16xf32>
        %mul3A_1671 = arith.mulf %get3A_1628, %get3A_65 : vector<16xf32>
        %add3A_1672 = arith.addf %mul3A_1670, %mul3A_1671 : vector<16xf32>
        %mul3A_1673 = arith.mulf %get3A_1631, %get3A_69 : vector<16xf32>
        %add3A_1674 = arith.addf %add3A_1672, %mul3A_1673 : vector<16xf32>
        %mul3A_1675 = arith.mulf %get3A_1634, %get3A_73 : vector<16xf32>
        %add3A_1676 = arith.addf %add3A_1674, %mul3A_1675 : vector<16xf32>
        %mul3A_1677 = arith.mulf %get3A_1637, %get3A_77 : vector<16xf32>
        %add3A_1678 = arith.addf %add3A_1676, %mul3A_1677 : vector<16xf32>
        %mul3A_1679 = arith.mulf %get3A_1640, %get3A_81 : vector<16xf32>
        %add3A_1680 = arith.addf %add3A_1678, %mul3A_1679 : vector<16xf32>
        %mul3A_1681 = arith.mulf %get3A_1643, %get3A_85 : vector<16xf32>
        %add3A_1682 = arith.addf %add3A_1680, %mul3A_1681 : vector<16xf32>
        %add3A_1683 = arith.constant 8 : i32
        %add3A_1684 = arith.addi %mul3A_209, %add3A_1683 : i32
        %add3A_1685 = arith.constant 7 : i32
        %add3A_1686 = arith.addi %add3A_1684, %add3A_1685 : i32
        %get3A_1687 = arith.index_cast %add3A_1686 : i32 to index
        %get3A_1688 = arith.constant 0 : index
        %get3A_1689 = tpu.vector_load %arg6[%get3A_1687, %get3A_1688] {strides = array<i32>} : memref<256x100xf32, #tpu.memory_space<vmem>>, vector<16xf32>,
        %get3A_1690 = arith.index_cast %add3A_1686 : i32 to index
        %get3A_1691 = arith.constant 16 : index
        %get3A_1692 = tpu.vector_load %arg6[%get3A_1690, %get3A_1691] {strides = array<i32>} : memref<256x100xf32, #tpu.memory_space<vmem>>, vector<16xf32>,
        %get3A_1693 = arith.index_cast %add3A_1686 : i32 to index
        %get3A_1694 = arith.constant 32 : index
        %get3A_1695 = tpu.vector_load %arg6[%get3A_1693, %get3A_1694] {strides = array<i32>} : memref<256x100xf32, #tpu.memory_space<vmem>>, vector<16xf32>,
        %get3A_1696 = arith.index_cast %add3A_1686 : i32 to index
        %get3A_1697 = arith.constant 48 : index
        %get3A_1698 = tpu.vector_load %arg6[%get3A_1696, %get3A_1697] {strides = array<i32>} : memref<256x100xf32, #tpu.memory_space<vmem>>, vector<16xf32>,
        %get3A_1699 = arith.index_cast %add3A_1686 : i32 to index
        %get3A_1700 = arith.constant 64 : index
        %get3A_1701 = tpu.vector_load %arg6[%get3A_1699, %get3A_1700] {strides = array<i32>} : memref<256x100xf32, #tpu.memory_space<vmem>>, vector<16xf32>,
        %get3A_1702 = arith.index_cast %add3A_1686 : i32 to index
        %get3A_1703 = arith.constant 80 : index
        %get3A_1704 = tpu.vector_load %arg6[%get3A_1702, %get3A_1703] {strides = array<i32>} : memref<256x100xf32, #tpu.memory_space<vmem>>, vector<16xf32>,
        %get3A_1705 = arith.index_cast %add3A_1686 : i32 to index
        %get3A_1706 = arith.constant 84 : index
        %get3A_1707 = tpu.vector_load %arg6[%get3A_1705, %get3A_1706] {strides = array<i32>} : memref<256x100xf32, #tpu.memory_space<vmem>>, vector<16xf32>,
        %mul3A_1708 = arith.mulf %get3A_1689, %get3A_5 : vector<16xf32>
        %mul3A_1709 = arith.mulf %get3A_1692, %get3A_9 : vector<16xf32>
        %add3A_1710 = arith.addf %mul3A_1708, %mul3A_1709 : vector<16xf32>
        %mul3A_1711 = arith.mulf %get3A_1695, %get3A_13 : vector<16xf32>
        %add3A_1712 = arith.addf %add3A_1710, %mul3A_1711 : vector<16xf32>
        %mul3A_1713 = arith.mulf %get3A_1698, %get3A_17 : vector<16xf32>
        %add3A_1714 = arith.addf %add3A_1712, %mul3A_1713 : vector<16xf32>
        %mul3A_1715 = arith.mulf %get3A_1701, %get3A_21 : vector<16xf32>
        %add3A_1716 = arith.addf %add3A_1714, %mul3A_1715 : vector<16xf32>
        %mul3A_1717 = arith.mulf %get3A_1704, %get3A_25 : vector<16xf32>
        %add3A_1718 = arith.addf %add3A_1716, %mul3A_1717 : vector<16xf32>
        %mul3A_1719 = arith.mulf %get3A_1707, %get3A_29 : vector<16xf32>
        %add3A_1720 = arith.addf %add3A_1718, %mul3A_1719 : vector<16xf32>
        %mul3A_1721 = arith.mulf %get3A_1689, %get3A_33 : vector<16xf32>
        %mul3A_1722 = arith.mulf %get3A_1692, %get3A_37 : vector<16xf32>
        %add3A_1723 = arith.addf %mul3A_1721, %mul3A_1722 : vector<16xf32>
        %mul3A_1724 = arith.mulf %get3A_1695, %get3A_41 : vector<16xf32>
        %add3A_1725 = arith.addf %add3A_1723, %mul3A_1724 : vector<16xf32>
        %mul3A_1726 = arith.mulf %get3A_1698, %get3A_45 : vector<16xf32>
        %add3A_1727 = arith.addf %add3A_1725, %mul3A_1726 : vector<16xf32>
        %mul3A_1728 = arith.mulf %get3A_1701, %get3A_49 : vector<16xf32>
        %add3A_1729 = arith.addf %add3A_1727, %mul3A_1728 : vector<16xf32>
        %mul3A_1730 = arith.mulf %get3A_1704, %get3A_53 : vector<16xf32>
        %add3A_1731 = arith.addf %add3A_1729, %mul3A_1730 : vector<16xf32>
        %mul3A_1732 = arith.mulf %get3A_1707, %get3A_57 : vector<16xf32>
        %add3A_1733 = arith.addf %add3A_1731, %mul3A_1732 : vector<16xf32>
        %mul3A_1734 = arith.mulf %get3A_1689, %get3A_61 : vector<16xf32>
        %mul3A_1735 = arith.mulf %get3A_1692, %get3A_65 : vector<16xf32>
        %add3A_1736 = arith.addf %mul3A_1734, %mul3A_1735 : vector<16xf32>
        %mul3A_1737 = arith.mulf %get3A_1695, %get3A_69 : vector<16xf32>
        %add3A_1738 = arith.addf %add3A_1736, %mul3A_1737 : vector<16xf32>
        %mul3A_1739 = arith.mulf %get3A_1698, %get3A_73 : vector<16xf32>
        %add3A_1740 = arith.addf %add3A_1738, %mul3A_1739 : vector<16xf32>
        %mul3A_1741 = arith.mulf %get3A_1701, %get3A_77 : vector<16xf32>
        %add3A_1742 = arith.addf %add3A_1740, %mul3A_1741 : vector<16xf32>
        %mul3A_1743 = arith.mulf %get3A_1704, %get3A_81 : vector<16xf32>
        %add3A_1744 = arith.addf %add3A_1742, %mul3A_1743 : vector<16xf32>
        %mul3A_1745 = arith.mulf %get3A_1707, %get3A_85 : vector<16xf32>
        %add3A_1746 = arith.addf %add3A_1744, %mul3A_1745 : vector<16xf32>
        %lt3A_1747 = arith.constant 0 : i32
        %lt3A_1748 = vector.broadcast %lt3A_1747 : i32 to vector<16xi32>
        %lt3A_1749 = arith.cmpi slt, %xor3A_99, %lt3A_1748 : vector<16xi32>
        %add3A_1750 = arith.constant 16 : i32
        %add3A_1751 = vector.broadcast %add3A_1750 : i32 to vector<16xi32>
        %add3A_1752 = arith.addi %xor3A_99, %add3A_1751 : vector<16xi32>
        %select_n3A_1753 = arith.select %lt3A_1749, %add3A_1752, %xor3A_99 : vector<16xi1>, vector<16xi32>
        %broadcast_in_dim3A_1754 = vector.shape_cast %select_n3A_1753 : vector<16xi32> to vector<16x1xi32>
        %gather3A_1755 = vector.shape_cast %broadcast_in_dim3A_1754 : vector<16x1xi32> to vector<16xi32>
        %gather3A_1756 = tpu.dynamic_gather %add3A_1272[%gather3A_1755] in [0] : vector<16xf32>, vector<16xi32> -> vector<16xf32>
        %add3A_1757 = arith.addf %add3A_1272, %gather3A_1756 : vector<16xf32>
        %lt3A_1758 = arith.constant 0 : i32
        %lt3A_1759 = vector.broadcast %lt3A_1758 : i32 to vector<16xi32>
        %lt3A_1760 = arith.cmpi slt, %xor3A_99, %lt3A_1759 : vector<16xi32>
        %add3A_1761 = arith.constant 16 : i32
        %add3A_1762 = vector.broadcast %add3A_1761 : i32 to vector<16xi32>
        %add3A_1763 = arith.addi %xor3A_99, %add3A_1762 : vector<16xi32>
        %select_n3A_1764 = arith.select %lt3A_1760, %add3A_1763, %xor3A_99 : vector<16xi1>, vector<16xi32>
        %broadcast_in_dim3A_1765 = vector.shape_cast %select_n3A_1764 : vector<16xi32> to vector<16x1xi32>
        %gather3A_1766 = vector.shape_cast %broadcast_in_dim3A_1765 : vector<16x1xi32> to vector<16xi32>
        %gather3A_1767 = tpu.dynamic_gather %add3A_1336[%gather3A_1766] in [0] : vector<16xf32>, vector<16xi32> -> vector<16xf32>
        %add3A_1768 = arith.addf %add3A_1336, %gather3A_1767 : vector<16xf32>
        %select_n3A_1769 = arith.select %eq3A_112, %add3A_1757, %add3A_1768 : vector<16xi1>, vector<16xf32>
        %lt3A_1770 = arith.constant 0 : i32
        %lt3A_1771 = vector.broadcast %lt3A_1770 : i32 to vector<16xi32>
        %lt3A_1772 = arith.cmpi slt, %xor3A_99, %lt3A_1771 : vector<16xi32>
        %add3A_1773 = arith.constant 16 : i32
        %add3A_1774 = vector.broadcast %add3A_1773 : i32 to vector<16xi32>
        %add3A_1775 = arith.addi %xor3A_99, %add3A_1774 : vector<16xi32>
        %select_n3A_1776 = arith.select %lt3A_1772, %add3A_1775, %xor3A_99 : vector<16xi1>, vector<16xi32>
        %broadcast_in_dim3A_1777 = vector.shape_cast %select_n3A_1776 : vector<16xi32> to vector<16x1xi32>
        %gather3A_1778 = vector.shape_cast %broadcast_in_dim3A_1777 : vector<16x1xi32> to vector<16xi32>
        %gather3A_1779 = tpu.dynamic_gather %add3A_1400[%gather3A_1778] in [0] : vector<16xf32>, vector<16xi32> -> vector<16xf32>
        %add3A_1780 = arith.addf %add3A_1400, %gather3A_1779 : vector<16xf32>
        %lt3A_1781 = arith.constant 0 : i32
        %lt3A_1782 = vector.broadcast %lt3A_1781 : i32 to vector<16xi32>
        %lt3A_1783 = arith.cmpi slt, %xor3A_99, %lt3A_1782 : vector<16xi32>
        %add3A_1784 = arith.constant 16 : i32
        %add3A_1785 = vector.broadcast %add3A_1784 : i32 to vector<16xi32>
        %add3A_1786 = arith.addi %xor3A_99, %add3A_1785 : vector<16xi32>
        %select_n3A_1787 = arith.select %lt3A_1783, %add3A_1786, %xor3A_99 : vector<16xi1>, vector<16xi32>
        %broadcast_in_dim3A_1788 = vector.shape_cast %select_n3A_1787 : vector<16xi32> to vector<16x1xi32>
        %gather3A_1789 = vector.shape_cast %broadcast_in_dim3A_1788 : vector<16x1xi32> to vector<16xi32>
        %gather3A_1790 = tpu.dynamic_gather %add3A_1464[%gather3A_1789] in [0] : vector<16xf32>, vector<16xi32> -> vector<16xf32>
        %add3A_1791 = arith.addf %add3A_1464, %gather3A_1790 : vector<16xf32>
        %select_n3A_1792 = arith.select %eq3A_112, %add3A_1780, %add3A_1791 : vector<16xi1>, vector<16xf32>
        %lt3A_1793 = arith.constant 0 : i32
        %lt3A_1794 = vector.broadcast %lt3A_1793 : i32 to vector<16xi32>
        %lt3A_1795 = arith.cmpi slt, %xor3A_99, %lt3A_1794 : vector<16xi32>
        %add3A_1796 = arith.constant 16 : i32
        %add3A_1797 = vector.broadcast %add3A_1796 : i32 to vector<16xi32>
        %add3A_1798 = arith.addi %xor3A_99, %add3A_1797 : vector<16xi32>
        %select_n3A_1799 = arith.select %lt3A_1795, %add3A_1798, %xor3A_99 : vector<16xi1>, vector<16xi32>
        %broadcast_in_dim3A_1800 = vector.shape_cast %select_n3A_1799 : vector<16xi32> to vector<16x1xi32>
        %gather3A_1801 = vector.shape_cast %broadcast_in_dim3A_1800 : vector<16x1xi32> to vector<16xi32>
        %gather3A_1802 = tpu.dynamic_gather %add3A_1528[%gather3A_1801] in [0] : vector<16xf32>, vector<16xi32> -> vector<16xf32>
        %add3A_1803 = arith.addf %add3A_1528, %gather3A_1802 : vector<16xf32>
        %lt3A_1804 = arith.constant 0 : i32
        %lt3A_1805 = vector.broadcast %lt3A_1804 : i32 to vector<16xi32>
        %lt3A_1806 = arith.cmpi slt, %xor3A_99, %lt3A_1805 : vector<16xi32>
        %add3A_1807 = arith.constant 16 : i32
        %add3A_1808 = vector.broadcast %add3A_1807 : i32 to vector<16xi32>
        %add3A_1809 = arith.addi %xor3A_99, %add3A_1808 : vector<16xi32>
        %select_n3A_1810 = arith.select %lt3A_1806, %add3A_1809, %xor3A_99 : vector<16xi1>, vector<16xi32>
        %broadcast_in_dim3A_1811 = vector.shape_cast %select_n3A_1810 : vector<16xi32> to vector<16x1xi32>
        %gather3A_1812 = vector.shape_cast %broadcast_in_dim3A_1811 : vector<16x1xi32> to vector<16xi32>
        %gather3A_1813 = tpu.dynamic_gather %add3A_1592[%gather3A_1812] in [0] : vector<16xf32>, vector<16xi32> -> vector<16xf32>
        %add3A_1814 = arith.addf %add3A_1592, %gather3A_1813 : vector<16xf32>
        %select_n3A_1815 = arith.select %eq3A_112, %add3A_1803, %add3A_1814 : vector<16xi1>, vector<16xf32>
        %lt3A_1816 = arith.constant 0 : i32
        %lt3A_1817 = vector.broadcast %lt3A_1816 : i32 to vector<16xi32>
        %lt3A_1818 = arith.cmpi slt, %xor3A_99, %lt3A_1817 : vector<16xi32>
        %add3A_1819 = arith.constant 16 : i32
        %add3A_1820 = vector.broadcast %add3A_1819 : i32 to vector<16xi32>
        %add3A_1821 = arith.addi %xor3A_99, %add3A_1820 : vector<16xi32>
        %select_n3A_1822 = arith.select %lt3A_1818, %add3A_1821, %xor3A_99 : vector<16xi1>, vector<16xi32>
        %broadcast_in_dim3A_1823 = vector.shape_cast %select_n3A_1822 : vector<16xi32> to vector<16x1xi32>
        %gather3A_1824 = vector.shape_cast %broadcast_in_dim3A_1823 : vector<16x1xi32> to vector<16xi32>
        %gather3A_1825 = tpu.dynamic_gather %add3A_1656[%gather3A_1824] in [0] : vector<16xf32>, vector<16xi32> -> vector<16xf32>
        %add3A_1826 = arith.addf %add3A_1656, %gather3A_1825 : vector<16xf32>
        %lt3A_1827 = arith.constant 0 : i32
        %lt3A_1828 = vector.broadcast %lt3A_1827 : i32 to vector<16xi32>
        %lt3A_1829 = arith.cmpi slt, %xor3A_99, %lt3A_1828 : vector<16xi32>
        %add3A_1830 = arith.constant 16 : i32
        %add3A_1831 = vector.broadcast %add3A_1830 : i32 to vector<16xi32>
        %add3A_1832 = arith.addi %xor3A_99, %add3A_1831 : vector<16xi32>
        %select_n3A_1833 = arith.select %lt3A_1829, %add3A_1832, %xor3A_99 : vector<16xi1>, vector<16xi32>
        %broadcast_in_dim3A_1834 = vector.shape_cast %select_n3A_1833 : vector<16xi32> to vector<16x1xi32>
        %gather3A_1835 = vector.shape_cast %broadcast_in_dim3A_1834 : vector<16x1xi32> to vector<16xi32>
        %gather3A_1836 = tpu.dynamic_gather %add3A_1720[%gather3A_1835] in [0] : vector<16xf32>, vector<16xi32> -> vector<16xf32>
        %add3A_1837 = arith.addf %add3A_1720, %gather3A_1836 : vector<16xf32>
        %select_n3A_1838 = arith.select %eq3A_112, %add3A_1826, %add3A_1837 : vector<16xi1>, vector<16xf32>
        %lt3A_1839 = arith.constant 0 : i32
        %lt3A_1840 = vector.broadcast %lt3A_1839 : i32 to vector<16xi32>
        %lt3A_1841 = arith.cmpi slt, %xor3A_102, %lt3A_1840 : vector<16xi32>
        %add3A_1842 = arith.constant 16 : i32
        %add3A_1843 = vector.broadcast %add3A_1842 : i32 to vector<16xi32>
        %add3A_1844 = arith.addi %xor3A_102, %add3A_1843 : vector<16xi32>
        %select_n3A_1845 = arith.select %lt3A_1841, %add3A_1844, %xor3A_102 : vector<16xi1>, vector<16xi32>
        %broadcast_in_dim3A_1846 = vector.shape_cast %select_n3A_1845 : vector<16xi32> to vector<16x1xi32>
        %gather3A_1847 = vector.shape_cast %broadcast_in_dim3A_1846 : vector<16x1xi32> to vector<16xi32>
        %gather3A_1848 = tpu.dynamic_gather %select_n3A_1769[%gather3A_1847] in [0] : vector<16xf32>, vector<16xi32> -> vector<16xf32>
        %add3A_1849 = arith.addf %select_n3A_1769, %gather3A_1848 : vector<16xf32>
        %lt3A_1850 = arith.constant 0 : i32
        %lt3A_1851 = vector.broadcast %lt3A_1850 : i32 to vector<16xi32>
        %lt3A_1852 = arith.cmpi slt, %xor3A_102, %lt3A_1851 : vector<16xi32>
        %add3A_1853 = arith.constant 16 : i32
        %add3A_1854 = vector.broadcast %add3A_1853 : i32 to vector<16xi32>
        %add3A_1855 = arith.addi %xor3A_102, %add3A_1854 : vector<16xi32>
        %select_n3A_1856 = arith.select %lt3A_1852, %add3A_1855, %xor3A_102 : vector<16xi1>, vector<16xi32>
        %broadcast_in_dim3A_1857 = vector.shape_cast %select_n3A_1856 : vector<16xi32> to vector<16x1xi32>
        %gather3A_1858 = vector.shape_cast %broadcast_in_dim3A_1857 : vector<16x1xi32> to vector<16xi32>
        %gather3A_1859 = tpu.dynamic_gather %select_n3A_1792[%gather3A_1858] in [0] : vector<16xf32>, vector<16xi32> -> vector<16xf32>
        %add3A_1860 = arith.addf %select_n3A_1792, %gather3A_1859 : vector<16xf32>
        %select_n3A_1861 = arith.select %eq3A_118, %add3A_1849, %add3A_1860 : vector<16xi1>, vector<16xf32>
        %lt3A_1862 = arith.constant 0 : i32
        %lt3A_1863 = vector.broadcast %lt3A_1862 : i32 to vector<16xi32>
        %lt3A_1864 = arith.cmpi slt, %xor3A_102, %lt3A_1863 : vector<16xi32>
        %add3A_1865 = arith.constant 16 : i32
        %add3A_1866 = vector.broadcast %add3A_1865 : i32 to vector<16xi32>
        %add3A_1867 = arith.addi %xor3A_102, %add3A_1866 : vector<16xi32>
        %select_n3A_1868 = arith.select %lt3A_1864, %add3A_1867, %xor3A_102 : vector<16xi1>, vector<16xi32>
        %broadcast_in_dim3A_1869 = vector.shape_cast %select_n3A_1868 : vector<16xi32> to vector<16x1xi32>
        %gather3A_1870 = vector.shape_cast %broadcast_in_dim3A_1869 : vector<16x1xi32> to vector<16xi32>
        %gather3A_1871 = tpu.dynamic_gather %select_n3A_1815[%gather3A_1870] in [0] : vector<16xf32>, vector<16xi32> -> vector<16xf32>
        %add3A_1872 = arith.addf %select_n3A_1815, %gather3A_1871 : vector<16xf32>
        %lt3A_1873 = arith.constant 0 : i32
        %lt3A_1874 = vector.broadcast %lt3A_1873 : i32 to vector<16xi32>
        %lt3A_1875 = arith.cmpi slt, %xor3A_102, %lt3A_1874 : vector<16xi32>
        %add3A_1876 = arith.constant 16 : i32
        %add3A_1877 = vector.broadcast %add3A_1876 : i32 to vector<16xi32>
        %add3A_1878 = arith.addi %xor3A_102, %add3A_1877 : vector<16xi32>
        %select_n3A_1879 = arith.select %lt3A_1875, %add3A_1878, %xor3A_102 : vector<16xi1>, vector<16xi32>
        %broadcast_in_dim3A_1880 = vector.shape_cast %select_n3A_1879 : vector<16xi32> to vector<16x1xi32>
        %gather3A_1881 = vector.shape_cast %broadcast_in_dim3A_1880 : vector<16x1xi32> to vector<16xi32>
        %gather3A_1882 = tpu.dynamic_gather %select_n3A_1838[%gather3A_1881] in [0] : vector<16xf32>, vector<16xi32> -> vector<16xf32>
        %add3A_1883 = arith.addf %select_n3A_1838, %gather3A_1882 : vector<16xf32>
        %select_n3A_1884 = arith.select %eq3A_118, %add3A_1872, %add3A_1883 : vector<16xi1>, vector<16xf32>
        %lt3A_1885 = arith.constant 0 : i32
        %lt3A_1886 = vector.broadcast %lt3A_1885 : i32 to vector<16xi32>
        %lt3A_1887 = arith.cmpi slt, %xor3A_105, %lt3A_1886 : vector<16xi32>
        %add3A_1888 = arith.constant 16 : i32
        %add3A_1889 = vector.broadcast %add3A_1888 : i32 to vector<16xi32>
        %add3A_1890 = arith.addi %xor3A_105, %add3A_1889 : vector<16xi32>
        %select_n3A_1891 = arith.select %lt3A_1887, %add3A_1890, %xor3A_105 : vector<16xi1>, vector<16xi32>
        %broadcast_in_dim3A_1892 = vector.shape_cast %select_n3A_1891 : vector<16xi32> to vector<16x1xi32>
        %gather3A_1893 = vector.shape_cast %broadcast_in_dim3A_1892 : vector<16x1xi32> to vector<16xi32>
        %gather3A_1894 = tpu.dynamic_gather %select_n3A_1861[%gather3A_1893] in [0] : vector<16xf32>, vector<16xi32> -> vector<16xf32>
        %add3A_1895 = arith.addf %select_n3A_1861, %gather3A_1894 : vector<16xf32>
        %lt3A_1896 = arith.constant 0 : i32
        %lt3A_1897 = vector.broadcast %lt3A_1896 : i32 to vector<16xi32>
        %lt3A_1898 = arith.cmpi slt, %xor3A_105, %lt3A_1897 : vector<16xi32>
        %add3A_1899 = arith.constant 16 : i32
        %add3A_1900 = vector.broadcast %add3A_1899 : i32 to vector<16xi32>
        %add3A_1901 = arith.addi %xor3A_105, %add3A_1900 : vector<16xi32>
        %select_n3A_1902 = arith.select %lt3A_1898, %add3A_1901, %xor3A_105 : vector<16xi1>, vector<16xi32>
        %broadcast_in_dim3A_1903 = vector.shape_cast %select_n3A_1902 : vector<16xi32> to vector<16x1xi32>
        %gather3A_1904 = vector.shape_cast %broadcast_in_dim3A_1903 : vector<16x1xi32> to vector<16xi32>
        %gather3A_1905 = tpu.dynamic_gather %select_n3A_1884[%gather3A_1904] in [0] : vector<16xf32>, vector<16xi32> -> vector<16xf32>
        %add3A_1906 = arith.addf %select_n3A_1884, %gather3A_1905 : vector<16xf32>
        %select_n3A_1907 = arith.select %eq3A_124, %add3A_1895, %add3A_1906 : vector<16xi1>, vector<16xf32>
        %lt3A_1908 = arith.constant 0 : i32
        %lt3A_1909 = vector.broadcast %lt3A_1908 : i32 to vector<16xi32>
        %lt3A_1910 = arith.cmpi slt, %xor3A_108, %lt3A_1909 : vector<16xi32>
        %add3A_1911 = arith.constant 16 : i32
        %add3A_1912 = vector.broadcast %add3A_1911 : i32 to vector<16xi32>
        %add3A_1913 = arith.addi %xor3A_108, %add3A_1912 : vector<16xi32>
        %select_n3A_1914 = arith.select %lt3A_1910, %add3A_1913, %xor3A_108 : vector<16xi1>, vector<16xi32>
        %broadcast_in_dim3A_1915 = vector.shape_cast %select_n3A_1914 : vector<16xi32> to vector<16x1xi32>
        %gather3A_1916 = vector.shape_cast %broadcast_in_dim3A_1915 : vector<16x1xi32> to vector<16xi32>
        %gather3A_1917 = tpu.dynamic_gather %select_n3A_1907[%gather3A_1916] in [0] : vector<16xf32>, vector<16xi32> -> vector<16xf32>
        %add3A_1918 = arith.addf %select_n3A_1907, %gather3A_1917 : vector<16xf32>
        %lt3A_1919 = arith.constant 0 : i32
        %lt3A_1920 = vector.broadcast %lt3A_1919 : i32 to vector<16xi32>
        %lt3A_1921 = arith.cmpi slt, %xor3A_99, %lt3A_1920 : vector<16xi32>
        %add3A_1922 = arith.constant 16 : i32
        %add3A_1923 = vector.broadcast %add3A_1922 : i32 to vector<16xi32>
        %add3A_1924 = arith.addi %xor3A_99, %add3A_1923 : vector<16xi32>
        %select_n3A_1925 = arith.select %lt3A_1921, %add3A_1924, %xor3A_99 : vector<16xi1>, vector<16xi32>
        %broadcast_in_dim3A_1926 = vector.shape_cast %select_n3A_1925 : vector<16xi32> to vector<16x1xi32>
        %gather3A_1927 = vector.shape_cast %broadcast_in_dim3A_1926 : vector<16x1xi32> to vector<16xi32>
        %gather3A_1928 = tpu.dynamic_gather %add3A_1285[%gather3A_1927] in [0] : vector<16xf32>, vector<16xi32> -> vector<16xf32>
        %add3A_1929 = arith.addf %add3A_1285, %gather3A_1928 : vector<16xf32>
        %lt3A_1930 = arith.constant 0 : i32
        %lt3A_1931 = vector.broadcast %lt3A_1930 : i32 to vector<16xi32>
        %lt3A_1932 = arith.cmpi slt, %xor3A_99, %lt3A_1931 : vector<16xi32>
        %add3A_1933 = arith.constant 16 : i32
        %add3A_1934 = vector.broadcast %add3A_1933 : i32 to vector<16xi32>
        %add3A_1935 = arith.addi %xor3A_99, %add3A_1934 : vector<16xi32>
        %select_n3A_1936 = arith.select %lt3A_1932, %add3A_1935, %xor3A_99 : vector<16xi1>, vector<16xi32>
        %broadcast_in_dim3A_1937 = vector.shape_cast %select_n3A_1936 : vector<16xi32> to vector<16x1xi32>
        %gather3A_1938 = vector.shape_cast %broadcast_in_dim3A_1937 : vector<16x1xi32> to vector<16xi32>
        %gather3A_1939 = tpu.dynamic_gather %add3A_1349[%gather3A_1938] in [0] : vector<16xf32>, vector<16xi32> -> vector<16xf32>
        %add3A_1940 = arith.addf %add3A_1349, %gather3A_1939 : vector<16xf32>
        %select_n3A_1941 = arith.select %eq3A_112, %add3A_1929, %add3A_1940 : vector<16xi1>, vector<16xf32>
        %lt3A_1942 = arith.constant 0 : i32
        %lt3A_1943 = vector.broadcast %lt3A_1942 : i32 to vector<16xi32>
        %lt3A_1944 = arith.cmpi slt, %xor3A_99, %lt3A_1943 : vector<16xi32>
        %add3A_1945 = arith.constant 16 : i32
        %add3A_1946 = vector.broadcast %add3A_1945 : i32 to vector<16xi32>
        %add3A_1947 = arith.addi %xor3A_99, %add3A_1946 : vector<16xi32>
        %select_n3A_1948 = arith.select %lt3A_1944, %add3A_1947, %xor3A_99 : vector<16xi1>, vector<16xi32>
        %broadcast_in_dim3A_1949 = vector.shape_cast %select_n3A_1948 : vector<16xi32> to vector<16x1xi32>
        %gather3A_1950 = vector.shape_cast %broadcast_in_dim3A_1949 : vector<16x1xi32> to vector<16xi32>
        %gather3A_1951 = tpu.dynamic_gather %add3A_1413[%gather3A_1950] in [0] : vector<16xf32>, vector<16xi32> -> vector<16xf32>
        %add3A_1952 = arith.addf %add3A_1413, %gather3A_1951 : vector<16xf32>
        %lt3A_1953 = arith.constant 0 : i32
        %lt3A_1954 = vector.broadcast %lt3A_1953 : i32 to vector<16xi32>
        %lt3A_1955 = arith.cmpi slt, %xor3A_99, %lt3A_1954 : vector<16xi32>
        %add3A_1956 = arith.constant 16 : i32
        %add3A_1957 = vector.broadcast %add3A_1956 : i32 to vector<16xi32>
        %add3A_1958 = arith.addi %xor3A_99, %add3A_1957 : vector<16xi32>
        %select_n3A_1959 = arith.select %lt3A_1955, %add3A_1958, %xor3A_99 : vector<16xi1>, vector<16xi32>
        %broadcast_in_dim3A_1960 = vector.shape_cast %select_n3A_1959 : vector<16xi32> to vector<16x1xi32>
        %gather3A_1961 = vector.shape_cast %broadcast_in_dim3A_1960 : vector<16x1xi32> to vector<16xi32>
        %gather3A_1962 = tpu.dynamic_gather %add3A_1477[%gather3A_1961] in [0] : vector<16xf32>, vector<16xi32> -> vector<16xf32>
        %add3A_1963 = arith.addf %add3A_1477, %gather3A_1962 : vector<16xf32>
        %select_n3A_1964 = arith.select %eq3A_112, %add3A_1952, %add3A_1963 : vector<16xi1>, vector<16xf32>
        %lt3A_1965 = arith.constant 0 : i32
        %lt3A_1966 = vector.broadcast %lt3A_1965 : i32 to vector<16xi32>
        %lt3A_1967 = arith.cmpi slt, %xor3A_99, %lt3A_1966 : vector<16xi32>
        %add3A_1968 = arith.constant 16 : i32
        %add3A_1969 = vector.broadcast %add3A_1968 : i32 to vector<16xi32>
        %add3A_1970 = arith.addi %xor3A_99, %add3A_1969 : vector<16xi32>
        %select_n3A_1971 = arith.select %lt3A_1967, %add3A_1970, %xor3A_99 : vector<16xi1>, vector<16xi32>
        %broadcast_in_dim3A_1972 = vector.shape_cast %select_n3A_1971 : vector<16xi32> to vector<16x1xi32>
        %gather3A_1973 = vector.shape_cast %broadcast_in_dim3A_1972 : vector<16x1xi32> to vector<16xi32>
        %gather3A_1974 = tpu.dynamic_gather %add3A_1541[%gather3A_1973] in [0] : vector<16xf32>, vector<16xi32> -> vector<16xf32>
        %add3A_1975 = arith.addf %add3A_1541, %gather3A_1974 : vector<16xf32>
        %lt3A_1976 = arith.constant 0 : i32
        %lt3A_1977 = vector.broadcast %lt3A_1976 : i32 to vector<16xi32>
        %lt3A_1978 = arith.cmpi slt, %xor3A_99, %lt3A_1977 : vector<16xi32>
        %add3A_1979 = arith.constant 16 : i32
        %add3A_1980 = vector.broadcast %add3A_1979 : i32 to vector<16xi32>
        %add3A_1981 = arith.addi %xor3A_99, %add3A_1980 : vector<16xi32>
        %select_n3A_1982 = arith.select %lt3A_1978, %add3A_1981, %xor3A_99 : vector<16xi1>, vector<16xi32>
        %broadcast_in_dim3A_1983 = vector.shape_cast %select_n3A_1982 : vector<16xi32> to vector<16x1xi32>
        %gather3A_1984 = vector.shape_cast %broadcast_in_dim3A_1983 : vector<16x1xi32> to vector<16xi32>
        %gather3A_1985 = tpu.dynamic_gather %add3A_1605[%gather3A_1984] in [0] : vector<16xf32>, vector<16xi32> -> vector<16xf32>
        %add3A_1986 = arith.addf %add3A_1605, %gather3A_1985 : vector<16xf32>
        %select_n3A_1987 = arith.select %eq3A_112, %add3A_1975, %add3A_1986 : vector<16xi1>, vector<16xf32>
        %lt3A_1988 = arith.constant 0 : i32
        %lt3A_1989 = vector.broadcast %lt3A_1988 : i32 to vector<16xi32>
        %lt3A_1990 = arith.cmpi slt, %xor3A_99, %lt3A_1989 : vector<16xi32>
        %add3A_1991 = arith.constant 16 : i32
        %add3A_1992 = vector.broadcast %add3A_1991 : i32 to vector<16xi32>
        %add3A_1993 = arith.addi %xor3A_99, %add3A_1992 : vector<16xi32>
        %select_n3A_1994 = arith.select %lt3A_1990, %add3A_1993, %xor3A_99 : vector<16xi1>, vector<16xi32>
        %broadcast_in_dim3A_1995 = vector.shape_cast %select_n3A_1994 : vector<16xi32> to vector<16x1xi32>
        %gather3A_1996 = vector.shape_cast %broadcast_in_dim3A_1995 : vector<16x1xi32> to vector<16xi32>
        %gather3A_1997 = tpu.dynamic_gather %add3A_1669[%gather3A_1996] in [0] : vector<16xf32>, vector<16xi32> -> vector<16xf32>
        %add3A_1998 = arith.addf %add3A_1669, %gather3A_1997 : vector<16xf32>
        %lt3A_1999 = arith.constant 0 : i32
        %lt3A_2000 = vector.broadcast %lt3A_1999 : i32 to vector<16xi32>
        %lt3A_2001 = arith.cmpi slt, %xor3A_99, %lt3A_2000 : vector<16xi32>
        %add3A_2002 = arith.constant 16 : i32
        %add3A_2003 = vector.broadcast %add3A_2002 : i32 to vector<16xi32>
        %add3A_2004 = arith.addi %xor3A_99, %add3A_2003 : vector<16xi32>
        %select_n3A_2005 = arith.select %lt3A_2001, %add3A_2004, %xor3A_99 : vector<16xi1>, vector<16xi32>
        %broadcast_in_dim3A_2006 = vector.shape_cast %select_n3A_2005 : vector<16xi32> to vector<16x1xi32>
        %gather3A_2007 = vector.shape_cast %broadcast_in_dim3A_2006 : vector<16x1xi32> to vector<16xi32>
        %gather3A_2008 = tpu.dynamic_gather %add3A_1733[%gather3A_2007] in [0] : vector<16xf32>, vector<16xi32> -> vector<16xf32>
        %add3A_2009 = arith.addf %add3A_1733, %gather3A_2008 : vector<16xf32>
        %select_n3A_2010 = arith.select %eq3A_112, %add3A_1998, %add3A_2009 : vector<16xi1>, vector<16xf32>
        %lt3A_2011 = arith.constant 0 : i32
        %lt3A_2012 = vector.broadcast %lt3A_2011 : i32 to vector<16xi32>
        %lt3A_2013 = arith.cmpi slt, %xor3A_102, %lt3A_2012 : vector<16xi32>
        %add3A_2014 = arith.constant 16 : i32
        %add3A_2015 = vector.broadcast %add3A_2014 : i32 to vector<16xi32>
        %add3A_2016 = arith.addi %xor3A_102, %add3A_2015 : vector<16xi32>
        %select_n3A_2017 = arith.select %lt3A_2013, %add3A_2016, %xor3A_102 : vector<16xi1>, vector<16xi32>
        %broadcast_in_dim3A_2018 = vector.shape_cast %select_n3A_2017 : vector<16xi32> to vector<16x1xi32>
        %gather3A_2019 = vector.shape_cast %broadcast_in_dim3A_2018 : vector<16x1xi32> to vector<16xi32>
        %gather3A_2020 = tpu.dynamic_gather %select_n3A_1941[%gather3A_2019] in [0] : vector<16xf32>, vector<16xi32> -> vector<16xf32>
        %add3A_2021 = arith.addf %select_n3A_1941, %gather3A_2020 : vector<16xf32>
        %lt3A_2022 = arith.constant 0 : i32
        %lt3A_2023 = vector.broadcast %lt3A_2022 : i32 to vector<16xi32>
        %lt3A_2024 = arith.cmpi slt, %xor3A_102, %lt3A_2023 : vector<16xi32>
        %add3A_2025 = arith.constant 16 : i32
        %add3A_2026 = vector.broadcast %add3A_2025 : i32 to vector<16xi32>
        %add3A_2027 = arith.addi %xor3A_102, %add3A_2026 : vector<16xi32>
        %select_n3A_2028 = arith.select %lt3A_2024, %add3A_2027, %xor3A_102 : vector<16xi1>, vector<16xi32>
        %broadcast_in_dim3A_2029 = vector.shape_cast %select_n3A_2028 : vector<16xi32> to vector<16x1xi32>
        %gather3A_2030 = vector.shape_cast %broadcast_in_dim3A_2029 : vector<16x1xi32> to vector<16xi32>
        %gather3A_2031 = tpu.dynamic_gather %select_n3A_1964[%gather3A_2030] in [0] : vector<16xf32>, vector<16xi32> -> vector<16xf32>
        %add3A_2032 = arith.addf %select_n3A_1964, %gather3A_2031 : vector<16xf32>
        %select_n3A_2033 = arith.select %eq3A_118, %add3A_2021, %add3A_2032 : vector<16xi1>, vector<16xf32>
        %lt3A_2034 = arith.constant 0 : i32
        %lt3A_2035 = vector.broadcast %lt3A_2034 : i32 to vector<16xi32>
        %lt3A_2036 = arith.cmpi slt, %xor3A_102, %lt3A_2035 : vector<16xi32>
        %add3A_2037 = arith.constant 16 : i32
        %add3A_2038 = vector.broadcast %add3A_2037 : i32 to vector<16xi32>
        %add3A_2039 = arith.addi %xor3A_102, %add3A_2038 : vector<16xi32>
        %select_n3A_2040 = arith.select %lt3A_2036, %add3A_2039, %xor3A_102 : vector<16xi1>, vector<16xi32>
        %broadcast_in_dim3A_2041 = vector.shape_cast %select_n3A_2040 : vector<16xi32> to vector<16x1xi32>
        %gather3A_2042 = vector.shape_cast %broadcast_in_dim3A_2041 : vector<16x1xi32> to vector<16xi32>
        %gather3A_2043 = tpu.dynamic_gather %select_n3A_1987[%gather3A_2042] in [0] : vector<16xf32>, vector<16xi32> -> vector<16xf32>
        %add3A_2044 = arith.addf %select_n3A_1987, %gather3A_2043 : vector<16xf32>
        %lt3A_2045 = arith.constant 0 : i32
        %lt3A_2046 = vector.broadcast %lt3A_2045 : i32 to vector<16xi32>
        %lt3A_2047 = arith.cmpi slt, %xor3A_102, %lt3A_2046 : vector<16xi32>
        %add3A_2048 = arith.constant 16 : i32
        %add3A_2049 = vector.broadcast %add3A_2048 : i32 to vector<16xi32>
        %add3A_2050 = arith.addi %xor3A_102, %add3A_2049 : vector<16xi32>
        %select_n3A_2051 = arith.select %lt3A_2047, %add3A_2050, %xor3A_102 : vector<16xi1>, vector<16xi32>
        %broadcast_in_dim3A_2052 = vector.shape_cast %select_n3A_2051 : vector<16xi32> to vector<16x1xi32>
        %gather3A_2053 = vector.shape_cast %broadcast_in_dim3A_2052 : vector<16x1xi32> to vector<16xi32>
        %gather3A_2054 = tpu.dynamic_gather %select_n3A_2010[%gather3A_2053] in [0] : vector<16xf32>, vector<16xi32> -> vector<16xf32>
        %add3A_2055 = arith.addf %select_n3A_2010, %gather3A_2054 : vector<16xf32>
        %select_n3A_2056 = arith.select %eq3A_118, %add3A_2044, %add3A_2055 : vector<16xi1>, vector<16xf32>
        %lt3A_2057 = arith.constant 0 : i32
        %lt3A_2058 = vector.broadcast %lt3A_2057 : i32 to vector<16xi32>
        %lt3A_2059 = arith.cmpi slt, %xor3A_105, %lt3A_2058 : vector<16xi32>
        %add3A_2060 = arith.constant 16 : i32
        %add3A_2061 = vector.broadcast %add3A_2060 : i32 to vector<16xi32>
        %add3A_2062 = arith.addi %xor3A_105, %add3A_2061 : vector<16xi32>
        %select_n3A_2063 = arith.select %lt3A_2059, %add3A_2062, %xor3A_105 : vector<16xi1>, vector<16xi32>
        %broadcast_in_dim3A_2064 = vector.shape_cast %select_n3A_2063 : vector<16xi32> to vector<16x1xi32>
        %gather3A_2065 = vector.shape_cast %broadcast_in_dim3A_2064 : vector<16x1xi32> to vector<16xi32>
        %gather3A_2066 = tpu.dynamic_gather %select_n3A_2033[%gather3A_2065] in [0] : vector<16xf32>, vector<16xi32> -> vector<16xf32>
        %add3A_2067 = arith.addf %select_n3A_2033, %gather3A_2066 : vector<16xf32>
        %lt3A_2068 = arith.constant 0 : i32
        %lt3A_2069 = vector.broadcast %lt3A_2068 : i32 to vector<16xi32>
        %lt3A_2070 = arith.cmpi slt, %xor3A_105, %lt3A_2069 : vector<16xi32>
        %add3A_2071 = arith.constant 16 : i32
        %add3A_2072 = vector.broadcast %add3A_2071 : i32 to vector<16xi32>
        %add3A_2073 = arith.addi %xor3A_105, %add3A_2072 : vector<16xi32>
        %select_n3A_2074 = arith.select %lt3A_2070, %add3A_2073, %xor3A_105 : vector<16xi1>, vector<16xi32>
        %broadcast_in_dim3A_2075 = vector.shape_cast %select_n3A_2074 : vector<16xi32> to vector<16x1xi32>
        %gather3A_2076 = vector.shape_cast %broadcast_in_dim3A_2075 : vector<16x1xi32> to vector<16xi32>
        %gather3A_2077 = tpu.dynamic_gather %select_n3A_2056[%gather3A_2076] in [0] : vector<16xf32>, vector<16xi32> -> vector<16xf32>
        %add3A_2078 = arith.addf %select_n3A_2056, %gather3A_2077 : vector<16xf32>
        %select_n3A_2079 = arith.select %eq3A_124, %add3A_2067, %add3A_2078 : vector<16xi1>, vector<16xf32>
        %lt3A_2080 = arith.constant 0 : i32
        %lt3A_2081 = vector.broadcast %lt3A_2080 : i32 to vector<16xi32>
        %lt3A_2082 = arith.cmpi slt, %xor3A_108, %lt3A_2081 : vector<16xi32>
        %add3A_2083 = arith.constant 16 : i32
        %add3A_2084 = vector.broadcast %add3A_2083 : i32 to vector<16xi32>
        %add3A_2085 = arith.addi %xor3A_108, %add3A_2084 : vector<16xi32>
        %select_n3A_2086 = arith.select %lt3A_2082, %add3A_2085, %xor3A_108 : vector<16xi1>, vector<16xi32>
        %broadcast_in_dim3A_2087 = vector.shape_cast %select_n3A_2086 : vector<16xi32> to vector<16x1xi32>
        %gather3A_2088 = vector.shape_cast %broadcast_in_dim3A_2087 : vector<16x1xi32> to vector<16xi32>
        %gather3A_2089 = tpu.dynamic_gather %select_n3A_2079[%gather3A_2088] in [0] : vector<16xf32>, vector<16xi32> -> vector<16xf32>
        %add3A_2090 = arith.addf %select_n3A_2079, %gather3A_2089 : vector<16xf32>
        %lt3A_2091 = arith.constant 0 : i32
        %lt3A_2092 = vector.broadcast %lt3A_2091 : i32 to vector<16xi32>
        %lt3A_2093 = arith.cmpi slt, %xor3A_99, %lt3A_2092 : vector<16xi32>
        %add3A_2094 = arith.constant 16 : i32
        %add3A_2095 = vector.broadcast %add3A_2094 : i32 to vector<16xi32>
        %add3A_2096 = arith.addi %xor3A_99, %add3A_2095 : vector<16xi32>
        %select_n3A_2097 = arith.select %lt3A_2093, %add3A_2096, %xor3A_99 : vector<16xi1>, vector<16xi32>
        %broadcast_in_dim3A_2098 = vector.shape_cast %select_n3A_2097 : vector<16xi32> to vector<16x1xi32>
        %gather3A_2099 = vector.shape_cast %broadcast_in_dim3A_2098 : vector<16x1xi32> to vector<16xi32>
        %gather3A_2100 = tpu.dynamic_gather %add3A_1298[%gather3A_2099] in [0] : vector<16xf32>, vector<16xi32> -> vector<16xf32>
        %add3A_2101 = arith.addf %add3A_1298, %gather3A_2100 : vector<16xf32>
        %lt3A_2102 = arith.constant 0 : i32
        %lt3A_2103 = vector.broadcast %lt3A_2102 : i32 to vector<16xi32>
        %lt3A_2104 = arith.cmpi slt, %xor3A_99, %lt3A_2103 : vector<16xi32>
        %add3A_2105 = arith.constant 16 : i32
        %add3A_2106 = vector.broadcast %add3A_2105 : i32 to vector<16xi32>
        %add3A_2107 = arith.addi %xor3A_99, %add3A_2106 : vector<16xi32>
        %select_n3A_2108 = arith.select %lt3A_2104, %add3A_2107, %xor3A_99 : vector<16xi1>, vector<16xi32>
        %broadcast_in_dim3A_2109 = vector.shape_cast %select_n3A_2108 : vector<16xi32> to vector<16x1xi32>
        %gather3A_2110 = vector.shape_cast %broadcast_in_dim3A_2109 : vector<16x1xi32> to vector<16xi32>
        %gather3A_2111 = tpu.dynamic_gather %add3A_1362[%gather3A_2110] in [0] : vector<16xf32>, vector<16xi32> -> vector<16xf32>
        %add3A_2112 = arith.addf %add3A_1362, %gather3A_2111 : vector<16xf32>
        %select_n3A_2113 = arith.select %eq3A_112, %add3A_2101, %add3A_2112 : vector<16xi1>, vector<16xf32>
        %lt3A_2114 = arith.constant 0 : i32
        %lt3A_2115 = vector.broadcast %lt3A_2114 : i32 to vector<16xi32>
        %lt3A_2116 = arith.cmpi slt, %xor3A_99, %lt3A_2115 : vector<16xi32>
        %add3A_2117 = arith.constant 16 : i32
        %add3A_2118 = vector.broadcast %add3A_2117 : i32 to vector<16xi32>
        %add3A_2119 = arith.addi %xor3A_99, %add3A_2118 : vector<16xi32>
        %select_n3A_2120 = arith.select %lt3A_2116, %add3A_2119, %xor3A_99 : vector<16xi1>, vector<16xi32>
        %broadcast_in_dim3A_2121 = vector.shape_cast %select_n3A_2120 : vector<16xi32> to vector<16x1xi32>
        %gather3A_2122 = vector.shape_cast %broadcast_in_dim3A_2121 : vector<16x1xi32> to vector<16xi32>
        %gather3A_2123 = tpu.dynamic_gather %add3A_1426[%gather3A_2122] in [0] : vector<16xf32>, vector<16xi32> -> vector<16xf32>
        %add3A_2124 = arith.addf %add3A_1426, %gather3A_2123 : vector<16xf32>
        %lt3A_2125 = arith.constant 0 : i32
        %lt3A_2126 = vector.broadcast %lt3A_2125 : i32 to vector<16xi32>
        %lt3A_2127 = arith.cmpi slt, %xor3A_99, %lt3A_2126 : vector<16xi32>
        %add3A_2128 = arith.constant 16 : i32
        %add3A_2129 = vector.broadcast %add3A_2128 : i32 to vector<16xi32>
        %add3A_2130 = arith.addi %xor3A_99, %add3A_2129 : vector<16xi32>
        %select_n3A_2131 = arith.select %lt3A_2127, %add3A_2130, %xor3A_99 : vector<16xi1>, vector<16xi32>
        %broadcast_in_dim3A_2132 = vector.shape_cast %select_n3A_2131 : vector<16xi32> to vector<16x1xi32>
        %gather3A_2133 = vector.shape_cast %broadcast_in_dim3A_2132 : vector<16x1xi32> to vector<16xi32>
        %gather3A_2134 = tpu.dynamic_gather %add3A_1490[%gather3A_2133] in [0] : vector<16xf32>, vector<16xi32> -> vector<16xf32>
        %add3A_2135 = arith.addf %add3A_1490, %gather3A_2134 : vector<16xf32>
        %select_n3A_2136 = arith.select %eq3A_112, %add3A_2124, %add3A_2135 : vector<16xi1>, vector<16xf32>
        %lt3A_2137 = arith.constant 0 : i32
        %lt3A_2138 = vector.broadcast %lt3A_2137 : i32 to vector<16xi32>
        %lt3A_2139 = arith.cmpi slt, %xor3A_99, %lt3A_2138 : vector<16xi32>
        %add3A_2140 = arith.constant 16 : i32
        %add3A_2141 = vector.broadcast %add3A_2140 : i32 to vector<16xi32>
        %add3A_2142 = arith.addi %xor3A_99, %add3A_2141 : vector<16xi32>
        %select_n3A_2143 = arith.select %lt3A_2139, %add3A_2142, %xor3A_99 : vector<16xi1>, vector<16xi32>
        %broadcast_in_dim3A_2144 = vector.shape_cast %select_n3A_2143 : vector<16xi32> to vector<16x1xi32>
        %gather3A_2145 = vector.shape_cast %broadcast_in_dim3A_2144 : vector<16x1xi32> to vector<16xi32>
        %gather3A_2146 = tpu.dynamic_gather %add3A_1554[%gather3A_2145] in [0] : vector<16xf32>, vector<16xi32> -> vector<16xf32>
        %add3A_2147 = arith.addf %add3A_1554, %gather3A_2146 : vector<16xf32>
        %lt3A_2148 = arith.constant 0 : i32
        %lt3A_2149 = vector.broadcast %lt3A_2148 : i32 to vector<16xi32>
        %lt3A_2150 = arith.cmpi slt, %xor3A_99, %lt3A_2149 : vector<16xi32>
        %add3A_2151 = arith.constant 16 : i32
        %add3A_2152 = vector.broadcast %add3A_2151 : i32 to vector<16xi32>
        %add3A_2153 = arith.addi %xor3A_99, %add3A_2152 : vector<16xi32>
        %select_n3A_2154 = arith.select %lt3A_2150, %add3A_2153, %xor3A_99 : vector<16xi1>, vector<16xi32>
        %broadcast_in_dim3A_2155 = vector.shape_cast %select_n3A_2154 : vector<16xi32> to vector<16x1xi32>
        %gather3A_2156 = vector.shape_cast %broadcast_in_dim3A_2155 : vector<16x1xi32> to vector<16xi32>
        %gather3A_2157 = tpu.dynamic_gather %add3A_1618[%gather3A_2156] in [0] : vector<16xf32>, vector<16xi32> -> vector<16xf32>
        %add3A_2158 = arith.addf %add3A_1618, %gather3A_2157 : vector<16xf32>
        %select_n3A_2159 = arith.select %eq3A_112, %add3A_2147, %add3A_2158 : vector<16xi1>, vector<16xf32>
        %lt3A_2160 = arith.constant 0 : i32
        %lt3A_2161 = vector.broadcast %lt3A_2160 : i32 to vector<16xi32>
        %lt3A_2162 = arith.cmpi slt, %xor3A_99, %lt3A_2161 : vector<16xi32>
        %add3A_2163 = arith.constant 16 : i32
        %add3A_2164 = vector.broadcast %add3A_2163 : i32 to vector<16xi32>
        %add3A_2165 = arith.addi %xor3A_99, %add3A_2164 : vector<16xi32>
        %select_n3A_2166 = arith.select %lt3A_2162, %add3A_2165, %xor3A_99 : vector<16xi1>, vector<16xi32>
        %broadcast_in_dim3A_2167 = vector.shape_cast %select_n3A_2166 : vector<16xi32> to vector<16x1xi32>
        %gather3A_2168 = vector.shape_cast %broadcast_in_dim3A_2167 : vector<16x1xi32> to vector<16xi32>
        %gather3A_2169 = tpu.dynamic_gather %add3A_1682[%gather3A_2168] in [0] : vector<16xf32>, vector<16xi32> -> vector<16xf32>
        %add3A_2170 = arith.addf %add3A_1682, %gather3A_2169 : vector<16xf32>
        %lt3A_2171 = arith.constant 0 : i32
        %lt3A_2172 = vector.broadcast %lt3A_2171 : i32 to vector<16xi32>
        %lt3A_2173 = arith.cmpi slt, %xor3A_99, %lt3A_2172 : vector<16xi32>
        %add3A_2174 = arith.constant 16 : i32
        %add3A_2175 = vector.broadcast %add3A_2174 : i32 to vector<16xi32>
        %add3A_2176 = arith.addi %xor3A_99, %add3A_2175 : vector<16xi32>
        %select_n3A_2177 = arith.select %lt3A_2173, %add3A_2176, %xor3A_99 : vector<16xi1>, vector<16xi32>
        %broadcast_in_dim3A_2178 = vector.shape_cast %select_n3A_2177 : vector<16xi32> to vector<16x1xi32>
        %gather3A_2179 = vector.shape_cast %broadcast_in_dim3A_2178 : vector<16x1xi32> to vector<16xi32>
        %gather3A_2180 = tpu.dynamic_gather %add3A_1746[%gather3A_2179] in [0] : vector<16xf32>, vector<16xi32> -> vector<16xf32>
        %add3A_2181 = arith.addf %add3A_1746, %gather3A_2180 : vector<16xf32>
        %select_n3A_2182 = arith.select %eq3A_112, %add3A_2170, %add3A_2181 : vector<16xi1>, vector<16xf32>
        %lt3A_2183 = arith.constant 0 : i32
        %lt3A_2184 = vector.broadcast %lt3A_2183 : i32 to vector<16xi32>
        %lt3A_2185 = arith.cmpi slt, %xor3A_102, %lt3A_2184 : vector<16xi32>
        %add3A_2186 = arith.constant 16 : i32
        %add3A_2187 = vector.broadcast %add3A_2186 : i32 to vector<16xi32>
        %add3A_2188 = arith.addi %xor3A_102, %add3A_2187 : vector<16xi32>
        %select_n3A_2189 = arith.select %lt3A_2185, %add3A_2188, %xor3A_102 : vector<16xi1>, vector<16xi32>
        %broadcast_in_dim3A_2190 = vector.shape_cast %select_n3A_2189 : vector<16xi32> to vector<16x1xi32>
        %gather3A_2191 = vector.shape_cast %broadcast_in_dim3A_2190 : vector<16x1xi32> to vector<16xi32>
        %gather3A_2192 = tpu.dynamic_gather %select_n3A_2113[%gather3A_2191] in [0] : vector<16xf32>, vector<16xi32> -> vector<16xf32>
        %add3A_2193 = arith.addf %select_n3A_2113, %gather3A_2192 : vector<16xf32>
        %lt3A_2194 = arith.constant 0 : i32
        %lt3A_2195 = vector.broadcast %lt3A_2194 : i32 to vector<16xi32>
        %lt3A_2196 = arith.cmpi slt, %xor3A_102, %lt3A_2195 : vector<16xi32>
        %add3A_2197 = arith.constant 16 : i32
        %add3A_2198 = vector.broadcast %add3A_2197 : i32 to vector<16xi32>
        %add3A_2199 = arith.addi %xor3A_102, %add3A_2198 : vector<16xi32>
        %select_n3A_2200 = arith.select %lt3A_2196, %add3A_2199, %xor3A_102 : vector<16xi1>, vector<16xi32>
        %broadcast_in_dim3A_2201 = vector.shape_cast %select_n3A_2200 : vector<16xi32> to vector<16x1xi32>
        %gather3A_2202 = vector.shape_cast %broadcast_in_dim3A_2201 : vector<16x1xi32> to vector<16xi32>
        %gather3A_2203 = tpu.dynamic_gather %select_n3A_2136[%gather3A_2202] in [0] : vector<16xf32>, vector<16xi32> -> vector<16xf32>
        %add3A_2204 = arith.addf %select_n3A_2136, %gather3A_2203 : vector<16xf32>
        %select_n3A_2205 = arith.select %eq3A_118, %add3A_2193, %add3A_2204 : vector<16xi1>, vector<16xf32>
        %lt3A_2206 = arith.constant 0 : i32
        %lt3A_2207 = vector.broadcast %lt3A_2206 : i32 to vector<16xi32>
        %lt3A_2208 = arith.cmpi slt, %xor3A_102, %lt3A_2207 : vector<16xi32>
        %add3A_2209 = arith.constant 16 : i32
        %add3A_2210 = vector.broadcast %add3A_2209 : i32 to vector<16xi32>
        %add3A_2211 = arith.addi %xor3A_102, %add3A_2210 : vector<16xi32>
        %select_n3A_2212 = arith.select %lt3A_2208, %add3A_2211, %xor3A_102 : vector<16xi1>, vector<16xi32>
        %broadcast_in_dim3A_2213 = vector.shape_cast %select_n3A_2212 : vector<16xi32> to vector<16x1xi32>
        %gather3A_2214 = vector.shape_cast %broadcast_in_dim3A_2213 : vector<16x1xi32> to vector<16xi32>
        %gather3A_2215 = tpu.dynamic_gather %select_n3A_2159[%gather3A_2214] in [0] : vector<16xf32>, vector<16xi32> -> vector<16xf32>
        %add3A_2216 = arith.addf %select_n3A_2159, %gather3A_2215 : vector<16xf32>
        %lt3A_2217 = arith.constant 0 : i32
        %lt3A_2218 = vector.broadcast %lt3A_2217 : i32 to vector<16xi32>
        %lt3A_2219 = arith.cmpi slt, %xor3A_102, %lt3A_2218 : vector<16xi32>
        %add3A_2220 = arith.constant 16 : i32
        %add3A_2221 = vector.broadcast %add3A_2220 : i32 to vector<16xi32>
        %add3A_2222 = arith.addi %xor3A_102, %add3A_2221 : vector<16xi32>
        %select_n3A_2223 = arith.select %lt3A_2219, %add3A_2222, %xor3A_102 : vector<16xi1>, vector<16xi32>
        %broadcast_in_dim3A_2224 = vector.shape_cast %select_n3A_2223 : vector<16xi32> to vector<16x1xi32>
        %gather3A_2225 = vector.shape_cast %broadcast_in_dim3A_2224 : vector<16x1xi32> to vector<16xi32>
        %gather3A_2226 = tpu.dynamic_gather %select_n3A_2182[%gather3A_2225] in [0] : vector<16xf32>, vector<16xi32> -> vector<16xf32>
        %add3A_2227 = arith.addf %select_n3A_2182, %gather3A_2226 : vector<16xf32>
        %select_n3A_2228 = arith.select %eq3A_118, %add3A_2216, %add3A_2227 : vector<16xi1>, vector<16xf32>
        %lt3A_2229 = arith.constant 0 : i32
        %lt3A_2230 = vector.broadcast %lt3A_2229 : i32 to vector<16xi32>
        %lt3A_2231 = arith.cmpi slt, %xor3A_105, %lt3A_2230 : vector<16xi32>
        %add3A_2232 = arith.constant 16 : i32
        %add3A_2233 = vector.broadcast %add3A_2232 : i32 to vector<16xi32>
        %add3A_2234 = arith.addi %xor3A_105, %add3A_2233 : vector<16xi32>
        %select_n3A_2235 = arith.select %lt3A_2231, %add3A_2234, %xor3A_105 : vector<16xi1>, vector<16xi32>
        %broadcast_in_dim3A_2236 = vector.shape_cast %select_n3A_2235 : vector<16xi32> to vector<16x1xi32>
        %gather3A_2237 = vector.shape_cast %broadcast_in_dim3A_2236 : vector<16x1xi32> to vector<16xi32>
        %gather3A_2238 = tpu.dynamic_gather %select_n3A_2205[%gather3A_2237] in [0] : vector<16xf32>, vector<16xi32> -> vector<16xf32>
        %add3A_2239 = arith.addf %select_n3A_2205, %gather3A_2238 : vector<16xf32>
        %lt3A_2240 = arith.constant 0 : i32
        %lt3A_2241 = vector.broadcast %lt3A_2240 : i32 to vector<16xi32>
        %lt3A_2242 = arith.cmpi slt, %xor3A_105, %lt3A_2241 : vector<16xi32>
        %add3A_2243 = arith.constant 16 : i32
        %add3A_2244 = vector.broadcast %add3A_2243 : i32 to vector<16xi32>
        %add3A_2245 = arith.addi %xor3A_105, %add3A_2244 : vector<16xi32>
        %select_n3A_2246 = arith.select %lt3A_2242, %add3A_2245, %xor3A_105 : vector<16xi1>, vector<16xi32>
        %broadcast_in_dim3A_2247 = vector.shape_cast %select_n3A_2246 : vector<16xi32> to vector<16x1xi32>
        %gather3A_2248 = vector.shape_cast %broadcast_in_dim3A_2247 : vector<16x1xi32> to vector<16xi32>
        %gather3A_2249 = tpu.dynamic_gather %select_n3A_2228[%gather3A_2248] in [0] : vector<16xf32>, vector<16xi32> -> vector<16xf32>
        %add3A_2250 = arith.addf %select_n3A_2228, %gather3A_2249 : vector<16xf32>
        %select_n3A_2251 = arith.select %eq3A_124, %add3A_2239, %add3A_2250 : vector<16xi1>, vector<16xf32>
        %lt3A_2252 = arith.constant 0 : i32
        %lt3A_2253 = vector.broadcast %lt3A_2252 : i32 to vector<16xi32>
        %lt3A_2254 = arith.cmpi slt, %xor3A_108, %lt3A_2253 : vector<16xi32>
        %add3A_2255 = arith.constant 16 : i32
        %add3A_2256 = vector.broadcast %add3A_2255 : i32 to vector<16xi32>
        %add3A_2257 = arith.addi %xor3A_108, %add3A_2256 : vector<16xi32>
        %select_n3A_2258 = arith.select %lt3A_2254, %add3A_2257, %xor3A_108 : vector<16xi1>, vector<16xi32>
        %broadcast_in_dim3A_2259 = vector.shape_cast %select_n3A_2258 : vector<16xi32> to vector<16x1xi32>
        %gather3A_2260 = vector.shape_cast %broadcast_in_dim3A_2259 : vector<16x1xi32> to vector<16xi32>
        %gather3A_2261 = tpu.dynamic_gather %select_n3A_2251[%gather3A_2260] in [0] : vector<16xf32>, vector<16xi32> -> vector<16xf32>
        %add3A_2262 = arith.addf %select_n3A_2251, %gather3A_2261 : vector<16xf32>
        %select_n3A_2263 = arith.select %lt3A_126, %add3A_890, %add3A_1918 : vector<16xi1>, vector<16xf32>
        %add3A_2264 = arith.addf %select_n3A_2263, %get3A_89 : vector<16xf32>
        %select_n3A_2265 = arith.select %lt3A_126, %add3A_1062, %add3A_2090 : vector<16xi1>, vector<16xf32>
        %add3A_2266 = arith.addf %select_n3A_2265, %get3A_93 : vector<16xf32>
        %select_n3A_2267 = arith.select %lt3A_126, %add3A_1234, %add3A_2262 : vector<16xi1>, vector<16xf32>
        %add3A_2268 = arith.addf %select_n3A_2267, %get3A_97 : vector<16xf32>
        %max3A = arith.maximumf %add3A_2264, %add3A_2266 : vector<16xf32>
        %max3A_2269 = arith.maximumf %max3A, %add3A_2268 : vector<16xf32>
        %sub3A = arith.subf %add3A_2264, %max3A_2269 : vector<16xf32>
        %exp3A = math.exp %sub3A : vector<16xf32>
        %sub3A_2270 = arith.subf %add3A_2266, %max3A_2269 : vector<16xf32>
        %exp3A_2271 = math.exp %sub3A_2270 : vector<16xf32>
        %sub3A_2272 = arith.subf %add3A_2268, %max3A_2269 : vector<16xf32>
        %exp3A_2273 = math.exp %sub3A_2272 : vector<16xf32>
        %add3A_2274 = arith.addf %exp3A, %exp3A_2271 : vector<16xf32>
        %add3A_2275 = arith.addf %add3A_2274, %exp3A_2273 : vector<16xf32>
        %div3A = arith.constant 1.000000e+00 : f32
        %div3A_2276 = vector.broadcast %div3A : f32 to vector<16xf32>
        %div3A_2277 = arith.divf %div3A_2276, %add3A_2275 : vector<16xf32>
        %add3A_2278 = vector.broadcast %mul3A_209 : i32 to vector<16xi32>
        %add3A_2279 = arith.addi %iota3A, %add3A_2278 : vector<16xi32>
        %broadcast_in_dim3A_2280 = arith.constant 0 : i32
        %broadcast_in_dim3A_2281 = vector.broadcast %broadcast_in_dim3A_2280 : i32 to vector<16xi32>
        %mul3A_2282 = arith.mulf %exp3A, %div3A_2277 : vector<16xf32>
        tpu.vector_store_idx %arg8[%add3A_2279, %broadcast_in_dim3A_2281], %mul3A_2282 : memref<256x3xf32, #tpu.memory_space<vmem>>[vector<16xi32>, vector<16xi32>], vector<16xf32>,
        %add3A_2283 = vector.broadcast %mul3A_209 : i32 to vector<16xi32>
        %add3A_2284 = arith.addi %iota3A, %add3A_2283 : vector<16xi32>
        %broadcast_in_dim3A_2285 = arith.constant 1 : i32
        %broadcast_in_dim3A_2286 = vector.broadcast %broadcast_in_dim3A_2285 : i32 to vector<16xi32>
        %mul3A_2287 = arith.mulf %exp3A_2271, %div3A_2277 : vector<16xf32>
        tpu.vector_store_idx %arg8[%add3A_2284, %broadcast_in_dim3A_2286], %mul3A_2287 : memref<256x3xf32, #tpu.memory_space<vmem>>[vector<16xi32>, vector<16xi32>], vector<16xf32>,
        %add3A_2288 = vector.broadcast %mul3A_209 : i32 to vector<16xi32>
        %add3A_2289 = arith.addi %iota3A, %add3A_2288 : vector<16xi32>
        %broadcast_in_dim3A_2290 = arith.constant 2 : i32
        %broadcast_in_dim3A_2291 = vector.broadcast %broadcast_in_dim3A_2290 : i32 to vector<16xi32>
        %mul3A_2292 = arith.mulf %exp3A_2273, %div3A_2277 : vector<16xf32>
        tpu.vector_store_idx %arg8[%add3A_2289, %broadcast_in_dim3A_2291], %mul3A_2292 : memref<256x3xf32, #tpu.memory_space<vmem>>[vector<16xi32>, vector<16xi32>], vector<16xf32>,
      }
      %scan3A_168 = arith.constant 16 : i32
      %mul3A_169 = arith.constant 256 : i32
      %mul3A_170 = arith.muli %add3A_153, %mul3A_169 : i32
      %add3A_171 = arith.addi %mul3A_2, %mul3A_170 : i32
      "tpu.region"() ({
        %run_scoped3A = tpu.sem_alloc : memref<!tpu.dma_semaphore, #tpu.memory_space<semaphore_mem>>
        %dma_start3A_207 = arith.constant 0 : i32
        %dma_start3A_208 = tpu.memref_slice %arg5[%add3A_171, %dma_start3A_207] : memref<262144x3xf32, #tpu.memory_space<hbm>> -> memref<256x3xf32, #tpu.memory_space<hbm>>
        %dma_start3A_209 = arith.constant 0 : i32
        %dma_start3A_210 = tpu.memref_slice %arg5[%add3A_171, %dma_start3A_209] : memref<262144x3xf32, #tpu.memory_space<hbm>> -> memref<256x3xf32, #tpu.memory_space<hbm>>
        tpu.enqueue_dma source(%arg8 : memref<256x3xf32, #tpu.memory_space<vmem>>) target(%dma_start3A_210 : memref<256x3xf32, #tpu.memory_space<hbm>>) target_semaphore(%run_scoped3A : memref<!tpu.dma_semaphore, #tpu.memory_space<semaphore_mem>>)
        %dma_wait3A_211 = arith.constant 0 : i32
        %dma_wait3A_212 = tpu.memref_slice %arg5[%add3A_171, %dma_wait3A_211] : memref<262144x3xf32, #tpu.memory_space<hbm>> -> memref<256x3xf32, #tpu.memory_space<hbm>>
        %dma_wait3A_213 = arith.constant 0 : i32
        %dma_wait3A_214 = tpu.memref_slice %arg5[%add3A_171, %dma_wait3A_213] : memref<262144x3xf32, #tpu.memory_space<hbm>> -> memref<256x3xf32, #tpu.memory_space<hbm>>
        tpu.wait_dma2 semaphore(%run_scoped3A : memref<!tpu.dma_semaphore, #tpu.memory_space<semaphore_mem>>) src(%arg8 : memref<256x3xf32, #tpu.memory_space<vmem>>) dst(%dma_wait3A_214 : memref<256x3xf32, #tpu.memory_space<hbm>>)
        tpu.yield
      }) : () -> ()
      %add3A_172 = arith.constant 2 : i32
      %add3A_173 = arith.addi %add3A_153, %add3A_172 : i32
      %lt3A_174 = arith.constant 32 : i32
      %lt3A_175 = arith.cmpi slt, %add3A_173, %lt3A_174 : i32
      %convert_element_type3A = arith.extui %lt3A_175 : i1 to i32
      %cond3A = arith.constant 0 : i32
      %cond3A_176 = arith.cmpi ne, %convert_element_type3A, %cond3A : i32
      scf.if %cond3A_176 {
        %add3A_207 = arith.constant 2 : i32
        %add3A_208 = arith.addi %add3A_153, %add3A_207 : i32
        %mul3A_209 = arith.constant 256 : i32
        %mul3A_210 = arith.muli %add3A_208, %mul3A_209 : i32
        %add3A_211 = arith.addi %mul3A_2, %mul3A_210 : i32
        %dma_start3A_212 = arith.constant 0 : i32
        %dma_start3A_213 = arith.constant 0 : i32
        %dma_start3A_214 = tpu.memref_slice %arg2[%add3A_211, %dma_start3A_213] : memref<262144x100xf32, #tpu.memory_space<hbm>> -> memref<256x100xf32, #tpu.memory_space<hbm>>
        %dma_start3A_215 = tpu.memref_slice %arg11[%dma_start3A_212] : memref<2x!tpu.dma_semaphore, #tpu.memory_space<semaphore_mem>> -> memref<1x!tpu.dma_semaphore, #tpu.memory_space<semaphore_mem>>
        %dma_start3A_216 = tpu.memref_squeeze %dma_start3A_215 : memref<1x!tpu.dma_semaphore, #tpu.memory_space<semaphore_mem>> -> memref<!tpu.dma_semaphore, #tpu.memory_space<semaphore_mem>>
        %dma_start3A_217 = arith.constant 0 : i32
        %dma_start3A_218 = tpu.memref_slice %arg2[%add3A_211, %dma_start3A_217] : memref<262144x100xf32, #tpu.memory_space<hbm>> -> memref<256x100xf32, #tpu.memory_space<hbm>>
        tpu.enqueue_dma source(%dma_start3A_218 : memref<256x100xf32, #tpu.memory_space<hbm>>) target(%arg6 : memref<256x100xf32, #tpu.memory_space<vmem>>) target_semaphore(%dma_start3A_216 : memref<!tpu.dma_semaphore, #tpu.memory_space<semaphore_mem>>)
      } else {
      }
      %mul3A_177 = arith.constant 2 : i32
      %mul3A_178 = arith.muli %scan3A_149, %mul3A_177 : i32
      %add3A_179 = arith.constant 1 : i32
      %add3A_180 = arith.addi %mul3A_178, %add3A_179 : i32
      %mul3A_181 = arith.constant 256 : i32
      %mul3A_182 = arith.muli %add3A_180, %mul3A_181 : i32
      %add3A_183 = arith.addi %mul3A_2, %mul3A_182 : i32
      %dma_wait3A_184 = arith.constant 1 : i32
      %dma_wait3A_185 = arith.constant 0 : i32
      %dma_wait3A_186 = tpu.memref_slice %arg2[%add3A_183, %dma_wait3A_185] : memref<262144x100xf32, #tpu.memory_space<hbm>> -> memref<256x100xf32, #tpu.memory_space<hbm>>
      %dma_wait3A_187 = tpu.memref_slice %arg11[%dma_wait3A_184] : memref<2x!tpu.dma_semaphore, #tpu.memory_space<semaphore_mem>> -> memref<1x!tpu.dma_semaphore, #tpu.memory_space<semaphore_mem>>
      %dma_wait3A_188 = tpu.memref_squeeze %dma_wait3A_187 : memref<1x!tpu.dma_semaphore, #tpu.memory_space<semaphore_mem>> -> memref<!tpu.dma_semaphore, #tpu.memory_space<semaphore_mem>>
      %dma_wait3A_189 = arith.constant 0 : i32
      %dma_wait3A_190 = tpu.memref_slice %arg2[%add3A_183, %dma_wait3A_189] : memref<262144x100xf32, #tpu.memory_space<hbm>> -> memref<256x100xf32, #tpu.memory_space<hbm>>
      tpu.wait_dma2 semaphore(%dma_wait3A_188 : memref<!tpu.dma_semaphore, #tpu.memory_space<semaphore_mem>>) src(%dma_wait3A_190 : memref<256x100xf32, #tpu.memory_space<hbm>>) dst(%arg7 : memref<256x100xf32, #tpu.memory_space<vmem>>)
      %scan3A_191 = arith.constant 0 : i32
      %scan3A_192 = arith.constant 0 : i32
      %scan3A_193 = arith.constant 16 : i32
      %scan3A_194 = arith.addi %scan3A_192, %scan3A_193 : i32
      %scan3A_195 = arith.constant 1 : i32
      scf.for %scan3A_207 = %scan3A_192 to %scan3A_194 step %scan3A_195  : i32 {
        %mul3A_208 = arith.constant 16 : i32
        %mul3A_209 = arith.muli %scan3A_207, %mul3A_208 : i32
        %add3A_210 = arith.constant 0 : i32
        %add3A_211 = arith.addi %mul3A_209, %add3A_210 : i32
        %add3A_212 = arith.constant 0 : i32
        %add3A_213 = arith.addi %add3A_211, %add3A_212 : i32
        %get3A_214 = arith.index_cast %add3A_213 : i32 to index
        %get3A_215 = arith.constant 0 : index
        %get3A_216 = tpu.vector_load %arg7[%get3A_214, %get3A_215] {strides = array<i32>} : memref<256x100xf32, #tpu.memory_space<vmem>>, vector<16xf32>,
        %get3A_217 = arith.index_cast %add3A_213 : i32 to index
        %get3A_218 = arith.constant 16 : index
        %get3A_219 = tpu.vector_load %arg7[%get3A_217, %get3A_218] {strides = array<i32>} : memref<256x100xf32, #tpu.memory_space<vmem>>, vector<16xf32>,
        %get3A_220 = arith.index_cast %add3A_213 : i32 to index
        %get3A_221 = arith.constant 32 : index
        %get3A_222 = tpu.vector_load %arg7[%get3A_220, %get3A_221] {strides = array<i32>} : memref<256x100xf32, #tpu.memory_space<vmem>>, vector<16xf32>,
        %get3A_223 = arith.index_cast %add3A_213 : i32 to index
        %get3A_224 = arith.constant 48 : index
        %get3A_225 = tpu.vector_load %arg7[%get3A_223, %get3A_224] {strides = array<i32>} : memref<256x100xf32, #tpu.memory_space<vmem>>, vector<16xf32>,
        %get3A_226 = arith.index_cast %add3A_213 : i32 to index
        %get3A_227 = arith.constant 64 : index
        %get3A_228 = tpu.vector_load %arg7[%get3A_226, %get3A_227] {strides = array<i32>} : memref<256x100xf32, #tpu.memory_space<vmem>>, vector<16xf32>,
        %get3A_229 = arith.index_cast %add3A_213 : i32 to index
        %get3A_230 = arith.constant 80 : index
        %get3A_231 = tpu.vector_load %arg7[%get3A_229, %get3A_230] {strides = array<i32>} : memref<256x100xf32, #tpu.memory_space<vmem>>, vector<16xf32>,
        %get3A_232 = arith.index_cast %add3A_213 : i32 to index
        %get3A_233 = arith.constant 84 : index
        %get3A_234 = tpu.vector_load %arg7[%get3A_232, %get3A_233] {strides = array<i32>} : memref<256x100xf32, #tpu.memory_space<vmem>>, vector<16xf32>,
        %mul3A_235 = arith.mulf %get3A_216, %get3A_5 : vector<16xf32>
        %mul3A_236 = arith.mulf %get3A_219, %get3A_9 : vector<16xf32>
        %add3A_237 = arith.addf %mul3A_235, %mul3A_236 : vector<16xf32>
        %mul3A_238 = arith.mulf %get3A_222, %get3A_13 : vector<16xf32>
        %add3A_239 = arith.addf %add3A_237, %mul3A_238 : vector<16xf32>
        %mul3A_240 = arith.mulf %get3A_225, %get3A_17 : vector<16xf32>
        %add3A_241 = arith.addf %add3A_239, %mul3A_240 : vector<16xf32>
        %mul3A_242 = arith.mulf %get3A_228, %get3A_21 : vector<16xf32>
        %add3A_243 = arith.addf %add3A_241, %mul3A_242 : vector<16xf32>
        %mul3A_244 = arith.mulf %get3A_231, %get3A_25 : vector<16xf32>
        %add3A_245 = arith.addf %add3A_243, %mul3A_244 : vector<16xf32>
        %mul3A_246 = arith.mulf %get3A_234, %get3A_29 : vector<16xf32>
        %add3A_247 = arith.addf %add3A_245, %mul3A_246 : vector<16xf32>
        %mul3A_248 = arith.mulf %get3A_216, %get3A_33 : vector<16xf32>
        %mul3A_249 = arith.mulf %get3A_219, %get3A_37 : vector<16xf32>
        %add3A_250 = arith.addf %mul3A_248, %mul3A_249 : vector<16xf32>
        %mul3A_251 = arith.mulf %get3A_222, %get3A_41 : vector<16xf32>
        %add3A_252 = arith.addf %add3A_250, %mul3A_251 : vector<16xf32>
        %mul3A_253 = arith.mulf %get3A_225, %get3A_45 : vector<16xf32>
        %add3A_254 = arith.addf %add3A_252, %mul3A_253 : vector<16xf32>
        %mul3A_255 = arith.mulf %get3A_228, %get3A_49 : vector<16xf32>
        %add3A_256 = arith.addf %add3A_254, %mul3A_255 : vector<16xf32>
        %mul3A_257 = arith.mulf %get3A_231, %get3A_53 : vector<16xf32>
        %add3A_258 = arith.addf %add3A_256, %mul3A_257 : vector<16xf32>
        %mul3A_259 = arith.mulf %get3A_234, %get3A_57 : vector<16xf32>
        %add3A_260 = arith.addf %add3A_258, %mul3A_259 : vector<16xf32>
        %mul3A_261 = arith.mulf %get3A_216, %get3A_61 : vector<16xf32>
        %mul3A_262 = arith.mulf %get3A_219, %get3A_65 : vector<16xf32>
        %add3A_263 = arith.addf %mul3A_261, %mul3A_262 : vector<16xf32>
        %mul3A_264 = arith.mulf %get3A_222, %get3A_69 : vector<16xf32>
        %add3A_265 = arith.addf %add3A_263, %mul3A_264 : vector<16xf32>
        %mul3A_266 = arith.mulf %get3A_225, %get3A_73 : vector<16xf32>
        %add3A_267 = arith.addf %add3A_265, %mul3A_266 : vector<16xf32>
        %mul3A_268 = arith.mulf %get3A_228, %get3A_77 : vector<16xf32>
        %add3A_269 = arith.addf %add3A_267, %mul3A_268 : vector<16xf32>
        %mul3A_270 = arith.mulf %get3A_231, %get3A_81 : vector<16xf32>
        %add3A_271 = arith.addf %add3A_269, %mul3A_270 : vector<16xf32>
        %mul3A_272 = arith.mulf %get3A_234, %get3A_85 : vector<16xf32>
        %add3A_273 = arith.addf %add3A_271, %mul3A_272 : vector<16xf32>
        %add3A_274 = arith.constant 0 : i32
        %add3A_275 = arith.addi %mul3A_209, %add3A_274 : i32
        %add3A_276 = arith.constant 1 : i32
        %add3A_277 = arith.addi %add3A_275, %add3A_276 : i32
        %get3A_278 = arith.index_cast %add3A_277 : i32 to index
        %get3A_279 = arith.constant 0 : index
        %get3A_280 = tpu.vector_load %arg7[%get3A_278, %get3A_279] {strides = array<i32>} : memref<256x100xf32, #tpu.memory_space<vmem>>, vector<16xf32>,
        %get3A_281 = arith.index_cast %add3A_277 : i32 to index
        %get3A_282 = arith.constant 16 : index
        %get3A_283 = tpu.vector_load %arg7[%get3A_281, %get3A_282] {strides = array<i32>} : memref<256x100xf32, #tpu.memory_space<vmem>>, vector<16xf32>,
        %get3A_284 = arith.index_cast %add3A_277 : i32 to index
        %get3A_285 = arith.constant 32 : index
        %get3A_286 = tpu.vector_load %arg7[%get3A_284, %get3A_285] {strides = array<i32>} : memref<256x100xf32, #tpu.memory_space<vmem>>, vector<16xf32>,
        %get3A_287 = arith.index_cast %add3A_277 : i32 to index
        %get3A_288 = arith.constant 48 : index
        %get3A_289 = tpu.vector_load %arg7[%get3A_287, %get3A_288] {strides = array<i32>} : memref<256x100xf32, #tpu.memory_space<vmem>>, vector<16xf32>,
        %get3A_290 = arith.index_cast %add3A_277 : i32 to index
        %get3A_291 = arith.constant 64 : index
        %get3A_292 = tpu.vector_load %arg7[%get3A_290, %get3A_291] {strides = array<i32>} : memref<256x100xf32, #tpu.memory_space<vmem>>, vector<16xf32>,
        %get3A_293 = arith.index_cast %add3A_277 : i32 to index
        %get3A_294 = arith.constant 80 : index
        %get3A_295 = tpu.vector_load %arg7[%get3A_293, %get3A_294] {strides = array<i32>} : memref<256x100xf32, #tpu.memory_space<vmem>>, vector<16xf32>,
        %get3A_296 = arith.index_cast %add3A_277 : i32 to index
        %get3A_297 = arith.constant 84 : index
        %get3A_298 = tpu.vector_load %arg7[%get3A_296, %get3A_297] {strides = array<i32>} : memref<256x100xf32, #tpu.memory_space<vmem>>, vector<16xf32>,
        %mul3A_299 = arith.mulf %get3A_280, %get3A_5 : vector<16xf32>
        %mul3A_300 = arith.mulf %get3A_283, %get3A_9 : vector<16xf32>
        %add3A_301 = arith.addf %mul3A_299, %mul3A_300 : vector<16xf32>
        %mul3A_302 = arith.mulf %get3A_286, %get3A_13 : vector<16xf32>
        %add3A_303 = arith.addf %add3A_301, %mul3A_302 : vector<16xf32>
        %mul3A_304 = arith.mulf %get3A_289, %get3A_17 : vector<16xf32>
        %add3A_305 = arith.addf %add3A_303, %mul3A_304 : vector<16xf32>
        %mul3A_306 = arith.mulf %get3A_292, %get3A_21 : vector<16xf32>
        %add3A_307 = arith.addf %add3A_305, %mul3A_306 : vector<16xf32>
        %mul3A_308 = arith.mulf %get3A_295, %get3A_25 : vector<16xf32>
        %add3A_309 = arith.addf %add3A_307, %mul3A_308 : vector<16xf32>
        %mul3A_310 = arith.mulf %get3A_298, %get3A_29 : vector<16xf32>
        %add3A_311 = arith.addf %add3A_309, %mul3A_310 : vector<16xf32>
        %mul3A_312 = arith.mulf %get3A_280, %get3A_33 : vector<16xf32>
        %mul3A_313 = arith.mulf %get3A_283, %get3A_37 : vector<16xf32>
        %add3A_314 = arith.addf %mul3A_312, %mul3A_313 : vector<16xf32>
        %mul3A_315 = arith.mulf %get3A_286, %get3A_41 : vector<16xf32>
        %add3A_316 = arith.addf %add3A_314, %mul3A_315 : vector<16xf32>
        %mul3A_317 = arith.mulf %get3A_289, %get3A_45 : vector<16xf32>
        %add3A_318 = arith.addf %add3A_316, %mul3A_317 : vector<16xf32>
        %mul3A_319 = arith.mulf %get3A_292, %get3A_49 : vector<16xf32>
        %add3A_320 = arith.addf %add3A_318, %mul3A_319 : vector<16xf32>
        %mul3A_321 = arith.mulf %get3A_295, %get3A_53 : vector<16xf32>
        %add3A_322 = arith.addf %add3A_320, %mul3A_321 : vector<16xf32>
        %mul3A_323 = arith.mulf %get3A_298, %get3A_57 : vector<16xf32>
        %add3A_324 = arith.addf %add3A_322, %mul3A_323 : vector<16xf32>
        %mul3A_325 = arith.mulf %get3A_280, %get3A_61 : vector<16xf32>
        %mul3A_326 = arith.mulf %get3A_283, %get3A_65 : vector<16xf32>
        %add3A_327 = arith.addf %mul3A_325, %mul3A_326 : vector<16xf32>
        %mul3A_328 = arith.mulf %get3A_286, %get3A_69 : vector<16xf32>
        %add3A_329 = arith.addf %add3A_327, %mul3A_328 : vector<16xf32>
        %mul3A_330 = arith.mulf %get3A_289, %get3A_73 : vector<16xf32>
        %add3A_331 = arith.addf %add3A_329, %mul3A_330 : vector<16xf32>
        %mul3A_332 = arith.mulf %get3A_292, %get3A_77 : vector<16xf32>
        %add3A_333 = arith.addf %add3A_331, %mul3A_332 : vector<16xf32>
        %mul3A_334 = arith.mulf %get3A_295, %get3A_81 : vector<16xf32>
        %add3A_335 = arith.addf %add3A_333, %mul3A_334 : vector<16xf32>
        %mul3A_336 = arith.mulf %get3A_298, %get3A_85 : vector<16xf32>
        %add3A_337 = arith.addf %add3A_335, %mul3A_336 : vector<16xf32>
        %add3A_338 = arith.constant 0 : i32
        %add3A_339 = arith.addi %mul3A_209, %add3A_338 : i32
        %add3A_340 = arith.constant 2 : i32
        %add3A_341 = arith.addi %add3A_339, %add3A_340 : i32
        %get3A_342 = arith.index_cast %add3A_341 : i32 to index
        %get3A_343 = arith.constant 0 : index
        %get3A_344 = tpu.vector_load %arg7[%get3A_342, %get3A_343] {strides = array<i32>} : memref<256x100xf32, #tpu.memory_space<vmem>>, vector<16xf32>,
        %get3A_345 = arith.index_cast %add3A_341 : i32 to index
        %get3A_346 = arith.constant 16 : index
        %get3A_347 = tpu.vector_load %arg7[%get3A_345, %get3A_346] {strides = array<i32>} : memref<256x100xf32, #tpu.memory_space<vmem>>, vector<16xf32>,
        %get3A_348 = arith.index_cast %add3A_341 : i32 to index
        %get3A_349 = arith.constant 32 : index
        %get3A_350 = tpu.vector_load %arg7[%get3A_348, %get3A_349] {strides = array<i32>} : memref<256x100xf32, #tpu.memory_space<vmem>>, vector<16xf32>,
        %get3A_351 = arith.index_cast %add3A_341 : i32 to index
        %get3A_352 = arith.constant 48 : index
        %get3A_353 = tpu.vector_load %arg7[%get3A_351, %get3A_352] {strides = array<i32>} : memref<256x100xf32, #tpu.memory_space<vmem>>, vector<16xf32>,
        %get3A_354 = arith.index_cast %add3A_341 : i32 to index
        %get3A_355 = arith.constant 64 : index
        %get3A_356 = tpu.vector_load %arg7[%get3A_354, %get3A_355] {strides = array<i32>} : memref<256x100xf32, #tpu.memory_space<vmem>>, vector<16xf32>,
        %get3A_357 = arith.index_cast %add3A_341 : i32 to index
        %get3A_358 = arith.constant 80 : index
        %get3A_359 = tpu.vector_load %arg7[%get3A_357, %get3A_358] {strides = array<i32>} : memref<256x100xf32, #tpu.memory_space<vmem>>, vector<16xf32>,
        %get3A_360 = arith.index_cast %add3A_341 : i32 to index
        %get3A_361 = arith.constant 84 : index
        %get3A_362 = tpu.vector_load %arg7[%get3A_360, %get3A_361] {strides = array<i32>} : memref<256x100xf32, #tpu.memory_space<vmem>>, vector<16xf32>,
        %mul3A_363 = arith.mulf %get3A_344, %get3A_5 : vector<16xf32>
        %mul3A_364 = arith.mulf %get3A_347, %get3A_9 : vector<16xf32>
        %add3A_365 = arith.addf %mul3A_363, %mul3A_364 : vector<16xf32>
        %mul3A_366 = arith.mulf %get3A_350, %get3A_13 : vector<16xf32>
        %add3A_367 = arith.addf %add3A_365, %mul3A_366 : vector<16xf32>
        %mul3A_368 = arith.mulf %get3A_353, %get3A_17 : vector<16xf32>
        %add3A_369 = arith.addf %add3A_367, %mul3A_368 : vector<16xf32>
        %mul3A_370 = arith.mulf %get3A_356, %get3A_21 : vector<16xf32>
        %add3A_371 = arith.addf %add3A_369, %mul3A_370 : vector<16xf32>
        %mul3A_372 = arith.mulf %get3A_359, %get3A_25 : vector<16xf32>
        %add3A_373 = arith.addf %add3A_371, %mul3A_372 : vector<16xf32>
        %mul3A_374 = arith.mulf %get3A_362, %get3A_29 : vector<16xf32>
        %add3A_375 = arith.addf %add3A_373, %mul3A_374 : vector<16xf32>
        %mul3A_376 = arith.mulf %get3A_344, %get3A_33 : vector<16xf32>
        %mul3A_377 = arith.mulf %get3A_347, %get3A_37 : vector<16xf32>
        %add3A_378 = arith.addf %mul3A_376, %mul3A_377 : vector<16xf32>
        %mul3A_379 = arith.mulf %get3A_350, %get3A_41 : vector<16xf32>
        %add3A_380 = arith.addf %add3A_378, %mul3A_379 : vector<16xf32>
        %mul3A_381 = arith.mulf %get3A_353, %get3A_45 : vector<16xf32>
        %add3A_382 = arith.addf %add3A_380, %mul3A_381 : vector<16xf32>
        %mul3A_383 = arith.mulf %get3A_356, %get3A_49 : vector<16xf32>
        %add3A_384 = arith.addf %add3A_382, %mul3A_383 : vector<16xf32>
        %mul3A_385 = arith.mulf %get3A_359, %get3A_53 : vector<16xf32>
        %add3A_386 = arith.addf %add3A_384, %mul3A_385 : vector<16xf32>
        %mul3A_387 = arith.mulf %get3A_362, %get3A_57 : vector<16xf32>
        %add3A_388 = arith.addf %add3A_386, %mul3A_387 : vector<16xf32>
        %mul3A_389 = arith.mulf %get3A_344, %get3A_61 : vector<16xf32>
        %mul3A_390 = arith.mulf %get3A_347, %get3A_65 : vector<16xf32>
        %add3A_391 = arith.addf %mul3A_389, %mul3A_390 : vector<16xf32>
        %mul3A_392 = arith.mulf %get3A_350, %get3A_69 : vector<16xf32>
        %add3A_393 = arith.addf %add3A_391, %mul3A_392 : vector<16xf32>
        %mul3A_394 = arith.mulf %get3A_353, %get3A_73 : vector<16xf32>
        %add3A_395 = arith.addf %add3A_393, %mul3A_394 : vector<16xf32>
        %mul3A_396 = arith.mulf %get3A_356, %get3A_77 : vector<16xf32>
        %add3A_397 = arith.addf %add3A_395, %mul3A_396 : vector<16xf32>
        %mul3A_398 = arith.mulf %get3A_359, %get3A_81 : vector<16xf32>
        %add3A_399 = arith.addf %add3A_397, %mul3A_398 : vector<16xf32>
        %mul3A_400 = arith.mulf %get3A_362, %get3A_85 : vector<16xf32>
        %add3A_401 = arith.addf %add3A_399, %mul3A_400 : vector<16xf32>
        %add3A_402 = arith.constant 0 : i32
        %add3A_403 = arith.addi %mul3A_209, %add3A_402 : i32
        %add3A_404 = arith.constant 3 : i32
        %add3A_405 = arith.addi %add3A_403, %add3A_404 : i32
        %get3A_406 = arith.index_cast %add3A_405 : i32 to index
        %get3A_407 = arith.constant 0 : index
        %get3A_408 = tpu.vector_load %arg7[%get3A_406, %get3A_407] {strides = array<i32>} : memref<256x100xf32, #tpu.memory_space<vmem>>, vector<16xf32>,
        %get3A_409 = arith.index_cast %add3A_405 : i32 to index
        %get3A_410 = arith.constant 16 : index
        %get3A_411 = tpu.vector_load %arg7[%get3A_409, %get3A_410] {strides = array<i32>} : memref<256x100xf32, #tpu.memory_space<vmem>>, vector<16xf32>,
        %get3A_412 = arith.index_cast %add3A_405 : i32 to index
        %get3A_413 = arith.constant 32 : index
        %get3A_414 = tpu.vector_load %arg7[%get3A_412, %get3A_413] {strides = array<i32>} : memref<256x100xf32, #tpu.memory_space<vmem>>, vector<16xf32>,
        %get3A_415 = arith.index_cast %add3A_405 : i32 to index
        %get3A_416 = arith.constant 48 : index
        %get3A_417 = tpu.vector_load %arg7[%get3A_415, %get3A_416] {strides = array<i32>} : memref<256x100xf32, #tpu.memory_space<vmem>>, vector<16xf32>,
        %get3A_418 = arith.index_cast %add3A_405 : i32 to index
        %get3A_419 = arith.constant 64 : index
        %get3A_420 = tpu.vector_load %arg7[%get3A_418, %get3A_419] {strides = array<i32>} : memref<256x100xf32, #tpu.memory_space<vmem>>, vector<16xf32>,
        %get3A_421 = arith.index_cast %add3A_405 : i32 to index
        %get3A_422 = arith.constant 80 : index
        %get3A_423 = tpu.vector_load %arg7[%get3A_421, %get3A_422] {strides = array<i32>} : memref<256x100xf32, #tpu.memory_space<vmem>>, vector<16xf32>,
        %get3A_424 = arith.index_cast %add3A_405 : i32 to index
        %get3A_425 = arith.constant 84 : index
        %get3A_426 = tpu.vector_load %arg7[%get3A_424, %get3A_425] {strides = array<i32>} : memref<256x100xf32, #tpu.memory_space<vmem>>, vector<16xf32>,
        %mul3A_427 = arith.mulf %get3A_408, %get3A_5 : vector<16xf32>
        %mul3A_428 = arith.mulf %get3A_411, %get3A_9 : vector<16xf32>
        %add3A_429 = arith.addf %mul3A_427, %mul3A_428 : vector<16xf32>
        %mul3A_430 = arith.mulf %get3A_414, %get3A_13 : vector<16xf32>
        %add3A_431 = arith.addf %add3A_429, %mul3A_430 : vector<16xf32>
        %mul3A_432 = arith.mulf %get3A_417, %get3A_17 : vector<16xf32>
        %add3A_433 = arith.addf %add3A_431, %mul3A_432 : vector<16xf32>
        %mul3A_434 = arith.mulf %get3A_420, %get3A_21 : vector<16xf32>
        %add3A_435 = arith.addf %add3A_433, %mul3A_434 : vector<16xf32>
        %mul3A_436 = arith.mulf %get3A_423, %get3A_25 : vector<16xf32>
        %add3A_437 = arith.addf %add3A_435, %mul3A_436 : vector<16xf32>
        %mul3A_438 = arith.mulf %get3A_426, %get3A_29 : vector<16xf32>
        %add3A_439 = arith.addf %add3A_437, %mul3A_438 : vector<16xf32>
        %mul3A_440 = arith.mulf %get3A_408, %get3A_33 : vector<16xf32>
        %mul3A_441 = arith.mulf %get3A_411, %get3A_37 : vector<16xf32>
        %add3A_442 = arith.addf %mul3A_440, %mul3A_441 : vector<16xf32>
        %mul3A_443 = arith.mulf %get3A_414, %get3A_41 : vector<16xf32>
        %add3A_444 = arith.addf %add3A_442, %mul3A_443 : vector<16xf32>
        %mul3A_445 = arith.mulf %get3A_417, %get3A_45 : vector<16xf32>
        %add3A_446 = arith.addf %add3A_444, %mul3A_445 : vector<16xf32>
        %mul3A_447 = arith.mulf %get3A_420, %get3A_49 : vector<16xf32>
        %add3A_448 = arith.addf %add3A_446, %mul3A_447 : vector<16xf32>
        %mul3A_449 = arith.mulf %get3A_423, %get3A_53 : vector<16xf32>
        %add3A_450 = arith.addf %add3A_448, %mul3A_449 : vector<16xf32>
        %mul3A_451 = arith.mulf %get3A_426, %get3A_57 : vector<16xf32>
        %add3A_452 = arith.addf %add3A_450, %mul3A_451 : vector<16xf32>
        %mul3A_453 = arith.mulf %get3A_408, %get3A_61 : vector<16xf32>
        %mul3A_454 = arith.mulf %get3A_411, %get3A_65 : vector<16xf32>
        %add3A_455 = arith.addf %mul3A_453, %mul3A_454 : vector<16xf32>
        %mul3A_456 = arith.mulf %get3A_414, %get3A_69 : vector<16xf32>
        %add3A_457 = arith.addf %add3A_455, %mul3A_456 : vector<16xf32>
        %mul3A_458 = arith.mulf %get3A_417, %get3A_73 : vector<16xf32>
        %add3A_459 = arith.addf %add3A_457, %mul3A_458 : vector<16xf32>
        %mul3A_460 = arith.mulf %get3A_420, %get3A_77 : vector<16xf32>
        %add3A_461 = arith.addf %add3A_459, %mul3A_460 : vector<16xf32>
        %mul3A_462 = arith.mulf %get3A_423, %get3A_81 : vector<16xf32>
        %add3A_463 = arith.addf %add3A_461, %mul3A_462 : vector<16xf32>
        %mul3A_464 = arith.mulf %get3A_426, %get3A_85 : vector<16xf32>
        %add3A_465 = arith.addf %add3A_463, %mul3A_464 : vector<16xf32>
        %add3A_466 = arith.constant 0 : i32
        %add3A_467 = arith.addi %mul3A_209, %add3A_466 : i32
        %add3A_468 = arith.constant 4 : i32
        %add3A_469 = arith.addi %add3A_467, %add3A_468 : i32
        %get3A_470 = arith.index_cast %add3A_469 : i32 to index
        %get3A_471 = arith.constant 0 : index
        %get3A_472 = tpu.vector_load %arg7[%get3A_470, %get3A_471] {strides = array<i32>} : memref<256x100xf32, #tpu.memory_space<vmem>>, vector<16xf32>,
        %get3A_473 = arith.index_cast %add3A_469 : i32 to index
        %get3A_474 = arith.constant 16 : index
        %get3A_475 = tpu.vector_load %arg7[%get3A_473, %get3A_474] {strides = array<i32>} : memref<256x100xf32, #tpu.memory_space<vmem>>, vector<16xf32>,
        %get3A_476 = arith.index_cast %add3A_469 : i32 to index
        %get3A_477 = arith.constant 32 : index
        %get3A_478 = tpu.vector_load %arg7[%get3A_476, %get3A_477] {strides = array<i32>} : memref<256x100xf32, #tpu.memory_space<vmem>>, vector<16xf32>,
        %get3A_479 = arith.index_cast %add3A_469 : i32 to index
        %get3A_480 = arith.constant 48 : index
        %get3A_481 = tpu.vector_load %arg7[%get3A_479, %get3A_480] {strides = array<i32>} : memref<256x100xf32, #tpu.memory_space<vmem>>, vector<16xf32>,
        %get3A_482 = arith.index_cast %add3A_469 : i32 to index
        %get3A_483 = arith.constant 64 : index
        %get3A_484 = tpu.vector_load %arg7[%get3A_482, %get3A_483] {strides = array<i32>} : memref<256x100xf32, #tpu.memory_space<vmem>>, vector<16xf32>,
        %get3A_485 = arith.index_cast %add3A_469 : i32 to index
        %get3A_486 = arith.constant 80 : index
        %get3A_487 = tpu.vector_load %arg7[%get3A_485, %get3A_486] {strides = array<i32>} : memref<256x100xf32, #tpu.memory_space<vmem>>, vector<16xf32>,
        %get3A_488 = arith.index_cast %add3A_469 : i32 to index
        %get3A_489 = arith.constant 84 : index
        %get3A_490 = tpu.vector_load %arg7[%get3A_488, %get3A_489] {strides = array<i32>} : memref<256x100xf32, #tpu.memory_space<vmem>>, vector<16xf32>,
        %mul3A_491 = arith.mulf %get3A_472, %get3A_5 : vector<16xf32>
        %mul3A_492 = arith.mulf %get3A_475, %get3A_9 : vector<16xf32>
        %add3A_493 = arith.addf %mul3A_491, %mul3A_492 : vector<16xf32>
        %mul3A_494 = arith.mulf %get3A_478, %get3A_13 : vector<16xf32>
        %add3A_495 = arith.addf %add3A_493, %mul3A_494 : vector<16xf32>
        %mul3A_496 = arith.mulf %get3A_481, %get3A_17 : vector<16xf32>
        %add3A_497 = arith.addf %add3A_495, %mul3A_496 : vector<16xf32>
        %mul3A_498 = arith.mulf %get3A_484, %get3A_21 : vector<16xf32>
        %add3A_499 = arith.addf %add3A_497, %mul3A_498 : vector<16xf32>
        %mul3A_500 = arith.mulf %get3A_487, %get3A_25 : vector<16xf32>
        %add3A_501 = arith.addf %add3A_499, %mul3A_500 : vector<16xf32>
        %mul3A_502 = arith.mulf %get3A_490, %get3A_29 : vector<16xf32>
        %add3A_503 = arith.addf %add3A_501, %mul3A_502 : vector<16xf32>
        %mul3A_504 = arith.mulf %get3A_472, %get3A_33 : vector<16xf32>
        %mul3A_505 = arith.mulf %get3A_475, %get3A_37 : vector<16xf32>
        %add3A_506 = arith.addf %mul3A_504, %mul3A_505 : vector<16xf32>
        %mul3A_507 = arith.mulf %get3A_478, %get3A_41 : vector<16xf32>
        %add3A_508 = arith.addf %add3A_506, %mul3A_507 : vector<16xf32>
        %mul3A_509 = arith.mulf %get3A_481, %get3A_45 : vector<16xf32>
        %add3A_510 = arith.addf %add3A_508, %mul3A_509 : vector<16xf32>
        %mul3A_511 = arith.mulf %get3A_484, %get3A_49 : vector<16xf32>
        %add3A_512 = arith.addf %add3A_510, %mul3A_511 : vector<16xf32>
        %mul3A_513 = arith.mulf %get3A_487, %get3A_53 : vector<16xf32>
        %add3A_514 = arith.addf %add3A_512, %mul3A_513 : vector<16xf32>
        %mul3A_515 = arith.mulf %get3A_490, %get3A_57 : vector<16xf32>
        %add3A_516 = arith.addf %add3A_514, %mul3A_515 : vector<16xf32>
        %mul3A_517 = arith.mulf %get3A_472, %get3A_61 : vector<16xf32>
        %mul3A_518 = arith.mulf %get3A_475, %get3A_65 : vector<16xf32>
        %add3A_519 = arith.addf %mul3A_517, %mul3A_518 : vector<16xf32>
        %mul3A_520 = arith.mulf %get3A_478, %get3A_69 : vector<16xf32>
        %add3A_521 = arith.addf %add3A_519, %mul3A_520 : vector<16xf32>
        %mul3A_522 = arith.mulf %get3A_481, %get3A_73 : vector<16xf32>
        %add3A_523 = arith.addf %add3A_521, %mul3A_522 : vector<16xf32>
        %mul3A_524 = arith.mulf %get3A_484, %get3A_77 : vector<16xf32>
        %add3A_525 = arith.addf %add3A_523, %mul3A_524 : vector<16xf32>
        %mul3A_526 = arith.mulf %get3A_487, %get3A_81 : vector<16xf32>
        %add3A_527 = arith.addf %add3A_525, %mul3A_526 : vector<16xf32>
        %mul3A_528 = arith.mulf %get3A_490, %get3A_85 : vector<16xf32>
        %add3A_529 = arith.addf %add3A_527, %mul3A_528 : vector<16xf32>
        %add3A_530 = arith.constant 0 : i32
        %add3A_531 = arith.addi %mul3A_209, %add3A_530 : i32
        %add3A_532 = arith.constant 5 : i32
        %add3A_533 = arith.addi %add3A_531, %add3A_532 : i32
        %get3A_534 = arith.index_cast %add3A_533 : i32 to index
        %get3A_535 = arith.constant 0 : index
        %get3A_536 = tpu.vector_load %arg7[%get3A_534, %get3A_535] {strides = array<i32>} : memref<256x100xf32, #tpu.memory_space<vmem>>, vector<16xf32>,
        %get3A_537 = arith.index_cast %add3A_533 : i32 to index
        %get3A_538 = arith.constant 16 : index
        %get3A_539 = tpu.vector_load %arg7[%get3A_537, %get3A_538] {strides = array<i32>} : memref<256x100xf32, #tpu.memory_space<vmem>>, vector<16xf32>,
        %get3A_540 = arith.index_cast %add3A_533 : i32 to index
        %get3A_541 = arith.constant 32 : index
        %get3A_542 = tpu.vector_load %arg7[%get3A_540, %get3A_541] {strides = array<i32>} : memref<256x100xf32, #tpu.memory_space<vmem>>, vector<16xf32>,
        %get3A_543 = arith.index_cast %add3A_533 : i32 to index
        %get3A_544 = arith.constant 48 : index
        %get3A_545 = tpu.vector_load %arg7[%get3A_543, %get3A_544] {strides = array<i32>} : memref<256x100xf32, #tpu.memory_space<vmem>>, vector<16xf32>,
        %get3A_546 = arith.index_cast %add3A_533 : i32 to index
        %get3A_547 = arith.constant 64 : index
        %get3A_548 = tpu.vector_load %arg7[%get3A_546, %get3A_547] {strides = array<i32>} : memref<256x100xf32, #tpu.memory_space<vmem>>, vector<16xf32>,
        %get3A_549 = arith.index_cast %add3A_533 : i32 to index
        %get3A_550 = arith.constant 80 : index
        %get3A_551 = tpu.vector_load %arg7[%get3A_549, %get3A_550] {strides = array<i32>} : memref<256x100xf32, #tpu.memory_space<vmem>>, vector<16xf32>,
        %get3A_552 = arith.index_cast %add3A_533 : i32 to index
        %get3A_553 = arith.constant 84 : index
        %get3A_554 = tpu.vector_load %arg7[%get3A_552, %get3A_553] {strides = array<i32>} : memref<256x100xf32, #tpu.memory_space<vmem>>, vector<16xf32>,
        %mul3A_555 = arith.mulf %get3A_536, %get3A_5 : vector<16xf32>
        %mul3A_556 = arith.mulf %get3A_539, %get3A_9 : vector<16xf32>
        %add3A_557 = arith.addf %mul3A_555, %mul3A_556 : vector<16xf32>
        %mul3A_558 = arith.mulf %get3A_542, %get3A_13 : vector<16xf32>
        %add3A_559 = arith.addf %add3A_557, %mul3A_558 : vector<16xf32>
        %mul3A_560 = arith.mulf %get3A_545, %get3A_17 : vector<16xf32>
        %add3A_561 = arith.addf %add3A_559, %mul3A_560 : vector<16xf32>
        %mul3A_562 = arith.mulf %get3A_548, %get3A_21 : vector<16xf32>
        %add3A_563 = arith.addf %add3A_561, %mul3A_562 : vector<16xf32>
        %mul3A_564 = arith.mulf %get3A_551, %get3A_25 : vector<16xf32>
        %add3A_565 = arith.addf %add3A_563, %mul3A_564 : vector<16xf32>
        %mul3A_566 = arith.mulf %get3A_554, %get3A_29 : vector<16xf32>
        %add3A_567 = arith.addf %add3A_565, %mul3A_566 : vector<16xf32>
        %mul3A_568 = arith.mulf %get3A_536, %get3A_33 : vector<16xf32>
        %mul3A_569 = arith.mulf %get3A_539, %get3A_37 : vector<16xf32>
        %add3A_570 = arith.addf %mul3A_568, %mul3A_569 : vector<16xf32>
        %mul3A_571 = arith.mulf %get3A_542, %get3A_41 : vector<16xf32>
        %add3A_572 = arith.addf %add3A_570, %mul3A_571 : vector<16xf32>
        %mul3A_573 = arith.mulf %get3A_545, %get3A_45 : vector<16xf32>
        %add3A_574 = arith.addf %add3A_572, %mul3A_573 : vector<16xf32>
        %mul3A_575 = arith.mulf %get3A_548, %get3A_49 : vector<16xf32>
        %add3A_576 = arith.addf %add3A_574, %mul3A_575 : vector<16xf32>
        %mul3A_577 = arith.mulf %get3A_551, %get3A_53 : vector<16xf32>
        %add3A_578 = arith.addf %add3A_576, %mul3A_577 : vector<16xf32>
        %mul3A_579 = arith.mulf %get3A_554, %get3A_57 : vector<16xf32>
        %add3A_580 = arith.addf %add3A_578, %mul3A_579 : vector<16xf32>
        %mul3A_581 = arith.mulf %get3A_536, %get3A_61 : vector<16xf32>
        %mul3A_582 = arith.mulf %get3A_539, %get3A_65 : vector<16xf32>
        %add3A_583 = arith.addf %mul3A_581, %mul3A_582 : vector<16xf32>
        %mul3A_584 = arith.mulf %get3A_542, %get3A_69 : vector<16xf32>
        %add3A_585 = arith.addf %add3A_583, %mul3A_584 : vector<16xf32>
        %mul3A_586 = arith.mulf %get3A_545, %get3A_73 : vector<16xf32>
        %add3A_587 = arith.addf %add3A_585, %mul3A_586 : vector<16xf32>
        %mul3A_588 = arith.mulf %get3A_548, %get3A_77 : vector<16xf32>
        %add3A_589 = arith.addf %add3A_587, %mul3A_588 : vector<16xf32>
        %mul3A_590 = arith.mulf %get3A_551, %get3A_81 : vector<16xf32>
        %add3A_591 = arith.addf %add3A_589, %mul3A_590 : vector<16xf32>
        %mul3A_592 = arith.mulf %get3A_554, %get3A_85 : vector<16xf32>
        %add3A_593 = arith.addf %add3A_591, %mul3A_592 : vector<16xf32>
        %add3A_594 = arith.constant 0 : i32
        %add3A_595 = arith.addi %mul3A_209, %add3A_594 : i32
        %add3A_596 = arith.constant 6 : i32
        %add3A_597 = arith.addi %add3A_595, %add3A_596 : i32
        %get3A_598 = arith.index_cast %add3A_597 : i32 to index
        %get3A_599 = arith.constant 0 : index
        %get3A_600 = tpu.vector_load %arg7[%get3A_598, %get3A_599] {strides = array<i32>} : memref<256x100xf32, #tpu.memory_space<vmem>>, vector<16xf32>,
        %get3A_601 = arith.index_cast %add3A_597 : i32 to index
        %get3A_602 = arith.constant 16 : index
        %get3A_603 = tpu.vector_load %arg7[%get3A_601, %get3A_602] {strides = array<i32>} : memref<256x100xf32, #tpu.memory_space<vmem>>, vector<16xf32>,
        %get3A_604 = arith.index_cast %add3A_597 : i32 to index
        %get3A_605 = arith.constant 32 : index
        %get3A_606 = tpu.vector_load %arg7[%get3A_604, %get3A_605] {strides = array<i32>} : memref<256x100xf32, #tpu.memory_space<vmem>>, vector<16xf32>,
        %get3A_607 = arith.index_cast %add3A_597 : i32 to index
        %get3A_608 = arith.constant 48 : index
        %get3A_609 = tpu.vector_load %arg7[%get3A_607, %get3A_608] {strides = array<i32>} : memref<256x100xf32, #tpu.memory_space<vmem>>, vector<16xf32>,
        %get3A_610 = arith.index_cast %add3A_597 : i32 to index
        %get3A_611 = arith.constant 64 : index
        %get3A_612 = tpu.vector_load %arg7[%get3A_610, %get3A_611] {strides = array<i32>} : memref<256x100xf32, #tpu.memory_space<vmem>>, vector<16xf32>,
        %get3A_613 = arith.index_cast %add3A_597 : i32 to index
        %get3A_614 = arith.constant 80 : index
        %get3A_615 = tpu.vector_load %arg7[%get3A_613, %get3A_614] {strides = array<i32>} : memref<256x100xf32, #tpu.memory_space<vmem>>, vector<16xf32>,
        %get3A_616 = arith.index_cast %add3A_597 : i32 to index
        %get3A_617 = arith.constant 84 : index
        %get3A_618 = tpu.vector_load %arg7[%get3A_616, %get3A_617] {strides = array<i32>} : memref<256x100xf32, #tpu.memory_space<vmem>>, vector<16xf32>,
        %mul3A_619 = arith.mulf %get3A_600, %get3A_5 : vector<16xf32>
        %mul3A_620 = arith.mulf %get3A_603, %get3A_9 : vector<16xf32>
        %add3A_621 = arith.addf %mul3A_619, %mul3A_620 : vector<16xf32>
        %mul3A_622 = arith.mulf %get3A_606, %get3A_13 : vector<16xf32>
        %add3A_623 = arith.addf %add3A_621, %mul3A_622 : vector<16xf32>
        %mul3A_624 = arith.mulf %get3A_609, %get3A_17 : vector<16xf32>
        %add3A_625 = arith.addf %add3A_623, %mul3A_624 : vector<16xf32>
        %mul3A_626 = arith.mulf %get3A_612, %get3A_21 : vector<16xf32>
        %add3A_627 = arith.addf %add3A_625, %mul3A_626 : vector<16xf32>
        %mul3A_628 = arith.mulf %get3A_615, %get3A_25 : vector<16xf32>
        %add3A_629 = arith.addf %add3A_627, %mul3A_628 : vector<16xf32>
        %mul3A_630 = arith.mulf %get3A_618, %get3A_29 : vector<16xf32>
        %add3A_631 = arith.addf %add3A_629, %mul3A_630 : vector<16xf32>
        %mul3A_632 = arith.mulf %get3A_600, %get3A_33 : vector<16xf32>
        %mul3A_633 = arith.mulf %get3A_603, %get3A_37 : vector<16xf32>
        %add3A_634 = arith.addf %mul3A_632, %mul3A_633 : vector<16xf32>
        %mul3A_635 = arith.mulf %get3A_606, %get3A_41 : vector<16xf32>
        %add3A_636 = arith.addf %add3A_634, %mul3A_635 : vector<16xf32>
        %mul3A_637 = arith.mulf %get3A_609, %get3A_45 : vector<16xf32>
        %add3A_638 = arith.addf %add3A_636, %mul3A_637 : vector<16xf32>
        %mul3A_639 = arith.mulf %get3A_612, %get3A_49 : vector<16xf32>
        %add3A_640 = arith.addf %add3A_638, %mul3A_639 : vector<16xf32>
        %mul3A_641 = arith.mulf %get3A_615, %get3A_53 : vector<16xf32>
        %add3A_642 = arith.addf %add3A_640, %mul3A_641 : vector<16xf32>
        %mul3A_643 = arith.mulf %get3A_618, %get3A_57 : vector<16xf32>
        %add3A_644 = arith.addf %add3A_642, %mul3A_643 : vector<16xf32>
        %mul3A_645 = arith.mulf %get3A_600, %get3A_61 : vector<16xf32>
        %mul3A_646 = arith.mulf %get3A_603, %get3A_65 : vector<16xf32>
        %add3A_647 = arith.addf %mul3A_645, %mul3A_646 : vector<16xf32>
        %mul3A_648 = arith.mulf %get3A_606, %get3A_69 : vector<16xf32>
        %add3A_649 = arith.addf %add3A_647, %mul3A_648 : vector<16xf32>
        %mul3A_650 = arith.mulf %get3A_609, %get3A_73 : vector<16xf32>
        %add3A_651 = arith.addf %add3A_649, %mul3A_650 : vector<16xf32>
        %mul3A_652 = arith.mulf %get3A_612, %get3A_77 : vector<16xf32>
        %add3A_653 = arith.addf %add3A_651, %mul3A_652 : vector<16xf32>
        %mul3A_654 = arith.mulf %get3A_615, %get3A_81 : vector<16xf32>
        %add3A_655 = arith.addf %add3A_653, %mul3A_654 : vector<16xf32>
        %mul3A_656 = arith.mulf %get3A_618, %get3A_85 : vector<16xf32>
        %add3A_657 = arith.addf %add3A_655, %mul3A_656 : vector<16xf32>
        %add3A_658 = arith.constant 0 : i32
        %add3A_659 = arith.addi %mul3A_209, %add3A_658 : i32
        %add3A_660 = arith.constant 7 : i32
        %add3A_661 = arith.addi %add3A_659, %add3A_660 : i32
        %get3A_662 = arith.index_cast %add3A_661 : i32 to index
        %get3A_663 = arith.constant 0 : index
        %get3A_664 = tpu.vector_load %arg7[%get3A_662, %get3A_663] {strides = array<i32>} : memref<256x100xf32, #tpu.memory_space<vmem>>, vector<16xf32>,
        %get3A_665 = arith.index_cast %add3A_661 : i32 to index
        %get3A_666 = arith.constant 16 : index
        %get3A_667 = tpu.vector_load %arg7[%get3A_665, %get3A_666] {strides = array<i32>} : memref<256x100xf32, #tpu.memory_space<vmem>>, vector<16xf32>,
        %get3A_668 = arith.index_cast %add3A_661 : i32 to index
        %get3A_669 = arith.constant 32 : index
        %get3A_670 = tpu.vector_load %arg7[%get3A_668, %get3A_669] {strides = array<i32>} : memref<256x100xf32, #tpu.memory_space<vmem>>, vector<16xf32>,
        %get3A_671 = arith.index_cast %add3A_661 : i32 to index
        %get3A_672 = arith.constant 48 : index
        %get3A_673 = tpu.vector_load %arg7[%get3A_671, %get3A_672] {strides = array<i32>} : memref<256x100xf32, #tpu.memory_space<vmem>>, vector<16xf32>,
        %get3A_674 = arith.index_cast %add3A_661 : i32 to index
        %get3A_675 = arith.constant 64 : index
        %get3A_676 = tpu.vector_load %arg7[%get3A_674, %get3A_675] {strides = array<i32>} : memref<256x100xf32, #tpu.memory_space<vmem>>, vector<16xf32>,
        %get3A_677 = arith.index_cast %add3A_661 : i32 to index
        %get3A_678 = arith.constant 80 : index
        %get3A_679 = tpu.vector_load %arg7[%get3A_677, %get3A_678] {strides = array<i32>} : memref<256x100xf32, #tpu.memory_space<vmem>>, vector<16xf32>,
        %get3A_680 = arith.index_cast %add3A_661 : i32 to index
        %get3A_681 = arith.constant 84 : index
        %get3A_682 = tpu.vector_load %arg7[%get3A_680, %get3A_681] {strides = array<i32>} : memref<256x100xf32, #tpu.memory_space<vmem>>, vector<16xf32>,
        %mul3A_683 = arith.mulf %get3A_664, %get3A_5 : vector<16xf32>
        %mul3A_684 = arith.mulf %get3A_667, %get3A_9 : vector<16xf32>
        %add3A_685 = arith.addf %mul3A_683, %mul3A_684 : vector<16xf32>
        %mul3A_686 = arith.mulf %get3A_670, %get3A_13 : vector<16xf32>
        %add3A_687 = arith.addf %add3A_685, %mul3A_686 : vector<16xf32>
        %mul3A_688 = arith.mulf %get3A_673, %get3A_17 : vector<16xf32>
        %add3A_689 = arith.addf %add3A_687, %mul3A_688 : vector<16xf32>
        %mul3A_690 = arith.mulf %get3A_676, %get3A_21 : vector<16xf32>
        %add3A_691 = arith.addf %add3A_689, %mul3A_690 : vector<16xf32>
        %mul3A_692 = arith.mulf %get3A_679, %get3A_25 : vector<16xf32>
        %add3A_693 = arith.addf %add3A_691, %mul3A_692 : vector<16xf32>
        %mul3A_694 = arith.mulf %get3A_682, %get3A_29 : vector<16xf32>
        %add3A_695 = arith.addf %add3A_693, %mul3A_694 : vector<16xf32>
        %mul3A_696 = arith.mulf %get3A_664, %get3A_33 : vector<16xf32>
        %mul3A_697 = arith.mulf %get3A_667, %get3A_37 : vector<16xf32>
        %add3A_698 = arith.addf %mul3A_696, %mul3A_697 : vector<16xf32>
        %mul3A_699 = arith.mulf %get3A_670, %get3A_41 : vector<16xf32>
        %add3A_700 = arith.addf %add3A_698, %mul3A_699 : vector<16xf32>
        %mul3A_701 = arith.mulf %get3A_673, %get3A_45 : vector<16xf32>
        %add3A_702 = arith.addf %add3A_700, %mul3A_701 : vector<16xf32>
        %mul3A_703 = arith.mulf %get3A_676, %get3A_49 : vector<16xf32>
        %add3A_704 = arith.addf %add3A_702, %mul3A_703 : vector<16xf32>
        %mul3A_705 = arith.mulf %get3A_679, %get3A_53 : vector<16xf32>
        %add3A_706 = arith.addf %add3A_704, %mul3A_705 : vector<16xf32>
        %mul3A_707 = arith.mulf %get3A_682, %get3A_57 : vector<16xf32>
        %add3A_708 = arith.addf %add3A_706, %mul3A_707 : vector<16xf32>
        %mul3A_709 = arith.mulf %get3A_664, %get3A_61 : vector<16xf32>
        %mul3A_710 = arith.mulf %get3A_667, %get3A_65 : vector<16xf32>
        %add3A_711 = arith.addf %mul3A_709, %mul3A_710 : vector<16xf32>
        %mul3A_712 = arith.mulf %get3A_670, %get3A_69 : vector<16xf32>
        %add3A_713 = arith.addf %add3A_711, %mul3A_712 : vector<16xf32>
        %mul3A_714 = arith.mulf %get3A_673, %get3A_73 : vector<16xf32>
        %add3A_715 = arith.addf %add3A_713, %mul3A_714 : vector<16xf32>
        %mul3A_716 = arith.mulf %get3A_676, %get3A_77 : vector<16xf32>
        %add3A_717 = arith.addf %add3A_715, %mul3A_716 : vector<16xf32>
        %mul3A_718 = arith.mulf %get3A_679, %get3A_81 : vector<16xf32>
        %add3A_719 = arith.addf %add3A_717, %mul3A_718 : vector<16xf32>
        %mul3A_720 = arith.mulf %get3A_682, %get3A_85 : vector<16xf32>
        %add3A_721 = arith.addf %add3A_719, %mul3A_720 : vector<16xf32>
        %lt3A_722 = arith.constant 0 : i32
        %lt3A_723 = vector.broadcast %lt3A_722 : i32 to vector<16xi32>
        %lt3A_724 = arith.cmpi slt, %xor3A_99, %lt3A_723 : vector<16xi32>
        %add3A_725 = arith.constant 16 : i32
        %add3A_726 = vector.broadcast %add3A_725 : i32 to vector<16xi32>
        %add3A_727 = arith.addi %xor3A_99, %add3A_726 : vector<16xi32>
        %select_n3A = arith.select %lt3A_724, %add3A_727, %xor3A_99 : vector<16xi1>, vector<16xi32>
        %broadcast_in_dim3A = vector.shape_cast %select_n3A : vector<16xi32> to vector<16x1xi32>
        %gather3A = vector.shape_cast %broadcast_in_dim3A : vector<16x1xi32> to vector<16xi32>
        %gather3A_728 = tpu.dynamic_gather %add3A_247[%gather3A] in [0] : vector<16xf32>, vector<16xi32> -> vector<16xf32>
        %add3A_729 = arith.addf %add3A_247, %gather3A_728 : vector<16xf32>
        %lt3A_730 = arith.constant 0 : i32
        %lt3A_731 = vector.broadcast %lt3A_730 : i32 to vector<16xi32>
        %lt3A_732 = arith.cmpi slt, %xor3A_99, %lt3A_731 : vector<16xi32>
        %add3A_733 = arith.constant 16 : i32
        %add3A_734 = vector.broadcast %add3A_733 : i32 to vector<16xi32>
        %add3A_735 = arith.addi %xor3A_99, %add3A_734 : vector<16xi32>
        %select_n3A_736 = arith.select %lt3A_732, %add3A_735, %xor3A_99 : vector<16xi1>, vector<16xi32>
        %broadcast_in_dim3A_737 = vector.shape_cast %select_n3A_736 : vector<16xi32> to vector<16x1xi32>
        %gather3A_738 = vector.shape_cast %broadcast_in_dim3A_737 : vector<16x1xi32> to vector<16xi32>
        %gather3A_739 = tpu.dynamic_gather %add3A_311[%gather3A_738] in [0] : vector<16xf32>, vector<16xi32> -> vector<16xf32>
        %add3A_740 = arith.addf %add3A_311, %gather3A_739 : vector<16xf32>
        %select_n3A_741 = arith.select %eq3A_112, %add3A_729, %add3A_740 : vector<16xi1>, vector<16xf32>
        %lt3A_742 = arith.constant 0 : i32
        %lt3A_743 = vector.broadcast %lt3A_742 : i32 to vector<16xi32>
        %lt3A_744 = arith.cmpi slt, %xor3A_99, %lt3A_743 : vector<16xi32>
        %add3A_745 = arith.constant 16 : i32
        %add3A_746 = vector.broadcast %add3A_745 : i32 to vector<16xi32>
        %add3A_747 = arith.addi %xor3A_99, %add3A_746 : vector<16xi32>
        %select_n3A_748 = arith.select %lt3A_744, %add3A_747, %xor3A_99 : vector<16xi1>, vector<16xi32>
        %broadcast_in_dim3A_749 = vector.shape_cast %select_n3A_748 : vector<16xi32> to vector<16x1xi32>
        %gather3A_750 = vector.shape_cast %broadcast_in_dim3A_749 : vector<16x1xi32> to vector<16xi32>
        %gather3A_751 = tpu.dynamic_gather %add3A_375[%gather3A_750] in [0] : vector<16xf32>, vector<16xi32> -> vector<16xf32>
        %add3A_752 = arith.addf %add3A_375, %gather3A_751 : vector<16xf32>
        %lt3A_753 = arith.constant 0 : i32
        %lt3A_754 = vector.broadcast %lt3A_753 : i32 to vector<16xi32>
        %lt3A_755 = arith.cmpi slt, %xor3A_99, %lt3A_754 : vector<16xi32>
        %add3A_756 = arith.constant 16 : i32
        %add3A_757 = vector.broadcast %add3A_756 : i32 to vector<16xi32>
        %add3A_758 = arith.addi %xor3A_99, %add3A_757 : vector<16xi32>
        %select_n3A_759 = arith.select %lt3A_755, %add3A_758, %xor3A_99 : vector<16xi1>, vector<16xi32>
        %broadcast_in_dim3A_760 = vector.shape_cast %select_n3A_759 : vector<16xi32> to vector<16x1xi32>
        %gather3A_761 = vector.shape_cast %broadcast_in_dim3A_760 : vector<16x1xi32> to vector<16xi32>
        %gather3A_762 = tpu.dynamic_gather %add3A_439[%gather3A_761] in [0] : vector<16xf32>, vector<16xi32> -> vector<16xf32>
        %add3A_763 = arith.addf %add3A_439, %gather3A_762 : vector<16xf32>
        %select_n3A_764 = arith.select %eq3A_112, %add3A_752, %add3A_763 : vector<16xi1>, vector<16xf32>
        %lt3A_765 = arith.constant 0 : i32
        %lt3A_766 = vector.broadcast %lt3A_765 : i32 to vector<16xi32>
        %lt3A_767 = arith.cmpi slt, %xor3A_99, %lt3A_766 : vector<16xi32>
        %add3A_768 = arith.constant 16 : i32
        %add3A_769 = vector.broadcast %add3A_768 : i32 to vector<16xi32>
        %add3A_770 = arith.addi %xor3A_99, %add3A_769 : vector<16xi32>
        %select_n3A_771 = arith.select %lt3A_767, %add3A_770, %xor3A_99 : vector<16xi1>, vector<16xi32>
        %broadcast_in_dim3A_772 = vector.shape_cast %select_n3A_771 : vector<16xi32> to vector<16x1xi32>
        %gather3A_773 = vector.shape_cast %broadcast_in_dim3A_772 : vector<16x1xi32> to vector<16xi32>
        %gather3A_774 = tpu.dynamic_gather %add3A_503[%gather3A_773] in [0] : vector<16xf32>, vector<16xi32> -> vector<16xf32>
        %add3A_775 = arith.addf %add3A_503, %gather3A_774 : vector<16xf32>
        %lt3A_776 = arith.constant 0 : i32
        %lt3A_777 = vector.broadcast %lt3A_776 : i32 to vector<16xi32>
        %lt3A_778 = arith.cmpi slt, %xor3A_99, %lt3A_777 : vector<16xi32>
        %add3A_779 = arith.constant 16 : i32
        %add3A_780 = vector.broadcast %add3A_779 : i32 to vector<16xi32>
        %add3A_781 = arith.addi %xor3A_99, %add3A_780 : vector<16xi32>
        %select_n3A_782 = arith.select %lt3A_778, %add3A_781, %xor3A_99 : vector<16xi1>, vector<16xi32>
        %broadcast_in_dim3A_783 = vector.shape_cast %select_n3A_782 : vector<16xi32> to vector<16x1xi32>
        %gather3A_784 = vector.shape_cast %broadcast_in_dim3A_783 : vector<16x1xi32> to vector<16xi32>
        %gather3A_785 = tpu.dynamic_gather %add3A_567[%gather3A_784] in [0] : vector<16xf32>, vector<16xi32> -> vector<16xf32>
        %add3A_786 = arith.addf %add3A_567, %gather3A_785 : vector<16xf32>
        %select_n3A_787 = arith.select %eq3A_112, %add3A_775, %add3A_786 : vector<16xi1>, vector<16xf32>
        %lt3A_788 = arith.constant 0 : i32
        %lt3A_789 = vector.broadcast %lt3A_788 : i32 to vector<16xi32>
        %lt3A_790 = arith.cmpi slt, %xor3A_99, %lt3A_789 : vector<16xi32>
        %add3A_791 = arith.constant 16 : i32
        %add3A_792 = vector.broadcast %add3A_791 : i32 to vector<16xi32>
        %add3A_793 = arith.addi %xor3A_99, %add3A_792 : vector<16xi32>
        %select_n3A_794 = arith.select %lt3A_790, %add3A_793, %xor3A_99 : vector<16xi1>, vector<16xi32>
        %broadcast_in_dim3A_795 = vector.shape_cast %select_n3A_794 : vector<16xi32> to vector<16x1xi32>
        %gather3A_796 = vector.shape_cast %broadcast_in_dim3A_795 : vector<16x1xi32> to vector<16xi32>
        %gather3A_797 = tpu.dynamic_gather %add3A_631[%gather3A_796] in [0] : vector<16xf32>, vector<16xi32> -> vector<16xf32>
        %add3A_798 = arith.addf %add3A_631, %gather3A_797 : vector<16xf32>
        %lt3A_799 = arith.constant 0 : i32
        %lt3A_800 = vector.broadcast %lt3A_799 : i32 to vector<16xi32>
        %lt3A_801 = arith.cmpi slt, %xor3A_99, %lt3A_800 : vector<16xi32>
        %add3A_802 = arith.constant 16 : i32
        %add3A_803 = vector.broadcast %add3A_802 : i32 to vector<16xi32>
        %add3A_804 = arith.addi %xor3A_99, %add3A_803 : vector<16xi32>
        %select_n3A_805 = arith.select %lt3A_801, %add3A_804, %xor3A_99 : vector<16xi1>, vector<16xi32>
        %broadcast_in_dim3A_806 = vector.shape_cast %select_n3A_805 : vector<16xi32> to vector<16x1xi32>
        %gather3A_807 = vector.shape_cast %broadcast_in_dim3A_806 : vector<16x1xi32> to vector<16xi32>
        %gather3A_808 = tpu.dynamic_gather %add3A_695[%gather3A_807] in [0] : vector<16xf32>, vector<16xi32> -> vector<16xf32>
        %add3A_809 = arith.addf %add3A_695, %gather3A_808 : vector<16xf32>
        %select_n3A_810 = arith.select %eq3A_112, %add3A_798, %add3A_809 : vector<16xi1>, vector<16xf32>
        %lt3A_811 = arith.constant 0 : i32
        %lt3A_812 = vector.broadcast %lt3A_811 : i32 to vector<16xi32>
        %lt3A_813 = arith.cmpi slt, %xor3A_102, %lt3A_812 : vector<16xi32>
        %add3A_814 = arith.constant 16 : i32
        %add3A_815 = vector.broadcast %add3A_814 : i32 to vector<16xi32>
        %add3A_816 = arith.addi %xor3A_102, %add3A_815 : vector<16xi32>
        %select_n3A_817 = arith.select %lt3A_813, %add3A_816, %xor3A_102 : vector<16xi1>, vector<16xi32>
        %broadcast_in_dim3A_818 = vector.shape_cast %select_n3A_817 : vector<16xi32> to vector<16x1xi32>
        %gather3A_819 = vector.shape_cast %broadcast_in_dim3A_818 : vector<16x1xi32> to vector<16xi32>
        %gather3A_820 = tpu.dynamic_gather %select_n3A_741[%gather3A_819] in [0] : vector<16xf32>, vector<16xi32> -> vector<16xf32>
        %add3A_821 = arith.addf %select_n3A_741, %gather3A_820 : vector<16xf32>
        %lt3A_822 = arith.constant 0 : i32
        %lt3A_823 = vector.broadcast %lt3A_822 : i32 to vector<16xi32>
        %lt3A_824 = arith.cmpi slt, %xor3A_102, %lt3A_823 : vector<16xi32>
        %add3A_825 = arith.constant 16 : i32
        %add3A_826 = vector.broadcast %add3A_825 : i32 to vector<16xi32>
        %add3A_827 = arith.addi %xor3A_102, %add3A_826 : vector<16xi32>
        %select_n3A_828 = arith.select %lt3A_824, %add3A_827, %xor3A_102 : vector<16xi1>, vector<16xi32>
        %broadcast_in_dim3A_829 = vector.shape_cast %select_n3A_828 : vector<16xi32> to vector<16x1xi32>
        %gather3A_830 = vector.shape_cast %broadcast_in_dim3A_829 : vector<16x1xi32> to vector<16xi32>
        %gather3A_831 = tpu.dynamic_gather %select_n3A_764[%gather3A_830] in [0] : vector<16xf32>, vector<16xi32> -> vector<16xf32>
        %add3A_832 = arith.addf %select_n3A_764, %gather3A_831 : vector<16xf32>
        %select_n3A_833 = arith.select %eq3A_118, %add3A_821, %add3A_832 : vector<16xi1>, vector<16xf32>
        %lt3A_834 = arith.constant 0 : i32
        %lt3A_835 = vector.broadcast %lt3A_834 : i32 to vector<16xi32>
        %lt3A_836 = arith.cmpi slt, %xor3A_102, %lt3A_835 : vector<16xi32>
        %add3A_837 = arith.constant 16 : i32
        %add3A_838 = vector.broadcast %add3A_837 : i32 to vector<16xi32>
        %add3A_839 = arith.addi %xor3A_102, %add3A_838 : vector<16xi32>
        %select_n3A_840 = arith.select %lt3A_836, %add3A_839, %xor3A_102 : vector<16xi1>, vector<16xi32>
        %broadcast_in_dim3A_841 = vector.shape_cast %select_n3A_840 : vector<16xi32> to vector<16x1xi32>
        %gather3A_842 = vector.shape_cast %broadcast_in_dim3A_841 : vector<16x1xi32> to vector<16xi32>
        %gather3A_843 = tpu.dynamic_gather %select_n3A_787[%gather3A_842] in [0] : vector<16xf32>, vector<16xi32> -> vector<16xf32>
        %add3A_844 = arith.addf %select_n3A_787, %gather3A_843 : vector<16xf32>
        %lt3A_845 = arith.constant 0 : i32
        %lt3A_846 = vector.broadcast %lt3A_845 : i32 to vector<16xi32>
        %lt3A_847 = arith.cmpi slt, %xor3A_102, %lt3A_846 : vector<16xi32>
        %add3A_848 = arith.constant 16 : i32
        %add3A_849 = vector.broadcast %add3A_848 : i32 to vector<16xi32>
        %add3A_850 = arith.addi %xor3A_102, %add3A_849 : vector<16xi32>
        %select_n3A_851 = arith.select %lt3A_847, %add3A_850, %xor3A_102 : vector<16xi1>, vector<16xi32>
        %broadcast_in_dim3A_852 = vector.shape_cast %select_n3A_851 : vector<16xi32> to vector<16x1xi32>
        %gather3A_853 = vector.shape_cast %broadcast_in_dim3A_852 : vector<16x1xi32> to vector<16xi32>
        %gather3A_854 = tpu.dynamic_gather %select_n3A_810[%gather3A_853] in [0] : vector<16xf32>, vector<16xi32> -> vector<16xf32>
        %add3A_855 = arith.addf %select_n3A_810, %gather3A_854 : vector<16xf32>
        %select_n3A_856 = arith.select %eq3A_118, %add3A_844, %add3A_855 : vector<16xi1>, vector<16xf32>
        %lt3A_857 = arith.constant 0 : i32
        %lt3A_858 = vector.broadcast %lt3A_857 : i32 to vector<16xi32>
        %lt3A_859 = arith.cmpi slt, %xor3A_105, %lt3A_858 : vector<16xi32>
        %add3A_860 = arith.constant 16 : i32
        %add3A_861 = vector.broadcast %add3A_860 : i32 to vector<16xi32>
        %add3A_862 = arith.addi %xor3A_105, %add3A_861 : vector<16xi32>
        %select_n3A_863 = arith.select %lt3A_859, %add3A_862, %xor3A_105 : vector<16xi1>, vector<16xi32>
        %broadcast_in_dim3A_864 = vector.shape_cast %select_n3A_863 : vector<16xi32> to vector<16x1xi32>
        %gather3A_865 = vector.shape_cast %broadcast_in_dim3A_864 : vector<16x1xi32> to vector<16xi32>
        %gather3A_866 = tpu.dynamic_gather %select_n3A_833[%gather3A_865] in [0] : vector<16xf32>, vector<16xi32> -> vector<16xf32>
        %add3A_867 = arith.addf %select_n3A_833, %gather3A_866 : vector<16xf32>
        %lt3A_868 = arith.constant 0 : i32
        %lt3A_869 = vector.broadcast %lt3A_868 : i32 to vector<16xi32>
        %lt3A_870 = arith.cmpi slt, %xor3A_105, %lt3A_869 : vector<16xi32>
        %add3A_871 = arith.constant 16 : i32
        %add3A_872 = vector.broadcast %add3A_871 : i32 to vector<16xi32>
        %add3A_873 = arith.addi %xor3A_105, %add3A_872 : vector<16xi32>
        %select_n3A_874 = arith.select %lt3A_870, %add3A_873, %xor3A_105 : vector<16xi1>, vector<16xi32>
        %broadcast_in_dim3A_875 = vector.shape_cast %select_n3A_874 : vector<16xi32> to vector<16x1xi32>
        %gather3A_876 = vector.shape_cast %broadcast_in_dim3A_875 : vector<16x1xi32> to vector<16xi32>
        %gather3A_877 = tpu.dynamic_gather %select_n3A_856[%gather3A_876] in [0] : vector<16xf32>, vector<16xi32> -> vector<16xf32>
        %add3A_878 = arith.addf %select_n3A_856, %gather3A_877 : vector<16xf32>
        %select_n3A_879 = arith.select %eq3A_124, %add3A_867, %add3A_878 : vector<16xi1>, vector<16xf32>
        %lt3A_880 = arith.constant 0 : i32
        %lt3A_881 = vector.broadcast %lt3A_880 : i32 to vector<16xi32>
        %lt3A_882 = arith.cmpi slt, %xor3A_108, %lt3A_881 : vector<16xi32>
        %add3A_883 = arith.constant 16 : i32
        %add3A_884 = vector.broadcast %add3A_883 : i32 to vector<16xi32>
        %add3A_885 = arith.addi %xor3A_108, %add3A_884 : vector<16xi32>
        %select_n3A_886 = arith.select %lt3A_882, %add3A_885, %xor3A_108 : vector<16xi1>, vector<16xi32>
        %broadcast_in_dim3A_887 = vector.shape_cast %select_n3A_886 : vector<16xi32> to vector<16x1xi32>
        %gather3A_888 = vector.shape_cast %broadcast_in_dim3A_887 : vector<16x1xi32> to vector<16xi32>
        %gather3A_889 = tpu.dynamic_gather %select_n3A_879[%gather3A_888] in [0] : vector<16xf32>, vector<16xi32> -> vector<16xf32>
        %add3A_890 = arith.addf %select_n3A_879, %gather3A_889 : vector<16xf32>
        %lt3A_891 = arith.constant 0 : i32
        %lt3A_892 = vector.broadcast %lt3A_891 : i32 to vector<16xi32>
        %lt3A_893 = arith.cmpi slt, %xor3A_99, %lt3A_892 : vector<16xi32>
        %add3A_894 = arith.constant 16 : i32
        %add3A_895 = vector.broadcast %add3A_894 : i32 to vector<16xi32>
        %add3A_896 = arith.addi %xor3A_99, %add3A_895 : vector<16xi32>
        %select_n3A_897 = arith.select %lt3A_893, %add3A_896, %xor3A_99 : vector<16xi1>, vector<16xi32>
        %broadcast_in_dim3A_898 = vector.shape_cast %select_n3A_897 : vector<16xi32> to vector<16x1xi32>
        %gather3A_899 = vector.shape_cast %broadcast_in_dim3A_898 : vector<16x1xi32> to vector<16xi32>
        %gather3A_900 = tpu.dynamic_gather %add3A_260[%gather3A_899] in [0] : vector<16xf32>, vector<16xi32> -> vector<16xf32>
        %add3A_901 = arith.addf %add3A_260, %gather3A_900 : vector<16xf32>
        %lt3A_902 = arith.constant 0 : i32
        %lt3A_903 = vector.broadcast %lt3A_902 : i32 to vector<16xi32>
        %lt3A_904 = arith.cmpi slt, %xor3A_99, %lt3A_903 : vector<16xi32>
        %add3A_905 = arith.constant 16 : i32
        %add3A_906 = vector.broadcast %add3A_905 : i32 to vector<16xi32>
        %add3A_907 = arith.addi %xor3A_99, %add3A_906 : vector<16xi32>
        %select_n3A_908 = arith.select %lt3A_904, %add3A_907, %xor3A_99 : vector<16xi1>, vector<16xi32>
        %broadcast_in_dim3A_909 = vector.shape_cast %select_n3A_908 : vector<16xi32> to vector<16x1xi32>
        %gather3A_910 = vector.shape_cast %broadcast_in_dim3A_909 : vector<16x1xi32> to vector<16xi32>
        %gather3A_911 = tpu.dynamic_gather %add3A_324[%gather3A_910] in [0] : vector<16xf32>, vector<16xi32> -> vector<16xf32>
        %add3A_912 = arith.addf %add3A_324, %gather3A_911 : vector<16xf32>
        %select_n3A_913 = arith.select %eq3A_112, %add3A_901, %add3A_912 : vector<16xi1>, vector<16xf32>
        %lt3A_914 = arith.constant 0 : i32
        %lt3A_915 = vector.broadcast %lt3A_914 : i32 to vector<16xi32>
        %lt3A_916 = arith.cmpi slt, %xor3A_99, %lt3A_915 : vector<16xi32>
        %add3A_917 = arith.constant 16 : i32
        %add3A_918 = vector.broadcast %add3A_917 : i32 to vector<16xi32>
        %add3A_919 = arith.addi %xor3A_99, %add3A_918 : vector<16xi32>
        %select_n3A_920 = arith.select %lt3A_916, %add3A_919, %xor3A_99 : vector<16xi1>, vector<16xi32>
        %broadcast_in_dim3A_921 = vector.shape_cast %select_n3A_920 : vector<16xi32> to vector<16x1xi32>
        %gather3A_922 = vector.shape_cast %broadcast_in_dim3A_921 : vector<16x1xi32> to vector<16xi32>
        %gather3A_923 = tpu.dynamic_gather %add3A_388[%gather3A_922] in [0] : vector<16xf32>, vector<16xi32> -> vector<16xf32>
        %add3A_924 = arith.addf %add3A_388, %gather3A_923 : vector<16xf32>
        %lt3A_925 = arith.constant 0 : i32
        %lt3A_926 = vector.broadcast %lt3A_925 : i32 to vector<16xi32>
        %lt3A_927 = arith.cmpi slt, %xor3A_99, %lt3A_926 : vector<16xi32>
        %add3A_928 = arith.constant 16 : i32
        %add3A_929 = vector.broadcast %add3A_928 : i32 to vector<16xi32>
        %add3A_930 = arith.addi %xor3A_99, %add3A_929 : vector<16xi32>
        %select_n3A_931 = arith.select %lt3A_927, %add3A_930, %xor3A_99 : vector<16xi1>, vector<16xi32>
        %broadcast_in_dim3A_932 = vector.shape_cast %select_n3A_931 : vector<16xi32> to vector<16x1xi32>
        %gather3A_933 = vector.shape_cast %broadcast_in_dim3A_932 : vector<16x1xi32> to vector<16xi32>
        %gather3A_934 = tpu.dynamic_gather %add3A_452[%gather3A_933] in [0] : vector<16xf32>, vector<16xi32> -> vector<16xf32>
        %add3A_935 = arith.addf %add3A_452, %gather3A_934 : vector<16xf32>
        %select_n3A_936 = arith.select %eq3A_112, %add3A_924, %add3A_935 : vector<16xi1>, vector<16xf32>
        %lt3A_937 = arith.constant 0 : i32
        %lt3A_938 = vector.broadcast %lt3A_937 : i32 to vector<16xi32>
        %lt3A_939 = arith.cmpi slt, %xor3A_99, %lt3A_938 : vector<16xi32>
        %add3A_940 = arith.constant 16 : i32
        %add3A_941 = vector.broadcast %add3A_940 : i32 to vector<16xi32>
        %add3A_942 = arith.addi %xor3A_99, %add3A_941 : vector<16xi32>
        %select_n3A_943 = arith.select %lt3A_939, %add3A_942, %xor3A_99 : vector<16xi1>, vector<16xi32>
        %broadcast_in_dim3A_944 = vector.shape_cast %select_n3A_943 : vector<16xi32> to vector<16x1xi32>
        %gather3A_945 = vector.shape_cast %broadcast_in_dim3A_944 : vector<16x1xi32> to vector<16xi32>
        %gather3A_946 = tpu.dynamic_gather %add3A_516[%gather3A_945] in [0] : vector<16xf32>, vector<16xi32> -> vector<16xf32>
        %add3A_947 = arith.addf %add3A_516, %gather3A_946 : vector<16xf32>
        %lt3A_948 = arith.constant 0 : i32
        %lt3A_949 = vector.broadcast %lt3A_948 : i32 to vector<16xi32>
        %lt3A_950 = arith.cmpi slt, %xor3A_99, %lt3A_949 : vector<16xi32>
        %add3A_951 = arith.constant 16 : i32
        %add3A_952 = vector.broadcast %add3A_951 : i32 to vector<16xi32>
        %add3A_953 = arith.addi %xor3A_99, %add3A_952 : vector<16xi32>
        %select_n3A_954 = arith.select %lt3A_950, %add3A_953, %xor3A_99 : vector<16xi1>, vector<16xi32>
        %broadcast_in_dim3A_955 = vector.shape_cast %select_n3A_954 : vector<16xi32> to vector<16x1xi32>
        %gather3A_956 = vector.shape_cast %broadcast_in_dim3A_955 : vector<16x1xi32> to vector<16xi32>
        %gather3A_957 = tpu.dynamic_gather %add3A_580[%gather3A_956] in [0] : vector<16xf32>, vector<16xi32> -> vector<16xf32>
        %add3A_958 = arith.addf %add3A_580, %gather3A_957 : vector<16xf32>
        %select_n3A_959 = arith.select %eq3A_112, %add3A_947, %add3A_958 : vector<16xi1>, vector<16xf32>
        %lt3A_960 = arith.constant 0 : i32
        %lt3A_961 = vector.broadcast %lt3A_960 : i32 to vector<16xi32>
        %lt3A_962 = arith.cmpi slt, %xor3A_99, %lt3A_961 : vector<16xi32>
        %add3A_963 = arith.constant 16 : i32
        %add3A_964 = vector.broadcast %add3A_963 : i32 to vector<16xi32>
        %add3A_965 = arith.addi %xor3A_99, %add3A_964 : vector<16xi32>
        %select_n3A_966 = arith.select %lt3A_962, %add3A_965, %xor3A_99 : vector<16xi1>, vector<16xi32>
        %broadcast_in_dim3A_967 = vector.shape_cast %select_n3A_966 : vector<16xi32> to vector<16x1xi32>
        %gather3A_968 = vector.shape_cast %broadcast_in_dim3A_967 : vector<16x1xi32> to vector<16xi32>
        %gather3A_969 = tpu.dynamic_gather %add3A_644[%gather3A_968] in [0] : vector<16xf32>, vector<16xi32> -> vector<16xf32>
        %add3A_970 = arith.addf %add3A_644, %gather3A_969 : vector<16xf32>
        %lt3A_971 = arith.constant 0 : i32
        %lt3A_972 = vector.broadcast %lt3A_971 : i32 to vector<16xi32>
        %lt3A_973 = arith.cmpi slt, %xor3A_99, %lt3A_972 : vector<16xi32>
        %add3A_974 = arith.constant 16 : i32
        %add3A_975 = vector.broadcast %add3A_974 : i32 to vector<16xi32>
        %add3A_976 = arith.addi %xor3A_99, %add3A_975 : vector<16xi32>
        %select_n3A_977 = arith.select %lt3A_973, %add3A_976, %xor3A_99 : vector<16xi1>, vector<16xi32>
        %broadcast_in_dim3A_978 = vector.shape_cast %select_n3A_977 : vector<16xi32> to vector<16x1xi32>
        %gather3A_979 = vector.shape_cast %broadcast_in_dim3A_978 : vector<16x1xi32> to vector<16xi32>
        %gather3A_980 = tpu.dynamic_gather %add3A_708[%gather3A_979] in [0] : vector<16xf32>, vector<16xi32> -> vector<16xf32>
        %add3A_981 = arith.addf %add3A_708, %gather3A_980 : vector<16xf32>
        %select_n3A_982 = arith.select %eq3A_112, %add3A_970, %add3A_981 : vector<16xi1>, vector<16xf32>
        %lt3A_983 = arith.constant 0 : i32
        %lt3A_984 = vector.broadcast %lt3A_983 : i32 to vector<16xi32>
        %lt3A_985 = arith.cmpi slt, %xor3A_102, %lt3A_984 : vector<16xi32>
        %add3A_986 = arith.constant 16 : i32
        %add3A_987 = vector.broadcast %add3A_986 : i32 to vector<16xi32>
        %add3A_988 = arith.addi %xor3A_102, %add3A_987 : vector<16xi32>
        %select_n3A_989 = arith.select %lt3A_985, %add3A_988, %xor3A_102 : vector<16xi1>, vector<16xi32>
        %broadcast_in_dim3A_990 = vector.shape_cast %select_n3A_989 : vector<16xi32> to vector<16x1xi32>
        %gather3A_991 = vector.shape_cast %broadcast_in_dim3A_990 : vector<16x1xi32> to vector<16xi32>
        %gather3A_992 = tpu.dynamic_gather %select_n3A_913[%gather3A_991] in [0] : vector<16xf32>, vector<16xi32> -> vector<16xf32>
        %add3A_993 = arith.addf %select_n3A_913, %gather3A_992 : vector<16xf32>
        %lt3A_994 = arith.constant 0 : i32
        %lt3A_995 = vector.broadcast %lt3A_994 : i32 to vector<16xi32>
        %lt3A_996 = arith.cmpi slt, %xor3A_102, %lt3A_995 : vector<16xi32>
        %add3A_997 = arith.constant 16 : i32
        %add3A_998 = vector.broadcast %add3A_997 : i32 to vector<16xi32>
        %add3A_999 = arith.addi %xor3A_102, %add3A_998 : vector<16xi32>
        %select_n3A_1000 = arith.select %lt3A_996, %add3A_999, %xor3A_102 : vector<16xi1>, vector<16xi32>
        %broadcast_in_dim3A_1001 = vector.shape_cast %select_n3A_1000 : vector<16xi32> to vector<16x1xi32>
        %gather3A_1002 = vector.shape_cast %broadcast_in_dim3A_1001 : vector<16x1xi32> to vector<16xi32>
        %gather3A_1003 = tpu.dynamic_gather %select_n3A_936[%gather3A_1002] in [0] : vector<16xf32>, vector<16xi32> -> vector<16xf32>
        %add3A_1004 = arith.addf %select_n3A_936, %gather3A_1003 : vector<16xf32>
        %select_n3A_1005 = arith.select %eq3A_118, %add3A_993, %add3A_1004 : vector<16xi1>, vector<16xf32>
        %lt3A_1006 = arith.constant 0 : i32
        %lt3A_1007 = vector.broadcast %lt3A_1006 : i32 to vector<16xi32>
        %lt3A_1008 = arith.cmpi slt, %xor3A_102, %lt3A_1007 : vector<16xi32>
        %add3A_1009 = arith.constant 16 : i32
        %add3A_1010 = vector.broadcast %add3A_1009 : i32 to vector<16xi32>
        %add3A_1011 = arith.addi %xor3A_102, %add3A_1010 : vector<16xi32>
        %select_n3A_1012 = arith.select %lt3A_1008, %add3A_1011, %xor3A_102 : vector<16xi1>, vector<16xi32>
        %broadcast_in_dim3A_1013 = vector.shape_cast %select_n3A_1012 : vector<16xi32> to vector<16x1xi32>
        %gather3A_1014 = vector.shape_cast %broadcast_in_dim3A_1013 : vector<16x1xi32> to vector<16xi32>
        %gather3A_1015 = tpu.dynamic_gather %select_n3A_959[%gather3A_1014] in [0] : vector<16xf32>, vector<16xi32> -> vector<16xf32>
        %add3A_1016 = arith.addf %select_n3A_959, %gather3A_1015 : vector<16xf32>
        %lt3A_1017 = arith.constant 0 : i32
        %lt3A_1018 = vector.broadcast %lt3A_1017 : i32 to vector<16xi32>
        %lt3A_1019 = arith.cmpi slt, %xor3A_102, %lt3A_1018 : vector<16xi32>
        %add3A_1020 = arith.constant 16 : i32
        %add3A_1021 = vector.broadcast %add3A_1020 : i32 to vector<16xi32>
        %add3A_1022 = arith.addi %xor3A_102, %add3A_1021 : vector<16xi32>
        %select_n3A_1023 = arith.select %lt3A_1019, %add3A_1022, %xor3A_102 : vector<16xi1>, vector<16xi32>
        %broadcast_in_dim3A_1024 = vector.shape_cast %select_n3A_1023 : vector<16xi32> to vector<16x1xi32>
        %gather3A_1025 = vector.shape_cast %broadcast_in_dim3A_1024 : vector<16x1xi32> to vector<16xi32>
        %gather3A_1026 = tpu.dynamic_gather %select_n3A_982[%gather3A_1025] in [0] : vector<16xf32>, vector<16xi32> -> vector<16xf32>
        %add3A_1027 = arith.addf %select_n3A_982, %gather3A_1026 : vector<16xf32>
        %select_n3A_1028 = arith.select %eq3A_118, %add3A_1016, %add3A_1027 : vector<16xi1>, vector<16xf32>
        %lt3A_1029 = arith.constant 0 : i32
        %lt3A_1030 = vector.broadcast %lt3A_1029 : i32 to vector<16xi32>
        %lt3A_1031 = arith.cmpi slt, %xor3A_105, %lt3A_1030 : vector<16xi32>
        %add3A_1032 = arith.constant 16 : i32
        %add3A_1033 = vector.broadcast %add3A_1032 : i32 to vector<16xi32>
        %add3A_1034 = arith.addi %xor3A_105, %add3A_1033 : vector<16xi32>
        %select_n3A_1035 = arith.select %lt3A_1031, %add3A_1034, %xor3A_105 : vector<16xi1>, vector<16xi32>
        %broadcast_in_dim3A_1036 = vector.shape_cast %select_n3A_1035 : vector<16xi32> to vector<16x1xi32>
        %gather3A_1037 = vector.shape_cast %broadcast_in_dim3A_1036 : vector<16x1xi32> to vector<16xi32>
        %gather3A_1038 = tpu.dynamic_gather %select_n3A_1005[%gather3A_1037] in [0] : vector<16xf32>, vector<16xi32> -> vector<16xf32>
        %add3A_1039 = arith.addf %select_n3A_1005, %gather3A_1038 : vector<16xf32>
        %lt3A_1040 = arith.constant 0 : i32
        %lt3A_1041 = vector.broadcast %lt3A_1040 : i32 to vector<16xi32>
        %lt3A_1042 = arith.cmpi slt, %xor3A_105, %lt3A_1041 : vector<16xi32>
        %add3A_1043 = arith.constant 16 : i32
        %add3A_1044 = vector.broadcast %add3A_1043 : i32 to vector<16xi32>
        %add3A_1045 = arith.addi %xor3A_105, %add3A_1044 : vector<16xi32>
        %select_n3A_1046 = arith.select %lt3A_1042, %add3A_1045, %xor3A_105 : vector<16xi1>, vector<16xi32>
        %broadcast_in_dim3A_1047 = vector.shape_cast %select_n3A_1046 : vector<16xi32> to vector<16x1xi32>
        %gather3A_1048 = vector.shape_cast %broadcast_in_dim3A_1047 : vector<16x1xi32> to vector<16xi32>
        %gather3A_1049 = tpu.dynamic_gather %select_n3A_1028[%gather3A_1048] in [0] : vector<16xf32>, vector<16xi32> -> vector<16xf32>
        %add3A_1050 = arith.addf %select_n3A_1028, %gather3A_1049 : vector<16xf32>
        %select_n3A_1051 = arith.select %eq3A_124, %add3A_1039, %add3A_1050 : vector<16xi1>, vector<16xf32>
        %lt3A_1052 = arith.constant 0 : i32
        %lt3A_1053 = vector.broadcast %lt3A_1052 : i32 to vector<16xi32>
        %lt3A_1054 = arith.cmpi slt, %xor3A_108, %lt3A_1053 : vector<16xi32>
        %add3A_1055 = arith.constant 16 : i32
        %add3A_1056 = vector.broadcast %add3A_1055 : i32 to vector<16xi32>
        %add3A_1057 = arith.addi %xor3A_108, %add3A_1056 : vector<16xi32>
        %select_n3A_1058 = arith.select %lt3A_1054, %add3A_1057, %xor3A_108 : vector<16xi1>, vector<16xi32>
        %broadcast_in_dim3A_1059 = vector.shape_cast %select_n3A_1058 : vector<16xi32> to vector<16x1xi32>
        %gather3A_1060 = vector.shape_cast %broadcast_in_dim3A_1059 : vector<16x1xi32> to vector<16xi32>
        %gather3A_1061 = tpu.dynamic_gather %select_n3A_1051[%gather3A_1060] in [0] : vector<16xf32>, vector<16xi32> -> vector<16xf32>
        %add3A_1062 = arith.addf %select_n3A_1051, %gather3A_1061 : vector<16xf32>
        %lt3A_1063 = arith.constant 0 : i32
        %lt3A_1064 = vector.broadcast %lt3A_1063 : i32 to vector<16xi32>
        %lt3A_1065 = arith.cmpi slt, %xor3A_99, %lt3A_1064 : vector<16xi32>
        %add3A_1066 = arith.constant 16 : i32
        %add3A_1067 = vector.broadcast %add3A_1066 : i32 to vector<16xi32>
        %add3A_1068 = arith.addi %xor3A_99, %add3A_1067 : vector<16xi32>
        %select_n3A_1069 = arith.select %lt3A_1065, %add3A_1068, %xor3A_99 : vector<16xi1>, vector<16xi32>
        %broadcast_in_dim3A_1070 = vector.shape_cast %select_n3A_1069 : vector<16xi32> to vector<16x1xi32>
        %gather3A_1071 = vector.shape_cast %broadcast_in_dim3A_1070 : vector<16x1xi32> to vector<16xi32>
        %gather3A_1072 = tpu.dynamic_gather %add3A_273[%gather3A_1071] in [0] : vector<16xf32>, vector<16xi32> -> vector<16xf32>
        %add3A_1073 = arith.addf %add3A_273, %gather3A_1072 : vector<16xf32>
        %lt3A_1074 = arith.constant 0 : i32
        %lt3A_1075 = vector.broadcast %lt3A_1074 : i32 to vector<16xi32>
        %lt3A_1076 = arith.cmpi slt, %xor3A_99, %lt3A_1075 : vector<16xi32>
        %add3A_1077 = arith.constant 16 : i32
        %add3A_1078 = vector.broadcast %add3A_1077 : i32 to vector<16xi32>
        %add3A_1079 = arith.addi %xor3A_99, %add3A_1078 : vector<16xi32>
        %select_n3A_1080 = arith.select %lt3A_1076, %add3A_1079, %xor3A_99 : vector<16xi1>, vector<16xi32>
        %broadcast_in_dim3A_1081 = vector.shape_cast %select_n3A_1080 : vector<16xi32> to vector<16x1xi32>
        %gather3A_1082 = vector.shape_cast %broadcast_in_dim3A_1081 : vector<16x1xi32> to vector<16xi32>
        %gather3A_1083 = tpu.dynamic_gather %add3A_337[%gather3A_1082] in [0] : vector<16xf32>, vector<16xi32> -> vector<16xf32>
        %add3A_1084 = arith.addf %add3A_337, %gather3A_1083 : vector<16xf32>
        %select_n3A_1085 = arith.select %eq3A_112, %add3A_1073, %add3A_1084 : vector<16xi1>, vector<16xf32>
        %lt3A_1086 = arith.constant 0 : i32
        %lt3A_1087 = vector.broadcast %lt3A_1086 : i32 to vector<16xi32>
        %lt3A_1088 = arith.cmpi slt, %xor3A_99, %lt3A_1087 : vector<16xi32>
        %add3A_1089 = arith.constant 16 : i32
        %add3A_1090 = vector.broadcast %add3A_1089 : i32 to vector<16xi32>
        %add3A_1091 = arith.addi %xor3A_99, %add3A_1090 : vector<16xi32>
        %select_n3A_1092 = arith.select %lt3A_1088, %add3A_1091, %xor3A_99 : vector<16xi1>, vector<16xi32>
        %broadcast_in_dim3A_1093 = vector.shape_cast %select_n3A_1092 : vector<16xi32> to vector<16x1xi32>
        %gather3A_1094 = vector.shape_cast %broadcast_in_dim3A_1093 : vector<16x1xi32> to vector<16xi32>
        %gather3A_1095 = tpu.dynamic_gather %add3A_401[%gather3A_1094] in [0] : vector<16xf32>, vector<16xi32> -> vector<16xf32>
        %add3A_1096 = arith.addf %add3A_401, %gather3A_1095 : vector<16xf32>
        %lt3A_1097 = arith.constant 0 : i32
        %lt3A_1098 = vector.broadcast %lt3A_1097 : i32 to vector<16xi32>
        %lt3A_1099 = arith.cmpi slt, %xor3A_99, %lt3A_1098 : vector<16xi32>
        %add3A_1100 = arith.constant 16 : i32
        %add3A_1101 = vector.broadcast %add3A_1100 : i32 to vector<16xi32>
        %add3A_1102 = arith.addi %xor3A_99, %add3A_1101 : vector<16xi32>
        %select_n3A_1103 = arith.select %lt3A_1099, %add3A_1102, %xor3A_99 : vector<16xi1>, vector<16xi32>
        %broadcast_in_dim3A_1104 = vector.shape_cast %select_n3A_1103 : vector<16xi32> to vector<16x1xi32>
        %gather3A_1105 = vector.shape_cast %broadcast_in_dim3A_1104 : vector<16x1xi32> to vector<16xi32>
        %gather3A_1106 = tpu.dynamic_gather %add3A_465[%gather3A_1105] in [0] : vector<16xf32>, vector<16xi32> -> vector<16xf32>
        %add3A_1107 = arith.addf %add3A_465, %gather3A_1106 : vector<16xf32>
        %select_n3A_1108 = arith.select %eq3A_112, %add3A_1096, %add3A_1107 : vector<16xi1>, vector<16xf32>
        %lt3A_1109 = arith.constant 0 : i32
        %lt3A_1110 = vector.broadcast %lt3A_1109 : i32 to vector<16xi32>
        %lt3A_1111 = arith.cmpi slt, %xor3A_99, %lt3A_1110 : vector<16xi32>
        %add3A_1112 = arith.constant 16 : i32
        %add3A_1113 = vector.broadcast %add3A_1112 : i32 to vector<16xi32>
        %add3A_1114 = arith.addi %xor3A_99, %add3A_1113 : vector<16xi32>
        %select_n3A_1115 = arith.select %lt3A_1111, %add3A_1114, %xor3A_99 : vector<16xi1>, vector<16xi32>
        %broadcast_in_dim3A_1116 = vector.shape_cast %select_n3A_1115 : vector<16xi32> to vector<16x1xi32>
        %gather3A_1117 = vector.shape_cast %broadcast_in_dim3A_1116 : vector<16x1xi32> to vector<16xi32>
        %gather3A_1118 = tpu.dynamic_gather %add3A_529[%gather3A_1117] in [0] : vector<16xf32>, vector<16xi32> -> vector<16xf32>
        %add3A_1119 = arith.addf %add3A_529, %gather3A_1118 : vector<16xf32>
        %lt3A_1120 = arith.constant 0 : i32
        %lt3A_1121 = vector.broadcast %lt3A_1120 : i32 to vector<16xi32>
        %lt3A_1122 = arith.cmpi slt, %xor3A_99, %lt3A_1121 : vector<16xi32>
        %add3A_1123 = arith.constant 16 : i32
        %add3A_1124 = vector.broadcast %add3A_1123 : i32 to vector<16xi32>
        %add3A_1125 = arith.addi %xor3A_99, %add3A_1124 : vector<16xi32>
        %select_n3A_1126 = arith.select %lt3A_1122, %add3A_1125, %xor3A_99 : vector<16xi1>, vector<16xi32>
        %broadcast_in_dim3A_1127 = vector.shape_cast %select_n3A_1126 : vector<16xi32> to vector<16x1xi32>
        %gather3A_1128 = vector.shape_cast %broadcast_in_dim3A_1127 : vector<16x1xi32> to vector<16xi32>
        %gather3A_1129 = tpu.dynamic_gather %add3A_593[%gather3A_1128] in [0] : vector<16xf32>, vector<16xi32> -> vector<16xf32>
        %add3A_1130 = arith.addf %add3A_593, %gather3A_1129 : vector<16xf32>
        %select_n3A_1131 = arith.select %eq3A_112, %add3A_1119, %add3A_1130 : vector<16xi1>, vector<16xf32>
        %lt3A_1132 = arith.constant 0 : i32
        %lt3A_1133 = vector.broadcast %lt3A_1132 : i32 to vector<16xi32>
        %lt3A_1134 = arith.cmpi slt, %xor3A_99, %lt3A_1133 : vector<16xi32>
        %add3A_1135 = arith.constant 16 : i32
        %add3A_1136 = vector.broadcast %add3A_1135 : i32 to vector<16xi32>
        %add3A_1137 = arith.addi %xor3A_99, %add3A_1136 : vector<16xi32>
        %select_n3A_1138 = arith.select %lt3A_1134, %add3A_1137, %xor3A_99 : vector<16xi1>, vector<16xi32>
        %broadcast_in_dim3A_1139 = vector.shape_cast %select_n3A_1138 : vector<16xi32> to vector<16x1xi32>
        %gather3A_1140 = vector.shape_cast %broadcast_in_dim3A_1139 : vector<16x1xi32> to vector<16xi32>
        %gather3A_1141 = tpu.dynamic_gather %add3A_657[%gather3A_1140] in [0] : vector<16xf32>, vector<16xi32> -> vector<16xf32>
        %add3A_1142 = arith.addf %add3A_657, %gather3A_1141 : vector<16xf32>
        %lt3A_1143 = arith.constant 0 : i32
        %lt3A_1144 = vector.broadcast %lt3A_1143 : i32 to vector<16xi32>
        %lt3A_1145 = arith.cmpi slt, %xor3A_99, %lt3A_1144 : vector<16xi32>
        %add3A_1146 = arith.constant 16 : i32
        %add3A_1147 = vector.broadcast %add3A_1146 : i32 to vector<16xi32>
        %add3A_1148 = arith.addi %xor3A_99, %add3A_1147 : vector<16xi32>
        %select_n3A_1149 = arith.select %lt3A_1145, %add3A_1148, %xor3A_99 : vector<16xi1>, vector<16xi32>
        %broadcast_in_dim3A_1150 = vector.shape_cast %select_n3A_1149 : vector<16xi32> to vector<16x1xi32>
        %gather3A_1151 = vector.shape_cast %broadcast_in_dim3A_1150 : vector<16x1xi32> to vector<16xi32>
        %gather3A_1152 = tpu.dynamic_gather %add3A_721[%gather3A_1151] in [0] : vector<16xf32>, vector<16xi32> -> vector<16xf32>
        %add3A_1153 = arith.addf %add3A_721, %gather3A_1152 : vector<16xf32>
        %select_n3A_1154 = arith.select %eq3A_112, %add3A_1142, %add3A_1153 : vector<16xi1>, vector<16xf32>
        %lt3A_1155 = arith.constant 0 : i32
        %lt3A_1156 = vector.broadcast %lt3A_1155 : i32 to vector<16xi32>
        %lt3A_1157 = arith.cmpi slt, %xor3A_102, %lt3A_1156 : vector<16xi32>
        %add3A_1158 = arith.constant 16 : i32
        %add3A_1159 = vector.broadcast %add3A_1158 : i32 to vector<16xi32>
        %add3A_1160 = arith.addi %xor3A_102, %add3A_1159 : vector<16xi32>
        %select_n3A_1161 = arith.select %lt3A_1157, %add3A_1160, %xor3A_102 : vector<16xi1>, vector<16xi32>
        %broadcast_in_dim3A_1162 = vector.shape_cast %select_n3A_1161 : vector<16xi32> to vector<16x1xi32>
        %gather3A_1163 = vector.shape_cast %broadcast_in_dim3A_1162 : vector<16x1xi32> to vector<16xi32>
        %gather3A_1164 = tpu.dynamic_gather %select_n3A_1085[%gather3A_1163] in [0] : vector<16xf32>, vector<16xi32> -> vector<16xf32>
        %add3A_1165 = arith.addf %select_n3A_1085, %gather3A_1164 : vector<16xf32>
        %lt3A_1166 = arith.constant 0 : i32
        %lt3A_1167 = vector.broadcast %lt3A_1166 : i32 to vector<16xi32>
        %lt3A_1168 = arith.cmpi slt, %xor3A_102, %lt3A_1167 : vector<16xi32>
        %add3A_1169 = arith.constant 16 : i32
        %add3A_1170 = vector.broadcast %add3A_1169 : i32 to vector<16xi32>
        %add3A_1171 = arith.addi %xor3A_102, %add3A_1170 : vector<16xi32>
        %select_n3A_1172 = arith.select %lt3A_1168, %add3A_1171, %xor3A_102 : vector<16xi1>, vector<16xi32>
        %broadcast_in_dim3A_1173 = vector.shape_cast %select_n3A_1172 : vector<16xi32> to vector<16x1xi32>
        %gather3A_1174 = vector.shape_cast %broadcast_in_dim3A_1173 : vector<16x1xi32> to vector<16xi32>
        %gather3A_1175 = tpu.dynamic_gather %select_n3A_1108[%gather3A_1174] in [0] : vector<16xf32>, vector<16xi32> -> vector<16xf32>
        %add3A_1176 = arith.addf %select_n3A_1108, %gather3A_1175 : vector<16xf32>
        %select_n3A_1177 = arith.select %eq3A_118, %add3A_1165, %add3A_1176 : vector<16xi1>, vector<16xf32>
        %lt3A_1178 = arith.constant 0 : i32
        %lt3A_1179 = vector.broadcast %lt3A_1178 : i32 to vector<16xi32>
        %lt3A_1180 = arith.cmpi slt, %xor3A_102, %lt3A_1179 : vector<16xi32>
        %add3A_1181 = arith.constant 16 : i32
        %add3A_1182 = vector.broadcast %add3A_1181 : i32 to vector<16xi32>
        %add3A_1183 = arith.addi %xor3A_102, %add3A_1182 : vector<16xi32>
        %select_n3A_1184 = arith.select %lt3A_1180, %add3A_1183, %xor3A_102 : vector<16xi1>, vector<16xi32>
        %broadcast_in_dim3A_1185 = vector.shape_cast %select_n3A_1184 : vector<16xi32> to vector<16x1xi32>
        %gather3A_1186 = vector.shape_cast %broadcast_in_dim3A_1185 : vector<16x1xi32> to vector<16xi32>
        %gather3A_1187 = tpu.dynamic_gather %select_n3A_1131[%gather3A_1186] in [0] : vector<16xf32>, vector<16xi32> -> vector<16xf32>
        %add3A_1188 = arith.addf %select_n3A_1131, %gather3A_1187 : vector<16xf32>
        %lt3A_1189 = arith.constant 0 : i32
        %lt3A_1190 = vector.broadcast %lt3A_1189 : i32 to vector<16xi32>
        %lt3A_1191 = arith.cmpi slt, %xor3A_102, %lt3A_1190 : vector<16xi32>
        %add3A_1192 = arith.constant 16 : i32
        %add3A_1193 = vector.broadcast %add3A_1192 : i32 to vector<16xi32>
        %add3A_1194 = arith.addi %xor3A_102, %add3A_1193 : vector<16xi32>
        %select_n3A_1195 = arith.select %lt3A_1191, %add3A_1194, %xor3A_102 : vector<16xi1>, vector<16xi32>
        %broadcast_in_dim3A_1196 = vector.shape_cast %select_n3A_1195 : vector<16xi32> to vector<16x1xi32>
        %gather3A_1197 = vector.shape_cast %broadcast_in_dim3A_1196 : vector<16x1xi32> to vector<16xi32>
        %gather3A_1198 = tpu.dynamic_gather %select_n3A_1154[%gather3A_1197] in [0] : vector<16xf32>, vector<16xi32> -> vector<16xf32>
        %add3A_1199 = arith.addf %select_n3A_1154, %gather3A_1198 : vector<16xf32>
        %select_n3A_1200 = arith.select %eq3A_118, %add3A_1188, %add3A_1199 : vector<16xi1>, vector<16xf32>
        %lt3A_1201 = arith.constant 0 : i32
        %lt3A_1202 = vector.broadcast %lt3A_1201 : i32 to vector<16xi32>
        %lt3A_1203 = arith.cmpi slt, %xor3A_105, %lt3A_1202 : vector<16xi32>
        %add3A_1204 = arith.constant 16 : i32
        %add3A_1205 = vector.broadcast %add3A_1204 : i32 to vector<16xi32>
        %add3A_1206 = arith.addi %xor3A_105, %add3A_1205 : vector<16xi32>
        %select_n3A_1207 = arith.select %lt3A_1203, %add3A_1206, %xor3A_105 : vector<16xi1>, vector<16xi32>
        %broadcast_in_dim3A_1208 = vector.shape_cast %select_n3A_1207 : vector<16xi32> to vector<16x1xi32>
        %gather3A_1209 = vector.shape_cast %broadcast_in_dim3A_1208 : vector<16x1xi32> to vector<16xi32>
        %gather3A_1210 = tpu.dynamic_gather %select_n3A_1177[%gather3A_1209] in [0] : vector<16xf32>, vector<16xi32> -> vector<16xf32>
        %add3A_1211 = arith.addf %select_n3A_1177, %gather3A_1210 : vector<16xf32>
        %lt3A_1212 = arith.constant 0 : i32
        %lt3A_1213 = vector.broadcast %lt3A_1212 : i32 to vector<16xi32>
        %lt3A_1214 = arith.cmpi slt, %xor3A_105, %lt3A_1213 : vector<16xi32>
        %add3A_1215 = arith.constant 16 : i32
        %add3A_1216 = vector.broadcast %add3A_1215 : i32 to vector<16xi32>
        %add3A_1217 = arith.addi %xor3A_105, %add3A_1216 : vector<16xi32>
        %select_n3A_1218 = arith.select %lt3A_1214, %add3A_1217, %xor3A_105 : vector<16xi1>, vector<16xi32>
        %broadcast_in_dim3A_1219 = vector.shape_cast %select_n3A_1218 : vector<16xi32> to vector<16x1xi32>
        %gather3A_1220 = vector.shape_cast %broadcast_in_dim3A_1219 : vector<16x1xi32> to vector<16xi32>
        %gather3A_1221 = tpu.dynamic_gather %select_n3A_1200[%gather3A_1220] in [0] : vector<16xf32>, vector<16xi32> -> vector<16xf32>
        %add3A_1222 = arith.addf %select_n3A_1200, %gather3A_1221 : vector<16xf32>
        %select_n3A_1223 = arith.select %eq3A_124, %add3A_1211, %add3A_1222 : vector<16xi1>, vector<16xf32>
        %lt3A_1224 = arith.constant 0 : i32
        %lt3A_1225 = vector.broadcast %lt3A_1224 : i32 to vector<16xi32>
        %lt3A_1226 = arith.cmpi slt, %xor3A_108, %lt3A_1225 : vector<16xi32>
        %add3A_1227 = arith.constant 16 : i32
        %add3A_1228 = vector.broadcast %add3A_1227 : i32 to vector<16xi32>
        %add3A_1229 = arith.addi %xor3A_108, %add3A_1228 : vector<16xi32>
        %select_n3A_1230 = arith.select %lt3A_1226, %add3A_1229, %xor3A_108 : vector<16xi1>, vector<16xi32>
        %broadcast_in_dim3A_1231 = vector.shape_cast %select_n3A_1230 : vector<16xi32> to vector<16x1xi32>
        %gather3A_1232 = vector.shape_cast %broadcast_in_dim3A_1231 : vector<16x1xi32> to vector<16xi32>
        %gather3A_1233 = tpu.dynamic_gather %select_n3A_1223[%gather3A_1232] in [0] : vector<16xf32>, vector<16xi32> -> vector<16xf32>
        %add3A_1234 = arith.addf %select_n3A_1223, %gather3A_1233 : vector<16xf32>
        %add3A_1235 = arith.constant 8 : i32
        %add3A_1236 = arith.addi %mul3A_209, %add3A_1235 : i32
        %add3A_1237 = arith.constant 0 : i32
        %add3A_1238 = arith.addi %add3A_1236, %add3A_1237 : i32
        %get3A_1239 = arith.index_cast %add3A_1238 : i32 to index
        %get3A_1240 = arith.constant 0 : index
        %get3A_1241 = tpu.vector_load %arg7[%get3A_1239, %get3A_1240] {strides = array<i32>} : memref<256x100xf32, #tpu.memory_space<vmem>>, vector<16xf32>,
        %get3A_1242 = arith.index_cast %add3A_1238 : i32 to index
        %get3A_1243 = arith.constant 16 : index
        %get3A_1244 = tpu.vector_load %arg7[%get3A_1242, %get3A_1243] {strides = array<i32>} : memref<256x100xf32, #tpu.memory_space<vmem>>, vector<16xf32>,
        %get3A_1245 = arith.index_cast %add3A_1238 : i32 to index
        %get3A_1246 = arith.constant 32 : index
        %get3A_1247 = tpu.vector_load %arg7[%get3A_1245, %get3A_1246] {strides = array<i32>} : memref<256x100xf32, #tpu.memory_space<vmem>>, vector<16xf32>,
        %get3A_1248 = arith.index_cast %add3A_1238 : i32 to index
        %get3A_1249 = arith.constant 48 : index
        %get3A_1250 = tpu.vector_load %arg7[%get3A_1248, %get3A_1249] {strides = array<i32>} : memref<256x100xf32, #tpu.memory_space<vmem>>, vector<16xf32>,
        %get3A_1251 = arith.index_cast %add3A_1238 : i32 to index
        %get3A_1252 = arith.constant 64 : index
        %get3A_1253 = tpu.vector_load %arg7[%get3A_1251, %get3A_1252] {strides = array<i32>} : memref<256x100xf32, #tpu.memory_space<vmem>>, vector<16xf32>,
        %get3A_1254 = arith.index_cast %add3A_1238 : i32 to index
        %get3A_1255 = arith.constant 80 : index
        %get3A_1256 = tpu.vector_load %arg7[%get3A_1254, %get3A_1255] {strides = array<i32>} : memref<256x100xf32, #tpu.memory_space<vmem>>, vector<16xf32>,
        %get3A_1257 = arith.index_cast %add3A_1238 : i32 to index
        %get3A_1258 = arith.constant 84 : index
        %get3A_1259 = tpu.vector_load %arg7[%get3A_1257, %get3A_1258] {strides = array<i32>} : memref<256x100xf32, #tpu.memory_space<vmem>>, vector<16xf32>,
        %mul3A_1260 = arith.mulf %get3A_1241, %get3A_5 : vector<16xf32>
        %mul3A_1261 = arith.mulf %get3A_1244, %get3A_9 : vector<16xf32>
        %add3A_1262 = arith.addf %mul3A_1260, %mul3A_1261 : vector<16xf32>
        %mul3A_1263 = arith.mulf %get3A_1247, %get3A_13 : vector<16xf32>
        %add3A_1264 = arith.addf %add3A_1262, %mul3A_1263 : vector<16xf32>
        %mul3A_1265 = arith.mulf %get3A_1250, %get3A_17 : vector<16xf32>
        %add3A_1266 = arith.addf %add3A_1264, %mul3A_1265 : vector<16xf32>
        %mul3A_1267 = arith.mulf %get3A_1253, %get3A_21 : vector<16xf32>
        %add3A_1268 = arith.addf %add3A_1266, %mul3A_1267 : vector<16xf32>
        %mul3A_1269 = arith.mulf %get3A_1256, %get3A_25 : vector<16xf32>
        %add3A_1270 = arith.addf %add3A_1268, %mul3A_1269 : vector<16xf32>
        %mul3A_1271 = arith.mulf %get3A_1259, %get3A_29 : vector<16xf32>
        %add3A_1272 = arith.addf %add3A_1270, %mul3A_1271 : vector<16xf32>
        %mul3A_1273 = arith.mulf %get3A_1241, %get3A_33 : vector<16xf32>
        %mul3A_1274 = arith.mulf %get3A_1244, %get3A_37 : vector<16xf32>
        %add3A_1275 = arith.addf %mul3A_1273, %mul3A_1274 : vector<16xf32>
        %mul3A_1276 = arith.mulf %get3A_1247, %get3A_41 : vector<16xf32>
        %add3A_1277 = arith.addf %add3A_1275, %mul3A_1276 : vector<16xf32>
        %mul3A_1278 = arith.mulf %get3A_1250, %get3A_45 : vector<16xf32>
        %add3A_1279 = arith.addf %add3A_1277, %mul3A_1278 : vector<16xf32>
        %mul3A_1280 = arith.mulf %get3A_1253, %get3A_49 : vector<16xf32>
        %add3A_1281 = arith.addf %add3A_1279, %mul3A_1280 : vector<16xf32>
        %mul3A_1282 = arith.mulf %get3A_1256, %get3A_53 : vector<16xf32>
        %add3A_1283 = arith.addf %add3A_1281, %mul3A_1282 : vector<16xf32>
        %mul3A_1284 = arith.mulf %get3A_1259, %get3A_57 : vector<16xf32>
        %add3A_1285 = arith.addf %add3A_1283, %mul3A_1284 : vector<16xf32>
        %mul3A_1286 = arith.mulf %get3A_1241, %get3A_61 : vector<16xf32>
        %mul3A_1287 = arith.mulf %get3A_1244, %get3A_65 : vector<16xf32>
        %add3A_1288 = arith.addf %mul3A_1286, %mul3A_1287 : vector<16xf32>
        %mul3A_1289 = arith.mulf %get3A_1247, %get3A_69 : vector<16xf32>
        %add3A_1290 = arith.addf %add3A_1288, %mul3A_1289 : vector<16xf32>
        %mul3A_1291 = arith.mulf %get3A_1250, %get3A_73 : vector<16xf32>
        %add3A_1292 = arith.addf %add3A_1290, %mul3A_1291 : vector<16xf32>
        %mul3A_1293 = arith.mulf %get3A_1253, %get3A_77 : vector<16xf32>
        %add3A_1294 = arith.addf %add3A_1292, %mul3A_1293 : vector<16xf32>
        %mul3A_1295 = arith.mulf %get3A_1256, %get3A_81 : vector<16xf32>
        %add3A_1296 = arith.addf %add3A_1294, %mul3A_1295 : vector<16xf32>
        %mul3A_1297 = arith.mulf %get3A_1259, %get3A_85 : vector<16xf32>
        %add3A_1298 = arith.addf %add3A_1296, %mul3A_1297 : vector<16xf32>
        %add3A_1299 = arith.constant 8 : i32
        %add3A_1300 = arith.addi %mul3A_209, %add3A_1299 : i32
        %add3A_1301 = arith.constant 1 : i32
        %add3A_1302 = arith.addi %add3A_1300, %add3A_1301 : i32
        %get3A_1303 = arith.index_cast %add3A_1302 : i32 to index
        %get3A_1304 = arith.constant 0 : index
        %get3A_1305 = tpu.vector_load %arg7[%get3A_1303, %get3A_1304] {strides = array<i32>} : memref<256x100xf32, #tpu.memory_space<vmem>>, vector<16xf32>,
        %get3A_1306 = arith.index_cast %add3A_1302 : i32 to index
        %get3A_1307 = arith.constant 16 : index
        %get3A_1308 = tpu.vector_load %arg7[%get3A_1306, %get3A_1307] {strides = array<i32>} : memref<256x100xf32, #tpu.memory_space<vmem>>, vector<16xf32>,
        %get3A_1309 = arith.index_cast %add3A_1302 : i32 to index
        %get3A_1310 = arith.constant 32 : index
        %get3A_1311 = tpu.vector_load %arg7[%get3A_1309, %get3A_1310] {strides = array<i32>} : memref<256x100xf32, #tpu.memory_space<vmem>>, vector<16xf32>,
        %get3A_1312 = arith.index_cast %add3A_1302 : i32 to index
        %get3A_1313 = arith.constant 48 : index
        %get3A_1314 = tpu.vector_load %arg7[%get3A_1312, %get3A_1313] {strides = array<i32>} : memref<256x100xf32, #tpu.memory_space<vmem>>, vector<16xf32>,
        %get3A_1315 = arith.index_cast %add3A_1302 : i32 to index
        %get3A_1316 = arith.constant 64 : index
        %get3A_1317 = tpu.vector_load %arg7[%get3A_1315, %get3A_1316] {strides = array<i32>} : memref<256x100xf32, #tpu.memory_space<vmem>>, vector<16xf32>,
        %get3A_1318 = arith.index_cast %add3A_1302 : i32 to index
        %get3A_1319 = arith.constant 80 : index
        %get3A_1320 = tpu.vector_load %arg7[%get3A_1318, %get3A_1319] {strides = array<i32>} : memref<256x100xf32, #tpu.memory_space<vmem>>, vector<16xf32>,
        %get3A_1321 = arith.index_cast %add3A_1302 : i32 to index
        %get3A_1322 = arith.constant 84 : index
        %get3A_1323 = tpu.vector_load %arg7[%get3A_1321, %get3A_1322] {strides = array<i32>} : memref<256x100xf32, #tpu.memory_space<vmem>>, vector<16xf32>,
        %mul3A_1324 = arith.mulf %get3A_1305, %get3A_5 : vector<16xf32>
        %mul3A_1325 = arith.mulf %get3A_1308, %get3A_9 : vector<16xf32>
        %add3A_1326 = arith.addf %mul3A_1324, %mul3A_1325 : vector<16xf32>
        %mul3A_1327 = arith.mulf %get3A_1311, %get3A_13 : vector<16xf32>
        %add3A_1328 = arith.addf %add3A_1326, %mul3A_1327 : vector<16xf32>
        %mul3A_1329 = arith.mulf %get3A_1314, %get3A_17 : vector<16xf32>
        %add3A_1330 = arith.addf %add3A_1328, %mul3A_1329 : vector<16xf32>
        %mul3A_1331 = arith.mulf %get3A_1317, %get3A_21 : vector<16xf32>
        %add3A_1332 = arith.addf %add3A_1330, %mul3A_1331 : vector<16xf32>
        %mul3A_1333 = arith.mulf %get3A_1320, %get3A_25 : vector<16xf32>
        %add3A_1334 = arith.addf %add3A_1332, %mul3A_1333 : vector<16xf32>
        %mul3A_1335 = arith.mulf %get3A_1323, %get3A_29 : vector<16xf32>
        %add3A_1336 = arith.addf %add3A_1334, %mul3A_1335 : vector<16xf32>
        %mul3A_1337 = arith.mulf %get3A_1305, %get3A_33 : vector<16xf32>
        %mul3A_1338 = arith.mulf %get3A_1308, %get3A_37 : vector<16xf32>
        %add3A_1339 = arith.addf %mul3A_1337, %mul3A_1338 : vector<16xf32>
        %mul3A_1340 = arith.mulf %get3A_1311, %get3A_41 : vector<16xf32>
        %add3A_1341 = arith.addf %add3A_1339, %mul3A_1340 : vector<16xf32>
        %mul3A_1342 = arith.mulf %get3A_1314, %get3A_45 : vector<16xf32>
        %add3A_1343 = arith.addf %add3A_1341, %mul3A_1342 : vector<16xf32>
        %mul3A_1344 = arith.mulf %get3A_1317, %get3A_49 : vector<16xf32>
        %add3A_1345 = arith.addf %add3A_1343, %mul3A_1344 : vector<16xf32>
        %mul3A_1346 = arith.mulf %get3A_1320, %get3A_53 : vector<16xf32>
        %add3A_1347 = arith.addf %add3A_1345, %mul3A_1346 : vector<16xf32>
        %mul3A_1348 = arith.mulf %get3A_1323, %get3A_57 : vector<16xf32>
        %add3A_1349 = arith.addf %add3A_1347, %mul3A_1348 : vector<16xf32>
        %mul3A_1350 = arith.mulf %get3A_1305, %get3A_61 : vector<16xf32>
        %mul3A_1351 = arith.mulf %get3A_1308, %get3A_65 : vector<16xf32>
        %add3A_1352 = arith.addf %mul3A_1350, %mul3A_1351 : vector<16xf32>
        %mul3A_1353 = arith.mulf %get3A_1311, %get3A_69 : vector<16xf32>
        %add3A_1354 = arith.addf %add3A_1352, %mul3A_1353 : vector<16xf32>
        %mul3A_1355 = arith.mulf %get3A_1314, %get3A_73 : vector<16xf32>
        %add3A_1356 = arith.addf %add3A_1354, %mul3A_1355 : vector<16xf32>
        %mul3A_1357 = arith.mulf %get3A_1317, %get3A_77 : vector<16xf32>
        %add3A_1358 = arith.addf %add3A_1356, %mul3A_1357 : vector<16xf32>
        %mul3A_1359 = arith.mulf %get3A_1320, %get3A_81 : vector<16xf32>
        %add3A_1360 = arith.addf %add3A_1358, %mul3A_1359 : vector<16xf32>
        %mul3A_1361 = arith.mulf %get3A_1323, %get3A_85 : vector<16xf32>
        %add3A_1362 = arith.addf %add3A_1360, %mul3A_1361 : vector<16xf32>
        %add3A_1363 = arith.constant 8 : i32
        %add3A_1364 = arith.addi %mul3A_209, %add3A_1363 : i32
        %add3A_1365 = arith.constant 2 : i32
        %add3A_1366 = arith.addi %add3A_1364, %add3A_1365 : i32
        %get3A_1367 = arith.index_cast %add3A_1366 : i32 to index
        %get3A_1368 = arith.constant 0 : index
        %get3A_1369 = tpu.vector_load %arg7[%get3A_1367, %get3A_1368] {strides = array<i32>} : memref<256x100xf32, #tpu.memory_space<vmem>>, vector<16xf32>,
        %get3A_1370 = arith.index_cast %add3A_1366 : i32 to index
        %get3A_1371 = arith.constant 16 : index
        %get3A_1372 = tpu.vector_load %arg7[%get3A_1370, %get3A_1371] {strides = array<i32>} : memref<256x100xf32, #tpu.memory_space<vmem>>, vector<16xf32>,
        %get3A_1373 = arith.index_cast %add3A_1366 : i32 to index
        %get3A_1374 = arith.constant 32 : index
        %get3A_1375 = tpu.vector_load %arg7[%get3A_1373, %get3A_1374] {strides = array<i32>} : memref<256x100xf32, #tpu.memory_space<vmem>>, vector<16xf32>,
        %get3A_1376 = arith.index_cast %add3A_1366 : i32 to index
        %get3A_1377 = arith.constant 48 : index
        %get3A_1378 = tpu.vector_load %arg7[%get3A_1376, %get3A_1377] {strides = array<i32>} : memref<256x100xf32, #tpu.memory_space<vmem>>, vector<16xf32>,
        %get3A_1379 = arith.index_cast %add3A_1366 : i32 to index
        %get3A_1380 = arith.constant 64 : index
        %get3A_1381 = tpu.vector_load %arg7[%get3A_1379, %get3A_1380] {strides = array<i32>} : memref<256x100xf32, #tpu.memory_space<vmem>>, vector<16xf32>,
        %get3A_1382 = arith.index_cast %add3A_1366 : i32 to index
        %get3A_1383 = arith.constant 80 : index
        %get3A_1384 = tpu.vector_load %arg7[%get3A_1382, %get3A_1383] {strides = array<i32>} : memref<256x100xf32, #tpu.memory_space<vmem>>, vector<16xf32>,
        %get3A_1385 = arith.index_cast %add3A_1366 : i32 to index
        %get3A_1386 = arith.constant 84 : index
        %get3A_1387 = tpu.vector_load %arg7[%get3A_1385, %get3A_1386] {strides = array<i32>} : memref<256x100xf32, #tpu.memory_space<vmem>>, vector<16xf32>,
        %mul3A_1388 = arith.mulf %get3A_1369, %get3A_5 : vector<16xf32>
        %mul3A_1389 = arith.mulf %get3A_1372, %get3A_9 : vector<16xf32>
        %add3A_1390 = arith.addf %mul3A_1388, %mul3A_1389 : vector<16xf32>
        %mul3A_1391 = arith.mulf %get3A_1375, %get3A_13 : vector<16xf32>
        %add3A_1392 = arith.addf %add3A_1390, %mul3A_1391 : vector<16xf32>
        %mul3A_1393 = arith.mulf %get3A_1378, %get3A_17 : vector<16xf32>
        %add3A_1394 = arith.addf %add3A_1392, %mul3A_1393 : vector<16xf32>
        %mul3A_1395 = arith.mulf %get3A_1381, %get3A_21 : vector<16xf32>
        %add3A_1396 = arith.addf %add3A_1394, %mul3A_1395 : vector<16xf32>
        %mul3A_1397 = arith.mulf %get3A_1384, %get3A_25 : vector<16xf32>
        %add3A_1398 = arith.addf %add3A_1396, %mul3A_1397 : vector<16xf32>
        %mul3A_1399 = arith.mulf %get3A_1387, %get3A_29 : vector<16xf32>
        %add3A_1400 = arith.addf %add3A_1398, %mul3A_1399 : vector<16xf32>
        %mul3A_1401 = arith.mulf %get3A_1369, %get3A_33 : vector<16xf32>
        %mul3A_1402 = arith.mulf %get3A_1372, %get3A_37 : vector<16xf32>
        %add3A_1403 = arith.addf %mul3A_1401, %mul3A_1402 : vector<16xf32>
        %mul3A_1404 = arith.mulf %get3A_1375, %get3A_41 : vector<16xf32>
        %add3A_1405 = arith.addf %add3A_1403, %mul3A_1404 : vector<16xf32>
        %mul3A_1406 = arith.mulf %get3A_1378, %get3A_45 : vector<16xf32>
        %add3A_1407 = arith.addf %add3A_1405, %mul3A_1406 : vector<16xf32>
        %mul3A_1408 = arith.mulf %get3A_1381, %get3A_49 : vector<16xf32>
        %add3A_1409 = arith.addf %add3A_1407, %mul3A_1408 : vector<16xf32>
        %mul3A_1410 = arith.mulf %get3A_1384, %get3A_53 : vector<16xf32>
        %add3A_1411 = arith.addf %add3A_1409, %mul3A_1410 : vector<16xf32>
        %mul3A_1412 = arith.mulf %get3A_1387, %get3A_57 : vector<16xf32>
        %add3A_1413 = arith.addf %add3A_1411, %mul3A_1412 : vector<16xf32>
        %mul3A_1414 = arith.mulf %get3A_1369, %get3A_61 : vector<16xf32>
        %mul3A_1415 = arith.mulf %get3A_1372, %get3A_65 : vector<16xf32>
        %add3A_1416 = arith.addf %mul3A_1414, %mul3A_1415 : vector<16xf32>
        %mul3A_1417 = arith.mulf %get3A_1375, %get3A_69 : vector<16xf32>
        %add3A_1418 = arith.addf %add3A_1416, %mul3A_1417 : vector<16xf32>
        %mul3A_1419 = arith.mulf %get3A_1378, %get3A_73 : vector<16xf32>
        %add3A_1420 = arith.addf %add3A_1418, %mul3A_1419 : vector<16xf32>
        %mul3A_1421 = arith.mulf %get3A_1381, %get3A_77 : vector<16xf32>
        %add3A_1422 = arith.addf %add3A_1420, %mul3A_1421 : vector<16xf32>
        %mul3A_1423 = arith.mulf %get3A_1384, %get3A_81 : vector<16xf32>
        %add3A_1424 = arith.addf %add3A_1422, %mul3A_1423 : vector<16xf32>
        %mul3A_1425 = arith.mulf %get3A_1387, %get3A_85 : vector<16xf32>
        %add3A_1426 = arith.addf %add3A_1424, %mul3A_1425 : vector<16xf32>
        %add3A_1427 = arith.constant 8 : i32
        %add3A_1428 = arith.addi %mul3A_209, %add3A_1427 : i32
        %add3A_1429 = arith.constant 3 : i32
        %add3A_1430 = arith.addi %add3A_1428, %add3A_1429 : i32
        %get3A_1431 = arith.index_cast %add3A_1430 : i32 to index
        %get3A_1432 = arith.constant 0 : index
        %get3A_1433 = tpu.vector_load %arg7[%get3A_1431, %get3A_1432] {strides = array<i32>} : memref<256x100xf32, #tpu.memory_space<vmem>>, vector<16xf32>,
        %get3A_1434 = arith.index_cast %add3A_1430 : i32 to index
        %get3A_1435 = arith.constant 16 : index
        %get3A_1436 = tpu.vector_load %arg7[%get3A_1434, %get3A_1435] {strides = array<i32>} : memref<256x100xf32, #tpu.memory_space<vmem>>, vector<16xf32>,
        %get3A_1437 = arith.index_cast %add3A_1430 : i32 to index
        %get3A_1438 = arith.constant 32 : index
        %get3A_1439 = tpu.vector_load %arg7[%get3A_1437, %get3A_1438] {strides = array<i32>} : memref<256x100xf32, #tpu.memory_space<vmem>>, vector<16xf32>,
        %get3A_1440 = arith.index_cast %add3A_1430 : i32 to index
        %get3A_1441 = arith.constant 48 : index
        %get3A_1442 = tpu.vector_load %arg7[%get3A_1440, %get3A_1441] {strides = array<i32>} : memref<256x100xf32, #tpu.memory_space<vmem>>, vector<16xf32>,
        %get3A_1443 = arith.index_cast %add3A_1430 : i32 to index
        %get3A_1444 = arith.constant 64 : index
        %get3A_1445 = tpu.vector_load %arg7[%get3A_1443, %get3A_1444] {strides = array<i32>} : memref<256x100xf32, #tpu.memory_space<vmem>>, vector<16xf32>,
        %get3A_1446 = arith.index_cast %add3A_1430 : i32 to index
        %get3A_1447 = arith.constant 80 : index
        %get3A_1448 = tpu.vector_load %arg7[%get3A_1446, %get3A_1447] {strides = array<i32>} : memref<256x100xf32, #tpu.memory_space<vmem>>, vector<16xf32>,
        %get3A_1449 = arith.index_cast %add3A_1430 : i32 to index
        %get3A_1450 = arith.constant 84 : index
        %get3A_1451 = tpu.vector_load %arg7[%get3A_1449, %get3A_1450] {strides = array<i32>} : memref<256x100xf32, #tpu.memory_space<vmem>>, vector<16xf32>,
        %mul3A_1452 = arith.mulf %get3A_1433, %get3A_5 : vector<16xf32>
        %mul3A_1453 = arith.mulf %get3A_1436, %get3A_9 : vector<16xf32>
        %add3A_1454 = arith.addf %mul3A_1452, %mul3A_1453 : vector<16xf32>
        %mul3A_1455 = arith.mulf %get3A_1439, %get3A_13 : vector<16xf32>
        %add3A_1456 = arith.addf %add3A_1454, %mul3A_1455 : vector<16xf32>
        %mul3A_1457 = arith.mulf %get3A_1442, %get3A_17 : vector<16xf32>
        %add3A_1458 = arith.addf %add3A_1456, %mul3A_1457 : vector<16xf32>
        %mul3A_1459 = arith.mulf %get3A_1445, %get3A_21 : vector<16xf32>
        %add3A_1460 = arith.addf %add3A_1458, %mul3A_1459 : vector<16xf32>
        %mul3A_1461 = arith.mulf %get3A_1448, %get3A_25 : vector<16xf32>
        %add3A_1462 = arith.addf %add3A_1460, %mul3A_1461 : vector<16xf32>
        %mul3A_1463 = arith.mulf %get3A_1451, %get3A_29 : vector<16xf32>
        %add3A_1464 = arith.addf %add3A_1462, %mul3A_1463 : vector<16xf32>
        %mul3A_1465 = arith.mulf %get3A_1433, %get3A_33 : vector<16xf32>
        %mul3A_1466 = arith.mulf %get3A_1436, %get3A_37 : vector<16xf32>
        %add3A_1467 = arith.addf %mul3A_1465, %mul3A_1466 : vector<16xf32>
        %mul3A_1468 = arith.mulf %get3A_1439, %get3A_41 : vector<16xf32>
        %add3A_1469 = arith.addf %add3A_1467, %mul3A_1468 : vector<16xf32>
        %mul3A_1470 = arith.mulf %get3A_1442, %get3A_45 : vector<16xf32>
        %add3A_1471 = arith.addf %add3A_1469, %mul3A_1470 : vector<16xf32>
        %mul3A_1472 = arith.mulf %get3A_1445, %get3A_49 : vector<16xf32>
        %add3A_1473 = arith.addf %add3A_1471, %mul3A_1472 : vector<16xf32>
        %mul3A_1474 = arith.mulf %get3A_1448, %get3A_53 : vector<16xf32>
        %add3A_1475 = arith.addf %add3A_1473, %mul3A_1474 : vector<16xf32>
        %mul3A_1476 = arith.mulf %get3A_1451, %get3A_57 : vector<16xf32>
        %add3A_1477 = arith.addf %add3A_1475, %mul3A_1476 : vector<16xf32>
        %mul3A_1478 = arith.mulf %get3A_1433, %get3A_61 : vector<16xf32>
        %mul3A_1479 = arith.mulf %get3A_1436, %get3A_65 : vector<16xf32>
        %add3A_1480 = arith.addf %mul3A_1478, %mul3A_1479 : vector<16xf32>
        %mul3A_1481 = arith.mulf %get3A_1439, %get3A_69 : vector<16xf32>
        %add3A_1482 = arith.addf %add3A_1480, %mul3A_1481 : vector<16xf32>
        %mul3A_1483 = arith.mulf %get3A_1442, %get3A_73 : vector<16xf32>
        %add3A_1484 = arith.addf %add3A_1482, %mul3A_1483 : vector<16xf32>
        %mul3A_1485 = arith.mulf %get3A_1445, %get3A_77 : vector<16xf32>
        %add3A_1486 = arith.addf %add3A_1484, %mul3A_1485 : vector<16xf32>
        %mul3A_1487 = arith.mulf %get3A_1448, %get3A_81 : vector<16xf32>
        %add3A_1488 = arith.addf %add3A_1486, %mul3A_1487 : vector<16xf32>
        %mul3A_1489 = arith.mulf %get3A_1451, %get3A_85 : vector<16xf32>
        %add3A_1490 = arith.addf %add3A_1488, %mul3A_1489 : vector<16xf32>
        %add3A_1491 = arith.constant 8 : i32
        %add3A_1492 = arith.addi %mul3A_209, %add3A_1491 : i32
        %add3A_1493 = arith.constant 4 : i32
        %add3A_1494 = arith.addi %add3A_1492, %add3A_1493 : i32
        %get3A_1495 = arith.index_cast %add3A_1494 : i32 to index
        %get3A_1496 = arith.constant 0 : index
        %get3A_1497 = tpu.vector_load %arg7[%get3A_1495, %get3A_1496] {strides = array<i32>} : memref<256x100xf32, #tpu.memory_space<vmem>>, vector<16xf32>,
        %get3A_1498 = arith.index_cast %add3A_1494 : i32 to index
        %get3A_1499 = arith.constant 16 : index
        %get3A_1500 = tpu.vector_load %arg7[%get3A_1498, %get3A_1499] {strides = array<i32>} : memref<256x100xf32, #tpu.memory_space<vmem>>, vector<16xf32>,
        %get3A_1501 = arith.index_cast %add3A_1494 : i32 to index
        %get3A_1502 = arith.constant 32 : index
        %get3A_1503 = tpu.vector_load %arg7[%get3A_1501, %get3A_1502] {strides = array<i32>} : memref<256x100xf32, #tpu.memory_space<vmem>>, vector<16xf32>,
        %get3A_1504 = arith.index_cast %add3A_1494 : i32 to index
        %get3A_1505 = arith.constant 48 : index
        %get3A_1506 = tpu.vector_load %arg7[%get3A_1504, %get3A_1505] {strides = array<i32>} : memref<256x100xf32, #tpu.memory_space<vmem>>, vector<16xf32>,
        %get3A_1507 = arith.index_cast %add3A_1494 : i32 to index
        %get3A_1508 = arith.constant 64 : index
        %get3A_1509 = tpu.vector_load %arg7[%get3A_1507, %get3A_1508] {strides = array<i32>} : memref<256x100xf32, #tpu.memory_space<vmem>>, vector<16xf32>,
        %get3A_1510 = arith.index_cast %add3A_1494 : i32 to index
        %get3A_1511 = arith.constant 80 : index
        %get3A_1512 = tpu.vector_load %arg7[%get3A_1510, %get3A_1511] {strides = array<i32>} : memref<256x100xf32, #tpu.memory_space<vmem>>, vector<16xf32>,
        %get3A_1513 = arith.index_cast %add3A_1494 : i32 to index
        %get3A_1514 = arith.constant 84 : index
        %get3A_1515 = tpu.vector_load %arg7[%get3A_1513, %get3A_1514] {strides = array<i32>} : memref<256x100xf32, #tpu.memory_space<vmem>>, vector<16xf32>,
        %mul3A_1516 = arith.mulf %get3A_1497, %get3A_5 : vector<16xf32>
        %mul3A_1517 = arith.mulf %get3A_1500, %get3A_9 : vector<16xf32>
        %add3A_1518 = arith.addf %mul3A_1516, %mul3A_1517 : vector<16xf32>
        %mul3A_1519 = arith.mulf %get3A_1503, %get3A_13 : vector<16xf32>
        %add3A_1520 = arith.addf %add3A_1518, %mul3A_1519 : vector<16xf32>
        %mul3A_1521 = arith.mulf %get3A_1506, %get3A_17 : vector<16xf32>
        %add3A_1522 = arith.addf %add3A_1520, %mul3A_1521 : vector<16xf32>
        %mul3A_1523 = arith.mulf %get3A_1509, %get3A_21 : vector<16xf32>
        %add3A_1524 = arith.addf %add3A_1522, %mul3A_1523 : vector<16xf32>
        %mul3A_1525 = arith.mulf %get3A_1512, %get3A_25 : vector<16xf32>
        %add3A_1526 = arith.addf %add3A_1524, %mul3A_1525 : vector<16xf32>
        %mul3A_1527 = arith.mulf %get3A_1515, %get3A_29 : vector<16xf32>
        %add3A_1528 = arith.addf %add3A_1526, %mul3A_1527 : vector<16xf32>
        %mul3A_1529 = arith.mulf %get3A_1497, %get3A_33 : vector<16xf32>
        %mul3A_1530 = arith.mulf %get3A_1500, %get3A_37 : vector<16xf32>
        %add3A_1531 = arith.addf %mul3A_1529, %mul3A_1530 : vector<16xf32>
        %mul3A_1532 = arith.mulf %get3A_1503, %get3A_41 : vector<16xf32>
        %add3A_1533 = arith.addf %add3A_1531, %mul3A_1532 : vector<16xf32>
        %mul3A_1534 = arith.mulf %get3A_1506, %get3A_45 : vector<16xf32>
        %add3A_1535 = arith.addf %add3A_1533, %mul3A_1534 : vector<16xf32>
        %mul3A_1536 = arith.mulf %get3A_1509, %get3A_49 : vector<16xf32>
        %add3A_1537 = arith.addf %add3A_1535, %mul3A_1536 : vector<16xf32>
        %mul3A_1538 = arith.mulf %get3A_1512, %get3A_53 : vector<16xf32>
        %add3A_1539 = arith.addf %add3A_1537, %mul3A_1538 : vector<16xf32>
        %mul3A_1540 = arith.mulf %get3A_1515, %get3A_57 : vector<16xf32>
        %add3A_1541 = arith.addf %add3A_1539, %mul3A_1540 : vector<16xf32>
        %mul3A_1542 = arith.mulf %get3A_1497, %get3A_61 : vector<16xf32>
        %mul3A_1543 = arith.mulf %get3A_1500, %get3A_65 : vector<16xf32>
        %add3A_1544 = arith.addf %mul3A_1542, %mul3A_1543 : vector<16xf32>
        %mul3A_1545 = arith.mulf %get3A_1503, %get3A_69 : vector<16xf32>
        %add3A_1546 = arith.addf %add3A_1544, %mul3A_1545 : vector<16xf32>
        %mul3A_1547 = arith.mulf %get3A_1506, %get3A_73 : vector<16xf32>
        %add3A_1548 = arith.addf %add3A_1546, %mul3A_1547 : vector<16xf32>
        %mul3A_1549 = arith.mulf %get3A_1509, %get3A_77 : vector<16xf32>
        %add3A_1550 = arith.addf %add3A_1548, %mul3A_1549 : vector<16xf32>
        %mul3A_1551 = arith.mulf %get3A_1512, %get3A_81 : vector<16xf32>
        %add3A_1552 = arith.addf %add3A_1550, %mul3A_1551 : vector<16xf32>
        %mul3A_1553 = arith.mulf %get3A_1515, %get3A_85 : vector<16xf32>
        %add3A_1554 = arith.addf %add3A_1552, %mul3A_1553 : vector<16xf32>
        %add3A_1555 = arith.constant 8 : i32
        %add3A_1556 = arith.addi %mul3A_209, %add3A_1555 : i32
        %add3A_1557 = arith.constant 5 : i32
        %add3A_1558 = arith.addi %add3A_1556, %add3A_1557 : i32
        %get3A_1559 = arith.index_cast %add3A_1558 : i32 to index
        %get3A_1560 = arith.constant 0 : index
        %get3A_1561 = tpu.vector_load %arg7[%get3A_1559, %get3A_1560] {strides = array<i32>} : memref<256x100xf32, #tpu.memory_space<vmem>>, vector<16xf32>,
        %get3A_1562 = arith.index_cast %add3A_1558 : i32 to index
        %get3A_1563 = arith.constant 16 : index
        %get3A_1564 = tpu.vector_load %arg7[%get3A_1562, %get3A_1563] {strides = array<i32>} : memref<256x100xf32, #tpu.memory_space<vmem>>, vector<16xf32>,
        %get3A_1565 = arith.index_cast %add3A_1558 : i32 to index
        %get3A_1566 = arith.constant 32 : index
        %get3A_1567 = tpu.vector_load %arg7[%get3A_1565, %get3A_1566] {strides = array<i32>} : memref<256x100xf32, #tpu.memory_space<vmem>>, vector<16xf32>,
        %get3A_1568 = arith.index_cast %add3A_1558 : i32 to index
        %get3A_1569 = arith.constant 48 : index
        %get3A_1570 = tpu.vector_load %arg7[%get3A_1568, %get3A_1569] {strides = array<i32>} : memref<256x100xf32, #tpu.memory_space<vmem>>, vector<16xf32>,
        %get3A_1571 = arith.index_cast %add3A_1558 : i32 to index
        %get3A_1572 = arith.constant 64 : index
        %get3A_1573 = tpu.vector_load %arg7[%get3A_1571, %get3A_1572] {strides = array<i32>} : memref<256x100xf32, #tpu.memory_space<vmem>>, vector<16xf32>,
        %get3A_1574 = arith.index_cast %add3A_1558 : i32 to index
        %get3A_1575 = arith.constant 80 : index
        %get3A_1576 = tpu.vector_load %arg7[%get3A_1574, %get3A_1575] {strides = array<i32>} : memref<256x100xf32, #tpu.memory_space<vmem>>, vector<16xf32>,
        %get3A_1577 = arith.index_cast %add3A_1558 : i32 to index
        %get3A_1578 = arith.constant 84 : index
        %get3A_1579 = tpu.vector_load %arg7[%get3A_1577, %get3A_1578] {strides = array<i32>} : memref<256x100xf32, #tpu.memory_space<vmem>>, vector<16xf32>,
        %mul3A_1580 = arith.mulf %get3A_1561, %get3A_5 : vector<16xf32>
        %mul3A_1581 = arith.mulf %get3A_1564, %get3A_9 : vector<16xf32>
        %add3A_1582 = arith.addf %mul3A_1580, %mul3A_1581 : vector<16xf32>
        %mul3A_1583 = arith.mulf %get3A_1567, %get3A_13 : vector<16xf32>
        %add3A_1584 = arith.addf %add3A_1582, %mul3A_1583 : vector<16xf32>
        %mul3A_1585 = arith.mulf %get3A_1570, %get3A_17 : vector<16xf32>
        %add3A_1586 = arith.addf %add3A_1584, %mul3A_1585 : vector<16xf32>
        %mul3A_1587 = arith.mulf %get3A_1573, %get3A_21 : vector<16xf32>
        %add3A_1588 = arith.addf %add3A_1586, %mul3A_1587 : vector<16xf32>
        %mul3A_1589 = arith.mulf %get3A_1576, %get3A_25 : vector<16xf32>
        %add3A_1590 = arith.addf %add3A_1588, %mul3A_1589 : vector<16xf32>
        %mul3A_1591 = arith.mulf %get3A_1579, %get3A_29 : vector<16xf32>
        %add3A_1592 = arith.addf %add3A_1590, %mul3A_1591 : vector<16xf32>
        %mul3A_1593 = arith.mulf %get3A_1561, %get3A_33 : vector<16xf32>
        %mul3A_1594 = arith.mulf %get3A_1564, %get3A_37 : vector<16xf32>
        %add3A_1595 = arith.addf %mul3A_1593, %mul3A_1594 : vector<16xf32>
        %mul3A_1596 = arith.mulf %get3A_1567, %get3A_41 : vector<16xf32>
        %add3A_1597 = arith.addf %add3A_1595, %mul3A_1596 : vector<16xf32>
        %mul3A_1598 = arith.mulf %get3A_1570, %get3A_45 : vector<16xf32>
        %add3A_1599 = arith.addf %add3A_1597, %mul3A_1598 : vector<16xf32>
        %mul3A_1600 = arith.mulf %get3A_1573, %get3A_49 : vector<16xf32>
        %add3A_1601 = arith.addf %add3A_1599, %mul3A_1600 : vector<16xf32>
        %mul3A_1602 = arith.mulf %get3A_1576, %get3A_53 : vector<16xf32>
        %add3A_1603 = arith.addf %add3A_1601, %mul3A_1602 : vector<16xf32>
        %mul3A_1604 = arith.mulf %get3A_1579, %get3A_57 : vector<16xf32>
        %add3A_1605 = arith.addf %add3A_1603, %mul3A_1604 : vector<16xf32>
        %mul3A_1606 = arith.mulf %get3A_1561, %get3A_61 : vector<16xf32>
        %mul3A_1607 = arith.mulf %get3A_1564, %get3A_65 : vector<16xf32>
        %add3A_1608 = arith.addf %mul3A_1606, %mul3A_1607 : vector<16xf32>
        %mul3A_1609 = arith.mulf %get3A_1567, %get3A_69 : vector<16xf32>
        %add3A_1610 = arith.addf %add3A_1608, %mul3A_1609 : vector<16xf32>
        %mul3A_1611 = arith.mulf %get3A_1570, %get3A_73 : vector<16xf32>
        %add3A_1612 = arith.addf %add3A_1610, %mul3A_1611 : vector<16xf32>
        %mul3A_1613 = arith.mulf %get3A_1573, %get3A_77 : vector<16xf32>
        %add3A_1614 = arith.addf %add3A_1612, %mul3A_1613 : vector<16xf32>
        %mul3A_1615 = arith.mulf %get3A_1576, %get3A_81 : vector<16xf32>
        %add3A_1616 = arith.addf %add3A_1614, %mul3A_1615 : vector<16xf32>
        %mul3A_1617 = arith.mulf %get3A_1579, %get3A_85 : vector<16xf32>
        %add3A_1618 = arith.addf %add3A_1616, %mul3A_1617 : vector<16xf32>
        %add3A_1619 = arith.constant 8 : i32
        %add3A_1620 = arith.addi %mul3A_209, %add3A_1619 : i32
        %add3A_1621 = arith.constant 6 : i32
        %add3A_1622 = arith.addi %add3A_1620, %add3A_1621 : i32
        %get3A_1623 = arith.index_cast %add3A_1622 : i32 to index
        %get3A_1624 = arith.constant 0 : index
        %get3A_1625 = tpu.vector_load %arg7[%get3A_1623, %get3A_1624] {strides = array<i32>} : memref<256x100xf32, #tpu.memory_space<vmem>>, vector<16xf32>,
        %get3A_1626 = arith.index_cast %add3A_1622 : i32 to index
        %get3A_1627 = arith.constant 16 : index
        %get3A_1628 = tpu.vector_load %arg7[%get3A_1626, %get3A_1627] {strides = array<i32>} : memref<256x100xf32, #tpu.memory_space<vmem>>, vector<16xf32>,
        %get3A_1629 = arith.index_cast %add3A_1622 : i32 to index
        %get3A_1630 = arith.constant 32 : index
        %get3A_1631 = tpu.vector_load %arg7[%get3A_1629, %get3A_1630] {strides = array<i32>} : memref<256x100xf32, #tpu.memory_space<vmem>>, vector<16xf32>,
        %get3A_1632 = arith.index_cast %add3A_1622 : i32 to index
        %get3A_1633 = arith.constant 48 : index
        %get3A_1634 = tpu.vector_load %arg7[%get3A_1632, %get3A_1633] {strides = array<i32>} : memref<256x100xf32, #tpu.memory_space<vmem>>, vector<16xf32>,
        %get3A_1635 = arith.index_cast %add3A_1622 : i32 to index
        %get3A_1636 = arith.constant 64 : index
        %get3A_1637 = tpu.vector_load %arg7[%get3A_1635, %get3A_1636] {strides = array<i32>} : memref<256x100xf32, #tpu.memory_space<vmem>>, vector<16xf32>,
        %get3A_1638 = arith.index_cast %add3A_1622 : i32 to index
        %get3A_1639 = arith.constant 80 : index
        %get3A_1640 = tpu.vector_load %arg7[%get3A_1638, %get3A_1639] {strides = array<i32>} : memref<256x100xf32, #tpu.memory_space<vmem>>, vector<16xf32>,
        %get3A_1641 = arith.index_cast %add3A_1622 : i32 to index
        %get3A_1642 = arith.constant 84 : index
        %get3A_1643 = tpu.vector_load %arg7[%get3A_1641, %get3A_1642] {strides = array<i32>} : memref<256x100xf32, #tpu.memory_space<vmem>>, vector<16xf32>,
        %mul3A_1644 = arith.mulf %get3A_1625, %get3A_5 : vector<16xf32>
        %mul3A_1645 = arith.mulf %get3A_1628, %get3A_9 : vector<16xf32>
        %add3A_1646 = arith.addf %mul3A_1644, %mul3A_1645 : vector<16xf32>
        %mul3A_1647 = arith.mulf %get3A_1631, %get3A_13 : vector<16xf32>
        %add3A_1648 = arith.addf %add3A_1646, %mul3A_1647 : vector<16xf32>
        %mul3A_1649 = arith.mulf %get3A_1634, %get3A_17 : vector<16xf32>
        %add3A_1650 = arith.addf %add3A_1648, %mul3A_1649 : vector<16xf32>
        %mul3A_1651 = arith.mulf %get3A_1637, %get3A_21 : vector<16xf32>
        %add3A_1652 = arith.addf %add3A_1650, %mul3A_1651 : vector<16xf32>
        %mul3A_1653 = arith.mulf %get3A_1640, %get3A_25 : vector<16xf32>
        %add3A_1654 = arith.addf %add3A_1652, %mul3A_1653 : vector<16xf32>
        %mul3A_1655 = arith.mulf %get3A_1643, %get3A_29 : vector<16xf32>
        %add3A_1656 = arith.addf %add3A_1654, %mul3A_1655 : vector<16xf32>
        %mul3A_1657 = arith.mulf %get3A_1625, %get3A_33 : vector<16xf32>
        %mul3A_1658 = arith.mulf %get3A_1628, %get3A_37 : vector<16xf32>
        %add3A_1659 = arith.addf %mul3A_1657, %mul3A_1658 : vector<16xf32>
        %mul3A_1660 = arith.mulf %get3A_1631, %get3A_41 : vector<16xf32>
        %add3A_1661 = arith.addf %add3A_1659, %mul3A_1660 : vector<16xf32>
        %mul3A_1662 = arith.mulf %get3A_1634, %get3A_45 : vector<16xf32>
        %add3A_1663 = arith.addf %add3A_1661, %mul3A_1662 : vector<16xf32>
        %mul3A_1664 = arith.mulf %get3A_1637, %get3A_49 : vector<16xf32>
        %add3A_1665 = arith.addf %add3A_1663, %mul3A_1664 : vector<16xf32>
        %mul3A_1666 = arith.mulf %get3A_1640, %get3A_53 : vector<16xf32>
        %add3A_1667 = arith.addf %add3A_1665, %mul3A_1666 : vector<16xf32>
        %mul3A_1668 = arith.mulf %get3A_1643, %get3A_57 : vector<16xf32>
        %add3A_1669 = arith.addf %add3A_1667, %mul3A_1668 : vector<16xf32>
        %mul3A_1670 = arith.mulf %get3A_1625, %get3A_61 : vector<16xf32>
        %mul3A_1671 = arith.mulf %get3A_1628, %get3A_65 : vector<16xf32>
        %add3A_1672 = arith.addf %mul3A_1670, %mul3A_1671 : vector<16xf32>
        %mul3A_1673 = arith.mulf %get3A_1631, %get3A_69 : vector<16xf32>
        %add3A_1674 = arith.addf %add3A_1672, %mul3A_1673 : vector<16xf32>
        %mul3A_1675 = arith.mulf %get3A_1634, %get3A_73 : vector<16xf32>
        %add3A_1676 = arith.addf %add3A_1674, %mul3A_1675 : vector<16xf32>
        %mul3A_1677 = arith.mulf %get3A_1637, %get3A_77 : vector<16xf32>
        %add3A_1678 = arith.addf %add3A_1676, %mul3A_1677 : vector<16xf32>
        %mul3A_1679 = arith.mulf %get3A_1640, %get3A_81 : vector<16xf32>
        %add3A_1680 = arith.addf %add3A_1678, %mul3A_1679 : vector<16xf32>
        %mul3A_1681 = arith.mulf %get3A_1643, %get3A_85 : vector<16xf32>
        %add3A_1682 = arith.addf %add3A_1680, %mul3A_1681 : vector<16xf32>
        %add3A_1683 = arith.constant 8 : i32
        %add3A_1684 = arith.addi %mul3A_209, %add3A_1683 : i32
        %add3A_1685 = arith.constant 7 : i32
        %add3A_1686 = arith.addi %add3A_1684, %add3A_1685 : i32
        %get3A_1687 = arith.index_cast %add3A_1686 : i32 to index
        %get3A_1688 = arith.constant 0 : index
        %get3A_1689 = tpu.vector_load %arg7[%get3A_1687, %get3A_1688] {strides = array<i32>} : memref<256x100xf32, #tpu.memory_space<vmem>>, vector<16xf32>,
        %get3A_1690 = arith.index_cast %add3A_1686 : i32 to index
        %get3A_1691 = arith.constant 16 : index
        %get3A_1692 = tpu.vector_load %arg7[%get3A_1690, %get3A_1691] {strides = array<i32>} : memref<256x100xf32, #tpu.memory_space<vmem>>, vector<16xf32>,
        %get3A_1693 = arith.index_cast %add3A_1686 : i32 to index
        %get3A_1694 = arith.constant 32 : index
        %get3A_1695 = tpu.vector_load %arg7[%get3A_1693, %get3A_1694] {strides = array<i32>} : memref<256x100xf32, #tpu.memory_space<vmem>>, vector<16xf32>,
        %get3A_1696 = arith.index_cast %add3A_1686 : i32 to index
        %get3A_1697 = arith.constant 48 : index
        %get3A_1698 = tpu.vector_load %arg7[%get3A_1696, %get3A_1697] {strides = array<i32>} : memref<256x100xf32, #tpu.memory_space<vmem>>, vector<16xf32>,
        %get3A_1699 = arith.index_cast %add3A_1686 : i32 to index
        %get3A_1700 = arith.constant 64 : index
        %get3A_1701 = tpu.vector_load %arg7[%get3A_1699, %get3A_1700] {strides = array<i32>} : memref<256x100xf32, #tpu.memory_space<vmem>>, vector<16xf32>,
        %get3A_1702 = arith.index_cast %add3A_1686 : i32 to index
        %get3A_1703 = arith.constant 80 : index
        %get3A_1704 = tpu.vector_load %arg7[%get3A_1702, %get3A_1703] {strides = array<i32>} : memref<256x100xf32, #tpu.memory_space<vmem>>, vector<16xf32>,
        %get3A_1705 = arith.index_cast %add3A_1686 : i32 to index
        %get3A_1706 = arith.constant 84 : index
        %get3A_1707 = tpu.vector_load %arg7[%get3A_1705, %get3A_1706] {strides = array<i32>} : memref<256x100xf32, #tpu.memory_space<vmem>>, vector<16xf32>,
        %mul3A_1708 = arith.mulf %get3A_1689, %get3A_5 : vector<16xf32>
        %mul3A_1709 = arith.mulf %get3A_1692, %get3A_9 : vector<16xf32>
        %add3A_1710 = arith.addf %mul3A_1708, %mul3A_1709 : vector<16xf32>
        %mul3A_1711 = arith.mulf %get3A_1695, %get3A_13 : vector<16xf32>
        %add3A_1712 = arith.addf %add3A_1710, %mul3A_1711 : vector<16xf32>
        %mul3A_1713 = arith.mulf %get3A_1698, %get3A_17 : vector<16xf32>
        %add3A_1714 = arith.addf %add3A_1712, %mul3A_1713 : vector<16xf32>
        %mul3A_1715 = arith.mulf %get3A_1701, %get3A_21 : vector<16xf32>
        %add3A_1716 = arith.addf %add3A_1714, %mul3A_1715 : vector<16xf32>
        %mul3A_1717 = arith.mulf %get3A_1704, %get3A_25 : vector<16xf32>
        %add3A_1718 = arith.addf %add3A_1716, %mul3A_1717 : vector<16xf32>
        %mul3A_1719 = arith.mulf %get3A_1707, %get3A_29 : vector<16xf32>
        %add3A_1720 = arith.addf %add3A_1718, %mul3A_1719 : vector<16xf32>
        %mul3A_1721 = arith.mulf %get3A_1689, %get3A_33 : vector<16xf32>
        %mul3A_1722 = arith.mulf %get3A_1692, %get3A_37 : vector<16xf32>
        %add3A_1723 = arith.addf %mul3A_1721, %mul3A_1722 : vector<16xf32>
        %mul3A_1724 = arith.mulf %get3A_1695, %get3A_41 : vector<16xf32>
        %add3A_1725 = arith.addf %add3A_1723, %mul3A_1724 : vector<16xf32>
        %mul3A_1726 = arith.mulf %get3A_1698, %get3A_45 : vector<16xf32>
        %add3A_1727 = arith.addf %add3A_1725, %mul3A_1726 : vector<16xf32>
        %mul3A_1728 = arith.mulf %get3A_1701, %get3A_49 : vector<16xf32>
        %add3A_1729 = arith.addf %add3A_1727, %mul3A_1728 : vector<16xf32>
        %mul3A_1730 = arith.mulf %get3A_1704, %get3A_53 : vector<16xf32>
        %add3A_1731 = arith.addf %add3A_1729, %mul3A_1730 : vector<16xf32>
        %mul3A_1732 = arith.mulf %get3A_1707, %get3A_57 : vector<16xf32>
        %add3A_1733 = arith.addf %add3A_1731, %mul3A_1732 : vector<16xf32>
        %mul3A_1734 = arith.mulf %get3A_1689, %get3A_61 : vector<16xf32>
        %mul3A_1735 = arith.mulf %get3A_1692, %get3A_65 : vector<16xf32>
        %add3A_1736 = arith.addf %mul3A_1734, %mul3A_1735 : vector<16xf32>
        %mul3A_1737 = arith.mulf %get3A_1695, %get3A_69 : vector<16xf32>
        %add3A_1738 = arith.addf %add3A_1736, %mul3A_1737 : vector<16xf32>
        %mul3A_1739 = arith.mulf %get3A_1698, %get3A_73 : vector<16xf32>
        %add3A_1740 = arith.addf %add3A_1738, %mul3A_1739 : vector<16xf32>
        %mul3A_1741 = arith.mulf %get3A_1701, %get3A_77 : vector<16xf32>
        %add3A_1742 = arith.addf %add3A_1740, %mul3A_1741 : vector<16xf32>
        %mul3A_1743 = arith.mulf %get3A_1704, %get3A_81 : vector<16xf32>
        %add3A_1744 = arith.addf %add3A_1742, %mul3A_1743 : vector<16xf32>
        %mul3A_1745 = arith.mulf %get3A_1707, %get3A_85 : vector<16xf32>
        %add3A_1746 = arith.addf %add3A_1744, %mul3A_1745 : vector<16xf32>
        %lt3A_1747 = arith.constant 0 : i32
        %lt3A_1748 = vector.broadcast %lt3A_1747 : i32 to vector<16xi32>
        %lt3A_1749 = arith.cmpi slt, %xor3A_99, %lt3A_1748 : vector<16xi32>
        %add3A_1750 = arith.constant 16 : i32
        %add3A_1751 = vector.broadcast %add3A_1750 : i32 to vector<16xi32>
        %add3A_1752 = arith.addi %xor3A_99, %add3A_1751 : vector<16xi32>
        %select_n3A_1753 = arith.select %lt3A_1749, %add3A_1752, %xor3A_99 : vector<16xi1>, vector<16xi32>
        %broadcast_in_dim3A_1754 = vector.shape_cast %select_n3A_1753 : vector<16xi32> to vector<16x1xi32>
        %gather3A_1755 = vector.shape_cast %broadcast_in_dim3A_1754 : vector<16x1xi32> to vector<16xi32>
        %gather3A_1756 = tpu.dynamic_gather %add3A_1272[%gather3A_1755] in [0] : vector<16xf32>, vector<16xi32> -> vector<16xf32>
        %add3A_1757 = arith.addf %add3A_1272, %gather3A_1756 : vector<16xf32>
        %lt3A_1758 = arith.constant 0 : i32
        %lt3A_1759 = vector.broadcast %lt3A_1758 : i32 to vector<16xi32>
        %lt3A_1760 = arith.cmpi slt, %xor3A_99, %lt3A_1759 : vector<16xi32>
        %add3A_1761 = arith.constant 16 : i32
        %add3A_1762 = vector.broadcast %add3A_1761 : i32 to vector<16xi32>
        %add3A_1763 = arith.addi %xor3A_99, %add3A_1762 : vector<16xi32>
        %select_n3A_1764 = arith.select %lt3A_1760, %add3A_1763, %xor3A_99 : vector<16xi1>, vector<16xi32>
        %broadcast_in_dim3A_1765 = vector.shape_cast %select_n3A_1764 : vector<16xi32> to vector<16x1xi32>
        %gather3A_1766 = vector.shape_cast %broadcast_in_dim3A_1765 : vector<16x1xi32> to vector<16xi32>
        %gather3A_1767 = tpu.dynamic_gather %add3A_1336[%gather3A_1766] in [0] : vector<16xf32>, vector<16xi32> -> vector<16xf32>
        %add3A_1768 = arith.addf %add3A_1336, %gather3A_1767 : vector<16xf32>
        %select_n3A_1769 = arith.select %eq3A_112, %add3A_1757, %add3A_1768 : vector<16xi1>, vector<16xf32>
        %lt3A_1770 = arith.constant 0 : i32
        %lt3A_1771 = vector.broadcast %lt3A_1770 : i32 to vector<16xi32>
        %lt3A_1772 = arith.cmpi slt, %xor3A_99, %lt3A_1771 : vector<16xi32>
        %add3A_1773 = arith.constant 16 : i32
        %add3A_1774 = vector.broadcast %add3A_1773 : i32 to vector<16xi32>
        %add3A_1775 = arith.addi %xor3A_99, %add3A_1774 : vector<16xi32>
        %select_n3A_1776 = arith.select %lt3A_1772, %add3A_1775, %xor3A_99 : vector<16xi1>, vector<16xi32>
        %broadcast_in_dim3A_1777 = vector.shape_cast %select_n3A_1776 : vector<16xi32> to vector<16x1xi32>
        %gather3A_1778 = vector.shape_cast %broadcast_in_dim3A_1777 : vector<16x1xi32> to vector<16xi32>
        %gather3A_1779 = tpu.dynamic_gather %add3A_1400[%gather3A_1778] in [0] : vector<16xf32>, vector<16xi32> -> vector<16xf32>
        %add3A_1780 = arith.addf %add3A_1400, %gather3A_1779 : vector<16xf32>
        %lt3A_1781 = arith.constant 0 : i32
        %lt3A_1782 = vector.broadcast %lt3A_1781 : i32 to vector<16xi32>
        %lt3A_1783 = arith.cmpi slt, %xor3A_99, %lt3A_1782 : vector<16xi32>
        %add3A_1784 = arith.constant 16 : i32
        %add3A_1785 = vector.broadcast %add3A_1784 : i32 to vector<16xi32>
        %add3A_1786 = arith.addi %xor3A_99, %add3A_1785 : vector<16xi32>
        %select_n3A_1787 = arith.select %lt3A_1783, %add3A_1786, %xor3A_99 : vector<16xi1>, vector<16xi32>
        %broadcast_in_dim3A_1788 = vector.shape_cast %select_n3A_1787 : vector<16xi32> to vector<16x1xi32>
        %gather3A_1789 = vector.shape_cast %broadcast_in_dim3A_1788 : vector<16x1xi32> to vector<16xi32>
        %gather3A_1790 = tpu.dynamic_gather %add3A_1464[%gather3A_1789] in [0] : vector<16xf32>, vector<16xi32> -> vector<16xf32>
        %add3A_1791 = arith.addf %add3A_1464, %gather3A_1790 : vector<16xf32>
        %select_n3A_1792 = arith.select %eq3A_112, %add3A_1780, %add3A_1791 : vector<16xi1>, vector<16xf32>
        %lt3A_1793 = arith.constant 0 : i32
        %lt3A_1794 = vector.broadcast %lt3A_1793 : i32 to vector<16xi32>
        %lt3A_1795 = arith.cmpi slt, %xor3A_99, %lt3A_1794 : vector<16xi32>
        %add3A_1796 = arith.constant 16 : i32
        %add3A_1797 = vector.broadcast %add3A_1796 : i32 to vector<16xi32>
        %add3A_1798 = arith.addi %xor3A_99, %add3A_1797 : vector<16xi32>
        %select_n3A_1799 = arith.select %lt3A_1795, %add3A_1798, %xor3A_99 : vector<16xi1>, vector<16xi32>
        %broadcast_in_dim3A_1800 = vector.shape_cast %select_n3A_1799 : vector<16xi32> to vector<16x1xi32>
        %gather3A_1801 = vector.shape_cast %broadcast_in_dim3A_1800 : vector<16x1xi32> to vector<16xi32>
        %gather3A_1802 = tpu.dynamic_gather %add3A_1528[%gather3A_1801] in [0] : vector<16xf32>, vector<16xi32> -> vector<16xf32>
        %add3A_1803 = arith.addf %add3A_1528, %gather3A_1802 : vector<16xf32>
        %lt3A_1804 = arith.constant 0 : i32
        %lt3A_1805 = vector.broadcast %lt3A_1804 : i32 to vector<16xi32>
        %lt3A_1806 = arith.cmpi slt, %xor3A_99, %lt3A_1805 : vector<16xi32>
        %add3A_1807 = arith.constant 16 : i32
        %add3A_1808 = vector.broadcast %add3A_1807 : i32 to vector<16xi32>
        %add3A_1809 = arith.addi %xor3A_99, %add3A_1808 : vector<16xi32>
        %select_n3A_1810 = arith.select %lt3A_1806, %add3A_1809, %xor3A_99 : vector<16xi1>, vector<16xi32>
        %broadcast_in_dim3A_1811 = vector.shape_cast %select_n3A_1810 : vector<16xi32> to vector<16x1xi32>
        %gather3A_1812 = vector.shape_cast %broadcast_in_dim3A_1811 : vector<16x1xi32> to vector<16xi32>
        %gather3A_1813 = tpu.dynamic_gather %add3A_1592[%gather3A_1812] in [0] : vector<16xf32>, vector<16xi32> -> vector<16xf32>
        %add3A_1814 = arith.addf %add3A_1592, %gather3A_1813 : vector<16xf32>
        %select_n3A_1815 = arith.select %eq3A_112, %add3A_1803, %add3A_1814 : vector<16xi1>, vector<16xf32>
        %lt3A_1816 = arith.constant 0 : i32
        %lt3A_1817 = vector.broadcast %lt3A_1816 : i32 to vector<16xi32>
        %lt3A_1818 = arith.cmpi slt, %xor3A_99, %lt3A_1817 : vector<16xi32>
        %add3A_1819 = arith.constant 16 : i32
        %add3A_1820 = vector.broadcast %add3A_1819 : i32 to vector<16xi32>
        %add3A_1821 = arith.addi %xor3A_99, %add3A_1820 : vector<16xi32>
        %select_n3A_1822 = arith.select %lt3A_1818, %add3A_1821, %xor3A_99 : vector<16xi1>, vector<16xi32>
        %broadcast_in_dim3A_1823 = vector.shape_cast %select_n3A_1822 : vector<16xi32> to vector<16x1xi32>
        %gather3A_1824 = vector.shape_cast %broadcast_in_dim3A_1823 : vector<16x1xi32> to vector<16xi32>
        %gather3A_1825 = tpu.dynamic_gather %add3A_1656[%gather3A_1824] in [0] : vector<16xf32>, vector<16xi32> -> vector<16xf32>
        %add3A_1826 = arith.addf %add3A_1656, %gather3A_1825 : vector<16xf32>
        %lt3A_1827 = arith.constant 0 : i32
        %lt3A_1828 = vector.broadcast %lt3A_1827 : i32 to vector<16xi32>
        %lt3A_1829 = arith.cmpi slt, %xor3A_99, %lt3A_1828 : vector<16xi32>
        %add3A_1830 = arith.constant 16 : i32
        %add3A_1831 = vector.broadcast %add3A_1830 : i32 to vector<16xi32>
        %add3A_1832 = arith.addi %xor3A_99, %add3A_1831 : vector<16xi32>
        %select_n3A_1833 = arith.select %lt3A_1829, %add3A_1832, %xor3A_99 : vector<16xi1>, vector<16xi32>
        %broadcast_in_dim3A_1834 = vector.shape_cast %select_n3A_1833 : vector<16xi32> to vector<16x1xi32>
        %gather3A_1835 = vector.shape_cast %broadcast_in_dim3A_1834 : vector<16x1xi32> to vector<16xi32>
        %gather3A_1836 = tpu.dynamic_gather %add3A_1720[%gather3A_1835] in [0] : vector<16xf32>, vector<16xi32> -> vector<16xf32>
        %add3A_1837 = arith.addf %add3A_1720, %gather3A_1836 : vector<16xf32>
        %select_n3A_1838 = arith.select %eq3A_112, %add3A_1826, %add3A_1837 : vector<16xi1>, vector<16xf32>
        %lt3A_1839 = arith.constant 0 : i32
        %lt3A_1840 = vector.broadcast %lt3A_1839 : i32 to vector<16xi32>
        %lt3A_1841 = arith.cmpi slt, %xor3A_102, %lt3A_1840 : vector<16xi32>
        %add3A_1842 = arith.constant 16 : i32
        %add3A_1843 = vector.broadcast %add3A_1842 : i32 to vector<16xi32>
        %add3A_1844 = arith.addi %xor3A_102, %add3A_1843 : vector<16xi32>
        %select_n3A_1845 = arith.select %lt3A_1841, %add3A_1844, %xor3A_102 : vector<16xi1>, vector<16xi32>
        %broadcast_in_dim3A_1846 = vector.shape_cast %select_n3A_1845 : vector<16xi32> to vector<16x1xi32>
        %gather3A_1847 = vector.shape_cast %broadcast_in_dim3A_1846 : vector<16x1xi32> to vector<16xi32>
        %gather3A_1848 = tpu.dynamic_gather %select_n3A_1769[%gather3A_1847] in [0] : vector<16xf32>, vector<16xi32> -> vector<16xf32>
        %add3A_1849 = arith.addf %select_n3A_1769, %gather3A_1848 : vector<16xf32>
        %lt3A_1850 = arith.constant 0 : i32
        %lt3A_1851 = vector.broadcast %lt3A_1850 : i32 to vector<16xi32>
        %lt3A_1852 = arith.cmpi slt, %xor3A_102, %lt3A_1851 : vector<16xi32>
        %add3A_1853 = arith.constant 16 : i32
        %add3A_1854 = vector.broadcast %add3A_1853 : i32 to vector<16xi32>
        %add3A_1855 = arith.addi %xor3A_102, %add3A_1854 : vector<16xi32>
        %select_n3A_1856 = arith.select %lt3A_1852, %add3A_1855, %xor3A_102 : vector<16xi1>, vector<16xi32>
        %broadcast_in_dim3A_1857 = vector.shape_cast %select_n3A_1856 : vector<16xi32> to vector<16x1xi32>
        %gather3A_1858 = vector.shape_cast %broadcast_in_dim3A_1857 : vector<16x1xi32> to vector<16xi32>
        %gather3A_1859 = tpu.dynamic_gather %select_n3A_1792[%gather3A_1858] in [0] : vector<16xf32>, vector<16xi32> -> vector<16xf32>
        %add3A_1860 = arith.addf %select_n3A_1792, %gather3A_1859 : vector<16xf32>
        %select_n3A_1861 = arith.select %eq3A_118, %add3A_1849, %add3A_1860 : vector<16xi1>, vector<16xf32>
        %lt3A_1862 = arith.constant 0 : i32
        %lt3A_1863 = vector.broadcast %lt3A_1862 : i32 to vector<16xi32>
        %lt3A_1864 = arith.cmpi slt, %xor3A_102, %lt3A_1863 : vector<16xi32>
        %add3A_1865 = arith.constant 16 : i32
        %add3A_1866 = vector.broadcast %add3A_1865 : i32 to vector<16xi32>
        %add3A_1867 = arith.addi %xor3A_102, %add3A_1866 : vector<16xi32>
        %select_n3A_1868 = arith.select %lt3A_1864, %add3A_1867, %xor3A_102 : vector<16xi1>, vector<16xi32>
        %broadcast_in_dim3A_1869 = vector.shape_cast %select_n3A_1868 : vector<16xi32> to vector<16x1xi32>
        %gather3A_1870 = vector.shape_cast %broadcast_in_dim3A_1869 : vector<16x1xi32> to vector<16xi32>
        %gather3A_1871 = tpu.dynamic_gather %select_n3A_1815[%gather3A_1870] in [0] : vector<16xf32>, vector<16xi32> -> vector<16xf32>
        %add3A_1872 = arith.addf %select_n3A_1815, %gather3A_1871 : vector<16xf32>
        %lt3A_1873 = arith.constant 0 : i32
        %lt3A_1874 = vector.broadcast %lt3A_1873 : i32 to vector<16xi32>
        %lt3A_1875 = arith.cmpi slt, %xor3A_102, %lt3A_1874 : vector<16xi32>
        %add3A_1876 = arith.constant 16 : i32
        %add3A_1877 = vector.broadcast %add3A_1876 : i32 to vector<16xi32>
        %add3A_1878 = arith.addi %xor3A_102, %add3A_1877 : vector<16xi32>
        %select_n3A_1879 = arith.select %lt3A_1875, %add3A_1878, %xor3A_102 : vector<16xi1>, vector<16xi32>
        %broadcast_in_dim3A_1880 = vector.shape_cast %select_n3A_1879 : vector<16xi32> to vector<16x1xi32>
        %gather3A_1881 = vector.shape_cast %broadcast_in_dim3A_1880 : vector<16x1xi32> to vector<16xi32>
        %gather3A_1882 = tpu.dynamic_gather %select_n3A_1838[%gather3A_1881] in [0] : vector<16xf32>, vector<16xi32> -> vector<16xf32>
        %add3A_1883 = arith.addf %select_n3A_1838, %gather3A_1882 : vector<16xf32>
        %select_n3A_1884 = arith.select %eq3A_118, %add3A_1872, %add3A_1883 : vector<16xi1>, vector<16xf32>
        %lt3A_1885 = arith.constant 0 : i32
        %lt3A_1886 = vector.broadcast %lt3A_1885 : i32 to vector<16xi32>
        %lt3A_1887 = arith.cmpi slt, %xor3A_105, %lt3A_1886 : vector<16xi32>
        %add3A_1888 = arith.constant 16 : i32
        %add3A_1889 = vector.broadcast %add3A_1888 : i32 to vector<16xi32>
        %add3A_1890 = arith.addi %xor3A_105, %add3A_1889 : vector<16xi32>
        %select_n3A_1891 = arith.select %lt3A_1887, %add3A_1890, %xor3A_105 : vector<16xi1>, vector<16xi32>
        %broadcast_in_dim3A_1892 = vector.shape_cast %select_n3A_1891 : vector<16xi32> to vector<16x1xi32>
        %gather3A_1893 = vector.shape_cast %broadcast_in_dim3A_1892 : vector<16x1xi32> to vector<16xi32>
        %gather3A_1894 = tpu.dynamic_gather %select_n3A_1861[%gather3A_1893] in [0] : vector<16xf32>, vector<16xi32> -> vector<16xf32>
        %add3A_1895 = arith.addf %select_n3A_1861, %gather3A_1894 : vector<16xf32>
        %lt3A_1896 = arith.constant 0 : i32
        %lt3A_1897 = vector.broadcast %lt3A_1896 : i32 to vector<16xi32>
        %lt3A_1898 = arith.cmpi slt, %xor3A_105, %lt3A_1897 : vector<16xi32>
        %add3A_1899 = arith.constant 16 : i32
        %add3A_1900 = vector.broadcast %add3A_1899 : i32 to vector<16xi32>
        %add3A_1901 = arith.addi %xor3A_105, %add3A_1900 : vector<16xi32>
        %select_n3A_1902 = arith.select %lt3A_1898, %add3A_1901, %xor3A_105 : vector<16xi1>, vector<16xi32>
        %broadcast_in_dim3A_1903 = vector.shape_cast %select_n3A_1902 : vector<16xi32> to vector<16x1xi32>
        %gather3A_1904 = vector.shape_cast %broadcast_in_dim3A_1903 : vector<16x1xi32> to vector<16xi32>
        %gather3A_1905 = tpu.dynamic_gather %select_n3A_1884[%gather3A_1904] in [0] : vector<16xf32>, vector<16xi32> -> vector<16xf32>
        %add3A_1906 = arith.addf %select_n3A_1884, %gather3A_1905 : vector<16xf32>
        %select_n3A_1907 = arith.select %eq3A_124, %add3A_1895, %add3A_1906 : vector<16xi1>, vector<16xf32>
        %lt3A_1908 = arith.constant 0 : i32
        %lt3A_1909 = vector.broadcast %lt3A_1908 : i32 to vector<16xi32>
        %lt3A_1910 = arith.cmpi slt, %xor3A_108, %lt3A_1909 : vector<16xi32>
        %add3A_1911 = arith.constant 16 : i32
        %add3A_1912 = vector.broadcast %add3A_1911 : i32 to vector<16xi32>
        %add3A_1913 = arith.addi %xor3A_108, %add3A_1912 : vector<16xi32>
        %select_n3A_1914 = arith.select %lt3A_1910, %add3A_1913, %xor3A_108 : vector<16xi1>, vector<16xi32>
        %broadcast_in_dim3A_1915 = vector.shape_cast %select_n3A_1914 : vector<16xi32> to vector<16x1xi32>
        %gather3A_1916 = vector.shape_cast %broadcast_in_dim3A_1915 : vector<16x1xi32> to vector<16xi32>
        %gather3A_1917 = tpu.dynamic_gather %select_n3A_1907[%gather3A_1916] in [0] : vector<16xf32>, vector<16xi32> -> vector<16xf32>
        %add3A_1918 = arith.addf %select_n3A_1907, %gather3A_1917 : vector<16xf32>
        %lt3A_1919 = arith.constant 0 : i32
        %lt3A_1920 = vector.broadcast %lt3A_1919 : i32 to vector<16xi32>
        %lt3A_1921 = arith.cmpi slt, %xor3A_99, %lt3A_1920 : vector<16xi32>
        %add3A_1922 = arith.constant 16 : i32
        %add3A_1923 = vector.broadcast %add3A_1922 : i32 to vector<16xi32>
        %add3A_1924 = arith.addi %xor3A_99, %add3A_1923 : vector<16xi32>
        %select_n3A_1925 = arith.select %lt3A_1921, %add3A_1924, %xor3A_99 : vector<16xi1>, vector<16xi32>
        %broadcast_in_dim3A_1926 = vector.shape_cast %select_n3A_1925 : vector<16xi32> to vector<16x1xi32>
        %gather3A_1927 = vector.shape_cast %broadcast_in_dim3A_1926 : vector<16x1xi32> to vector<16xi32>
        %gather3A_1928 = tpu.dynamic_gather %add3A_1285[%gather3A_1927] in [0] : vector<16xf32>, vector<16xi32> -> vector<16xf32>
        %add3A_1929 = arith.addf %add3A_1285, %gather3A_1928 : vector<16xf32>
        %lt3A_1930 = arith.constant 0 : i32
        %lt3A_1931 = vector.broadcast %lt3A_1930 : i32 to vector<16xi32>
        %lt3A_1932 = arith.cmpi slt, %xor3A_99, %lt3A_1931 : vector<16xi32>
        %add3A_1933 = arith.constant 16 : i32
        %add3A_1934 = vector.broadcast %add3A_1933 : i32 to vector<16xi32>
        %add3A_1935 = arith.addi %xor3A_99, %add3A_1934 : vector<16xi32>
        %select_n3A_1936 = arith.select %lt3A_1932, %add3A_1935, %xor3A_99 : vector<16xi1>, vector<16xi32>
        %broadcast_in_dim3A_1937 = vector.shape_cast %select_n3A_1936 : vector<16xi32> to vector<16x1xi32>
        %gather3A_1938 = vector.shape_cast %broadcast_in_dim3A_1937 : vector<16x1xi32> to vector<16xi32>
        %gather3A_1939 = tpu.dynamic_gather %add3A_1349[%gather3A_1938] in [0] : vector<16xf32>, vector<16xi32> -> vector<16xf32>
        %add3A_1940 = arith.addf %add3A_1349, %gather3A_1939 : vector<16xf32>
        %select_n3A_1941 = arith.select %eq3A_112, %add3A_1929, %add3A_1940 : vector<16xi1>, vector<16xf32>
        %lt3A_1942 = arith.constant 0 : i32
        %lt3A_1943 = vector.broadcast %lt3A_1942 : i32 to vector<16xi32>
        %lt3A_1944 = arith.cmpi slt, %xor3A_99, %lt3A_1943 : vector<16xi32>
        %add3A_1945 = arith.constant 16 : i32
        %add3A_1946 = vector.broadcast %add3A_1945 : i32 to vector<16xi32>
        %add3A_1947 = arith.addi %xor3A_99, %add3A_1946 : vector<16xi32>
        %select_n3A_1948 = arith.select %lt3A_1944, %add3A_1947, %xor3A_99 : vector<16xi1>, vector<16xi32>
        %broadcast_in_dim3A_1949 = vector.shape_cast %select_n3A_1948 : vector<16xi32> to vector<16x1xi32>
        %gather3A_1950 = vector.shape_cast %broadcast_in_dim3A_1949 : vector<16x1xi32> to vector<16xi32>
        %gather3A_1951 = tpu.dynamic_gather %add3A_1413[%gather3A_1950] in [0] : vector<16xf32>, vector<16xi32> -> vector<16xf32>
        %add3A_1952 = arith.addf %add3A_1413, %gather3A_1951 : vector<16xf32>
        %lt3A_1953 = arith.constant 0 : i32
        %lt3A_1954 = vector.broadcast %lt3A_1953 : i32 to vector<16xi32>
        %lt3A_1955 = arith.cmpi slt, %xor3A_99, %lt3A_1954 : vector<16xi32>
        %add3A_1956 = arith.constant 16 : i32
        %add3A_1957 = vector.broadcast %add3A_1956 : i32 to vector<16xi32>
        %add3A_1958 = arith.addi %xor3A_99, %add3A_1957 : vector<16xi32>
        %select_n3A_1959 = arith.select %lt3A_1955, %add3A_1958, %xor3A_99 : vector<16xi1>, vector<16xi32>
        %broadcast_in_dim3A_1960 = vector.shape_cast %select_n3A_1959 : vector<16xi32> to vector<16x1xi32>
        %gather3A_1961 = vector.shape_cast %broadcast_in_dim3A_1960 : vector<16x1xi32> to vector<16xi32>
        %gather3A_1962 = tpu.dynamic_gather %add3A_1477[%gather3A_1961] in [0] : vector<16xf32>, vector<16xi32> -> vector<16xf32>
        %add3A_1963 = arith.addf %add3A_1477, %gather3A_1962 : vector<16xf32>
        %select_n3A_1964 = arith.select %eq3A_112, %add3A_1952, %add3A_1963 : vector<16xi1>, vector<16xf32>
        %lt3A_1965 = arith.constant 0 : i32
        %lt3A_1966 = vector.broadcast %lt3A_1965 : i32 to vector<16xi32>
        %lt3A_1967 = arith.cmpi slt, %xor3A_99, %lt3A_1966 : vector<16xi32>
        %add3A_1968 = arith.constant 16 : i32
        %add3A_1969 = vector.broadcast %add3A_1968 : i32 to vector<16xi32>
        %add3A_1970 = arith.addi %xor3A_99, %add3A_1969 : vector<16xi32>
        %select_n3A_1971 = arith.select %lt3A_1967, %add3A_1970, %xor3A_99 : vector<16xi1>, vector<16xi32>
        %broadcast_in_dim3A_1972 = vector.shape_cast %select_n3A_1971 : vector<16xi32> to vector<16x1xi32>
        %gather3A_1973 = vector.shape_cast %broadcast_in_dim3A_1972 : vector<16x1xi32> to vector<16xi32>
        %gather3A_1974 = tpu.dynamic_gather %add3A_1541[%gather3A_1973] in [0] : vector<16xf32>, vector<16xi32> -> vector<16xf32>
        %add3A_1975 = arith.addf %add3A_1541, %gather3A_1974 : vector<16xf32>
        %lt3A_1976 = arith.constant 0 : i32
        %lt3A_1977 = vector.broadcast %lt3A_1976 : i32 to vector<16xi32>
        %lt3A_1978 = arith.cmpi slt, %xor3A_99, %lt3A_1977 : vector<16xi32>
        %add3A_1979 = arith.constant 16 : i32
        %add3A_1980 = vector.broadcast %add3A_1979 : i32 to vector<16xi32>
        %add3A_1981 = arith.addi %xor3A_99, %add3A_1980 : vector<16xi32>
        %select_n3A_1982 = arith.select %lt3A_1978, %add3A_1981, %xor3A_99 : vector<16xi1>, vector<16xi32>
        %broadcast_in_dim3A_1983 = vector.shape_cast %select_n3A_1982 : vector<16xi32> to vector<16x1xi32>
        %gather3A_1984 = vector.shape_cast %broadcast_in_dim3A_1983 : vector<16x1xi32> to vector<16xi32>
        %gather3A_1985 = tpu.dynamic_gather %add3A_1605[%gather3A_1984] in [0] : vector<16xf32>, vector<16xi32> -> vector<16xf32>
        %add3A_1986 = arith.addf %add3A_1605, %gather3A_1985 : vector<16xf32>
        %select_n3A_1987 = arith.select %eq3A_112, %add3A_1975, %add3A_1986 : vector<16xi1>, vector<16xf32>
        %lt3A_1988 = arith.constant 0 : i32
        %lt3A_1989 = vector.broadcast %lt3A_1988 : i32 to vector<16xi32>
        %lt3A_1990 = arith.cmpi slt, %xor3A_99, %lt3A_1989 : vector<16xi32>
        %add3A_1991 = arith.constant 16 : i32
        %add3A_1992 = vector.broadcast %add3A_1991 : i32 to vector<16xi32>
        %add3A_1993 = arith.addi %xor3A_99, %add3A_1992 : vector<16xi32>
        %select_n3A_1994 = arith.select %lt3A_1990, %add3A_1993, %xor3A_99 : vector<16xi1>, vector<16xi32>
        %broadcast_in_dim3A_1995 = vector.shape_cast %select_n3A_1994 : vector<16xi32> to vector<16x1xi32>
        %gather3A_1996 = vector.shape_cast %broadcast_in_dim3A_1995 : vector<16x1xi32> to vector<16xi32>
        %gather3A_1997 = tpu.dynamic_gather %add3A_1669[%gather3A_1996] in [0] : vector<16xf32>, vector<16xi32> -> vector<16xf32>
        %add3A_1998 = arith.addf %add3A_1669, %gather3A_1997 : vector<16xf32>
        %lt3A_1999 = arith.constant 0 : i32
        %lt3A_2000 = vector.broadcast %lt3A_1999 : i32 to vector<16xi32>
        %lt3A_2001 = arith.cmpi slt, %xor3A_99, %lt3A_2000 : vector<16xi32>
        %add3A_2002 = arith.constant 16 : i32
        %add3A_2003 = vector.broadcast %add3A_2002 : i32 to vector<16xi32>
        %add3A_2004 = arith.addi %xor3A_99, %add3A_2003 : vector<16xi32>
        %select_n3A_2005 = arith.select %lt3A_2001, %add3A_2004, %xor3A_99 : vector<16xi1>, vector<16xi32>
        %broadcast_in_dim3A_2006 = vector.shape_cast %select_n3A_2005 : vector<16xi32> to vector<16x1xi32>
        %gather3A_2007 = vector.shape_cast %broadcast_in_dim3A_2006 : vector<16x1xi32> to vector<16xi32>
        %gather3A_2008 = tpu.dynamic_gather %add3A_1733[%gather3A_2007] in [0] : vector<16xf32>, vector<16xi32> -> vector<16xf32>
        %add3A_2009 = arith.addf %add3A_1733, %gather3A_2008 : vector<16xf32>
        %select_n3A_2010 = arith.select %eq3A_112, %add3A_1998, %add3A_2009 : vector<16xi1>, vector<16xf32>
        %lt3A_2011 = arith.constant 0 : i32
        %lt3A_2012 = vector.broadcast %lt3A_2011 : i32 to vector<16xi32>
        %lt3A_2013 = arith.cmpi slt, %xor3A_102, %lt3A_2012 : vector<16xi32>
        %add3A_2014 = arith.constant 16 : i32
        %add3A_2015 = vector.broadcast %add3A_2014 : i32 to vector<16xi32>
        %add3A_2016 = arith.addi %xor3A_102, %add3A_2015 : vector<16xi32>
        %select_n3A_2017 = arith.select %lt3A_2013, %add3A_2016, %xor3A_102 : vector<16xi1>, vector<16xi32>
        %broadcast_in_dim3A_2018 = vector.shape_cast %select_n3A_2017 : vector<16xi32> to vector<16x1xi32>
        %gather3A_2019 = vector.shape_cast %broadcast_in_dim3A_2018 : vector<16x1xi32> to vector<16xi32>
        %gather3A_2020 = tpu.dynamic_gather %select_n3A_1941[%gather3A_2019] in [0] : vector<16xf32>, vector<16xi32> -> vector<16xf32>
        %add3A_2021 = arith.addf %select_n3A_1941, %gather3A_2020 : vector<16xf32>
        %lt3A_2022 = arith.constant 0 : i32
        %lt3A_2023 = vector.broadcast %lt3A_2022 : i32 to vector<16xi32>
        %lt3A_2024 = arith.cmpi slt, %xor3A_102, %lt3A_2023 : vector<16xi32>
        %add3A_2025 = arith.constant 16 : i32
        %add3A_2026 = vector.broadcast %add3A_2025 : i32 to vector<16xi32>
        %add3A_2027 = arith.addi %xor3A_102, %add3A_2026 : vector<16xi32>
        %select_n3A_2028 = arith.select %lt3A_2024, %add3A_2027, %xor3A_102 : vector<16xi1>, vector<16xi32>
        %broadcast_in_dim3A_2029 = vector.shape_cast %select_n3A_2028 : vector<16xi32> to vector<16x1xi32>
        %gather3A_2030 = vector.shape_cast %broadcast_in_dim3A_2029 : vector<16x1xi32> to vector<16xi32>
        %gather3A_2031 = tpu.dynamic_gather %select_n3A_1964[%gather3A_2030] in [0] : vector<16xf32>, vector<16xi32> -> vector<16xf32>
        %add3A_2032 = arith.addf %select_n3A_1964, %gather3A_2031 : vector<16xf32>
        %select_n3A_2033 = arith.select %eq3A_118, %add3A_2021, %add3A_2032 : vector<16xi1>, vector<16xf32>
        %lt3A_2034 = arith.constant 0 : i32
        %lt3A_2035 = vector.broadcast %lt3A_2034 : i32 to vector<16xi32>
        %lt3A_2036 = arith.cmpi slt, %xor3A_102, %lt3A_2035 : vector<16xi32>
        %add3A_2037 = arith.constant 16 : i32
        %add3A_2038 = vector.broadcast %add3A_2037 : i32 to vector<16xi32>
        %add3A_2039 = arith.addi %xor3A_102, %add3A_2038 : vector<16xi32>
        %select_n3A_2040 = arith.select %lt3A_2036, %add3A_2039, %xor3A_102 : vector<16xi1>, vector<16xi32>
        %broadcast_in_dim3A_2041 = vector.shape_cast %select_n3A_2040 : vector<16xi32> to vector<16x1xi32>
        %gather3A_2042 = vector.shape_cast %broadcast_in_dim3A_2041 : vector<16x1xi32> to vector<16xi32>
        %gather3A_2043 = tpu.dynamic_gather %select_n3A_1987[%gather3A_2042] in [0] : vector<16xf32>, vector<16xi32> -> vector<16xf32>
        %add3A_2044 = arith.addf %select_n3A_1987, %gather3A_2043 : vector<16xf32>
        %lt3A_2045 = arith.constant 0 : i32
        %lt3A_2046 = vector.broadcast %lt3A_2045 : i32 to vector<16xi32>
        %lt3A_2047 = arith.cmpi slt, %xor3A_102, %lt3A_2046 : vector<16xi32>
        %add3A_2048 = arith.constant 16 : i32
        %add3A_2049 = vector.broadcast %add3A_2048 : i32 to vector<16xi32>
        %add3A_2050 = arith.addi %xor3A_102, %add3A_2049 : vector<16xi32>
        %select_n3A_2051 = arith.select %lt3A_2047, %add3A_2050, %xor3A_102 : vector<16xi1>, vector<16xi32>
        %broadcast_in_dim3A_2052 = vector.shape_cast %select_n3A_2051 : vector<16xi32> to vector<16x1xi32>
        %gather3A_2053 = vector.shape_cast %broadcast_in_dim3A_2052 : vector<16x1xi32> to vector<16xi32>
        %gather3A_2054 = tpu.dynamic_gather %select_n3A_2010[%gather3A_2053] in [0] : vector<16xf32>, vector<16xi32> -> vector<16xf32>
        %add3A_2055 = arith.addf %select_n3A_2010, %gather3A_2054 : vector<16xf32>
        %select_n3A_2056 = arith.select %eq3A_118, %add3A_2044, %add3A_2055 : vector<16xi1>, vector<16xf32>
        %lt3A_2057 = arith.constant 0 : i32
        %lt3A_2058 = vector.broadcast %lt3A_2057 : i32 to vector<16xi32>
        %lt3A_2059 = arith.cmpi slt, %xor3A_105, %lt3A_2058 : vector<16xi32>
        %add3A_2060 = arith.constant 16 : i32
        %add3A_2061 = vector.broadcast %add3A_2060 : i32 to vector<16xi32>
        %add3A_2062 = arith.addi %xor3A_105, %add3A_2061 : vector<16xi32>
        %select_n3A_2063 = arith.select %lt3A_2059, %add3A_2062, %xor3A_105 : vector<16xi1>, vector<16xi32>
        %broadcast_in_dim3A_2064 = vector.shape_cast %select_n3A_2063 : vector<16xi32> to vector<16x1xi32>
        %gather3A_2065 = vector.shape_cast %broadcast_in_dim3A_2064 : vector<16x1xi32> to vector<16xi32>
        %gather3A_2066 = tpu.dynamic_gather %select_n3A_2033[%gather3A_2065] in [0] : vector<16xf32>, vector<16xi32> -> vector<16xf32>
        %add3A_2067 = arith.addf %select_n3A_2033, %gather3A_2066 : vector<16xf32>
        %lt3A_2068 = arith.constant 0 : i32
        %lt3A_2069 = vector.broadcast %lt3A_2068 : i32 to vector<16xi32>
        %lt3A_2070 = arith.cmpi slt, %xor3A_105, %lt3A_2069 : vector<16xi32>
        %add3A_2071 = arith.constant 16 : i32
        %add3A_2072 = vector.broadcast %add3A_2071 : i32 to vector<16xi32>
        %add3A_2073 = arith.addi %xor3A_105, %add3A_2072 : vector<16xi32>
        %select_n3A_2074 = arith.select %lt3A_2070, %add3A_2073, %xor3A_105 : vector<16xi1>, vector<16xi32>
        %broadcast_in_dim3A_2075 = vector.shape_cast %select_n3A_2074 : vector<16xi32> to vector<16x1xi32>
        %gather3A_2076 = vector.shape_cast %broadcast_in_dim3A_2075 : vector<16x1xi32> to vector<16xi32>
        %gather3A_2077 = tpu.dynamic_gather %select_n3A_2056[%gather3A_2076] in [0] : vector<16xf32>, vector<16xi32> -> vector<16xf32>
        %add3A_2078 = arith.addf %select_n3A_2056, %gather3A_2077 : vector<16xf32>
        %select_n3A_2079 = arith.select %eq3A_124, %add3A_2067, %add3A_2078 : vector<16xi1>, vector<16xf32>
        %lt3A_2080 = arith.constant 0 : i32
        %lt3A_2081 = vector.broadcast %lt3A_2080 : i32 to vector<16xi32>
        %lt3A_2082 = arith.cmpi slt, %xor3A_108, %lt3A_2081 : vector<16xi32>
        %add3A_2083 = arith.constant 16 : i32
        %add3A_2084 = vector.broadcast %add3A_2083 : i32 to vector<16xi32>
        %add3A_2085 = arith.addi %xor3A_108, %add3A_2084 : vector<16xi32>
        %select_n3A_2086 = arith.select %lt3A_2082, %add3A_2085, %xor3A_108 : vector<16xi1>, vector<16xi32>
        %broadcast_in_dim3A_2087 = vector.shape_cast %select_n3A_2086 : vector<16xi32> to vector<16x1xi32>
        %gather3A_2088 = vector.shape_cast %broadcast_in_dim3A_2087 : vector<16x1xi32> to vector<16xi32>
        %gather3A_2089 = tpu.dynamic_gather %select_n3A_2079[%gather3A_2088] in [0] : vector<16xf32>, vector<16xi32> -> vector<16xf32>
        %add3A_2090 = arith.addf %select_n3A_2079, %gather3A_2089 : vector<16xf32>
        %lt3A_2091 = arith.constant 0 : i32
        %lt3A_2092 = vector.broadcast %lt3A_2091 : i32 to vector<16xi32>
        %lt3A_2093 = arith.cmpi slt, %xor3A_99, %lt3A_2092 : vector<16xi32>
        %add3A_2094 = arith.constant 16 : i32
        %add3A_2095 = vector.broadcast %add3A_2094 : i32 to vector<16xi32>
        %add3A_2096 = arith.addi %xor3A_99, %add3A_2095 : vector<16xi32>
        %select_n3A_2097 = arith.select %lt3A_2093, %add3A_2096, %xor3A_99 : vector<16xi1>, vector<16xi32>
        %broadcast_in_dim3A_2098 = vector.shape_cast %select_n3A_2097 : vector<16xi32> to vector<16x1xi32>
        %gather3A_2099 = vector.shape_cast %broadcast_in_dim3A_2098 : vector<16x1xi32> to vector<16xi32>
        %gather3A_2100 = tpu.dynamic_gather %add3A_1298[%gather3A_2099] in [0] : vector<16xf32>, vector<16xi32> -> vector<16xf32>
        %add3A_2101 = arith.addf %add3A_1298, %gather3A_2100 : vector<16xf32>
        %lt3A_2102 = arith.constant 0 : i32
        %lt3A_2103 = vector.broadcast %lt3A_2102 : i32 to vector<16xi32>
        %lt3A_2104 = arith.cmpi slt, %xor3A_99, %lt3A_2103 : vector<16xi32>
        %add3A_2105 = arith.constant 16 : i32
        %add3A_2106 = vector.broadcast %add3A_2105 : i32 to vector<16xi32>
        %add3A_2107 = arith.addi %xor3A_99, %add3A_2106 : vector<16xi32>
        %select_n3A_2108 = arith.select %lt3A_2104, %add3A_2107, %xor3A_99 : vector<16xi1>, vector<16xi32>
        %broadcast_in_dim3A_2109 = vector.shape_cast %select_n3A_2108 : vector<16xi32> to vector<16x1xi32>
        %gather3A_2110 = vector.shape_cast %broadcast_in_dim3A_2109 : vector<16x1xi32> to vector<16xi32>
        %gather3A_2111 = tpu.dynamic_gather %add3A_1362[%gather3A_2110] in [0] : vector<16xf32>, vector<16xi32> -> vector<16xf32>
        %add3A_2112 = arith.addf %add3A_1362, %gather3A_2111 : vector<16xf32>
        %select_n3A_2113 = arith.select %eq3A_112, %add3A_2101, %add3A_2112 : vector<16xi1>, vector<16xf32>
        %lt3A_2114 = arith.constant 0 : i32
        %lt3A_2115 = vector.broadcast %lt3A_2114 : i32 to vector<16xi32>
        %lt3A_2116 = arith.cmpi slt, %xor3A_99, %lt3A_2115 : vector<16xi32>
        %add3A_2117 = arith.constant 16 : i32
        %add3A_2118 = vector.broadcast %add3A_2117 : i32 to vector<16xi32>
        %add3A_2119 = arith.addi %xor3A_99, %add3A_2118 : vector<16xi32>
        %select_n3A_2120 = arith.select %lt3A_2116, %add3A_2119, %xor3A_99 : vector<16xi1>, vector<16xi32>
        %broadcast_in_dim3A_2121 = vector.shape_cast %select_n3A_2120 : vector<16xi32> to vector<16x1xi32>
        %gather3A_2122 = vector.shape_cast %broadcast_in_dim3A_2121 : vector<16x1xi32> to vector<16xi32>
        %gather3A_2123 = tpu.dynamic_gather %add3A_1426[%gather3A_2122] in [0] : vector<16xf32>, vector<16xi32> -> vector<16xf32>
        %add3A_2124 = arith.addf %add3A_1426, %gather3A_2123 : vector<16xf32>
        %lt3A_2125 = arith.constant 0 : i32
        %lt3A_2126 = vector.broadcast %lt3A_2125 : i32 to vector<16xi32>
        %lt3A_2127 = arith.cmpi slt, %xor3A_99, %lt3A_2126 : vector<16xi32>
        %add3A_2128 = arith.constant 16 : i32
        %add3A_2129 = vector.broadcast %add3A_2128 : i32 to vector<16xi32>
        %add3A_2130 = arith.addi %xor3A_99, %add3A_2129 : vector<16xi32>
        %select_n3A_2131 = arith.select %lt3A_2127, %add3A_2130, %xor3A_99 : vector<16xi1>, vector<16xi32>
        %broadcast_in_dim3A_2132 = vector.shape_cast %select_n3A_2131 : vector<16xi32> to vector<16x1xi32>
        %gather3A_2133 = vector.shape_cast %broadcast_in_dim3A_2132 : vector<16x1xi32> to vector<16xi32>
        %gather3A_2134 = tpu.dynamic_gather %add3A_1490[%gather3A_2133] in [0] : vector<16xf32>, vector<16xi32> -> vector<16xf32>
        %add3A_2135 = arith.addf %add3A_1490, %gather3A_2134 : vector<16xf32>
        %select_n3A_2136 = arith.select %eq3A_112, %add3A_2124, %add3A_2135 : vector<16xi1>, vector<16xf32>
        %lt3A_2137 = arith.constant 0 : i32
        %lt3A_2138 = vector.broadcast %lt3A_2137 : i32 to vector<16xi32>
        %lt3A_2139 = arith.cmpi slt, %xor3A_99, %lt3A_2138 : vector<16xi32>
        %add3A_2140 = arith.constant 16 : i32
        %add3A_2141 = vector.broadcast %add3A_2140 : i32 to vector<16xi32>
        %add3A_2142 = arith.addi %xor3A_99, %add3A_2141 : vector<16xi32>
        %select_n3A_2143 = arith.select %lt3A_2139, %add3A_2142, %xor3A_99 : vector<16xi1>, vector<16xi32>
        %broadcast_in_dim3A_2144 = vector.shape_cast %select_n3A_2143 : vector<16xi32> to vector<16x1xi32>
        %gather3A_2145 = vector.shape_cast %broadcast_in_dim3A_2144 : vector<16x1xi32> to vector<16xi32>
        %gather3A_2146 = tpu.dynamic_gather %add3A_1554[%gather3A_2145] in [0] : vector<16xf32>, vector<16xi32> -> vector<16xf32>
        %add3A_2147 = arith.addf %add3A_1554, %gather3A_2146 : vector<16xf32>
        %lt3A_2148 = arith.constant 0 : i32
        %lt3A_2149 = vector.broadcast %lt3A_2148 : i32 to vector<16xi32>
        %lt3A_2150 = arith.cmpi slt, %xor3A_99, %lt3A_2149 : vector<16xi32>
        %add3A_2151 = arith.constant 16 : i32
        %add3A_2152 = vector.broadcast %add3A_2151 : i32 to vector<16xi32>
        %add3A_2153 = arith.addi %xor3A_99, %add3A_2152 : vector<16xi32>
        %select_n3A_2154 = arith.select %lt3A_2150, %add3A_2153, %xor3A_99 : vector<16xi1>, vector<16xi32>
        %broadcast_in_dim3A_2155 = vector.shape_cast %select_n3A_2154 : vector<16xi32> to vector<16x1xi32>
        %gather3A_2156 = vector.shape_cast %broadcast_in_dim3A_2155 : vector<16x1xi32> to vector<16xi32>
        %gather3A_2157 = tpu.dynamic_gather %add3A_1618[%gather3A_2156] in [0] : vector<16xf32>, vector<16xi32> -> vector<16xf32>
        %add3A_2158 = arith.addf %add3A_1618, %gather3A_2157 : vector<16xf32>
        %select_n3A_2159 = arith.select %eq3A_112, %add3A_2147, %add3A_2158 : vector<16xi1>, vector<16xf32>
        %lt3A_2160 = arith.constant 0 : i32
        %lt3A_2161 = vector.broadcast %lt3A_2160 : i32 to vector<16xi32>
        %lt3A_2162 = arith.cmpi slt, %xor3A_99, %lt3A_2161 : vector<16xi32>
        %add3A_2163 = arith.constant 16 : i32
        %add3A_2164 = vector.broadcast %add3A_2163 : i32 to vector<16xi32>
        %add3A_2165 = arith.addi %xor3A_99, %add3A_2164 : vector<16xi32>
        %select_n3A_2166 = arith.select %lt3A_2162, %add3A_2165, %xor3A_99 : vector<16xi1>, vector<16xi32>
        %broadcast_in_dim3A_2167 = vector.shape_cast %select_n3A_2166 : vector<16xi32> to vector<16x1xi32>
        %gather3A_2168 = vector.shape_cast %broadcast_in_dim3A_2167 : vector<16x1xi32> to vector<16xi32>
        %gather3A_2169 = tpu.dynamic_gather %add3A_1682[%gather3A_2168] in [0] : vector<16xf32>, vector<16xi32> -> vector<16xf32>
        %add3A_2170 = arith.addf %add3A_1682, %gather3A_2169 : vector<16xf32>
        %lt3A_2171 = arith.constant 0 : i32
        %lt3A_2172 = vector.broadcast %lt3A_2171 : i32 to vector<16xi32>
        %lt3A_2173 = arith.cmpi slt, %xor3A_99, %lt3A_2172 : vector<16xi32>
        %add3A_2174 = arith.constant 16 : i32
        %add3A_2175 = vector.broadcast %add3A_2174 : i32 to vector<16xi32>
        %add3A_2176 = arith.addi %xor3A_99, %add3A_2175 : vector<16xi32>
        %select_n3A_2177 = arith.select %lt3A_2173, %add3A_2176, %xor3A_99 : vector<16xi1>, vector<16xi32>
        %broadcast_in_dim3A_2178 = vector.shape_cast %select_n3A_2177 : vector<16xi32> to vector<16x1xi32>
        %gather3A_2179 = vector.shape_cast %broadcast_in_dim3A_2178 : vector<16x1xi32> to vector<16xi32>
        %gather3A_2180 = tpu.dynamic_gather %add3A_1746[%gather3A_2179] in [0] : vector<16xf32>, vector<16xi32> -> vector<16xf32>
        %add3A_2181 = arith.addf %add3A_1746, %gather3A_2180 : vector<16xf32>
        %select_n3A_2182 = arith.select %eq3A_112, %add3A_2170, %add3A_2181 : vector<16xi1>, vector<16xf32>
        %lt3A_2183 = arith.constant 0 : i32
        %lt3A_2184 = vector.broadcast %lt3A_2183 : i32 to vector<16xi32>
        %lt3A_2185 = arith.cmpi slt, %xor3A_102, %lt3A_2184 : vector<16xi32>
        %add3A_2186 = arith.constant 16 : i32
        %add3A_2187 = vector.broadcast %add3A_2186 : i32 to vector<16xi32>
        %add3A_2188 = arith.addi %xor3A_102, %add3A_2187 : vector<16xi32>
        %select_n3A_2189 = arith.select %lt3A_2185, %add3A_2188, %xor3A_102 : vector<16xi1>, vector<16xi32>
        %broadcast_in_dim3A_2190 = vector.shape_cast %select_n3A_2189 : vector<16xi32> to vector<16x1xi32>
        %gather3A_2191 = vector.shape_cast %broadcast_in_dim3A_2190 : vector<16x1xi32> to vector<16xi32>
        %gather3A_2192 = tpu.dynamic_gather %select_n3A_2113[%gather3A_2191] in [0] : vector<16xf32>, vector<16xi32> -> vector<16xf32>
        %add3A_2193 = arith.addf %select_n3A_2113, %gather3A_2192 : vector<16xf32>
        %lt3A_2194 = arith.constant 0 : i32
        %lt3A_2195 = vector.broadcast %lt3A_2194 : i32 to vector<16xi32>
        %lt3A_2196 = arith.cmpi slt, %xor3A_102, %lt3A_2195 : vector<16xi32>
        %add3A_2197 = arith.constant 16 : i32
        %add3A_2198 = vector.broadcast %add3A_2197 : i32 to vector<16xi32>
        %add3A_2199 = arith.addi %xor3A_102, %add3A_2198 : vector<16xi32>
        %select_n3A_2200 = arith.select %lt3A_2196, %add3A_2199, %xor3A_102 : vector<16xi1>, vector<16xi32>
        %broadcast_in_dim3A_2201 = vector.shape_cast %select_n3A_2200 : vector<16xi32> to vector<16x1xi32>
        %gather3A_2202 = vector.shape_cast %broadcast_in_dim3A_2201 : vector<16x1xi32> to vector<16xi32>
        %gather3A_2203 = tpu.dynamic_gather %select_n3A_2136[%gather3A_2202] in [0] : vector<16xf32>, vector<16xi32> -> vector<16xf32>
        %add3A_2204 = arith.addf %select_n3A_2136, %gather3A_2203 : vector<16xf32>
        %select_n3A_2205 = arith.select %eq3A_118, %add3A_2193, %add3A_2204 : vector<16xi1>, vector<16xf32>
        %lt3A_2206 = arith.constant 0 : i32
        %lt3A_2207 = vector.broadcast %lt3A_2206 : i32 to vector<16xi32>
        %lt3A_2208 = arith.cmpi slt, %xor3A_102, %lt3A_2207 : vector<16xi32>
        %add3A_2209 = arith.constant 16 : i32
        %add3A_2210 = vector.broadcast %add3A_2209 : i32 to vector<16xi32>
        %add3A_2211 = arith.addi %xor3A_102, %add3A_2210 : vector<16xi32>
        %select_n3A_2212 = arith.select %lt3A_2208, %add3A_2211, %xor3A_102 : vector<16xi1>, vector<16xi32>
        %broadcast_in_dim3A_2213 = vector.shape_cast %select_n3A_2212 : vector<16xi32> to vector<16x1xi32>
        %gather3A_2214 = vector.shape_cast %broadcast_in_dim3A_2213 : vector<16x1xi32> to vector<16xi32>
        %gather3A_2215 = tpu.dynamic_gather %select_n3A_2159[%gather3A_2214] in [0] : vector<16xf32>, vector<16xi32> -> vector<16xf32>
        %add3A_2216 = arith.addf %select_n3A_2159, %gather3A_2215 : vector<16xf32>
        %lt3A_2217 = arith.constant 0 : i32
        %lt3A_2218 = vector.broadcast %lt3A_2217 : i32 to vector<16xi32>
        %lt3A_2219 = arith.cmpi slt, %xor3A_102, %lt3A_2218 : vector<16xi32>
        %add3A_2220 = arith.constant 16 : i32
        %add3A_2221 = vector.broadcast %add3A_2220 : i32 to vector<16xi32>
        %add3A_2222 = arith.addi %xor3A_102, %add3A_2221 : vector<16xi32>
        %select_n3A_2223 = arith.select %lt3A_2219, %add3A_2222, %xor3A_102 : vector<16xi1>, vector<16xi32>
        %broadcast_in_dim3A_2224 = vector.shape_cast %select_n3A_2223 : vector<16xi32> to vector<16x1xi32>
        %gather3A_2225 = vector.shape_cast %broadcast_in_dim3A_2224 : vector<16x1xi32> to vector<16xi32>
        %gather3A_2226 = tpu.dynamic_gather %select_n3A_2182[%gather3A_2225] in [0] : vector<16xf32>, vector<16xi32> -> vector<16xf32>
        %add3A_2227 = arith.addf %select_n3A_2182, %gather3A_2226 : vector<16xf32>
        %select_n3A_2228 = arith.select %eq3A_118, %add3A_2216, %add3A_2227 : vector<16xi1>, vector<16xf32>
        %lt3A_2229 = arith.constant 0 : i32
        %lt3A_2230 = vector.broadcast %lt3A_2229 : i32 to vector<16xi32>
        %lt3A_2231 = arith.cmpi slt, %xor3A_105, %lt3A_2230 : vector<16xi32>
        %add3A_2232 = arith.constant 16 : i32
        %add3A_2233 = vector.broadcast %add3A_2232 : i32 to vector<16xi32>
        %add3A_2234 = arith.addi %xor3A_105, %add3A_2233 : vector<16xi32>
        %select_n3A_2235 = arith.select %lt3A_2231, %add3A_2234, %xor3A_105 : vector<16xi1>, vector<16xi32>
        %broadcast_in_dim3A_2236 = vector.shape_cast %select_n3A_2235 : vector<16xi32> to vector<16x1xi32>
        %gather3A_2237 = vector.shape_cast %broadcast_in_dim3A_2236 : vector<16x1xi32> to vector<16xi32>
        %gather3A_2238 = tpu.dynamic_gather %select_n3A_2205[%gather3A_2237] in [0] : vector<16xf32>, vector<16xi32> -> vector<16xf32>
        %add3A_2239 = arith.addf %select_n3A_2205, %gather3A_2238 : vector<16xf32>
        %lt3A_2240 = arith.constant 0 : i32
        %lt3A_2241 = vector.broadcast %lt3A_2240 : i32 to vector<16xi32>
        %lt3A_2242 = arith.cmpi slt, %xor3A_105, %lt3A_2241 : vector<16xi32>
        %add3A_2243 = arith.constant 16 : i32
        %add3A_2244 = vector.broadcast %add3A_2243 : i32 to vector<16xi32>
        %add3A_2245 = arith.addi %xor3A_105, %add3A_2244 : vector<16xi32>
        %select_n3A_2246 = arith.select %lt3A_2242, %add3A_2245, %xor3A_105 : vector<16xi1>, vector<16xi32>
        %broadcast_in_dim3A_2247 = vector.shape_cast %select_n3A_2246 : vector<16xi32> to vector<16x1xi32>
        %gather3A_2248 = vector.shape_cast %broadcast_in_dim3A_2247 : vector<16x1xi32> to vector<16xi32>
        %gather3A_2249 = tpu.dynamic_gather %select_n3A_2228[%gather3A_2248] in [0] : vector<16xf32>, vector<16xi32> -> vector<16xf32>
        %add3A_2250 = arith.addf %select_n3A_2228, %gather3A_2249 : vector<16xf32>
        %select_n3A_2251 = arith.select %eq3A_124, %add3A_2239, %add3A_2250 : vector<16xi1>, vector<16xf32>
        %lt3A_2252 = arith.constant 0 : i32
        %lt3A_2253 = vector.broadcast %lt3A_2252 : i32 to vector<16xi32>
        %lt3A_2254 = arith.cmpi slt, %xor3A_108, %lt3A_2253 : vector<16xi32>
        %add3A_2255 = arith.constant 16 : i32
        %add3A_2256 = vector.broadcast %add3A_2255 : i32 to vector<16xi32>
        %add3A_2257 = arith.addi %xor3A_108, %add3A_2256 : vector<16xi32>
        %select_n3A_2258 = arith.select %lt3A_2254, %add3A_2257, %xor3A_108 : vector<16xi1>, vector<16xi32>
        %broadcast_in_dim3A_2259 = vector.shape_cast %select_n3A_2258 : vector<16xi32> to vector<16x1xi32>
        %gather3A_2260 = vector.shape_cast %broadcast_in_dim3A_2259 : vector<16x1xi32> to vector<16xi32>
        %gather3A_2261 = tpu.dynamic_gather %select_n3A_2251[%gather3A_2260] in [0] : vector<16xf32>, vector<16xi32> -> vector<16xf32>
        %add3A_2262 = arith.addf %select_n3A_2251, %gather3A_2261 : vector<16xf32>
        %select_n3A_2263 = arith.select %lt3A_126, %add3A_890, %add3A_1918 : vector<16xi1>, vector<16xf32>
        %add3A_2264 = arith.addf %select_n3A_2263, %get3A_89 : vector<16xf32>
        %select_n3A_2265 = arith.select %lt3A_126, %add3A_1062, %add3A_2090 : vector<16xi1>, vector<16xf32>
        %add3A_2266 = arith.addf %select_n3A_2265, %get3A_93 : vector<16xf32>
        %select_n3A_2267 = arith.select %lt3A_126, %add3A_1234, %add3A_2262 : vector<16xi1>, vector<16xf32>
        %add3A_2268 = arith.addf %select_n3A_2267, %get3A_97 : vector<16xf32>
        %max3A = arith.maximumf %add3A_2264, %add3A_2266 : vector<16xf32>
        %max3A_2269 = arith.maximumf %max3A, %add3A_2268 : vector<16xf32>
        %sub3A = arith.subf %add3A_2264, %max3A_2269 : vector<16xf32>
        %exp3A = math.exp %sub3A : vector<16xf32>
        %sub3A_2270 = arith.subf %add3A_2266, %max3A_2269 : vector<16xf32>
        %exp3A_2271 = math.exp %sub3A_2270 : vector<16xf32>
        %sub3A_2272 = arith.subf %add3A_2268, %max3A_2269 : vector<16xf32>
        %exp3A_2273 = math.exp %sub3A_2272 : vector<16xf32>
        %add3A_2274 = arith.addf %exp3A, %exp3A_2271 : vector<16xf32>
        %add3A_2275 = arith.addf %add3A_2274, %exp3A_2273 : vector<16xf32>
        %div3A = arith.constant 1.000000e+00 : f32
        %div3A_2276 = vector.broadcast %div3A : f32 to vector<16xf32>
        %div3A_2277 = arith.divf %div3A_2276, %add3A_2275 : vector<16xf32>
        %add3A_2278 = vector.broadcast %mul3A_209 : i32 to vector<16xi32>
        %add3A_2279 = arith.addi %iota3A, %add3A_2278 : vector<16xi32>
        %broadcast_in_dim3A_2280 = arith.constant 0 : i32
        %broadcast_in_dim3A_2281 = vector.broadcast %broadcast_in_dim3A_2280 : i32 to vector<16xi32>
        %mul3A_2282 = arith.mulf %exp3A, %div3A_2277 : vector<16xf32>
        tpu.vector_store_idx %arg8[%add3A_2279, %broadcast_in_dim3A_2281], %mul3A_2282 : memref<256x3xf32, #tpu.memory_space<vmem>>[vector<16xi32>, vector<16xi32>], vector<16xf32>,
        %add3A_2283 = vector.broadcast %mul3A_209 : i32 to vector<16xi32>
        %add3A_2284 = arith.addi %iota3A, %add3A_2283 : vector<16xi32>
        %broadcast_in_dim3A_2285 = arith.constant 1 : i32
        %broadcast_in_dim3A_2286 = vector.broadcast %broadcast_in_dim3A_2285 : i32 to vector<16xi32>
        %mul3A_2287 = arith.mulf %exp3A_2271, %div3A_2277 : vector<16xf32>
        tpu.vector_store_idx %arg8[%add3A_2284, %broadcast_in_dim3A_2286], %mul3A_2287 : memref<256x3xf32, #tpu.memory_space<vmem>>[vector<16xi32>, vector<16xi32>], vector<16xf32>,
        %add3A_2288 = vector.broadcast %mul3A_209 : i32 to vector<16xi32>
        %add3A_2289 = arith.addi %iota3A, %add3A_2288 : vector<16xi32>
        %broadcast_in_dim3A_2290 = arith.constant 2 : i32
        %broadcast_in_dim3A_2291 = vector.broadcast %broadcast_in_dim3A_2290 : i32 to vector<16xi32>
        %mul3A_2292 = arith.mulf %exp3A_2273, %div3A_2277 : vector<16xf32>
        tpu.vector_store_idx %arg8[%add3A_2289, %broadcast_in_dim3A_2291], %mul3A_2292 : memref<256x3xf32, #tpu.memory_space<vmem>>[vector<16xi32>, vector<16xi32>], vector<16xf32>,
      }
      %scan3A_196 = arith.constant 16 : i32
      %mul3A_197 = arith.constant 256 : i32
      %mul3A_198 = arith.muli %add3A_180, %mul3A_197 : i32
      %add3A_199 = arith.addi %mul3A_2, %mul3A_198 : i32
      "tpu.region"() ({
        %run_scoped3A = tpu.sem_alloc : memref<!tpu.dma_semaphore, #tpu.memory_space<semaphore_mem>>
        %dma_start3A_207 = arith.constant 0 : i32
        %dma_start3A_208 = tpu.memref_slice %arg5[%add3A_199, %dma_start3A_207] : memref<262144x3xf32, #tpu.memory_space<hbm>> -> memref<256x3xf32, #tpu.memory_space<hbm>>
        %dma_start3A_209 = arith.constant 0 : i32
        %dma_start3A_210 = tpu.memref_slice %arg5[%add3A_199, %dma_start3A_209] : memref<262144x3xf32, #tpu.memory_space<hbm>> -> memref<256x3xf32, #tpu.memory_space<hbm>>
        tpu.enqueue_dma source(%arg8 : memref<256x3xf32, #tpu.memory_space<vmem>>) target(%dma_start3A_210 : memref<256x3xf32, #tpu.memory_space<hbm>>) target_semaphore(%run_scoped3A : memref<!tpu.dma_semaphore, #tpu.memory_space<semaphore_mem>>)
        %dma_wait3A_211 = arith.constant 0 : i32
        %dma_wait3A_212 = tpu.memref_slice %arg5[%add3A_199, %dma_wait3A_211] : memref<262144x3xf32, #tpu.memory_space<hbm>> -> memref<256x3xf32, #tpu.memory_space<hbm>>
        %dma_wait3A_213 = arith.constant 0 : i32
        %dma_wait3A_214 = tpu.memref_slice %arg5[%add3A_199, %dma_wait3A_213] : memref<262144x3xf32, #tpu.memory_space<hbm>> -> memref<256x3xf32, #tpu.memory_space<hbm>>
        tpu.wait_dma2 semaphore(%run_scoped3A : memref<!tpu.dma_semaphore, #tpu.memory_space<semaphore_mem>>) src(%arg8 : memref<256x3xf32, #tpu.memory_space<vmem>>) dst(%dma_wait3A_214 : memref<256x3xf32, #tpu.memory_space<hbm>>)
        tpu.yield
      }) : () -> ()
      %add3A_200 = arith.constant 2 : i32
      %add3A_201 = arith.addi %add3A_180, %add3A_200 : i32
      %lt3A_202 = arith.constant 32 : i32
      %lt3A_203 = arith.cmpi slt, %add3A_201, %lt3A_202 : i32
      %convert_element_type3A_204 = arith.extui %lt3A_203 : i1 to i32
      %cond3A_205 = arith.constant 0 : i32
      %cond3A_206 = arith.cmpi ne, %convert_element_type3A_204, %cond3A_205 : i32
      scf.if %cond3A_206 {
        %add3A_207 = arith.constant 2 : i32
        %add3A_208 = arith.addi %add3A_180, %add3A_207 : i32
        %mul3A_209 = arith.constant 256 : i32
        %mul3A_210 = arith.muli %add3A_208, %mul3A_209 : i32
        %add3A_211 = arith.addi %mul3A_2, %mul3A_210 : i32
        %dma_start3A_212 = arith.constant 1 : i32
        %dma_start3A_213 = arith.constant 0 : i32
        %dma_start3A_214 = tpu.memref_slice %arg2[%add3A_211, %dma_start3A_213] : memref<262144x100xf32, #tpu.memory_space<hbm>> -> memref<256x100xf32, #tpu.memory_space<hbm>>
        %dma_start3A_215 = tpu.memref_slice %arg11[%dma_start3A_212] : memref<2x!tpu.dma_semaphore, #tpu.memory_space<semaphore_mem>> -> memref<1x!tpu.dma_semaphore, #tpu.memory_space<semaphore_mem>>
        %dma_start3A_216 = tpu.memref_squeeze %dma_start3A_215 : memref<1x!tpu.dma_semaphore, #tpu.memory_space<semaphore_mem>> -> memref<!tpu.dma_semaphore, #tpu.memory_space<semaphore_mem>>
        %dma_start3A_217 = arith.constant 0 : i32
        %dma_start3A_218 = tpu.memref_slice %arg2[%add3A_211, %dma_start3A_217] : memref<262144x100xf32, #tpu.memory_space<hbm>> -> memref<256x100xf32, #tpu.memory_space<hbm>>
        tpu.enqueue_dma source(%dma_start3A_218 : memref<256x100xf32, #tpu.memory_space<hbm>>) target(%arg7 : memref<256x100xf32, #tpu.memory_space<vmem>>) target_semaphore(%dma_start3A_216 : memref<!tpu.dma_semaphore, #tpu.memory_space<semaphore_mem>>)
      } else {
      }
    }
    %scan3A_148 = arith.constant 16 : i32
    return
  }
}

</mosaic_0001>

<sc_bundles>
// kernel: kernel.3.cloned.1.call-start
scs
__scs_entry_jumppad:
0x0: {  	(pc) =	sbr.rel $0x88, $3  }
0x1: {  	(tag) =	ssettag $0x0;
	lr =	simm.s32 $0x1  }
0x2: {  	[smem:$0x3F9E] =	sst lr;
	_ =	strace $0xD0000000  }
0x3: {  	_ = 	snop  }
0x4: {  	_ = 	snop  }
0x5: {  	_ = 	snop  }
0x6: {  	_ = 	snop  }
0x7: {  	_ = 	snop  }
__scs_overlays_trampoline_lowered:
0x8: {  	[smem:$0x3FAD] =	sst s0  }
0x9: {  	[smem:$0x3FAE] =	sst s1  }
0xa: {  	[smem:$0x3FAF] =	sst s2  }
0xb: {  	[smem:$0x3FB0] =	sst s3  }
0xc: {  	[smem:$0x3FB1] =	sst s4  }
0xd: {  	[smem:$0x3FB2] =	sst s5  }
0xe: {  	[smem:$0x3FB3] =	sst s6  }
0xf: {  	[smem:$0x3FB4] =	sst s7  }
0x10: {  	[smem:$0x3FB5] =	sst s8  }
0x11: {  	[smem:$0x3FB6] =	sst s9;
	s0 =	simm.s32 @!p0 $0x0  }
0x12: {  	s1 =	sld [smem:$0x3F9C];
	s0 =	simm.s32 @p0 $0x1  }
0x13: {  	[smem:$0x3FB7] =	sst s0;
	s0 =	simm.s32 @!p1 $0x0  }
0x14: {  	s2 =	sld [smem:$0x3F9B];
	s0 =	simm.s32 @p1 $0x1  }
0x15: {  	[smem:$0x3FB8] =	sst s0;
	s0 =	simm.s32 @!p2 $0x0  }
0x16: {  	s3 =	sld [smem:$0x3FDB];
	s0 =	simm.s32 @p2 $0x1  }
0x17: {  	s4 =	simm.s32 $0x1BF5;
	[smem:$0x3FBA] =	sst s0  }
0x18: {  	s0 =	sld [smem:$0x3F9D];
	_ =	swait.ge [sflag:s4], $0x0  }
0x19: {  	s7 =	sld [smem:$0x3F9E]  }
0x1a: {  	s8 =	sadd.s32 $0xFFFFE003, lr  }
0x1b: {  	s9 =	sadd.s32 $0xFFFFFEF7, lr;
	s5 =	simm.s32 $0xFFFFFFFF;
	p2 =	slt.u32 s8, $0xFFFFF086  }
0x1c: {  	p1 =	slt.u32 s9, $0xF7A;
	s5 =	simm.s32 @!p2 $0x0  }
0x1d: {  	s5 =	simm.s32 @p1 $0x1;
	p0 =	seq.s32 s7, s2  }
0x1e: {  	s7 =	smul.u32 @!p0 $0xF7A, s2;
	p2 =	seq.s32 @!p0 s5, $0x0  }
0x1f: {  	s9 =	smul.u32 $0xF7A, s1;
	s8 =	simm.s32 @!p0 $0x1BF5;
	p2 =	por !p2, p0  }
0x20: {  	[sflag:s8] =	ssyncset.s32 @!p0 $0xFFFFF086;
	s6 =	sadd.s32 @!p0 s3, s7;
	s7 =	simm.s32 @!p0 $0x108  }
0x21: {  	s3 =	sadd.s32 s3, s9;
	s6 =	sadd.s32 @!p0 $0x88, s6;
	s7 =	simm.s32 @p2 $0x1082  }
0x22: {  	[simem:s7], [sflag:s8] =	dma.local @!p0 [hbm:s6], $0xF7A  }
0x23: {  	s9 =	sor.u32 $0xD0000000, s2;
	s6 =	simm.s32 $0x108;
	_ =	swait.ge @!p0 [sflag:s8], $0x0  }
0x24: {  	s3 =	sadd.s32 $0x88, s3;
	s6 =	simm.s32 @!p1 $0x1082;
	[sflag:s4] =	ssyncset.s32 $0xFFFFF086  }
0x25: {  	[simem:s6], [sflag:s4] =	dma.local [hbm:s3], $0xF7A  }
0x26: {  	[smem:$0x3F9E] =	sst s1;
	(tag) =	ssettag s2;
	_ =	strace s9  }
0x27: {  	s1 =	sld [smem:$0x3FAE]  }
0x28: {  	s2 =	sld [smem:$0x3FAF]  }
0x29: {  	s4 =	sld [smem:$0x3FB1]  }
0x2a: {  	p0 =	seq.s32 s5, $0x0;
	s5 =	sld [smem:$0x3FB2]  }
0x2b: {  	s6 =	sld [smem:$0x3FB3]  }
0x2c: {  	s7 =	sld [smem:$0x3FB4]  }
0x2d: {  	s3 =	simm.s32 $0x108;
	s8 =	sld [smem:$0x3FB5]  }
0x2e: {  	s3 =	simm.s32 @!p0 $0x1082;
	s9 =	sld [smem:$0x3FB6]  }
0x2f: {  	lr =	sadd.s32 s0, s3;
	s0 =	sld [smem:$0x3FAD]  }
0x30: {  	s3 =	sld [smem:$0x3FB0]  }
0x31: {  	[smem:$0x3FB9] =	sst s10  }
0x32: {  	s10 =	sld [smem:$0x3FB7];
	_ =	sdelay $0x3  }
0x33: {  	p0 =	seq.s32 s10, $0x1;
	s10 =	sld [smem:$0x3FB9];
	_ =	sdelay $0x3  }
0x34: {  	[smem:$0x3FB9] =	sst s10  }
0x35: {  	s10 =	sld [smem:$0x3FB8];
	_ =	sdelay $0x3  }
0x36: {  	p1 =	seq.s32 s10, $0x1;
	s10 =	sld [smem:$0x3FB9];
	_ =	sdelay $0x3  }
0x37: {  	[smem:$0x3FB9] =	sst s10  }
0x38: {  	s10 =	sld [smem:$0x3FBA]  }
0x39: {  	_ = 	snop;
	(pc) =	sbr.ind lr, $3  }
0x3a: {  	_ = 	snop  }
0x3b: {  	_ = 	snop  }
0x3c: {  	p2 =	seq.s32 s10, $0x1;
	s10 =	sld [smem:$0x3FB9]  }
0x3d: {  	_ =	shalt  }
0x3e: {  	_ =	shalt  }
0x3f: {  	_ =	shalt  }
0x40: {  	_ =	shalt  }
0x41: {  	_ =	shalt  }
0x42: {  	_ =	shalt  }
0x43: {  	_ =	shalt  }
0x44: {  	_ =	shalt  }
0x45: {  	_ =	shalt  }
0x46: {  	_ =	shalt  }
0x47: {  	_ =	shalt  }
0x48: {  	_ =	shalt  }
0x49: {  	_ =	shalt  }
0x4a: {  	_ =	shalt  }
0x4b: {  	_ =	shalt  }
0x4c: {  	_ =	shalt  }
0x4d: {  	_ =	shalt  }
0x4e: {  	_ =	shalt  }
0x4f: {  	_ =	shalt  }
0x50: {  	_ =	shalt  }
0x51: {  	_ =	shalt  }
0x52: {  	_ =	shalt  }
0x53: {  	_ =	shalt  }
0x54: {  	_ =	shalt  }
0x55: {  	_ =	shalt  }
0x56: {  	_ =	shalt  }
0x57: {  	_ =	shalt  }
0x58: {  	_ =	shalt  }
0x59: {  	_ =	shalt  }
0x5a: {  	_ =	shalt  }
0x5b: {  	_ =	shalt  }
0x5c: {  	_ =	shalt  }
0x5d: {  	_ =	shalt  }
0x5e: {  	_ =	shalt  }
0x5f: {  	_ =	shalt  }
0x60: {  	_ =	shalt  }
0x61: {  	_ =	shalt  }
0x62: {  	_ =	shalt  }
0x63: {  	_ =	shalt  }
0x64: {  	_ =	shalt  }
0x65: {  	_ =	shalt  }
0x66: {  	_ =	shalt  }
0x67: {  	_ =	shalt  }
0x68: {  	_ =	shalt  }
0x69: {  	_ =	shalt  }
0x6a: {  	_ =	shalt  }
0x6b: {  	_ =	shalt  }
0x6c: {  	_ =	shalt  }
0x6d: {  	_ =	shalt  }
0x6e: {  	_ =	shalt  }
0x6f: {  	_ =	shalt  }
0x70: {  	_ =	shalt  }
0x71: {  	_ =	shalt  }
0x72: {  	_ =	shalt  }
0x73: {  	_ =	shalt  }
0x74: {  	_ =	shalt  }
0x75: {  	_ =	shalt  }
0x76: {  	_ =	shalt  }
0x77: {  	_ =	shalt  }
0x78: {  	_ =	shalt  }
0x79: {  	_ =	shalt  }
0x7a: {  	_ =	shalt  }
0x7b: {  	_ =	shalt  }
0x7c: {  	_ =	shalt  }
0x7d: {  	_ =	shalt  }
0x7e: {  	_ =	shalt  }
0x7f: {  	_ =	shalt  }
0x80: {  	_ =	shalt  }
0x81: {  	_ =	shalt  }
0x82: {  	_ =	shalt  }
0x83: {  	_ =	shalt  }
0x84: {  	_ =	shalt  }
0x85: {  	_ =	shalt  }
0x86: {  	_ =	shalt  }
0x87: {  	_ =	shalt  }
.Lfunc_end0:
.L_simem_size_0:
called_computation_lowered:
.L_overlay_start_0:
0x88: {  	s2 =	sld [smem:$0x3FD9]  }
0x89: {  	s3 =	sld [smem:$0x3FFE];
	_ =	sdelay $0x1  }
0x8a: {  	s1 =	srdreg.scid  }
0x8b: {  	s0 =	sand.u32 $0x1, s1  }
0x8c: {  	s17 =	sshll.u32 s0, $0xA;
	s2 =	sadd.s32 s3, s2  }
0x8d: {  	s2 =	sadd.s32 s2, s17  }
0x8e: {  	[smem:$0x3FC5] =	sst s2  }
0x8f: {  	_ = 	snop  }
0x90: {  	s2 =	sld [smem:$0x3FD0];
	(tm) =	ssettm $0x1  }
0x91: {  	s18 =	sld [smem:$0x3FFB];
	_ =	sdelay $0x3  }
0x92: {  	_ =	strace s18  }
0x93: {  	s3 =	sld [smem:$0x3FFC];
	_ =	sdelay $0x3  }
0x94: {  	_ =	strace s3  }
0x95: {  	s3 =	sld [smem:$0x3FFD];
	_ =	sdelay $0x3  }
0x96: {  	_ =	strace s3  }
0x97: {  	_ =	strace $0x8FFFFFFF  }
0x98: {  	s19 =	sld [smem:$0x3FDB];
	_ =	sdelay $0x1  }
0x99: {  	s4 =	simm.s32 $_scs_section_size  }
0x9a: {  	s5 =	simm.s32 $_size__tile_overlayer_lowered;
	s6 =	simm.s32 $_tile_overlayer_lowered  }
0x9b: {  	s22 =	simm.s32 $0x1BFF;
	s21 =	sshll.u32 s6, $0x1;
	s3 =	sadd.s32 s4, s19  }
0x9c: {  	s7 =	simm.s32 $0x0;
	s20 =	sshll.u32 s5, $0x1;
	s5 =	sadd.s32 s21, s3  }
0x9d: {  	[timem:s7], [sflag:s22] =	dma.local [hbm:s5], s20  }
0x9e: {  	_ =	swait.ge [sflag:s22], s20  }
0x9f: {  	s4 =	ssub.s32 $0x0, s20;
	[sflag:s22] =	ssyncset.done $0x0  }
0xa0: {  	[sflag:s22] =	ssyncadd.s32 s4;
	_ =	sdelay $0x1  }
0xa1: {  	s23 =	simm.s32 $0x1B8B  }
0xa2: {  	_ =	swait.ge [sflag:s23], $0x1  }
0xa3: {  	[sflag:s23] =	ssyncset.done $0x0  }
0xa4: {  	s25 =	simm.s32 $0x1B8E;
	s24 =	sld [smem:$0x3FFE];
	[sflag:s23] =	ssyncadd.s32 $0xFFFFFFFF  }
0xa5: {  	s26 =	simm.s32 $execute0_lowered;
	[smem:$0x3FD2] =	sst s25  }
0xa6: {  	s5 =	sshll.u32 s26, $0x1;
	_ =	strace $0x80000046;
	[dreg:$0x1] =	wrdreg $0xFFFFFFFF  }
0xa7: {  	s28 =	simm.s32 $_size_execute0_lowered;
	s3 =	sadd.s32 s3, s5;
	[dreg:$0x0] =	wrdreg $0x0  }
0xa8: {  	s5 =	sshll.u32 s28, $0x1;
	[dreg:$0x2] =	wrdreg s3  }
0xa9: {  	[dreg:$0x3] =	wrdreg s5  }
0xaa: {  	[dreg:$0x4] =	wrdreg $0xC0  }
0xab: {  	_ =	task [dreg:s7], $0x5FFFF  }
0xac: {  	[dreg:$0x1] =	wrdreg $0xFFFFFFFF  }
0xad: {  	[dreg:$0x0] =	wrdreg $0x60  }
0xae: {  	[dreg:$0x2] =	wrdreg s24  }
0xaf: {  	[dreg:$0x3] =	wrdreg s2  }
0xb0: {  	[dreg:$0x4] =	wrdreg $0x9  }
0xb1: {  	_ =	task.clear_ibuf [dreg:s7], $0x5FFFF;
	_ =	strace $0x90000046  }
0xb2: {  	s29 =	simm.s32 $0x9;
	_ =	strace $0x80000048  }
0xb3: {  	_ =	swait.ge [sflag:s29], $0x1  }
0xb4: {  	[sflag:s29] =	ssyncadd.s32 $0xFFFFFFFF  }
0xb5: {  	_ =	strace $0x90000048  }
0xb6: {  	_ =	sfence  }
0xb7: {  	s30 =	sld [smem:$0x0];
	_ =	sdelay $0x2  }
0xb8: {  	s31 =	sshll.u32 s1, $0xD;
	s1 =	sshrl.u32 s1, $0x2  }
0xb9: {  	s3 =	sand.u32 $0x4000, s31;
	s1 =	sadd.s32 s1, s30  }
0xba: {  	s0 =	sor.u32 s3, s0;
	s1 =	sshll.u32 s1, $0x11  }
0xbb: {  	s0 =	sor.u32 s1, s0  }
0xbc: {  	s0 =	sadd.s32 $0x8F2B, s0  }
0xbd: {  	[sflag:s0] =	ssyncadd.remote.s32 $0x1  }
0xbe: {  	_ =	sfence.sel $0xFFFF  }
0xbf: {  	[dreg:$0x0] =	wrdreg $0xFFFFFFFF;
	(pc) =	sbr.abs _section_cstart, $3  }
0xc0: {  	[dreg:$0x1] =	wrdreg $0xFFFFFFFF  }
0xc1: {  	_ =	task.clear_ibuf [dreg:s7], $0x2FFFF;
	_ =	strace $0x9FFFFFFF  }
0xc2: {  	(tm) =	ssettm $0x7FFFFFFF  }
0xc3: {  	_ =	shalt  }
tec
execute0_lowered:
.L_overlay_start_1:
0x0: {  	(tag) =	ssettag $0x1  }
0x1: {  	v0 =	vimm.s32 $0xEFCDAB89  }
0x2: {  	v1 =	vimm.s32 $0x67452301;
	vm0 =	vcmask $0xB08;
	vm1 =	vcmask $0x300  }
0x3: {  	v2 =	vimm.s32 $0x54761032;
	v0 =	vunpack.c.l.s4.s8 v0;
	v1 =	vunpack.c.l.s4.s8 v1  }
0x4: {  	v3 =	vimm.s32 $0xBA98FEDC;
	v4 =	vimm.s32 $0x32107654;
	vm2 =	vcmask $0x700  }
0x5: {  	v62 =	vimm.s32 $0xFEDCBA98;
	v0 =	vunpack.c.0.s8.s32 v0;
	v1 =	vunpack.c.0.s8.s32 v1  }
0x6: {  	vm3 =	vcmask $0xF00;
	vm0 =	vmor vm1, vm0;
	vm1 =	vcmask $0x1310  }
0x7: {  	v2 =	vunpack.c.l.s4.s8 v2;
	v0 =	vcombine.low v1, v0;
	v1 =	vimm.s32 $0xDCFE98BA  }
0x8: {  	vm0 =	vmor vm0, vm1;
	vm1 =	vcmask $0x1B18;
	v1 =	vunpack.c.l.s4.s8 v1  }
0x9: {  	s5 =	rddreg [dreg:$0x0];
	v3 =	vunpack.c.l.s4.s8 v3;
	v4 =	vunpack.c.l.s4.s8 v4;
	vm0 =	vmor vm0, vm1  }
0xa: {  	s1 =	rddreg [dreg:$0x1];
	vm1 =	vcmask $0x2320;
	v2 =	vunpack.c.0.s8.s32 v2;
	v1 =	vunpack.c.0.s8.s32 v1  }
0xb: {  	s0 =	rddreg [dreg:$0x2];
	v63 =	vlaneseq.u32;
	vm0 =	vmor vm0, vm1;
	vm1 =	vcmask $0x2B28  }
0xc: {  	s2 =	simm.s32 $0x0;
	s4 =	srdreg.scid;
	s3 =	stileid.u32;
	v1 =	vcombine.low v2, v1;
	v2 =	vunpack.c.0.s8.s32 v3;
	v3 =	vunpack.c.0.s8.s32 v4  }
0xd: {  	s12 =	simm.s32 $0x18000;
	s13 =	simm.s32 $0x3;
	s14 =	simm.s32 $0x18C00;
	v31 =	vmul.u32 $0x80, v63;
	vm0 =	vmor vm0, vm1;
	vm1 =	vcmask $0x3330  }
0xe: {  	s15 =	simm.s32 $0x8000;
	s16 =	simm.s32 $0x1;
	s17 =	simm.s32 $0x10000;
	v4 =	vunpack.c.l.s4.s8 v62;
	v2 =	vcombine.low v3, v2;
	v3 =	vimm.s32 $0x76543210  }
0xf: {  	s18 =	simm.s32 $0x2;
	s19 =	simm.s32 $0x0;
	s4 =	sand.u32 $0x1, s4;
	vm0 =	vmor vm0, vm1;
	vm1 =	vcmask $0x3B38;
	v3 =	vunpack.c.l.s4.s8 v3  }
0x10: {  	[smem:$0x7FF] =	sst s2;
	s6 =	sshll.u32 s3, $0x12;
	s7 =	sshll.u32 s4, $0x11;
	vm0 =	vmor vm0, vm1;
	vm1 =	vcmask $0x1710;
	v4 =	vunpack.c.0.s8.s32 v4  }
.Ltmp0:
0x11: {  	s8 =	ssub.s32 $0x2, s4;
	s6 =	sor.u32 s7, s6;
	vm1 =	vmor vm2, vm1;
	vm2 =	vcmask $0x2720;
	v3 =	vunpack.c.0.s8.s32 v3;
	(pc) =	sbr.rel .LBB2_1-.Ltmp0, $4  }
0x12: {  	_ =	strace $0x80000047;
	s31 =	sshrl.u32 s8, $0x1;
	s11 =	sadd.s32 s6, s5;
	vm1 =	vmor vm1, vm2;
	vm2 =	vcmask $0x3730;
	v4 =	vand.u32 $0xF, v4  }
0x13: {  	s4 =	sadd.s32 $0x400A00, s5;
	s10 =	ssub.s32 s8, s31;
	s5 =	sadd.s32 $0xA00, s11;
	vm1 =	vmor vm1, vm2;
	vm2 =	vcmask $0x2F20;
	v59 =	vcombine.low v4, v3  }
0x14: {  	[tilespmem:$0x1FFF0] =	vst v31;
	s6 =	sadd.s32 $0x1A00, s11;
	s7 =	sadd.s32 $0x400C00, s11;
	s8 =	sadd.s32 $0x2A00, s11;
	v0 =	vand.u32 $0xF, v0;
	vm2 =	vmor vm3, vm2  }
0x15: {  	s9 =	sadd.s32 $0x3A00, s11;
	s10 =	smax.u32 s10, $0x1;
	s11 =	sadd.s32 $0x401C00, s11;
	vm3 =	vmmov $0xff;
	v1 =	vand.u32 $0xF, v1;
	v2 =	vand.u32 $0xF, v2;
	[tilespmem:$0x1FFE0] =	vst v59  }
.LBB2_8:
0x16: {  	s19 =	sadd.s32 $0x1, s19  }
0x17: {  	p0 =	sne.s32 s19, s10  }
.Ltmp1:
0x18: {  	_ = 	snop;
	(pc) =	sbr.rel @!p0 .LBB2_9-.Ltmp1, $1  }
0x19: {  	_ =	sdelay $0x3  }
.LBB2_1:
0x1a: {  	[tilespmem:s12], [sflag:$0x3] =	stream.linear.gather [hbm4b:s1+s2], $0xA80, $0x38;
	[tilespmem:$0x18E00] =	vst v63  }
0x1b: {  	_ =	swait.ge [sflag:s13], $0xA80  }
0x1c: {  	[sflag:s13] =	ssyncset.done $0x0  }
0x1d: {  	[sflag:s13] =	ssyncadd.s32 $0xFFFFF580  }
0x1e: {  	[tilespmem:s14], [sflag:$0x3] =	stream.linear.gather [hbm4b:s4+s2], $0x180, $0x38;
	[tilespmem:$0x18E00] =	vst v63  }
0x1f: {  	_ =	swait.ge [sflag:s13], $0x180  }
0x20: {  	[sflag:s13] =	ssyncset.done $0x0  }
0x21: {  	[sflag:s13] =	ssyncadd.s32 $0xFFFFFE80  }
0x22: {  	v5 =	vld [tilespmem:$0x18000]  }
0x23: {  	v6 =	vld [tilespmem:$0x18080]  }
0x24: {  	v7 =	vld [tilespmem:$0x18100]  }
0x25: {  	v8 =	vld [tilespmem:$0x18180]  }
0x26: {  	v9 =	vld [tilespmem:$0x18200]  }
0x27: {  	v10 =	vld [tilespmem:$0x18280]  }
0x28: {  	v11 =	vld [tilespmem:$0x18300]  }
0x29: {  	v12 =	vld [tilespmem:$0x18380]  }
0x2a: {  	v13 =	vld [tilespmem:$0x18400]  }
0x2b: {  	v14 =	vld [tilespmem:$0x18480]  }
0x2c: {  	v15 =	vld [tilespmem:$0x18500]  }
0x2d: {  	v16 =	vld [tilespmem:$0x18580]  }
0x2e: {  	v17 =	vld [tilespmem:$0x18600]  }
0x2f: {  	v18 =	vld [tilespmem:$0x18680]  }
0x30: {  	v19 =	vld [tilespmem:$0x18700]  }
0x31: {  	v20 =	vld [tilespmem:$0x18780]  }
0x32: {  	v21 =	vld [tilespmem:$0x18800]  }
0x33: {  	v22 =	vld [tilespmem:$0x18880]  }
0x34: {  	v23 =	vld [tilespmem:$0x18900]  }
0x35: {  	v24 =	vld [tilespmem:$0x18980]  }
0x36: {  	v25 =	vld [tilespmem:$0x18A00]  }
0x37: {  	v32 =	vld [tilespmem:$0x18C00]  }
0x38: {  	v33 =	vld [tilespmem:$0x18C80]  }
0x39: {  	v34 =	vld [tilespmem:$0x18D00];
	[tilespmem:s2], [sflag:$0x1] =	stream.linear.gather [hbm4b:s5+s2], $0x8000, $0x38  }
0x3a: {  	_ = 	snop  }
0x3b: {  	[tilespmem:s15], [sflag:$0x2] =	stream.linear.gather [hbm4b:s6+s2], $0x8000, $0x38;
	[tilespmem:$0x18E00] =	vst v63  }
0x3c: {  	[tilespmem:$0x1FFB0] =	vst v32  }
0x3d: {  	[tilespmem:$0x1FFC0] =	vst v33  }
0x3e: {  	s20 =	simm.s32 $0x0;
	[tilespmem:$0x1FFD0] =	vst v34  }
.LBB2_2:
0x3f: {  	_ =	swait.ge [sflag:s16], $0x8000  }
0x40: {  	[sflag:s16] =	ssyncset.done $0x0  }
0x41: {  	s21 =	simm.s32 $0x0;
	s22 =	simm.s32 $0x400;
	[sflag:s16] =	ssyncadd.s32 $0xFFFF8000  }
.LBB2_3:
0x42: {  	v29 =	vld [tilespmem:s22+$0xFFFFFC00]  }
0x43: {  	v30 =	vld [tilespmem:s22+$0xFFFFFC10]  }
0x44: {  	v31 =	vld [tilespmem:s22+$0xFFFFFC20]  }
0x45: {  	v32 =	vld [tilespmem:s22+$0xFFFFFC30];
	_ =	sdelay $0x1  }
0x46: {  	v35 =	vld [tilespmem:s22+$0xFFFFFC40];
	_ =	sdelay $0x1  }
0x47: {  	v36 =	vld [tilespmem:s22+$0xFFFFFC50];
	v33 =	vmul.f32 v29, v5;
	v34 =	vmul.f32 v30, v6  }
0x48: {  	v39 =	vld [tilespmem:s22+$0xFFFFFC54];
	v50 =	vmul.f32 v31, v7;
	v51 =	vmul.f32 v32, v8  }
0x49: {  	v40 =	vld [tilespmem:s22+$0xFFFFFC80];
	v37 =	vmul.f32 v29, v12;
	v38 =	vmul.f32 v30, v13  }
0x4a: {  	v54 =	vld [tilespmem:s22+$0xFFFFFC90];
	v52 =	vmul.f32 v35, v9;
	v53 =	vmul.f32 v31, v14  }
0x4b: {  	v29 =	vmul.f32 v29, v19;
	v30 =	vmul.f32 v30, v20  }
0x4c: {  	v57 =	vld [tilespmem:s22+$0xFFFFFCA0];
	v41 =	vmul.f32 v36, v10;
	v55 =	vmul.f32 v32, v15  }
0x4d: {  	v42 =	vld [tilespmem:s22+$0xFFFFFCB0];
	v56 =	vmul.f32 v31, v21;
	v58 =	vmul.f32 v35, v16  }
0x4e: {  	v59 =	vmul.f32 v39, v11;
	v60 =	vmul.f32 v32, v22  }
0x4f: {  	v62 =	vmul.f32 v40, v5;
	v63 =	vmul.f32 v54, v6  }
0x50: {  	v43 =	vmul.f32 v36, v17;
	v35 =	vmul.f32 v35, v23  }
0x51: {  	v46 =	vmul.f32 v57, v7;
	v47 =	vmul.f32 v39, v18  }
0x52: {  	v36 =	vmul.f32 v36, v24;
	v48 =	vmul.f32 v42, v8;
	v33 =	vadd.f32 v34, v33  }
0x53: {  	v44 =	vld [tilespmem:s22+$0xFFFFFCC0];
	v49 =	vmul.f32 v40, v12;
	v37 =	vadd.f32 v38, v37;
	v29 =	vadd.f32 v30, v29  }
0x54: {  	v39 =	vmul.f32 v39, v25;
	v45 =	vadd.f32 v63, v62;
	v33 =	vadd.f32 v50, v33  }
0x55: {  	v34 =	vmul.f32 v54, v20;
	v37 =	vadd.f32 v53, v37;
	v29 =	vadd.f32 v56, v29  }
0x56: {  	v50 =	vmul.f32 v54, v13;
	v53 =	vmul.f32 v40, v19;
	v54 =	vld [tilespmem:s22+$0xFFFFFD10];
	v33 =	vadd.f32 v51, v33  }
0x57: {  	v31 =	vmul.f32 v57, v21;
	v37 =	vadd.f32 v55, v37;
	v29 =	vadd.f32 v60, v29  }
0x58: {  	v62 =	vld [tilespmem:s22+$0xFFFFFD40];
	v56 =	vmul.f32 v44, v16;
	v34 =	vadd.f32 v34, v53;
	v33 =	vadd.f32 v52, v33  }
0x59: {  	v51 =	vmul.f32 v44, v9;
	v61 =	vadd.f32 v58, v37;
	v35 =	vadd.f32 v35, v29;
	v37 =	vld [tilespmem:s22+$0xFFFFFD20]  }
0x5a: {  	v31 =	vadd.f32 v31, v34;
	v58 =	vmul.f32 v42, v22;
	v33 =	vadd.f32 v41, v33;
	v41 =	vld [tilespmem:s22+$0xFFFFFCD0]  }
0x5b: {  	v52 =	vmul.f32 v57, v14;
	v60 =	vmul.f32 v54, v6;
	v35 =	vadd.f32 v36, v35;
	v36 =	vld [tilespmem:s22+$0xFFFFFCD4]  }
0x5c: {  	v40 =	vmul.f32 v54, v20;
	v32 =	vadd.f32 v43, v61;
	v43 =	vld [tilespmem:s22+$0xFFFFFD00];
	v31 =	vadd.f32 v58, v31  }
0x5d: {  	v61 =	vmul.f32 v44, v23;
	v30 =	vadd.f32 v59, v33;
	v33 =	vadd.f32 v46, v45  }
0x5e: {  	v29 =	vadd.f32 v47, v32;
	v32 =	vadd.f32 v50, v49;
	v46 =	vmul.f32 v42, v15  }
0x5f: {  	v34 =	vadd.f32 v61, v31;
	v28 =	vmul.f32 v37, v7;
	v53 =	vmul.f32 v37, v14  }
0x60: {  	v38 =	vadd.f32 v52, v32;
	v52 =	vmul.f32 v62, v9;
	v45 =	vmul.f32 v41, v10  }
0x61: {  	v42 =	vld [tilespmem:s22+$0xFFFFFD30];
	v33 =	vadd.f32 v48, v33;
	v57 =	vmul.f32 v36, v11;
	v59 =	vmul.f32 v43, v5  }
0x62: {  	v32 =	vadd.f32 v39, v35;
	v47 =	vmul.f32 v41, v17;
	v48 =	vmul.f32 v36, v18  }
0x63: {  	v41 =	vmul.f32 v41, v24;
	v50 =	vmul.f32 v43, v12;
	v33 =	vadd.f32 v51, v33  }
0x64: {  	v36 =	vmul.f32 v36, v25;
	v43 =	vmul.f32 v43, v19;
	v55 =	vadd.f32 v46, v38  }
0x65: {  	v46 =	vld [tilespmem:s22+$0xFFFFFD50];
	v51 =	vmul.f32 v54, v13;
	v63 =	vadd.f32 v60, v59;
	v33 =	vadd.f32 v45, v33  }
0x66: {  	v49 =	vmul.f32 v42, v8;
	v34 =	vadd.f32 v41, v34;
	v41 =	vld [tilespmem:s22+$0xFFFFFD54];
	v38 =	vadd.f32 v56, v55  }
0x67: {  	v54 =	vmul.f32 v42, v15;
	v56 =	vmul.f32 v37, v21;
	v37 =	vld [tilespmem:s22+$0xFFFFFDA0];
	v35 =	vadd.f32 v57, v33  }
0x68: {  	v44 =	vld [tilespmem:s22+$0xFFFFFDC0];
	v59 =	vmul.f32 v42, v22;
	v38 =	vadd.f32 v47, v38;
	v33 =	vadd.f32 v28, v63  }
0x69: {  	v42 =	vld [tilespmem:s22+$0xFFFFFDB0];
	v55 =	vadd.f32 v40, v43;
	v57 =	vmul.f32 v62, v16;
	v62 =	vmul.f32 v62, v23  }
0x6a: {  	v47 =	vld [tilespmem:s22+$0xFFFFFD80];
	v31 =	vadd.f32 v48, v38;
	v33 =	vadd.f32 v49, v33;
	v49 =	vmul.f32 v46, v10  }
0x6b: {  	v38 =	vadd.f32 v51, v50;
	v58 =	vmul.f32 v41, v11;
	v50 =	vmul.f32 v46, v17  }
0x6c: {  	v48 =	vld [tilespmem:s22+$0xFFFFFD90];
	v46 =	vmul.f32 v46, v24;
	v28 =	vmul.f32 v37, v7;
	v39 =	vadd.f32 v52, v33  }
0x6d: {  	v38 =	vadd.f32 v53, v38;
	v33 =	vadd.f32 v36, v34;
	v52 =	vmul.f32 v41, v18  }
0x6e: {  	v34 =	vadd.f32 v56, v55;
	v53 =	vmul.f32 v42, v8;
	v56 =	vmul.f32 v44, v9  }
0x6f: {  	v41 =	vmul.f32 v41, v25;
	v60 =	vmul.f32 v47, v5  }
0x70: {  	v39 =	vadd.f32 v49, v39;
	v38 =	vadd.f32 v54, v38;
	v54 =	vmul.f32 v47, v12  }
0x71: {  	v43 =	vld [tilespmem:s22+$0xFFFFFE20];
	v34 =	vadd.f32 v59, v34;
	v61 =	vmul.f32 v48, v6;
	v55 =	vmul.f32 v48, v13  }
0x72: {  	v49 =	vld [tilespmem:s22+$0xFFFFFDD0];
	v59 =	vmul.f32 v48, v20;
	v40 =	vadd.f32 v57, v38;
	v57 =	vmul.f32 v37, v14  }
0x73: {  	v38 =	vadd.f32 v58, v39;
	v58 =	vmul.f32 v47, v19;
	v37 =	vmul.f32 v37, v21  }
0x74: {  	v34 =	vadd.f32 v62, v34;
	v62 =	vmul.f32 v44, v16;
	v44 =	vmul.f32 v44, v23  }
0x75: {  	v48 =	vld [tilespmem:s22+$0xFFFFFE10];
	v63 =	vadd.f32 v61, v60;
	v60 =	vmul.f32 v42, v15;
	v40 =	vadd.f32 v50, v40  }
0x76: {  	v34 =	vadd.f32 v46, v34;
	v46 =	vld [tilespmem:s22+$0xFFFFFDD4];
	v61 =	vadd.f32 v59, v58;
	v59 =	vmul.f32 v43, v7  }
0x77: {  	v50 =	vld [tilespmem:s22+$0xFFFFFE00];
	v39 =	vadd.f32 v28, v63;
	v51 =	vmul.f32 v49, v10;
	v36 =	vadd.f32 v52, v40  }
0x78: {  	v28 =	vmul.f32 v42, v22;
	v40 =	vadd.f32 v55, v54;
	v34 =	vadd.f32 v41, v34  }
0x79: {  	v37 =	vadd.f32 v37, v61;
	v52 =	vmul.f32 v49, v17;
	v61 =	vmul.f32 v49, v24  }
0x7a: {  	v49 =	vld [tilespmem:s22+$0xFFFFFE50];
	v39 =	vadd.f32 v53, v39;
	v40 =	vadd.f32 v57, v40;
	v57 =	vmul.f32 v48, v6  }
0x7b: {  	v42 =	vld [tilespmem:s22+$0xFFFFFE30];
	v37 =	vadd.f32 v28, v37;
	v28 =	vmul.f32 v48, v13;
	v48 =	vmul.f32 v48, v20  }
0x7c: {  	v53 =	vld [tilespmem:s22+$0xFFFFFE40];
	v39 =	vadd.f32 v56, v39;
	v63 =	vmul.f32 v46, v11;
	v56 =	vmul.f32 v50, v5  }
0x7d: {  	v40 =	vadd.f32 v60, v40;
	v60 =	vmul.f32 v46, v18;
	v37 =	vadd.f32 v44, v37  }
0x7e: {  	v46 =	vmul.f32 v46, v25;
	v58 =	vadd.f32 v57, v56;
	v57 =	vmul.f32 v43, v14  }
0x7f: {  	v39 =	vadd.f32 v51, v39;
	v54 =	vmul.f32 v49, v10;
	v43 =	vmul.f32 v43, v21  }
0x80: {  	v51 =	vld [tilespmem:s22+$0xFFFFFE80];
	v40 =	vadd.f32 v62, v40;
	v62 =	vmul.f32 v42, v8;
	v37 =	vadd.f32 v61, v37  }
0x81: {  	v56 =	vmul.f32 v53, v9;
	v41 =	vadd.f32 v63, v39;
	v45 =	vadd.f32 v59, v58  }
0x82: {  	v63 =	vmul.f32 v50, v12;
	v58 =	vmul.f32 v50, v19;
	v50 =	vld [tilespmem:s22+$0xFFFFFE90];
	v40 =	vadd.f32 v52, v40  }
0x83: {  	v59 =	vmul.f32 v42, v15;
	v52 =	vld [tilespmem:s22+$0xFFFFFE54];
	v37 =	vadd.f32 v46, v37;
	v55 =	vadd.f32 v62, v45  }
0x84: {  	v42 =	vmul.f32 v42, v22;
	v46 =	vld [tilespmem:s22+$0xFFFFFEA0];
	v45 =	vadd.f32 v48, v58;
	v39 =	vadd.f32 v60, v40  }
0x85: {  	v40 =	vadd.f32 v28, v63;
	v60 =	vmul.f32 v53, v16;
	v62 =	vmul.f32 v51, v5  }
0x86: {  	v28 =	vmul.f32 v53, v23;
	v44 =	vadd.f32 v56, v55;
	v43 =	vadd.f32 v43, v45  }
0x87: {  	v55 =	vmul.f32 v49, v17;
	v49 =	vmul.f32 v49, v24;
	v40 =	vadd.f32 v57, v40  }
0x88: {  	v45 =	vld [tilespmem:s22+$0xFFFFFEB0];
	v63 =	vmul.f32 v50, v6;
	v44 =	vadd.f32 v54, v44;
	v61 =	vmul.f32 v52, v11  }
0x89: {  	v42 =	vadd.f32 v42, v43;
	v57 =	vmul.f32 v46, v7;
	v58 =	vmul.f32 v52, v18  }
0x8a: {  	v53 =	vld [tilespmem:s22+$0xFFFFFEC0];
	v52 =	vmul.f32 v52, v25;
	v40 =	vadd.f32 v59, v40;
	v47 =	vadd.f32 v63, v62  }
0x8b: {  	v44 =	vadd.f32 v61, v44;
	v43 =	vadd.f32 v28, v42;
	v61 =	vmul.f32 v50, v13  }
0x8c: {  	v56 =	vld [tilespmem:s22+$0xFFFFFF00];
	v28 =	vmul.f32 v51, v19;
	v50 =	vmul.f32 v50, v20;
	v40 =	vadd.f32 v60, v40  }
0x8d: {  	v47 =	vadd.f32 v57, v47;
	v59 =	vmul.f32 v45, v8;
	v60 =	vmul.f32 v51, v12;
	v51 =	vld [tilespmem:s22+$0xFFFFFF10]  }
0x8e: {  	v63 =	vmul.f32 v46, v14;
	v43 =	vadd.f32 v49, v43;
	v49 =	vld [tilespmem:s22+$0xFFFFFED4];
	v40 =	vadd.f32 v55, v40  }
0x8f: {  	v62 =	vmul.f32 v53, v9;
	v55 =	vld [tilespmem:s22+$0xFFFFFED0];
	v47 =	vadd.f32 v59, v47;
	v59 =	vadd.f32 v50, v28  }
0x90: {  	v46 =	vmul.f32 v46, v21;
	v42 =	vadd.f32 v58, v40;
	v40 =	vadd.f32 v61, v60  }
0x91: {  	v47 =	vadd.f32 v62, v47;
	v58 =	vmul.f32 v45, v15;
	v61 =	vmul.f32 v53, v16  }
0x92: {  	v48 =	vld [tilespmem:s22+$0xFFFFFF20];
	v45 =	vmul.f32 v45, v22;
	v28 =	vmul.f32 v51, v6;
	v54 =	vadd.f32 v63, v40  }
0x93: {  	v40 =	vadd.f32 v52, v43;
	v43 =	vadd.f32 v46, v59;
	v63 =	vmul.f32 v56, v5  }
0x94: {  	v62 =	vmul.f32 v49, v11;
	v59 =	vld [tilespmem:s22+$0xFFFFFF80];
	v57 =	vmul.f32 v55, v10;
	v60 =	vadd.f32 v58, v54  }
0x95: {  	v46 =	vld [tilespmem:s22+$0xFFFFFF30];
	v43 =	vadd.f32 v45, v43;
	v52 =	vadd.f32 v28, v63;
	v63 =	vmul.f32 v49, v18  }
0x96: {  	v28 =	vmul.f32 v55, v24;
	v49 =	vmul.f32 v49, v25;
	v47 =	vadd.f32 v57, v47  }
0x97: {  	v58 =	vmul.f32 v48, v14;
	v50 =	vadd.f32 v61, v60;
	v60 =	vmul.f32 v55, v17  }
0x98: {  	v61 =	vmul.f32 v53, v23;
	v53 =	vld [tilespmem:s22+$0xFFFFFF40];
	v47 =	vadd.f32 v62, v47;
	v62 =	vmul.f32 v48, v7  }
0x99: {  	v55 =	vld [tilespmem:s22+$0xFFFFFF50];
	v48 =	vmul.f32 v48, v21;
	v54 =	vmul.f32 v59, v5  }
0x9a: {  	v50 =	vadd.f32 v60, v50;
	v43 =	vadd.f32 v61, v43;
	v60 =	vmul.f32 v46, v8  }
0x9b: {  	v45 =	vld [tilespmem:s22+$0xFFFFFF54];
	v61 =	vmul.f32 v56, v12;
	v52 =	vadd.f32 v62, v52;
	v62 =	vmul.f32 v51, v13  }
0x9c: {  	v51 =	vmul.f32 v51, v20;
	v50 =	vadd.f32 v63, v50;
	v43 =	vadd.f32 v28, v43  }
0x9d: {  	v28 =	vmul.f32 v56, v19;
	v56 =	vld [tilespmem:s22+$0xFFFFFF90];
	v52 =	vadd.f32 v60, v52;
	v63 =	vmul.f32 v53, v9  }
0x9e: {  	v57 =	vadd.f32 v62, v61;
	v60 =	vmul.f32 v55, v10;
	v61 =	vmul.f32 v46, v15  }
0x9f: {  	v46 =	vmul.f32 v46, v22;
	v43 =	vadd.f32 v49, v43;
	v62 =	vadd.f32 v51, v28  }
0xa0: {  	v51 =	vld [tilespmem:s22+$0xFFFFFFA0];
	v52 =	vadd.f32 v63, v52;
	v57 =	vadd.f32 v58, v57;
	v63 =	vmul.f32 v45, v11  }
0xa1: {  	v58 =	vmul.f32 v53, v16;
	v53 =	vmul.f32 v53, v23;
	v48 =	vadd.f32 v48, v62  }
0xa2: {  	v49 =	vld [tilespmem:s22+$0xFFFFFFB0];
	v57 =	vadd.f32 v61, v57;
	v28 =	vmul.f32 v56, v6;
	v61 =	vmul.f32 v59, v12  }
0xa3: {  	v52 =	vadd.f32 v60, v52;
	v62 =	vmul.f32 v56, v13;
	v56 =	vmul.f32 v56, v20  }
0xa4: {  	v46 =	vadd.f32 v46, v48;
	v48 =	vld [tilespmem:s22+$0xFFFFFFC0];
	v57 =	vadd.f32 v58, v57;
	v58 =	vmul.f32 v55, v17  }
0xa5: {  	v52 =	vadd.f32 v63, v52;
	v54 =	vadd.f32 v28, v54;
	v28 =	vmul.f32 v51, v7  }
0xa6: {  	v55 =	vmul.f32 v55, v24;
	v63 =	vmul.f32 v45, v18;
	v57 =	vadd.f32 v58, v57;
	v58 =	vld [tilespmem:s22+$0xFFFFFFD0]  }
0xa7: {  	v46 =	vadd.f32 v53, v46;
	v53 =	vadd.f32 v28, v54;
	v54 =	vmul.f32 v49, v8  }
0xa8: {  	v60 =	vld [tilespmem:s22+$0xFFFFFFD4];
	v61 =	vadd.f32 v62, v61;
	v45 =	vmul.f32 v45, v25;
	v28 =	vmul.f32 v51, v14  }
0xa9: {  	v62 =	vperm.xlane v41, v0;
	v53 =	vadd.f32 v54, v53;
	v54 =	vmul.f32 v48, v9  }
0xaa: {  	v46 =	vadd.f32 v55, v46;
	v55 =	vadd.f32 v28, v61;
	v28 =	vmul.f32 v49, v15  }
0xab: {  	v51 =	vmul.f32 v51, v21;
	v53 =	vadd.f32 v54, v53;
	v54 =	vmul.f32 v58, v10  }
0xac: {  	v41 =	vadd.f32 v62, v41;
	v55 =	vadd.f32 v28, v55;
	v28 =	vmul.f32 v48, v16  }
0xad: {  	v61 =	vmul.f32 v60, v18;
	v45 =	vadd.f32 v45, v46;
	v46 =	vadd.f32 v54, v53  }
0xae: {  	v53 =	vmul.f32 v60, v11;
	v54 =	vadd.f32 v28, v55;
	v28 =	vmul.f32 v58, v17  }
0xaf: {  	v57 =	vadd.f32 v63, v57;
	v63 =	vmul.f32 v59, v19;
	v59 =	vperm.xlane v35, v0  }
0xb0: {  	v49 =	vmul.f32 v49, v22;
	v46 =	vadd.f32 v53, v46;
	v54 =	vadd.f32 v28, v54  }
0xb1: {  	v28 =	vperm.xlane v30, v0;
	v53 =	vadd.f32 v56, v63;
	v56 =	vperm.xlane v38, v0  }
0xb2: {  	v35 =	vadd.f32 v59, v35;
	v59 =	vperm.xlane v52, v0;
	v48 =	vmul.f32 v48, v23  }
0xb3: {  	v63 =	vperm.xlane v44, v0;
	v30 =	vadd.f32 v28, v30;
	v38 =	vadd.f32 v56, v38  }
0xb4: {  	v54 =	vadd.f32 v61, v54;
	v51 =	vadd.f32 v51, v53;
	v56 =	vperm.xlane v47, v0  }
0xb5: {  	v61 =	vperm.xlane v46, v0;
	v53 =	vperm.xlane v42, v0;
	v30 =	vsel vm0, v30, v35  }
0xb6: {  	v35 =	vsel vm0, v38, v41;
	v41 =	vadd.f32 v63, v44;
	v38 =	vadd.f32 v56, v47  }
0xb7: {  	v44 =	vadd.f32 v59, v52;
	v55 =	vadd.f32 v49, v51;
	v51 =	vperm.xlane v36, v0  }
0xb8: {  	v46 =	vadd.f32 v61, v46;
	v52 =	vperm.xlane v39, v0;
	v47 =	vperm.xlane v37, v0  }
0xb9: {  	v62 =	vperm.xlane v30, v1;
	v63 =	vperm.xlane v35, v1;
	v38 =	vsel vm0, v41, v38  }
0xba: {  	v56 =	vsel vm0, v44, v46;
	v44 =	vadd.f32 v48, v55;
	v55 =	vperm.xlane v50, v0  }
0xbb: {  	v30 =	vadd.f32 v62, v30;
	v35 =	vadd.f32 v63, v35;
	v59 =	vperm.xlane v38, v1  }
0xbc: {  	v36 =	vadd.f32 v51, v36;
	v46 =	vperm.xlane v56, v1;
	v62 =	vperm.xlane v29, v0  }
0xbd: {  	v63 =	vperm.xlane v31, v0;
	v30 =	vsel vm1, v30, v35;
	v35 =	vadd.f32 v59, v38  }
0xbe: {  	v48 =	vperm.xlane v40, v0;
	v41 =	vadd.f32 v46, v56;
	v29 =	vadd.f32 v62, v29  }
0xbf: {  	v31 =	vadd.f32 v63, v31;
	v38 =	vadd.f32 v52, v39;
	v56 =	vperm.xlane v57, v0  }
0xc0: {  	v59 =	vperm.xlane v54, v0;
	v62 =	vadd.f32 v55, v50;
	v46 =	vperm.xlane v34, v0  }
0xc1: {  	v61 =	vperm.xlane v30, v2;
	v35 =	vsel vm1, v35, v41;
	v39 =	vadd.f32 v56, v57  }
0xc2: {  	v49 =	vadd.f32 v59, v54;
	v29 =	vsel vm0, v29, v31;
	v50 =	vsel vm0, v36, v38  }
0xc3: {  	v56 =	vmul.f32 v58, v24;
	v58 =	vmul.f32 v60, v25;
	v34 =	vadd.f32 v46, v34  }
0xc4: {  	v30 =	vadd.f32 v61, v30;
	v61 =	vadd.f32 v53, v42;
	v63 =	vperm.xlane v35, v2  }
0xc5: {  	v53 =	vperm.xlane v29, v1;
	v54 =	vperm.xlane v50, v1;
	v52 =	vsel vm0, v39, v49  }
0xc6: {  	v57 =	vadd.f32 v56, v44;
	v49 =	vperm.xlane v43, v0;
	v51 =	vsel vm0, v61, v62  }
0xc7: {  	v41 =	vld [tilespmem:s22+$0x30];
	v35 =	vadd.f32 v63, v35;
	v55 =	vperm.xlane v52, v1;
	v29 =	vadd.f32 v53, v29  }
0xc8: {  	v3 =	vld [tilespmem:$0x1FFE0];
	v31 =	vadd.f32 v54, v50;
	v62 =	vperm.xlane v32, v0;
	v63 =	vperm.xlane v33, v0  }
0xc9: {  	v50 =	vperm.xlane v45, v0;
	v42 =	vperm.xlane v51, v1;
	v59 =	vadd.f32 v58, v57  }
0xca: {  	v39 =	vld [tilespmem:s22+$0x0];
	v53 =	vadd.f32 v49, v43;
	v38 =	vadd.f32 v55, v52;
	v30 =	vsel vm2, v30, v35  }
0xcb: {  	v31 =	vsel vm1, v29, v31;
	v32 =	vadd.f32 v62, v32;
	v33 =	vadd.f32 v63, v33  }
0xcc: {  	v52 =	vadd.f32 v48, v40;
	v54 =	vadd.f32 v50, v45;
	v28 =	vmul.f32 v41, v8  }
0xcd: {  	v40 =	vld [tilespmem:s22+$0x20];
	v36 =	vadd.f32 v42, v51;
	v35 =	vperm.xlane v30, v3;
	v60 =	vperm.xlane v31, v2  }
0xce: {  	v45 =	vld [tilespmem:s22+$0x40];
	v51 =	vperm.xlane v59, v0;
	v32 =	vsel vm0, v32, v33;
	v33 =	vsel vm0, v52, v53  }
0xcf: {  	v43 =	vld [tilespmem:s22+$0x50];
	v58 =	vmul.f32 v39, v5;
	v48 =	vmul.f32 v39, v12;
	v29 =	vadd.f32 v30, v35  }
0xd0: {  	v36 =	vsel vm1, v36, v38;
	v30 =	vadd.f32 v60, v31;
	v35 =	vadd.f32 v47, v37  }
0xd1: {  	v55 =	vadd.f32 v51, v59;
	v56 =	vperm.xlane v32, v1;
	v60 =	vperm.xlane v33, v1  }
0xd2: {  	v42 =	vld [tilespmem:s22+$0x10];
	v61 =	vperm.xlane v36, v2;
	v34 =	vsel vm0, v34, v35;
	v62 =	vmul.f32 v40, v7  }
0xd3: {  	v35 =	vsel vm0, v54, v55;
	v51 =	vmul.f32 v45, v9;
	v53 =	vmul.f32 v40, v14  }
0xd4: {  	v32 =	vadd.f32 v56, v32;
	v54 =	vmul.f32 v43, v10;
	v55 =	vmul.f32 v41, v15  }
0xd5: {  	v44 =	vld [tilespmem:s22+$0x54];
	v33 =	vadd.f32 v60, v33;
	v56 =	vmul.f32 v39, v19;
	v60 =	vmul.f32 v43, v17  }
0xd6: {  	v47 =	vld [tilespmem:s22+$0x80];
	v40 =	vmul.f32 v40, v21;
	v43 =	vmul.f32 v43, v24  }
0xd7: {  	v38 =	vld [tilespmem:s22+$0x90];
	v57 =	vperm.xlane v34, v1;
	v59 =	vmul.f32 v42, v6  }
0xd8: {  	v31 =	vadd.f32 v61, v36;
	v61 =	vperm.xlane v35, v1;
	v49 =	vmul.f32 v42, v13  }
0xd9: {  	v34 =	vadd.f32 v57, v34;
	v37 =	vadd.f32 v59, v58;
	v57 =	vmul.f32 v42, v20  }
0xda: {  	v35 =	vadd.f32 v61, v35;
	v58 =	vmul.f32 v44, v11;
	v59 =	vmul.f32 v45, v16  }
0xdb: {  	v61 =	vmul.f32 v47, v5;
	v32 =	vsel vm1, v32, v34;
	v63 =	vadd.f32 v62, v37  }
0xdc: {  	v33 =	vsel vm1, v33, v35;
	v35 =	vadd.f32 v49, v48;
	v62 =	vmul.f32 v38, v6  }
0xdd: {  	v42 =	vld [tilespmem:s22+$0xA0];
	v39 =	vadd.f32 v57, v56;
	v56 =	vmul.f32 v38, v13;
	v38 =	vmul.f32 v38, v20  }
0xde: {  	v50 =	vperm.xlane v32, v2;
	v52 =	vperm.xlane v33, v2;
	v34 =	vadd.f32 v28, v63  }
0xdf: {  	v49 =	vld [tilespmem:s22+$0xB0];
	v35 =	vadd.f32 v53, v35;
	v63 =	vadd.f32 v40, v39;
	v28 =	vmul.f32 v41, v22  }
0xe0: {  	v37 =	vadd.f32 v62, v61;
	v53 =	vmul.f32 v45, v23;
	v32 =	vadd.f32 v50, v32  }
0xe1: {  	v40 =	vld [tilespmem:s22+$0xC0];
	v33 =	vadd.f32 v52, v33;
	v52 =	vmul.f32 v44, v18;
	v34 =	vadd.f32 v51, v34  }
0xe2: {  	v44 =	vmul.f32 v44, v25;
	v35 =	vadd.f32 v55, v35;
	v51 =	vmul.f32 v42, v7  }
0xe3: {  	v45 =	vld [tilespmem:s22+$0xD0];
	v62 =	vmul.f32 v42, v21;
	v55 =	vmul.f32 v47, v12;
	v34 =	vadd.f32 v54, v34  }
0xe4: {  	v48 =	vld [tilespmem:s22+$0x100];
	v61 =	vmul.f32 v49, v15;
	v35 =	vadd.f32 v59, v35;
	v37 =	vadd.f32 v51, v37  }
0xe5: {  	v54 =	vmul.f32 v49, v8;
	v39 =	vadd.f32 v56, v55;
	v59 =	vmul.f32 v47, v19  }
0xe6: {  	v57 =	vmul.f32 v40, v9;
	v56 =	vmul.f32 v40, v23;
	v36 =	vadd.f32 v58, v34  }
0xe7: {  	v35 =	vadd.f32 v60, v35;
	v34 =	vadd.f32 v28, v63;
	v58 =	vmul.f32 v42, v14  }
0xe8: {  	v37 =	vadd.f32 v54, v37;
	v60 =	vmul.f32 v45, v10;
	v42 =	vld [tilespmem:s22+$0x110];
	v63 =	vmul.f32 v40, v16  }
0xe9: {  	v38 =	vadd.f32 v38, v59;
	v54 =	vmul.f32 v45, v17;
	v59 =	vmul.f32 v48, v12  }
0xea: {  	v47 =	vld [tilespmem:s22+$0x140];
	v45 =	vmul.f32 v45, v24;
	v34 =	vadd.f32 v53, v34;
	v35 =	vadd.f32 v52, v35  }
0xeb: {  	v37 =	vadd.f32 v57, v37;
	v39 =	vadd.f32 v58, v39;
	v52 =	vmul.f32 v49, v22;
	v49 =	vld [tilespmem:s22+$0x120]  }
0xec: {  	v40 =	vld [tilespmem:s22+$0x130];
	v38 =	vadd.f32 v62, v38;
	v57 =	vmul.f32 v48, v5;
	v34 =	vadd.f32 v43, v34  }
0xed: {  	v43 =	vld [tilespmem:s22+$0xD4];
	v37 =	vadd.f32 v60, v37;
	v39 =	vadd.f32 v61, v39;
	v58 =	vmul.f32 v42, v6  }
0xee: {  	v55 =	vadd.f32 v52, v38;
	v60 =	vmul.f32 v42, v13;
	v34 =	vadd.f32 v44, v34  }
0xef: {  	v52 =	vld [tilespmem:s22+$0x150];
	v42 =	vmul.f32 v42, v20;
	v53 =	vadd.f32 v63, v39;
	v44 =	vadd.f32 v58, v57  }
0xf0: {  	v61 =	vmul.f32 v49, v7;
	v38 =	vadd.f32 v60, v59;
	v63 =	vmul.f32 v49, v14  }
0xf1: {  	v57 =	vmul.f32 v40, v15;
	v59 =	vmul.f32 v47, v9;
	v41 =	vadd.f32 v54, v53  }
0xf2: {  	v46 =	vld [tilespmem:s22+$0x190];
	v28 =	vmul.f32 v43, v11;
	v62 =	vmul.f32 v43, v18;
	v44 =	vadd.f32 v61, v44  }
0xf3: {  	v51 =	vld [tilespmem:s22+$0x1C0];
	v43 =	vmul.f32 v43, v25;
	v50 =	vadd.f32 v63, v38;
	v61 =	vmul.f32 v47, v16  }
0xf4: {  	v54 =	vld [tilespmem:s22+$0x180];
	v63 =	vmul.f32 v52, v10;
	v39 =	vadd.f32 v28, v37;
	v37 =	vadd.f32 v56, v55  }
0xf5: {  	v28 =	vmul.f32 v40, v8;
	v38 =	vadd.f32 v62, v41;
	v62 =	vmul.f32 v48, v19;
	v48 =	vld [tilespmem:s22+$0x1A0]  }
0xf6: {  	v60 =	vadd.f32 v57, v50;
	v40 =	vmul.f32 v40, v22;
	v50 =	vld [tilespmem:s22+$0x1D0];
	v37 =	vadd.f32 v45, v37  }
0xf7: {  	v45 =	vld [tilespmem:s22+$0x154];
	v58 =	vadd.f32 v28, v44;
	v28 =	vmul.f32 v52, v17;
	v42 =	vadd.f32 v42, v62  }
0xf8: {  	v37 =	vadd.f32 v43, v37;
	v43 =	vadd.f32 v61, v60;
	v60 =	vmul.f32 v49, v21  }
0xf9: {  	v62 =	vmul.f32 v46, v6;
	v41 =	vadd.f32 v59, v58;
	v61 =	vmul.f32 v54, v5  }
0xfa: {  	v49 =	vld [tilespmem:s22+$0x1B0];
	v43 =	vadd.f32 v28, v43;
	v44 =	vadd.f32 v60, v42;
	v28 =	vmul.f32 v48, v7  }
0xfb: {  	v55 =	vadd.f32 v62, v61;
	v60 =	vmul.f32 v52, v24;
	v61 =	vmul.f32 v51, v9  }
0xfc: {  	v62 =	vmul.f32 v50, v10;
	v53 =	vmul.f32 v45, v11  }
0xfd: {  	v41 =	vadd.f32 v63, v41;
	v63 =	vmul.f32 v45, v18;
	v45 =	vmul.f32 v45, v25  }
0xfe: {  	v56 =	vld [tilespmem:s22+$0x200];
	v40 =	vadd.f32 v40, v44;
	v58 =	vadd.f32 v28, v55;
	v28 =	vmul.f32 v46, v13  }
0xff: {  	v42 =	vadd.f32 v53, v41;
	v53 =	vmul.f32 v47, v23;
	v59 =	vmul.f32 v49, v8  }
0x100: {  	v46 =	vmul.f32 v46, v20;
	v41 =	vadd.f32 v63, v43;
	v63 =	vmul.f32 v54, v12  }
0x101: {  	v52 =	vld [tilespmem:s22+$0x1D4];
	v55 =	vmul.f32 v51, v16;
	v40 =	vadd.f32 v53, v40;
	v43 =	vadd.f32 v59, v58  }
0x102: {  	v58 =	vmul.f32 v54, v19;
	v54 =	vld [tilespmem:s22+$0x210];
	v44 =	vadd.f32 v28, v63;
	v59 =	vmul.f32 v48, v14  }
0x103: {  	v63 =	vmul.f32 v49, v22;
	v28 =	vmul.f32 v56, v5;
	v43 =	vadd.f32 v61, v43  }
0x104: {  	v40 =	vadd.f32 v60, v40;
	v46 =	vadd.f32 v46, v58;
	v60 =	vmul.f32 v48, v21;
	v48 =	vld [tilespmem:s22+$0x220]  }
0x105: {  	v44 =	vadd.f32 v59, v44;
	v43 =	vadd.f32 v62, v43;
	v62 =	vmul.f32 v49, v15  }
0x106: {  	v57 =	vmul.f32 v52, v18;
	v61 =	vmul.f32 v52, v11;
	v46 =	vadd.f32 v60, v46;
	v49 =	vld [tilespmem:s22+$0x230]  }
0x107: {  	v47 =	vld [tilespmem:s22+$0x240];
	v40 =	vadd.f32 v45, v40;
	v60 =	vmul.f32 v54, v6;
	v44 =	vadd.f32 v62, v44  }
0x108: {  	v52 =	vmul.f32 v52, v25;
	v45 =	vadd.f32 v61, v43;
	v61 =	vadd.f32 v63, v46  }
0x109: {  	v62 =	vmul.f32 v51, v23;
	v63 =	vadd.f32 v60, v28;
	v28 =	vmul.f32 v48, v7  }
0x10a: {  	v46 =	vld [tilespmem:s22+$0x250];
	v60 =	vmul.f32 v50, v17;
	v50 =	vmul.f32 v50, v24;
	v44 =	vadd.f32 v55, v44  }
0x10b: {  	v43 =	vadd.f32 v62, v61;
	v62 =	vmul.f32 v56, v12;
	v61 =	vmul.f32 v49, v8  }
0x10c: {  	v51 =	vadd.f32 v28, v63;
	v63 =	vmul.f32 v54, v13;
	v28 =	vmul.f32 v47, v9  }
0x10d: {  	v54 =	vmul.f32 v54, v20;
	v44 =	vadd.f32 v60, v44;
	v43 =	vadd.f32 v50, v43  }
0x10e: {  	v59 =	vld [tilespmem:s22+$0x280];
	v60 =	vmul.f32 v48, v14;
	v51 =	vadd.f32 v61, v51;
	v55 =	vadd.f32 v63, v62  }
0x10f: {  	v50 =	vld [tilespmem:s22+$0x254];
	v61 =	vmul.f32 v46, v10;
	v63 =	vmul.f32 v49, v15;
	v44 =	vadd.f32 v57, v44  }
0x110: {  	v49 =	vmul.f32 v49, v22;
	v57 =	vld [tilespmem:s22+$0x290];
	v43 =	vadd.f32 v52, v43;
	v62 =	vadd.f32 v60, v55  }
0x111: {  	v51 =	vadd.f32 v28, v51;
	v28 =	vmul.f32 v56, v19;
	v55 =	vmul.f32 v47, v16  }
0x112: {  	v56 =	vld [tilespmem:s22+$0x2A0];
	v60 =	vmul.f32 v46, v17;
	v47 =	vmul.f32 v47, v23;
	v52 =	vadd.f32 v63, v62  }
0x113: {  	v51 =	vadd.f32 v61, v51;
	v53 =	vadd.f32 v54, v28;
	v28 =	vmul.f32 v48, v21;
	v61 =	vld [tilespmem:s22+$0x2B0]  }
0x114: {  	v46 =	vmul.f32 v46, v24;
	v58 =	vmul.f32 v50, v11;
	v52 =	vadd.f32 v55, v52  }
0x115: {  	v55 =	vmul.f32 v59, v5;
	v62 =	vmul.f32 v57, v6;
	v28 =	vadd.f32 v28, v53  }
0x116: {  	v48 =	vadd.f32 v58, v51;
	v53 =	vld [tilespmem:s22+$0x2C0];
	v58 =	vmul.f32 v50, v18;
	v50 =	vmul.f32 v50, v25  }
0x117: {  	v63 =	vmul.f32 v56, v7;
	v62 =	vadd.f32 v62, v55;
	v49 =	vadd.f32 v49, v28  }
0x118: {  	v51 =	vld [tilespmem:s22+$0x2D0];
	v52 =	vadd.f32 v60, v52;
	v60 =	vmul.f32 v59, v12;
	v28 =	vmul.f32 v61, v8  }
0x119: {  	v54 =	vadd.f32 v63, v62;
	v49 =	vadd.f32 v47, v49;
	v62 =	vmul.f32 v57, v13  }
0x11a: {  	v47 =	vadd.f32 v58, v52;
	v63 =	vmul.f32 v56, v14;
	v57 =	vmul.f32 v57, v20  }
0x11b: {  	v56 =	vmul.f32 v56, v21;
	v52 =	vadd.f32 v28, v54;
	v28 =	vmul.f32 v53, v9  }
0x11c: {  	v46 =	vadd.f32 v46, v49;
	v49 =	vld [tilespmem:s22+$0x2D4];
	v62 =	vadd.f32 v62, v60;
	v54 =	vmul.f32 v59, v19  }
0x11d: {  	v58 =	vmul.f32 v53, v16;
	v59 =	vmul.f32 v51, v10;
	v60 =	vld [tilespmem:s22+$0x300];
	v52 =	vadd.f32 v28, v52  }
0x11e: {  	v55 =	vadd.f32 v63, v62;
	v28 =	vmul.f32 v61, v15;
	v54 =	vadd.f32 v57, v54;
	v57 =	vld [tilespmem:s22+$0x310]  }
0x11f: {  	v53 =	vmul.f32 v53, v23;
	v46 =	vadd.f32 v50, v46;
	v63 =	vmul.f32 v51, v17  }
0x120: {  	v55 =	vadd.f32 v28, v55;
	v54 =	vadd.f32 v56, v54;
	v28 =	vmul.f32 v61, v22  }
0x121: {  	v51 =	vmul.f32 v51, v24;
	v52 =	vadd.f32 v59, v52;
	v61 =	vld [tilespmem:s22+$0x320];
	v59 =	vmul.f32 v49, v11  }
0x122: {  	v62 =	vadd.f32 v58, v55;
	v54 =	vadd.f32 v28, v54;
	v55 =	vmul.f32 v60, v5  }
0x123: {  	v56 =	vld [tilespmem:s22+$0x330];
	v58 =	vmul.f32 v60, v19;
	v52 =	vadd.f32 v59, v52;
	v28 =	vmul.f32 v57, v6  }
0x124: {  	v59 =	vmul.f32 v60, v12;
	v50 =	vadd.f32 v63, v62;
	v62 =	vmul.f32 v57, v13  }
0x125: {  	v53 =	vadd.f32 v53, v54;
	v54 =	vld [tilespmem:s22+$0x340];
	v63 =	vmul.f32 v49, v18;
	v49 =	vmul.f32 v49, v25  }
0x126: {  	v57 =	vmul.f32 v57, v20;
	v55 =	vadd.f32 v28, v55;
	v28 =	vmul.f32 v61, v7  }
0x127: {  	v4 =	vld [tilespmem:s22+$0x350];
	v59 =	vadd.f32 v62, v59;
	v62 =	vmul.f32 v61, v14;
	v51 =	vadd.f32 v51, v53  }
0x128: {  	v50 =	vadd.f32 v63, v50;
	v63 =	vld [tilespmem:s22+$0x390];
	v55 =	vadd.f32 v28, v55;
	v28 =	vmul.f32 v56, v8  }
0x129: {  	v26 =	vld [tilespmem:s22+$0x380];
	v57 =	vadd.f32 v57, v58;
	v59 =	vadd.f32 v62, v59;
	v62 =	vmul.f32 v56, v15  }
0x12a: {  	v53 =	vld [tilespmem:s22+$0x354];
	v58 =	vmul.f32 v61, v21;
	v55 =	vadd.f32 v28, v55;
	v28 =	vmul.f32 v54, v9  }
0x12b: {  	v60 =	vld [tilespmem:s22+$0x3A0];
	v49 =	vadd.f32 v49, v51;
	v51 =	vadd.f32 v62, v59;
	v59 =	vmul.f32 v54, v16  }
0x12c: {  	v56 =	vmul.f32 v56, v22;
	v62 =	vmul.f32 v4, v10;
	v55 =	vadd.f32 v28, v55  }
0x12d: {  	v61 =	vld [tilespmem:s22+$0x3B0];
	v54 =	vmul.f32 v54, v23;
	v28 =	vmul.f32 v63, v6;
	v51 =	vadd.f32 v59, v51  }
0x12e: {  	v59 =	vmul.f32 v4, v17;
	v55 =	vadd.f32 v62, v55;
	v62 =	vmul.f32 v26, v5  }
0x12f: {  	v57 =	vadd.f32 v58, v57;
	v58 =	vld [tilespmem:s22+$0x3C0];
	v27 =	vmul.f32 v53, v11;
	v4 =	vmul.f32 v4, v24  }
0x130: {  	v51 =	vadd.f32 v59, v51;
	v28 =	vadd.f32 v28, v62;
	v62 =	vmul.f32 v60, v7  }
0x131: {  	v59 =	vmul.f32 v53, v18;
	v27 =	vadd.f32 v27, v55;
	v55 =	vadd.f32 v56, v57  }
0x132: {  	v3 =	vld [tilespmem:s22+$0x3D0];
	v53 =	vmul.f32 v53, v25;
	v28 =	vadd.f32 v62, v28;
	v62 =	vmul.f32 v61, v8  }
0x133: {  	v57 =	vmul.f32 v63, v13;
	v54 =	vadd.f32 v54, v55;
	v55 =	vmul.f32 v26, v12  }
0x134: {  	v56 =	vmul.f32 v58, v9;
	v51 =	vadd.f32 v59, v51;
	v59 =	vld [tilespmem:s22+$0x3D4];
	v28 =	vadd.f32 v62, v28  }
0x135: {  	v26 =	vmul.f32 v26, v19;
	v55 =	vadd.f32 v57, v55;
	v57 =	vmul.f32 v60, v14  }
0x136: {  	v4 =	vadd.f32 v4, v54;
	v28 =	vadd.f32 v56, v28;
	v56 =	vmul.f32 v63, v20  }
0x137: {  	v62 =	vmul.f32 v3, v10;
	v60 =	vmul.f32 v60, v21;
	v54 =	vadd.f32 v57, v55  }
0x138: {  	v63 =	vmul.f32 v61, v15;
	v4 =	vadd.f32 v53, v4;
	v26 =	vadd.f32 v56, v26  }
0x139: {  	v57 =	vperm.xlane v52, v0;
	v28 =	vadd.f32 v62, v28;
	v62 =	vmul.f32 v59, v11  }
0x13a: {  	v54 =	vadd.f32 v63, v54;
	v63 =	vmul.f32 v58, v16;
	v26 =	vadd.f32 v60, v26  }
0x13b: {  	v60 =	vmul.f32 v61, v22;
	v28 =	vadd.f32 v62, v28;
	v61 =	vperm.xlane v36, v0  }
0x13c: {  	v54 =	vadd.f32 v63, v54;
	v62 =	vperm.xlane v39, v0;
	v63 =	vperm.xlane v42, v0  }
0x13d: {  	v26 =	vadd.f32 v60, v26;
	v36 =	vadd.f32 v61, v36;
	v60 =	vperm.xlane v45, v0  }
0x13e: {  	v39 =	vadd.f32 v62, v39;
	v61 =	vmul.f32 v3, v17;
	v62 =	vmul.f32 v58, v23  }
0x13f: {  	v42 =	vadd.f32 v63, v42;
	v63 =	vperm.xlane v48, v0;
	v58 =	vperm.xlane v27, v0  }
0x140: {  	v3 =	vmul.f32 v3, v24;
	v45 =	vadd.f32 v60, v45;
	v53 =	vadd.f32 v61, v54  }
0x141: {  	v26 =	vadd.f32 v62, v26;
	v36 =	vsel vm0, v36, v39;
	v60 =	vperm.xlane v28, v0  }
0x142: {  	v27 =	vadd.f32 v58, v27;
	v58 =	vperm.xlane v38, v0;
	v61 =	vperm.xlane v36, v1  }
0x143: {  	v39 =	vsel vm0, v42, v45;
	v45 =	vadd.f32 v63, v48;
	v42 =	vadd.f32 v57, v52  }
0x144: {  	v63 =	vmul.f32 v59, v18;
	v3 =	vadd.f32 v3, v26;
	v26 =	vmul.f32 v59, v25  }
0x145: {  	v28 =	vadd.f32 v60, v28;
	v57 =	vperm.xlane v35, v0;
	v60 =	vperm.xlane v41, v0  }
0x146: {  	v38 =	vadd.f32 v58, v38;
	v62 =	vperm.xlane v39, v1;
	v36 =	vadd.f32 v61, v36  }
0x147: {  	v61 =	vperm.xlane v44, v0;
	v42 =	vsel vm0, v45, v42;
	v27 =	vsel vm0, v27, v28  }
0x148: {  	v35 =	vadd.f32 v57, v35;
	v39 =	vadd.f32 v62, v39;
	v54 =	vperm.xlane v42, v1  }
0x149: {  	v3 =	vadd.f32 v26, v3;
	v55 =	vperm.xlane v27, v1;
	v62 =	vperm.xlane v47, v0  }
0x14a: {  	v35 =	vsel vm0, v35, v38;
	v52 =	vsel vm1, v36, v39;
	v39 =	vadd.f32 v63, v53  }
0x14b: {  	v26 =	vadd.f32 v54, v42;
	v27 =	vadd.f32 v55, v27;
	v63 =	vperm.xlane v50, v0  }
0x14c: {  	v36 =	vadd.f32 v60, v41;
	v54 =	vperm.xlane v51, v0;
	v58 =	vperm.xlane v35, v1  }
0x14d: {  	v42 =	vadd.f32 v62, v47;
	v62 =	vperm.xlane v34, v0;
	v56 =	vperm.xlane v52, v2  }
0x14e: {  	v53 =	vadd.f32 v63, v50;
	v55 =	vperm.xlane v39, v0;
	v57 =	vadd.f32 v54, v51  }
0x14f: {  	v35 =	vadd.f32 v58, v35;
	v63 =	vperm.xlane v37, v0;
	v50 =	vperm.xlane v40, v0  }
0x150: {  	v34 =	vadd.f32 v62, v34;
	v51 =	vperm.xlane v43, v0;
	v28 =	vadd.f32 v56, v52  }
0x151: {  	v54 =	vperm.xlane v4, v0;
	v52 =	vadd.f32 v61, v44;
	v38 =	vadd.f32 v55, v39  }
0x152: {  	v56 =	vsel vm0, v42, v53;
	v37 =	vadd.f32 v63, v37;
	v40 =	vadd.f32 v50, v40  }
0x153: {  	v53 =	vperm.xlane v49, v0;
	v43 =	vadd.f32 v51, v43;
	v55 =	vperm.xlane v3, v0  }
0x154: {  	v4 =	vadd.f32 v54, v4;
	v36 =	vsel vm0, v36, v52;
	v61 =	vperm.xlane v56, v1  }
0x155: {  	v52 =	vperm.xlane v46, v0;
	v60 =	vperm.xlane v36, v1;
	v38 =	vsel vm0, v57, v38  }
0x156: {  	v3 =	vadd.f32 v55, v3;
	v34 =	vsel vm0, v34, v37;
	v48 =	vadd.f32 v61, v56  }
0x157: {  	v58 =	vsel vm0, v40, v43;
	v41 =	vadd.f32 v52, v46;
	v56 =	vadd.f32 v53, v49  }
0x158: {  	v57 =	vperm.xlane v38, v1;
	v61 =	vperm.xlane v58, v1;
	v36 =	vadd.f32 v60, v36  }
0x159: {  	v3 =	vsel vm0, v4, v3;
	v4 =	vperm.xlane v34, v1;
	v60 =	vsel vm0, v41, v56  }
0x15a: {  	v38 =	vadd.f32 v57, v38;
	v62 =	vperm.xlane v3, v1;
	v42 =	vperm.xlane v60, v1  }
0x15b: {  	v26 =	vsel vm1, v26, v27;
	v27 =	vadd.f32 v61, v58;
	v4 =	vadd.f32 v4, v34  }
0x15c: {  	v63 =	vsel vm1, v35, v36;
	v3 =	vadd.f32 v62, v3;
	v44 =	vadd.f32 v42, v60  }
0x15d: {  	v59 =	vld [tilespmem:$0x1FFE0];
	v45 =	vperm.xlane v26, v2;
	v46 =	vsel vm1, v48, v38;
	v47 =	vperm.xlane v63, v2  }
0x15e: {  	v39 =	vperm.xlane v46, v2;
	v4 =	vsel vm1, v4, v27;
	v3 =	vsel vm1, v44, v3  }
0x15f: {  	v26 =	vadd.f32 v45, v26;
	v27 =	vperm.xlane v4, v2;
	v35 =	vperm.xlane v3, v2  }
0x160: {  	v30 =	vsel vm2, v30, v31;
	v48 =	vadd.f32 v47, v63;
	v49 =	vadd.f32 v39, v46  }
0x161: {  	v26 =	vsel vm2, v28, v26;
	v4 =	vadd.f32 v27, v4;
	v3 =	vadd.f32 v35, v3  }
0x162: {  	v50 =	vperm.xlane v30, v59;
	v53 =	vperm.xlane v26, v59;
	v58 =	vld [tilespmem:$0x1FFB0];
	v51 =	vsel vm2, v48, v49  }
0x163: {  	v60 =	vld [tilespmem:$0x1FFC0];
	v27 =	vsel vm2, v32, v33;
	v54 =	vperm.xlane v51, v59;
	v3 =	vsel vm2, v4, v3  }
0x164: {  	v52 =	vld [tilespmem:$0x1FFD0];
	v26 =	vadd.f32 v26, v53;
	v55 =	vperm.xlane v27, v59;
	v56 =	vperm.xlane v3, v59  }
0x165: {  	v4 =	vadd.f32 v30, v50;
	v28 =	vadd.f32 v51, v54  }
0x166: {  	v27 =	vadd.f32 v27, v55;
	v3 =	vadd.f32 v3, v56  }
0x167: {  	v26 =	vsel vm3, v29, v26;
	v4 =	vsel vm3, v4, v28  }
0x168: {  	v26 =	vadd.f32 v26, v58;
	v4 =	vadd.f32 v4, v60;
	v3 =	vsel vm3, v27, v3  }
0x169: {  	v3 =	vadd.f32 v3, v52  }
0x16a: {  	v27 =	vmax.f32 v26, v4  }
0x16b: {  	v27 =	vmax.f32 v27, v3  }
0x16c: {  	v26 =	vsub.f32 v26, v27  }
0x16d: {  	v4 =	vsub.f32 v4, v27  }
0x16e: {  	v26 =	vmul.f32 $1.442695020e+00, v26  }
0x16f: {  	v3 =	vsub.f32 v3, v27;
	v4 =	vmul.f32 $1.442695020e+00, v4  }
0x170: {  	(erf) = vpow2.f32 v26  }
0x171: {  	v3 =	vmul.f32 $1.442695020e+00, v3;
	(erf) = vpow2.f32 v4;
	_ =	sdelay $0x1  }
0x172: {  	(erf) = vpow2.f32 v3;
	_ =	sdelay $0x5  }
0x173: {  	v3 =	vpop (erf)  }
0x174: {  	v4 =	vpop (erf)  }
0x175: {  	v26 =	vadd.f32 v4, v3  }
0x176: {  	v27 =	vpop (erf)  }
0x177: {  	v26 =	vadd.f32 v26, v27;
	_ =	sdelay $0x1  }
0x178: {  	(erf) = vrcp.f32 v26;
	_ =	sdelay $0x1  }
0x179: {  	v57 =	vld [tilespmem:$0x1FFF0];
	_ =	sdelay $0x2  }
0x17a: {  	v26 =	vmov s21  }
0x17b: {  	v26 =	vshll.u32 v26, $0x7  }
0x17c: {  	v26 =	vor.u32 v57, v26  }
0x17d: {  	v61 =	vor.u32 $0x1, v26  }
0x17e: {  	p0 =	sne.s32 s21, $0xF0;
	v63 =	vor.u32 $0x2, v26;
	v62 =	vpop (erf)  }
.Ltmp2:
0x17f: {  	v3 =	vmul.f32 v62, v3;
	(pc) =	sbr.rel @p0 .LBB2_3-.Ltmp2, $4  }
0x180: {  	v4 =	vmul.f32 v62, v4  }
0x181: {  	[tilespmem:v26+s17+$0x0] =	vst.idx.msk $0xffff, v3;
	v3 =	vmul.f32 v62, v27  }
0x182: {  	[tilespmem:v61+s17+$0x0] =	vst.idx.msk $0xffff, v4  }
0x183: {  	s22 =	sadd.s32 $0x800, s22;
	s21 =	sadd.s32 $0x10, s21;
	[tilespmem:v63+s17+$0x0] =	vst.idx.msk $0xffff, v3  }
0x184: {  	s21 =	sshll.u32 s20, $0xD  }
0x185: {  	s22 =	sadd.s32 s21, s7  }
0x186: {  	[hbm4b:s22+s2] =	stream.linear.scatter [tilespmem:s17], [sflag:$0x3], $0x8000, $0x38;
	[tilespmem:$0x18E00] =	vst v63  }
0x187: {  	_ =	swait.ge [sflag:s13], $0x8000  }
0x188: {  	p0 =	seq.s32 s20, $0xF;
	[sflag:s13] =	ssyncset.done $0x0  }
0x189: {  	s23 =	simm.s32 @!p0 $0x0;
	s22 =	sadd.s32 @!p0 s21, s8;
	[sflag:s13] =	ssyncadd.s32 $0xFFFF8000  }
0x18a: {  	[tilespmem:s23], [sflag:$0x1] =	stream.linear.gather @!p0 [hbm4b:s22+s23], $0x8000, $0x38;
	[tilespmem:$0x18E00] =	vst v63  }
0x18b: {  	_ =	swait.ge [sflag:s18], $0x8000  }
0x18c: {  	[sflag:s18] =	ssyncset.done $0x0  }
0x18d: {  	s22 =	simm.s32 $0x0;
	s23 =	simm.s32 $0x8400;
	[sflag:s18] =	ssyncadd.s32 $0xFFFF8000  }
.LBB2_5:
0x18e: {  	v3 =	vld [tilespmem:s23+$0xFFFFFC00]  }
0x18f: {  	v4 =	vld [tilespmem:s23+$0xFFFFFC10]  }
0x190: {  	v26 =	vld [tilespmem:s23+$0xFFFFFC20]  }
0x191: {  	v27 =	vld [tilespmem:s23+$0xFFFFFC30];
	_ =	sdelay $0x1  }
0x192: {  	v30 =	vld [tilespmem:s23+$0xFFFFFC40]  }
0x193: {  	v31 =	vld [tilespmem:s23+$0xFFFFFC50]  }
0x194: {  	v34 =	vld [tilespmem:s23+$0xFFFFFC54];
	v28 =	vmul.f32 v3, v5;
	v29 =	vmul.f32 v4, v6  }
0x195: {  	v35 =	vld [tilespmem:s23+$0xFFFFFC80];
	v41 =	vmul.f32 v26, v7;
	v42 =	vmul.f32 v27, v8  }
0x196: {  	v36 =	vld [tilespmem:s23+$0xFFFFFC90];
	v32 =	vmul.f32 v3, v12;
	v33 =	vmul.f32 v4, v13  }
0x197: {  	v43 =	vmul.f32 v30, v9;
	v44 =	vmul.f32 v26, v14  }
0x198: {  	v3 =	vmul.f32 v3, v19;
	v4 =	vmul.f32 v4, v20  }
0x199: {  	v39 =	vld [tilespmem:s23+$0xFFFFFCC0];
	v45 =	vmul.f32 v31, v10;
	v46 =	vmul.f32 v27, v15  }
0x19a: {  	v48 =	vmul.f32 v30, v16;
	v49 =	vmul.f32 v34, v11  }
0x19b: {  	v50 =	vmul.f32 v35, v5;
	v37 =	vmul.f32 v36, v6  }
0x19c: {  	v63 =	vld [tilespmem:s23+$0xFFFFFD20];
	v38 =	vmul.f32 v31, v17;
	v53 =	vmul.f32 v34, v18  }
0x19d: {  	v56 =	vmul.f32 v35, v12;
	v57 =	vmul.f32 v36, v13  }
0x19e: {  	v61 =	vld [tilespmem:s23+$0xFFFFFD00];
	v58 =	vmul.f32 v39, v9;
	v34 =	vmul.f32 v34, v25  }
0x19f: {  	v54 =	vld [tilespmem:s23+$0xFFFFFCD0];
	v35 =	vmul.f32 v35, v19;
	v36 =	vmul.f32 v36, v20;
	v28 =	vadd.f32 v29, v28  }
0x1a0: {  	v32 =	vadd.f32 v33, v32;
	v3 =	vadd.f32 v4, v3;
	v4 =	vmul.f32 v26, v21  }
0x1a1: {  	v26 =	vld [tilespmem:s23+$0xFFFFFCA0];
	v51 =	vadd.f32 v37, v50;
	v33 =	vadd.f32 v57, v56;
	v50 =	vmul.f32 v63, v7  }
0x1a2: {  	v56 =	vmul.f32 v63, v14;
	v28 =	vadd.f32 v41, v28;
	v32 =	vadd.f32 v44, v32  }
0x1a3: {  	v57 =	vmul.f32 v61, v19;
	v3 =	vadd.f32 v4, v3;
	v4 =	vmul.f32 v27, v22;
	v27 =	vld [tilespmem:s23+$0xFFFFFCB0]  }
0x1a4: {  	v41 =	vmul.f32 v54, v10;
	v28 =	vadd.f32 v42, v28;
	v47 =	vadd.f32 v46, v32  }
0x1a5: {  	v40 =	vld [tilespmem:s23+$0xFFFFFD10];
	v3 =	vadd.f32 v4, v3;
	v4 =	vmul.f32 v30, v23;
	v42 =	vmul.f32 v54, v17  }
0x1a6: {  	v52 =	vmul.f32 v26, v7;
	v60 =	vmul.f32 v26, v14;
	v28 =	vadd.f32 v43, v28  }
0x1a7: {  	v26 =	vmul.f32 v26, v21;
	v29 =	vadd.f32 v48, v47;
	v3 =	vadd.f32 v4, v3  }
0x1a8: {  	v4 =	vmul.f32 v31, v24;
	v33 =	vadd.f32 v60, v33;
	v62 =	vmul.f32 v27, v15  }
0x1a9: {  	v47 =	vmul.f32 v61, v5;
	v28 =	vadd.f32 v45, v28;
	v29 =	vadd.f32 v38, v29  }
0x1aa: {  	v48 =	vmul.f32 v40, v6;
	v3 =	vadd.f32 v4, v3;
	v4 =	vld [tilespmem:s23+$0xFFFFFCD4];
	v33 =	vadd.f32 v62, v33  }
0x1ab: {  	v45 =	vmul.f32 v39, v16;
	v30 =	vadd.f32 v49, v28;
	v28 =	vadd.f32 v52, v51  }
0x1ac: {  	v55 =	vmul.f32 v27, v8;
	v32 =	vadd.f32 v34, v3;
	v3 =	vadd.f32 v36, v35  }
0x1ad: {  	v29 =	vadd.f32 v53, v29;
	v53 =	vmul.f32 v61, v12;
	v33 =	vadd.f32 v45, v33  }
0x1ae: {  	v45 =	vld [tilespmem:s23+$0xFFFFFDA0];
	v28 =	vadd.f32 v55, v28;
	v3 =	vadd.f32 v26, v3;
	v26 =	vmul.f32 v27, v22  }
0x1af: {  	v27 =	vld [tilespmem:s23+$0xFFFFFD30];
	v46 =	vmul.f32 v4, v11;
	v33 =	vadd.f32 v42, v33;
	v51 =	vmul.f32 v4, v18  }
0x1b0: {  	v42 =	vld [tilespmem:s23+$0xFFFFFD80];
	v28 =	vadd.f32 v58, v28;
	v3 =	vadd.f32 v26, v3;
	v26 =	vmul.f32 v39, v23  }
0x1b1: {  	v49 =	vadd.f32 v48, v47;
	v4 =	vmul.f32 v4, v25;
	v39 =	vld [tilespmem:s23+$0xFFFFFD40];
	v58 =	vmul.f32 v40, v20  }
0x1b2: {  	v28 =	vadd.f32 v41, v28;
	v3 =	vadd.f32 v26, v3;
	v26 =	vmul.f32 v54, v24  }
0x1b3: {  	v31 =	vadd.f32 v51, v33;
	v54 =	vmul.f32 v40, v13;
	v51 =	vmul.f32 v45, v7  }
0x1b4: {  	v41 =	vld [tilespmem:s23+$0xFFFFFD50];
	v52 =	vmul.f32 v27, v8;
	v44 =	vmul.f32 v27, v15;
	v35 =	vadd.f32 v46, v28  }
0x1b5: {  	v40 =	vld [tilespmem:s23+$0xFFFFFD90];
	v3 =	vadd.f32 v26, v3;
	v33 =	vadd.f32 v54, v53;
	v54 =	vmul.f32 v42, v12  }
0x1b6: {  	v28 =	vadd.f32 v50, v49;
	v55 =	vmul.f32 v39, v9;
	v61 =	vmul.f32 v39, v16  }
0x1b7: {  	v37 =	vadd.f32 v56, v33;
	v33 =	vadd.f32 v4, v3;
	v4 =	vmul.f32 v63, v21  }
0x1b8: {  	v26 =	vld [tilespmem:s23+$0xFFFFFD54];
	v3 =	vadd.f32 v58, v57;
	v63 =	vmul.f32 v42, v5;
	v57 =	vmul.f32 v45, v14  }
0x1b9: {  	v28 =	vadd.f32 v52, v28;
	v58 =	vmul.f32 v42, v19;
	v43 =	vmul.f32 v41, v10  }
0x1ba: {  	v48 =	vmul.f32 v40, v6;
	v49 =	vmul.f32 v41, v17  }
0x1bb: {  	v42 =	vld [tilespmem:s23+$0xFFFFFE10];
	v28 =	vadd.f32 v55, v28;
	v3 =	vadd.f32 v4, v3;
	v4 =	vmul.f32 v27, v22  }
0x1bc: {  	v60 =	vadd.f32 v44, v37;
	v27 =	vld [tilespmem:s23+$0xFFFFFDB0];
	v55 =	vmul.f32 v40, v13;
	v40 =	vmul.f32 v40, v20  }
0x1bd: {  	v44 =	vld [tilespmem:s23+$0xFFFFFE00];
	v62 =	vmul.f32 v26, v11;
	v50 =	vadd.f32 v48, v63;
	v28 =	vadd.f32 v43, v28  }
0x1be: {  	v34 =	vadd.f32 v61, v60;
	v3 =	vadd.f32 v4, v3;
	v4 =	vmul.f32 v39, v23  }
0x1bf: {  	v52 =	vmul.f32 v26, v18;
	v26 =	vmul.f32 v26, v25;
	v39 =	vld [tilespmem:s23+$0xFFFFFDC0];
	v38 =	vadd.f32 v62, v28  }
0x1c0: {  	v43 =	vld [tilespmem:s23+$0xFFFFFDD0];
	v63 =	vmul.f32 v42, v6;
	v34 =	vadd.f32 v49, v34;
	v3 =	vadd.f32 v4, v3  }
0x1c1: {  	v4 =	vmul.f32 v41, v24;
	v28 =	vadd.f32 v51, v50;
	v53 =	vmul.f32 v27, v8  }
0x1c2: {  	v47 =	vmul.f32 v27, v15;
	v62 =	vmul.f32 v44, v5;
	v36 =	vadd.f32 v52, v34  }
0x1c3: {  	v49 =	vld [tilespmem:s23+$0xFFFFFE40];
	v3 =	vadd.f32 v4, v3;
	v34 =	vadd.f32 v55, v54;
	v55 =	vmul.f32 v44, v12  }
0x1c4: {  	v44 =	vmul.f32 v44, v19;
	v28 =	vadd.f32 v53, v28;
	v56 =	vmul.f32 v39, v9  }
0x1c5: {  	v4 =	vld [tilespmem:s23+$0xFFFFFDD4];
	v46 =	vmul.f32 v43, v10;
	v60 =	vmul.f32 v39, v16;
	v37 =	vadd.f32 v57, v34  }
0x1c6: {  	v48 =	vmul.f32 v43, v17;
	v34 =	vadd.f32 v26, v3;
	v3 =	vadd.f32 v40, v58  }
0x1c7: {  	v26 =	vmul.f32 v45, v21;
	v40 =	vld [tilespmem:s23+$0xFFFFFE20];
	v28 =	vadd.f32 v56, v28;
	v56 =	vmul.f32 v42, v13  }
0x1c8: {  	v51 =	vadd.f32 v63, v62;
	v57 =	vmul.f32 v49, v9;
	v42 =	vmul.f32 v42, v20  }
0x1c9: {  	v62 =	vmul.f32 v49, v16;
	v37 =	vadd.f32 v47, v37;
	v3 =	vadd.f32 v26, v3  }
0x1ca: {  	v26 =	vmul.f32 v27, v22;
	v27 =	vld [tilespmem:s23+$0xFFFFFE30];
	v28 =	vadd.f32 v46, v28;
	v61 =	vmul.f32 v4, v11  }
0x1cb: {  	v47 =	vld [tilespmem:s23+$0xFFFFFE80];
	v53 =	vmul.f32 v4, v18;
	v4 =	vmul.f32 v4, v25;
	v37 =	vadd.f32 v60, v37  }
0x1cc: {  	v46 =	vld [tilespmem:s23+$0xFFFFFE90];
	v3 =	vadd.f32 v26, v3;
	v26 =	vmul.f32 v39, v23;
	v52 =	vmul.f32 v40, v7  }
0x1cd: {  	v41 =	vadd.f32 v61, v28;
	v58 =	vmul.f32 v40, v14;
	v37 =	vadd.f32 v48, v37  }
0x1ce: {  	v3 =	vadd.f32 v26, v3;
	v26 =	vmul.f32 v43, v24;
	v43 =	vld [tilespmem:s23+$0xFFFFFE50];
	v28 =	vadd.f32 v52, v51  }
0x1cf: {  	v54 =	vmul.f32 v27, v8;
	v51 =	vld [tilespmem:s23+$0xFFFFFEA0];
	v39 =	vadd.f32 v53, v37;
	v37 =	vadd.f32 v56, v55  }
0x1d0: {  	v50 =	vmul.f32 v27, v15;
	v52 =	vmul.f32 v47, v5;
	v3 =	vadd.f32 v26, v3;
	v26 =	vld [tilespmem:s23+$0xFFFFFE54]  }
0x1d1: {  	v53 =	vmul.f32 v46, v6;
	v28 =	vadd.f32 v54, v28;
	v45 =	vadd.f32 v58, v37  }
0x1d2: {  	v37 =	vadd.f32 v4, v3;
	v3 =	vadd.f32 v42, v44;
	v4 =	vmul.f32 v40, v21  }
0x1d3: {  	v55 =	vadd.f32 v53, v52;
	v28 =	vadd.f32 v57, v28;
	v60 =	vmul.f32 v43, v10  }
0x1d4: {  	v54 =	vmul.f32 v43, v17;
	v3 =	vadd.f32 v4, v3;
	v4 =	vmul.f32 v27, v22  }
0x1d5: {  	v61 =	vadd.f32 v50, v45;
	v56 =	vmul.f32 v51, v7;
	v63 =	vmul.f32 v26, v11  }
0x1d6: {  	v27 =	vld [tilespmem:s23+$0xFFFFFEB0];
	v28 =	vadd.f32 v60, v28;
	v57 =	vmul.f32 v26, v18;
	v60 =	vmul.f32 v47, v12  }
0x1d7: {  	v48 =	vld [tilespmem:s23+$0xFFFFFF10];
	v26 =	vmul.f32 v26, v25;
	v47 =	vmul.f32 v47, v19;
	v40 =	vadd.f32 v62, v61  }
0x1d8: {  	v3 =	vadd.f32 v4, v3;
	v4 =	vmul.f32 v49, v23;
	v49 =	vld [tilespmem:s23+$0xFFFFFEC0];
	v61 =	vmul.f32 v46, v13  }
0x1d9: {  	v50 =	vld [tilespmem:s23+$0xFFFFFF00];
	v46 =	vmul.f32 v46, v20;
	v44 =	vadd.f32 v63, v28;
	v40 =	vadd.f32 v54, v40  }
0x1da: {  	v28 =	vadd.f32 v56, v55;
	v3 =	vadd.f32 v4, v3;
	v4 =	vmul.f32 v43, v24  }
0x1db: {  	v63 =	vmul.f32 v51, v14;
	v43 =	vld [tilespmem:s23+$0xFFFFFED0];
	v58 =	vmul.f32 v27, v8;
	v42 =	vadd.f32 v57, v40  }
0x1dc: {  	v53 =	vmul.f32 v27, v15;
	v3 =	vadd.f32 v4, v3;
	v40 =	vadd.f32 v61, v60  }
0x1dd: {  	v60 =	vmul.f32 v48, v6;
	v28 =	vadd.f32 v58, v28;
	v62 =	vmul.f32 v49, v9  }
0x1de: {  	v4 =	vld [tilespmem:s23+$0xFFFFFED4];
	v56 =	vmul.f32 v49, v16;
	v58 =	vmul.f32 v50, v5;
	v45 =	vadd.f32 v63, v40  }
0x1df: {  	v40 =	vadd.f32 v26, v3;
	v3 =	vadd.f32 v46, v47;
	v26 =	vmul.f32 v51, v21  }
0x1e0: {  	v54 =	vld [tilespmem:s23+$0xFFFFFF80];
	v28 =	vadd.f32 v62, v28;
	v52 =	vmul.f32 v43, v10;
	v61 =	vmul.f32 v43, v17  }
0x1e1: {  	v46 =	vld [tilespmem:s23+$0xFFFFFF20];
	v47 =	vadd.f32 v60, v58;
	v58 =	vmul.f32 v50, v12;
	v60 =	vmul.f32 v48, v13  }
0x1e2: {  	v50 =	vmul.f32 v50, v19;
	v48 =	vmul.f32 v48, v20;
	v45 =	vadd.f32 v53, v45  }
0x1e3: {  	v3 =	vadd.f32 v26, v3;
	v26 =	vmul.f32 v27, v22;
	v27 =	vld [tilespmem:s23+$0xFFFFFF30];
	v57 =	vmul.f32 v4, v11  }
0x1e4: {  	v28 =	vadd.f32 v52, v28;
	v63 =	vmul.f32 v4, v18;
	v4 =	vmul.f32 v4, v25  }
0x1e5: {  	v45 =	vadd.f32 v56, v45;
	v3 =	vadd.f32 v26, v3;
	v26 =	vmul.f32 v49, v23;
	v49 =	vld [tilespmem:s23+$0xFFFFFF40]  }
0x1e6: {  	v53 =	vld [tilespmem:s23+$0xFFFFFF50];
	v51 =	vadd.f32 v60, v58;
	v60 =	vmul.f32 v54, v5;
	v62 =	vmul.f32 v46, v7  }
0x1e7: {  	v45 =	vadd.f32 v61, v45;
	v3 =	vadd.f32 v26, v3;
	v26 =	vmul.f32 v43, v24  }
0x1e8: {  	v28 =	vadd.f32 v57, v28;
	v56 =	vadd.f32 v62, v47;
	v57 =	vmul.f32 v27, v8  }
0x1e9: {  	v55 =	vld [tilespmem:s23+$0xFFFFFF90];
	v62 =	vmul.f32 v46, v14;
	v45 =	vadd.f32 v63, v45;
	v3 =	vadd.f32 v26, v3  }
0x1ea: {  	v26 =	vld [tilespmem:s23+$0xFFFFFF54];
	v63 =	vmul.f32 v27, v15;
	v43 =	vadd.f32 v57, v56;
	v61 =	vmul.f32 v49, v9  }
0x1eb: {  	v56 =	vmul.f32 v53, v10;
	v51 =	vadd.f32 v62, v51;
	v58 =	vmul.f32 v49, v16  }
0x1ec: {  	v62 =	vmul.f32 v53, v17;
	v49 =	vmul.f32 v49, v23;
	v47 =	vadd.f32 v61, v43  }
0x1ed: {  	v43 =	vadd.f32 v4, v3;
	v3 =	vadd.f32 v48, v50;
	v4 =	vmul.f32 v46, v21  }
0x1ee: {  	v57 =	vadd.f32 v63, v51;
	v61 =	vmul.f32 v55, v6;
	v47 =	vadd.f32 v56, v47  }
0x1ef: {  	v46 =	vld [tilespmem:s23+$0xFFFFFFA0];
	v56 =	vmul.f32 v26, v11;
	v3 =	vadd.f32 v4, v3;
	v4 =	vmul.f32 v27, v22  }
0x1f0: {  	v27 =	vld [tilespmem:s23+$0xFFFFFFB0];
	v50 =	vadd.f32 v58, v57;
	v48 =	vadd.f32 v61, v60;
	v60 =	vmul.f32 v54, v12  }
0x1f1: {  	v57 =	vmul.f32 v55, v13;
	v58 =	vmul.f32 v26, v18;
	v47 =	vadd.f32 v56, v47  }
0x1f2: {  	v51 =	vld [tilespmem:s23+$0xFFFFFFD0];
	v26 =	vmul.f32 v26, v25;
	v3 =	vadd.f32 v4, v3;
	v50 =	vadd.f32 v62, v50  }
0x1f3: {  	v4 =	vld [tilespmem:s23+$0xFFFFFFC0];
	v62 =	vmul.f32 v53, v24;
	v56 =	vadd.f32 v57, v60;
	v57 =	vmul.f32 v54, v19  }
0x1f4: {  	v53 =	vld [tilespmem:s23+$0xFFFFFFD4];
	v63 =	vmul.f32 v46, v7;
	v50 =	vadd.f32 v58, v50;
	v58 =	vmul.f32 v55, v20  }
0x1f5: {  	v3 =	vadd.f32 v49, v3;
	v55 =	vperm.xlane v44, v0;
	v61 =	vmul.f32 v27, v8  }
0x1f6: {  	v48 =	vadd.f32 v63, v48;
	v63 =	vmul.f32 v46, v14;
	v46 =	vmul.f32 v46, v21  }
0x1f7: {  	v3 =	vadd.f32 v62, v3;
	v62 =	vmul.f32 v27, v15;
	v27 =	vmul.f32 v27, v22  }
0x1f8: {  	v48 =	vadd.f32 v61, v48;
	v60 =	vmul.f32 v4, v9;
	v61 =	vadd.f32 v63, v56  }
0x1f9: {  	v63 =	vmul.f32 v51, v10;
	v56 =	vmul.f32 v53, v18  }
0x1fa: {  	v48 =	vadd.f32 v60, v48;
	v52 =	vadd.f32 v62, v61;
	v60 =	vmul.f32 v4, v16  }
0x1fb: {  	v3 =	vadd.f32 v26, v3;
	v61 =	vmul.f32 v53, v11;
	v4 =	vmul.f32 v4, v23  }
0x1fc: {  	v26 =	vadd.f32 v63, v48;
	v62 =	vadd.f32 v60, v52;
	v63 =	vmul.f32 v51, v17  }
0x1fd: {  	v60 =	vperm.xlane v30, v0;
	v48 =	vadd.f32 v58, v57;
	v57 =	vperm.xlane v28, v0  }
0x1fe: {  	v58 =	vadd.f32 v55, v44;
	v55 =	vperm.xlane v29, v0;
	v51 =	vmul.f32 v51, v24  }
0x1ff: {  	v26 =	vadd.f32 v61, v26;
	v49 =	vadd.f32 v63, v62;
	v61 =	vperm.xlane v35, v0  }
0x200: {  	v62 =	vperm.xlane v38, v0;
	v63 =	vperm.xlane v41, v0;
	v30 =	vadd.f32 v60, v30  }
0x201: {  	v46 =	vadd.f32 v46, v48;
	v60 =	vperm.xlane v47, v0;
	v28 =	vadd.f32 v57, v28  }
0x202: {  	v57 =	vperm.xlane v36, v0;
	v29 =	vadd.f32 v55, v29;
	v35 =	vadd.f32 v61, v35  }
0x203: {  	v55 =	vperm.xlane v34, v0;
	v38 =	vadd.f32 v62, v38;
	v41 =	vadd.f32 v63, v41  }
0x204: {  	v49 =	vadd.f32 v56, v49;
	v61 =	vperm.xlane v26, v0;
	v44 =	vadd.f32 v60, v47  }
0x205: {  	v27 =	vadd.f32 v27, v46;
	v28 =	vsel vm0, v58, v28;
	v58 =	vperm.xlane v39, v0  }
0x206: {  	v60 =	vperm.xlane v42, v0;
	v52 =	vperm.xlane v28, v1;
	v30 =	vsel vm0, v30, v35  }
0x207: {  	v56 =	vsel vm0, v38, v41;
	v26 =	vadd.f32 v61, v26;
	v61 =	vperm.xlane v45, v0  }
0x208: {  	v4 =	vadd.f32 v4, v27;
	v62 =	vperm.xlane v30, v1;
	v63 =	vperm.xlane v56, v1  }
0x209: {  	v28 =	vadd.f32 v52, v28;
	v26 =	vsel vm0, v44, v26;
	v44 =	vadd.f32 v60, v42  }
0x20a: {  	v52 =	vmul.f32 v53, v25;
	v45 =	vadd.f32 v61, v45;
	v4 =	vadd.f32 v51, v4  }
0x20b: {  	v60 =	vperm.xlane v3, v0;
	v30 =	vadd.f32 v62, v30;
	v27 =	vperm.xlane v26, v1  }
0x20c: {  	v35 =	vadd.f32 v63, v56;
	v56 =	vperm.xlane v31, v0;
	v62 =	vperm.xlane v50, v0  }
0x20d: {  	v63 =	vperm.xlane v49, v0;
	v4 =	vadd.f32 v52, v4;
	v3 =	vadd.f32 v60, v3  }
0x20e: {  	v30 =	vsel vm1, v30, v35;
	v26 =	vadd.f32 v27, v26;
	v31 =	vadd.f32 v56, v31  }
0x20f: {  	v35 =	vadd.f32 v58, v39;
	v39 =	vadd.f32 v62, v50;
	v58 =	vperm.xlane v43, v0  }
0x210: {  	v41 =	vadd.f32 v63, v49;
	v54 =	vperm.xlane v30, v2;
	v61 =	vperm.xlane v4, v0  }
0x211: {  	v26 =	vsel vm1, v28, v26;
	v29 =	vsel vm0, v29, v31;
	v28 =	vsel vm0, v44, v45  }
0x212: {  	v47 =	vsel vm0, v39, v41;
	v27 =	vadd.f32 v54, v30;
	v30 =	vadd.f32 v57, v36  }
0x213: {  	v62 =	vadd.f32 v58, v43;
	v46 =	vperm.xlane v26, v2;
	v48 =	vperm.xlane v29, v1  }
0x214: {  	v50 =	vperm.xlane v28, v1;
	v39 =	vperm.xlane v47, v1;
	v30 =	vsel vm0, v30, v35  }
0x215: {  	v4 =	vadd.f32 v61, v4;
	v26 =	vadd.f32 v46, v26;
	v49 =	vperm.xlane v30, v1  }
0x216: {  	v56 =	vperm.xlane v37, v0;
	v63 =	vld [tilespmem:s23+$0x20];
	v28 =	vadd.f32 v50, v28;
	v31 =	vadd.f32 v39, v47  }
0x217: {  	v29 =	vadd.f32 v48, v29;
	v35 =	vld [tilespmem:s23+$0x0];
	v26 =	vsel vm2, v27, v26;
	v30 =	vadd.f32 v49, v30  }
0x218: {  	v57 =	vperm.xlane v40, v0;
	v39 =	vld [tilespmem:s23+$0x54];
	v28 =	vsel vm1, v28, v31;
	v27 =	vperm.xlane v26, v59  }
0x219: {  	v3 =	vsel vm0, v3, v4;
	v54 =	vperm.xlane v28, v2;
	v30 =	vsel vm1, v29, v30  }
0x21a: {  	v59 =	vld [tilespmem:s23+$0x10];
	v29 =	vadd.f32 v26, v27;
	v26 =	vperm.xlane v32, v0;
	v27 =	vperm.xlane v33, v0  }
0x21b: {  	v50 =	vmul.f32 v63, v7;
	v49 =	vperm.xlane v3, v1;
	v31 =	vadd.f32 v54, v28  }
0x21c: {  	v4 =	vmul.f32 v35, v5;
	v26 =	vadd.f32 v26, v32;
	v27 =	vadd.f32 v27, v33  }
0x21d: {  	v28 =	vadd.f32 v55, v34;
	v61 =	vmul.f32 v39, v11;
	v34 =	vmul.f32 v63, v21  }
0x21e: {  	v32 =	vadd.f32 v56, v37;
	v26 =	vsel vm0, v26, v27;
	v27 =	vadd.f32 v57, v40  }
0x21f: {  	v3 =	vadd.f32 v49, v3;
	v53 =	vperm.xlane v30, v2;
	v37 =	vld [tilespmem:s23+$0x30];
	v47 =	vmul.f32 v59, v6  }
0x220: {  	v28 =	vsel vm0, v28, v32;
	v45 =	vperm.xlane v26, v1;
	v27 =	vsel vm0, v27, v62  }
0x221: {  	v30 =	vadd.f32 v53, v30;
	v40 =	vld [tilespmem:s23+$0x40];
	v46 =	vperm.xlane v28, v1;
	v48 =	vperm.xlane v27, v1  }
0x222: {  	v38 =	vld [tilespmem:s23+$0x50];
	v56 =	vmul.f32 v63, v14;
	v4 =	vadd.f32 v47, v4;
	v26 =	vadd.f32 v45, v26  }
0x223: {  	v52 =	vmul.f32 v59, v13;
	v28 =	vadd.f32 v46, v28;
	v27 =	vadd.f32 v48, v27  }
0x224: {  	v59 =	vmul.f32 v59, v20;
	v4 =	vadd.f32 v50, v4;
	v51 =	vmul.f32 v37, v8  }
0x225: {  	v60 =	vld [tilespmem:s23+$0xA0];
	v26 =	vsel vm1, v26, v28;
	v3 =	vsel vm1, v27, v3;
	v27 =	vmul.f32 v35, v12  }
0x226: {  	v58 =	vld [tilespmem:s23+$0x90];
	v4 =	vadd.f32 v51, v4;
	v54 =	vmul.f32 v40, v9;
	v53 =	vperm.xlane v26, v2  }
0x227: {  	v62 =	vmul.f32 v38, v17;
	v55 =	vperm.xlane v3, v2;
	v27 =	vadd.f32 v52, v27  }
0x228: {  	v57 =	vld [tilespmem:s23+$0x80];
	v4 =	vadd.f32 v54, v4;
	v32 =	vadd.f32 v53, v26;
	v26 =	vmul.f32 v38, v10  }
0x229: {  	v33 =	vadd.f32 v55, v3;
	v3 =	vadd.f32 v56, v27;
	v27 =	vmul.f32 v37, v15  }
0x22a: {  	v50 =	vmul.f32 v60, v7;
	v4 =	vadd.f32 v26, v4;
	v26 =	vmul.f32 v35, v19  }
0x22b: {  	v48 =	vmul.f32 v58, v6;
	v3 =	vadd.f32 v27, v3;
	v27 =	vmul.f32 v40, v16  }
0x22c: {  	v63 =	vld [tilespmem:s23+$0xB0];
	v51 =	vmul.f32 v39, v18;
	v28 =	vmul.f32 v58, v20;
	v26 =	vadd.f32 v59, v26  }
0x22d: {  	v39 =	vmul.f32 v39, v25;
	v3 =	vadd.f32 v27, v3;
	v27 =	vmul.f32 v57, v5  }
0x22e: {  	v49 =	vld [tilespmem:s23+$0xC0];
	v36 =	vadd.f32 v61, v4;
	v4 =	vadd.f32 v34, v26;
	v26 =	vmul.f32 v37, v22  }
0x22f: {  	v54 =	vmul.f32 v58, v13;
	v58 =	vmul.f32 v60, v21;
	v27 =	vadd.f32 v48, v27  }
0x230: {  	v38 =	vmul.f32 v38, v24;
	v52 =	vld [tilespmem:s23+$0xD0];
	v4 =	vadd.f32 v26, v4;
	v26 =	vmul.f32 v40, v23  }
0x231: {  	v53 =	vmul.f32 v63, v8;
	v3 =	vadd.f32 v62, v3;
	v27 =	vadd.f32 v50, v27  }
0x232: {  	v55 =	vmul.f32 v60, v14;
	v59 =	vld [tilespmem:s23+$0x110];
	v4 =	vadd.f32 v26, v4;
	v26 =	vmul.f32 v57, v12  }
0x233: {  	v35 =	vadd.f32 v51, v3;
	v3 =	vadd.f32 v53, v27;
	v27 =	vmul.f32 v49, v9  }
0x234: {  	v60 =	vmul.f32 v49, v16;
	v4 =	vadd.f32 v38, v4;
	v38 =	vld [tilespmem:s23+$0xD4];
	v26 =	vadd.f32 v54, v26  }
0x235: {  	v56 =	vmul.f32 v52, v10;
	v3 =	vadd.f32 v27, v3;
	v27 =	vmul.f32 v57, v19  }
0x236: {  	v40 =	vmul.f32 v52, v24;
	v26 =	vadd.f32 v55, v26;
	v57 =	vmul.f32 v63, v15  }
0x237: {  	v43 =	vld [tilespmem:s23+$0x100];
	v62 =	vmul.f32 v63, v22;
	v48 =	vmul.f32 v59, v6;
	v27 =	vadd.f32 v28, v27  }
0x238: {  	v47 =	vld [tilespmem:s23+$0x150];
	v41 =	vmul.f32 v59, v20;
	v50 =	vmul.f32 v59, v13;
	v26 =	vadd.f32 v57, v26  }
0x239: {  	v63 =	vld [tilespmem:s23+$0x120];
	v3 =	vadd.f32 v56, v3;
	v61 =	vmul.f32 v38, v11;
	v27 =	vadd.f32 v58, v27  }
0x23a: {  	v34 =	vadd.f32 v39, v4;
	v4 =	vadd.f32 v60, v26;
	v26 =	vmul.f32 v52, v17  }
0x23b: {  	v28 =	vld [tilespmem:s23+$0x130];
	v39 =	vadd.f32 v61, v3;
	v3 =	vadd.f32 v62, v27;
	v27 =	vmul.f32 v49, v23  }
0x23c: {  	v55 =	vmul.f32 v38, v25;
	v4 =	vadd.f32 v26, v4;
	v26 =	vmul.f32 v43, v5  }
0x23d: {  	v52 =	vmul.f32 v38, v18;
	v49 =	vmul.f32 v43, v12;
	v3 =	vadd.f32 v27, v3;
	v27 =	vld [tilespmem:s23+$0x140]  }
0x23e: {  	v46 =	vld [tilespmem:s23+$0x190];
	v58 =	vmul.f32 v47, v10;
	v51 =	vmul.f32 v63, v7;
	v26 =	vadd.f32 v48, v26  }
0x23f: {  	v60 =	vmul.f32 v47, v17;
	v53 =	vmul.f32 v63, v14;
	v42 =	vadd.f32 v50, v49  }
0x240: {  	v61 =	vmul.f32 v63, v21;
	v54 =	vmul.f32 v28, v8;
	v49 =	vld [tilespmem:s23+$0x180];
	v26 =	vadd.f32 v51, v26  }
0x241: {  	v56 =	vmul.f32 v28, v15;
	v3 =	vadd.f32 v40, v3;
	v40 =	vld [tilespmem:s23+$0x154];
	v42 =	vadd.f32 v53, v42  }
0x242: {  	v44 =	vld [tilespmem:s23+$0x1B0];
	v38 =	vadd.f32 v52, v4;
	v4 =	vadd.f32 v54, v26;
	v26 =	vmul.f32 v27, v9  }
0x243: {  	v63 =	vmul.f32 v46, v6;
	v50 =	vld [tilespmem:s23+$0x1C0];
	v37 =	vadd.f32 v55, v3;
	v3 =	vadd.f32 v56, v42  }
0x244: {  	v57 =	vmul.f32 v27, v16;
	v4 =	vadd.f32 v26, v4;
	v26 =	vmul.f32 v43, v19;
	v43 =	vld [tilespmem:s23+$0x1A0]  }
0x245: {  	v28 =	vmul.f32 v28, v22;
	v62 =	vmul.f32 v49, v5  }
0x246: {  	v59 =	vmul.f32 v40, v11;
	v3 =	vadd.f32 v57, v3;
	v26 =	vadd.f32 v41, v26  }
0x247: {  	v52 =	vld [tilespmem:s23+$0x1D0];
	v55 =	vmul.f32 v40, v18;
	v45 =	vadd.f32 v63, v62;
	v57 =	vmul.f32 v40, v25  }
0x248: {  	v62 =	vmul.f32 v50, v16;
	v4 =	vadd.f32 v58, v4;
	v26 =	vadd.f32 v61, v26  }
0x249: {  	v63 =	vmul.f32 v44, v22;
	v3 =	vadd.f32 v60, v3;
	v56 =	vmul.f32 v43, v7  }
0x24a: {  	v42 =	vadd.f32 v59, v4;
	v4 =	vadd.f32 v28, v26;
	v26 =	vmul.f32 v27, v23  }
0x24b: {  	v41 =	vadd.f32 v55, v3;
	v27 =	vmul.f32 v44, v8;
	v3 =	vadd.f32 v56, v45  }
0x24c: {  	v53 =	vld [tilespmem:s23+$0x230];
	v58 =	vmul.f32 v52, v10;
	v4 =	vadd.f32 v26, v4;
	v26 =	vmul.f32 v47, v24  }
0x24d: {  	v51 =	vld [tilespmem:s23+$0x200];
	v59 =	vmul.f32 v46, v13;
	v3 =	vadd.f32 v27, v3;
	v27 =	vmul.f32 v50, v9  }
0x24e: {  	v46 =	vmul.f32 v46, v20;
	v47 =	vld [tilespmem:s23+$0x1D4];
	v4 =	vadd.f32 v26, v4;
	v26 =	vmul.f32 v49, v12  }
0x24f: {  	v60 =	vmul.f32 v43, v21;
	v3 =	vadd.f32 v27, v3;
	v27 =	vmul.f32 v49, v19;
	v49 =	vld [tilespmem:s23+$0x210]  }
0x250: {  	v40 =	vadd.f32 v57, v4;
	v4 =	vadd.f32 v59, v26;
	v26 =	vmul.f32 v43, v14  }
0x251: {  	v56 =	vmul.f32 v52, v17;
	v59 =	vmul.f32 v53, v8;
	v27 =	vadd.f32 v46, v27;
	v46 =	vld [tilespmem:s23+$0x220]  }
0x252: {  	v3 =	vadd.f32 v58, v3;
	v4 =	vadd.f32 v26, v4;
	v26 =	vmul.f32 v44, v15  }
0x253: {  	v61 =	vmul.f32 v47, v11;
	v57 =	vmul.f32 v47, v18;
	v27 =	vadd.f32 v60, v27  }
0x254: {  	v28 =	vld [tilespmem:s23+$0x240];
	v4 =	vadd.f32 v26, v4;
	v26 =	vmul.f32 v51, v5;
	v54 =	vmul.f32 v49, v6  }
0x255: {  	v45 =	vadd.f32 v61, v3;
	v3 =	vadd.f32 v63, v27;
	v27 =	vmul.f32 v50, v23  }
0x256: {  	v58 =	vmul.f32 v52, v24;
	v26 =	vadd.f32 v54, v26;
	v55 =	vmul.f32 v46, v7  }
0x257: {  	v60 =	vmul.f32 v51, v12;
	v61 =	vmul.f32 v49, v13;
	v3 =	vadd.f32 v27, v3;
	v27 =	vld [tilespmem:s23+$0x250]  }
0x258: {  	v47 =	vmul.f32 v47, v25;
	v4 =	vadd.f32 v62, v4;
	v26 =	vadd.f32 v55, v26  }
0x259: {  	v62 =	vmul.f32 v28, v9;
	v52 =	vadd.f32 v61, v60;
	v63 =	vmul.f32 v46, v14;
	v55 =	vld [tilespmem:s23+$0x280]  }
0x25a: {  	v60 =	vmul.f32 v28, v16;
	v4 =	vadd.f32 v56, v4;
	v56 =	vld [tilespmem:s23+$0x290];
	v26 =	vadd.f32 v59, v26  }
0x25b: {  	v50 =	vld [tilespmem:s23+$0x254];
	v46 =	vmul.f32 v46, v21;
	v3 =	vadd.f32 v58, v3;
	v58 =	vmul.f32 v53, v15  }
0x25c: {  	v44 =	vadd.f32 v57, v4;
	v4 =	vadd.f32 v62, v26;
	v26 =	vmul.f32 v27, v10  }
0x25d: {  	v54 =	vld [tilespmem:s23+$0x2B0];
	v59 =	vmul.f32 v49, v20;
	v43 =	vadd.f32 v47, v3;
	v3 =	vadd.f32 v63, v52  }
0x25e: {  	v49 =	vld [tilespmem:s23+$0x2A0];
	v61 =	vmul.f32 v27, v17;
	v4 =	vadd.f32 v26, v4;
	v26 =	vmul.f32 v51, v19  }
0x25f: {  	v3 =	vadd.f32 v58, v3;
	v62 =	vmul.f32 v55, v5;
	v63 =	vmul.f32 v56, v6  }
0x260: {  	v57 =	vld [tilespmem:s23+$0x320];
	v27 =	vmul.f32 v27, v24;
	v51 =	vmul.f32 v50, v11;
	v26 =	vadd.f32 v59, v26  }
0x261: {  	v3 =	vadd.f32 v60, v3;
	v60 =	vadd.f32 v63, v62;
	v62 =	vmul.f32 v50, v18  }
0x262: {  	v48 =	vadd.f32 v51, v4;
	v51 =	vld [tilespmem:s23+$0x2C0];
	v4 =	vadd.f32 v46, v26;
	v26 =	vmul.f32 v53, v22  }
0x263: {  	v63 =	vmul.f32 v54, v8;
	v3 =	vadd.f32 v61, v3;
	v61 =	vmul.f32 v49, v7  }
0x264: {  	v50 =	vmul.f32 v50, v25;
	v4 =	vadd.f32 v26, v4;
	v26 =	vmul.f32 v28, v23  }
0x265: {  	v52 =	vmul.f32 v57, v7;
	v46 =	vadd.f32 v61, v60;
	v60 =	vmul.f32 v56, v13;
	v28 =	vld [tilespmem:s23+$0x2D0]  }
0x266: {  	v47 =	vadd.f32 v62, v3;
	v4 =	vadd.f32 v26, v4;
	v26 =	vmul.f32 v55, v12  }
0x267: {  	v62 =	vmul.f32 v49, v14;
	v3 =	vadd.f32 v63, v46;
	v61 =	vmul.f32 v51, v9  }
0x268: {  	v49 =	vmul.f32 v49, v21;
	v4 =	vadd.f32 v27, v4;
	v27 =	vld [tilespmem:s23+$0x2D4];
	v26 =	vadd.f32 v60, v26  }
0x269: {  	v53 =	vld [tilespmem:s23+$0x310];
	v63 =	vmul.f32 v55, v19;
	v3 =	vadd.f32 v61, v3;
	v60 =	vmul.f32 v56, v20  }
0x26a: {  	v56 =	vld [tilespmem:s23+$0x300];
	v61 =	vmul.f32 v28, v10;
	v26 =	vadd.f32 v62, v26;
	v62 =	vmul.f32 v54, v15  }
0x26b: {  	v46 =	vadd.f32 v60, v63;
	v63 =	vmul.f32 v51, v16;
	v54 =	vmul.f32 v54, v22  }
0x26c: {  	v3 =	vadd.f32 v61, v3;
	v61 =	vmul.f32 v51, v23;
	v26 =	vadd.f32 v62, v26  }
0x26d: {  	v49 =	vadd.f32 v49, v46;
	v46 =	vadd.f32 v50, v4;
	v60 =	vmul.f32 v27, v11  }
0x26e: {  	v51 =	vld [tilespmem:s23+$0x330];
	v62 =	vmul.f32 v53, v6;
	v4 =	vadd.f32 v63, v26;
	v26 =	vmul.f32 v28, v17  }
0x26f: {  	v49 =	vadd.f32 v54, v49;
	v63 =	vmul.f32 v56, v12;
	v3 =	vadd.f32 v60, v3  }
0x270: {  	v60 =	vmul.f32 v53, v13;
	v4 =	vadd.f32 v26, v4;
	v26 =	vmul.f32 v56, v5  }
0x271: {  	v55 =	vmul.f32 v57, v14;
	v50 =	vld [tilespmem:s23+$0x340];
	v28 =	vmul.f32 v28, v24;
	v49 =	vadd.f32 v61, v49  }
0x272: {  	v58 =	vmul.f32 v27, v18;
	v54 =	vadd.f32 v60, v63;
	v26 =	vadd.f32 v62, v26  }
0x273: {  	v59 =	vld [tilespmem:s23+$0x350];
	v27 =	vmul.f32 v27, v25;
	v61 =	vmul.f32 v51, v8;
	v28 =	vadd.f32 v28, v49  }
0x274: {  	v26 =	vadd.f32 v52, v26;
	v52 =	vadd.f32 v55, v54;
	v54 =	vmul.f32 v51, v15  }
0x275: {  	v53 =	vmul.f32 v53, v20;
	v62 =	vmul.f32 v56, v19;
	v55 =	vld [tilespmem:s23+$0x380];
	v49 =	vadd.f32 v27, v28  }
0x276: {  	v28 =	vmul.f32 v50, v16;
	v26 =	vadd.f32 v61, v26;
	v61 =	vld [tilespmem:s23+$0x390];
	v27 =	vadd.f32 v54, v52  }
0x277: {  	v60 =	vld [tilespmem:s23+$0x354];
	v4 =	vadd.f32 v58, v4;
	v58 =	vmul.f32 v50, v9;
	v52 =	vadd.f32 v53, v62  }
0x278: {  	v54 =	vld [tilespmem:s23+$0x3A0];
	v53 =	vmul.f32 v57, v21;
	v27 =	vadd.f32 v28, v27;
	v28 =	vmul.f32 v59, v17  }
0x279: {  	v63 =	vmul.f32 v59, v10;
	v51 =	vmul.f32 v51, v22;
	v26 =	vadd.f32 v58, v26  }
0x27a: {  	v50 =	vmul.f32 v50, v23;
	v57 =	vld [tilespmem:s23+$0x3B0];
	v27 =	vadd.f32 v28, v27;
	v28 =	vadd.f32 v53, v52  }
0x27b: {  	v56 =	vmul.f32 v55, v5;
	v52 =	vld [tilespmem:s23+$0x3C0];
	v62 =	vmul.f32 v61, v6  }
0x27c: {  	v58 =	vmul.f32 v60, v11;
	v26 =	vadd.f32 v63, v26;
	v28 =	vadd.f32 v51, v28  }
0x27d: {  	v53 =	vmul.f32 v60, v18;
	v63 =	vld [tilespmem:s23+$0x3D0];
	v56 =	vadd.f32 v62, v56;
	v62 =	vmul.f32 v54, v7  }
0x27e: {  	v26 =	vadd.f32 v58, v26;
	v58 =	vmul.f32 v59, v24;
	v28 =	vadd.f32 v50, v28  }
0x27f: {  	v50 =	vmul.f32 v55, v12;
	v51 =	vadd.f32 v62, v56;
	v62 =	vmul.f32 v57, v8  }
0x280: {  	v27 =	vadd.f32 v53, v27;
	v56 =	vmul.f32 v61, v13;
	v53 =	vmul.f32 v52, v9  }
0x281: {  	v61 =	vmul.f32 v61, v20;
	v28 =	vadd.f32 v58, v28;
	v58 =	vperm.xlane v3, v0  }
0x282: {  	v59 =	vld [tilespmem:s23+$0x3D4];
	v51 =	vadd.f32 v62, v51;
	v62 =	vmul.f32 v63, v10;
	v50 =	vadd.f32 v56, v50  }
0x283: {  	v56 =	vmul.f32 v54, v14;
	v54 =	vmul.f32 v54, v21;
	v3 =	vadd.f32 v58, v3  }
0x284: {  	v58 =	vmul.f32 v63, v24;
	v51 =	vadd.f32 v53, v51;
	v53 =	vmul.f32 v55, v19  }
0x285: {  	v50 =	vadd.f32 v56, v50;
	v56 =	vmul.f32 v57, v15;
	v57 =	vmul.f32 v57, v22  }
0x286: {  	v55 =	vperm.xlane v4, v0;
	v51 =	vadd.f32 v62, v51;
	v53 =	vadd.f32 v61, v53  }
0x287: {  	v61 =	vmul.f32 v60, v25;
	v50 =	vadd.f32 v56, v50;
	v62 =	vmul.f32 v59, v11  }
0x288: {  	v60 =	vmul.f32 v52, v16;
	v52 =	vmul.f32 v52, v23;
	v4 =	vadd.f32 v55, v4  }
0x289: {  	v55 =	vperm.xlane v49, v0;
	v53 =	vadd.f32 v54, v53;
	v28 =	vadd.f32 v61, v28  }
0x28a: {  	v51 =	vadd.f32 v62, v51;
	v61 =	vperm.xlane v36, v0;
	v62 =	vperm.xlane v39, v0  }
0x28b: {  	v50 =	vadd.f32 v60, v50;
	v60 =	vperm.xlane v42, v0;
	v54 =	vperm.xlane v47, v0  }
0x28c: {  	v53 =	vadd.f32 v57, v53;
	v36 =	vadd.f32 v61, v36;
	v61 =	vperm.xlane v45, v0  }
0x28d: {  	v39 =	vadd.f32 v62, v39;
	v62 =	vmul.f32 v63, v17;
	v42 =	vadd.f32 v60, v42  }
0x28e: {  	v57 =	vperm.xlane v48, v0;
	v60 =	vperm.xlane v26, v0;
	v45 =	vadd.f32 v61, v45  }
0x28f: {  	v63 =	vmul.f32 v59, v25;
	v50 =	vadd.f32 v62, v50;
	v52 =	vadd.f32 v52, v53  }
0x290: {  	v36 =	vsel vm0, v36, v39;
	v61 =	vperm.xlane v51, v0;
	v26 =	vadd.f32 v60, v26  }
0x291: {  	v53 =	vperm.xlane v43, v0;
	v62 =	vperm.xlane v36, v1;
	v39 =	vsel vm0, v42, v45  }
0x292: {  	v45 =	vadd.f32 v57, v48;
	v60 =	vadd.f32 v61, v51;
	v61 =	vmul.f32 v59, v18  }
0x293: {  	v51 =	vperm.xlane v37, v0;
	v57 =	vperm.xlane v39, v1;
	v36 =	vadd.f32 v62, v36  }
0x294: {  	v62 =	vadd.f32 v58, v52;
	v52 =	vperm.xlane v40, v0;
	v3 =	vsel vm0, v45, v3  }
0x295: {  	v26 =	vsel vm0, v26, v60;
	v45 =	vadd.f32 v61, v50;
	v60 =	vperm.xlane v35, v0  }
0x296: {  	v61 =	vperm.xlane v38, v0;
	v50 =	vperm.xlane v34, v0;
	v37 =	vadd.f32 v51, v37  }
0x297: {  	v39 =	vadd.f32 v57, v39;
	v57 =	vperm.xlane v3, v1;
	v48 =	vperm.xlane v26, v1  }
0x298: {  	v42 =	vadd.f32 v63, v62;
	v62 =	vperm.xlane v41, v0;
	v40 =	vadd.f32 v52, v40  }
0x299: {  	v63 =	vperm.xlane v44, v0;
	v35 =	vadd.f32 v60, v35;
	v38 =	vadd.f32 v61, v38  }
0x29a: {  	v61 =	vperm.xlane v45, v0;
	v34 =	vadd.f32 v50, v34;
	v3 =	vadd.f32 v57, v3  }
0x29b: {  	v36 =	vsel vm1, v36, v39;
	v26 =	vadd.f32 v48, v26;
	v39 =	vadd.f32 v62, v41  }
0x29c: {  	v56 =	vadd.f32 v63, v44;
	v57 =	vadd.f32 v54, v47;
	v54 =	vperm.xlane v46, v0  }
0x29d: {  	v41 =	vadd.f32 v53, v43;
	v58 =	vperm.xlane v36, v2;
	v35 =	vsel vm0, v35, v38  }
0x29e: {  	v60 =	vsel vm0, v39, v56;
	v4 =	vsel vm0, v57, v4;
	v62 =	vperm.xlane v35, v1  }
0x29f: {  	v39 =	vadd.f32 v61, v45;
	v56 =	vperm.xlane v28, v0;
	v57 =	vperm.xlane v42, v0  }
0x2a0: {  	v36 =	vadd.f32 v58, v36;
	v58 =	vperm.xlane v27, v0;
	v63 =	vperm.xlane v60, v1  }
0x2a1: {  	v48 =	vperm.xlane v4, v1;
	v35 =	vadd.f32 v62, v35;
	v28 =	vadd.f32 v56, v28  }
0x2a2: {  	v34 =	vsel vm0, v34, v37;
	v42 =	vadd.f32 v57, v42;
	v27 =	vadd.f32 v58, v27  }
0x2a3: {  	v3 =	vsel vm1, v3, v26;
	v38 =	vadd.f32 v63, v60;
	v4 =	vadd.f32 v48, v4  }
0x2a4: {  	v62 =	vsel vm0, v40, v41;
	v58 =	vadd.f32 v54, v46;
	v60 =	vadd.f32 v55, v49  }
0x2a5: {  	v63 =	vperm.xlane v34, v1;
	v41 =	vperm.xlane v62, v1;
	v27 =	vsel vm0, v27, v39  }
0x2a6: {  	v28 =	vsel vm0, v28, v42;
	v39 =	vsel vm0, v58, v60;
	v61 =	vperm.xlane v27, v1  }
0x2a7: {  	v47 =	vperm.xlane v28, v1;
	v26 =	vadd.f32 v63, v34;
	v46 =	vperm.xlane v39, v1  }
0x2a8: {  	v48 =	vadd.f32 v41, v62;
	v27 =	vadd.f32 v61, v27  }
0x2a9: {  	v50 =	vperm.xlane v3, v2;
	v28 =	vadd.f32 v47, v28;
	v49 =	vadd.f32 v46, v39  }
0x2aa: {  	v59 =	vld [tilespmem:$0x1FFE0];
	v35 =	vsel vm1, v35, v38;
	v26 =	vsel vm1, v26, v48;
	v4 =	vsel vm1, v4, v27  }
0x2ab: {  	v27 =	vperm.xlane v35, v2;
	v28 =	vsel vm1, v49, v28;
	v51 =	vperm.xlane v4, v2  }
0x2ac: {  	v3 =	vadd.f32 v50, v3;
	v34 =	vperm.xlane v26, v2;
	v37 =	vperm.xlane v28, v2  }
0x2ad: {  	v30 =	vsel vm2, v30, v31;
	v27 =	vadd.f32 v27, v35;
	v4 =	vadd.f32 v51, v4  }
0x2ae: {  	v32 =	vsel vm2, v32, v33;
	v26 =	vadd.f32 v34, v26;
	v28 =	vadd.f32 v37, v28  }
0x2af: {  	v31 =	vperm.xlane v30, v59;
	v57 =	vld [tilespmem:$0x1FFC0];
	v3 =	vsel vm2, v36, v3;
	v4 =	vsel vm2, v27, v4  }
0x2b0: {  	v58 =	vld [tilespmem:$0x1FFB0];
	v27 =	vperm.xlane v3, v59;
	v26 =	vsel vm2, v26, v28;
	v53 =	vperm.xlane v4, v59  }
0x2b1: {  	v52 =	vld [tilespmem:$0x1FFD0];
	v54 =	vadd.f32 v30, v31;
	v55 =	vperm.xlane v32, v59;
	v56 =	vperm.xlane v26, v59  }
0x2b2: {  	v3 =	vadd.f32 v3, v27;
	v4 =	vadd.f32 v4, v53  }
0x2b3: {  	v27 =	vadd.f32 v32, v55;
	v26 =	vadd.f32 v26, v56  }
0x2b4: {  	v3 =	vsel vm3, v29, v3;
	v4 =	vsel vm3, v54, v4  }
0x2b5: {  	v3 =	vadd.f32 v3, v58;
	v26 =	vsel vm3, v27, v26;
	v4 =	vadd.f32 v4, v57  }
0x2b6: {  	v26 =	vadd.f32 v26, v52  }
0x2b7: {  	v27 =	vmax.f32 v3, v4  }
0x2b8: {  	v27 =	vmax.f32 v27, v26  }
0x2b9: {  	v3 =	vsub.f32 v3, v27  }
0x2ba: {  	v4 =	vsub.f32 v4, v27  }
0x2bb: {  	v3 =	vmul.f32 $1.442695020e+00, v3  }
0x2bc: {  	v26 =	vsub.f32 v26, v27;
	v4 =	vmul.f32 $1.442695020e+00, v4  }
0x2bd: {  	(erf) = vpow2.f32 v3  }
0x2be: {  	v3 =	vmul.f32 $1.442695020e+00, v26;
	(erf) = vpow2.f32 v4;
	_ =	sdelay $0x1  }
0x2bf: {  	(erf) = vpow2.f32 v3;
	_ =	sdelay $0x5  }
0x2c0: {  	v3 =	vpop (erf)  }
0x2c1: {  	v4 =	vpop (erf)  }
0x2c2: {  	v26 =	vadd.f32 v4, v3  }
0x2c3: {  	v27 =	vpop (erf)  }
0x2c4: {  	v26 =	vadd.f32 v26, v27;
	_ =	sdelay $0x1  }
0x2c5: {  	(erf) = vrcp.f32 v26;
	_ =	sdelay $0x1  }
0x2c6: {  	v60 =	vld [tilespmem:$0x1FFF0];
	_ =	sdelay $0x2  }
0x2c7: {  	v26 =	vmov s22  }
0x2c8: {  	v26 =	vshll.u32 v26, $0x7  }
0x2c9: {  	v26 =	vor.u32 v60, v26  }
0x2ca: {  	v61 =	vor.u32 $0x1, v26  }
0x2cb: {  	p1 =	sne.s32 s22, $0xF0;
	v63 =	vor.u32 $0x2, v26;
	v62 =	vpop (erf)  }
.Ltmp3:
0x2cc: {  	v3 =	vmul.f32 v62, v3;
	(pc) =	sbr.rel @p1 .LBB2_5-.Ltmp3, $4  }
0x2cd: {  	v4 =	vmul.f32 v62, v4  }
0x2ce: {  	[tilespmem:v26+s17+$0x0] =	vst.idx.msk $0xffff, v3;
	v3 =	vmul.f32 v62, v27  }
0x2cf: {  	[tilespmem:v61+s17+$0x0] =	vst.idx.msk $0xffff, v4  }
0x2d0: {  	s23 =	sadd.s32 $0x800, s23;
	s22 =	sadd.s32 $0x10, s22;
	[tilespmem:v63+s17+$0x0] =	vst.idx.msk $0xffff, v3  }
.Ltmp4:
0x2d1: {  	s22 =	sadd.s32 s11, s21;
	(pc) =	sbr.rel @p0 .LBB2_8-.Ltmp4, $4  }
0x2d2: {  	[hbm4b:s22+s2] =	stream.linear.scatter [tilespmem:s17], [sflag:$0x3], $0x8000, $0x38;
	[tilespmem:$0x18E00] =	vst v63  }
0x2d3: {  	_ =	swait.ge [sflag:s13], $0x8000  }
0x2d4: {  	[sflag:s13] =	ssyncset.done $0x0  }
0x2d5: {  	[sflag:s13] =	ssyncadd.s32 $0xFFFF8000  }
.Ltmp5:
0x2d6: {  	(pc) =	sbr.rel .LBB2_2-.Ltmp5, $3  }
0x2d7: {  	_ =	sdelay $0x1  }
0x2d8: {  	s21 =	sadd.s32 s21, s9;
	s20 =	sadd.s32 $0x1, s20  }
0x2d9: {  	[tilespmem:s15], [sflag:$0x2] =	stream.linear.gather [hbm4b:s21+s2], $0x8000, $0x38;
	[tilespmem:$0x18E00] =	vst v63  }
.LBB2_9:
0x2da: {  	_ =	sfence.sel $0x180000  }
0x2db: {  	[bflag:$0x0] =	sbarrier.arrive $0xFFFF  }
0x2dc: {  	p0 =	sne.s32 s3, $0x0;
	_ =	strace $0x90000047  }
0x2dd: {  	s0 =	sadd.s32 @!p0 $0x100000, s0;
	[bflag:$0x2] =	sbarrier.arrive $0xFFFF  }
0x2de: {  	[sflag:s0] =	ssyncadd.tile.s32 @!p0 $0x1;
	_ =	shalt  }
.Lfunc_end2:
_tile_overlayer_lowered:
.L_overlay_start_2:
0x2df: {  	(tag) =	ssettag $0x2  }
0x2e0: {  	s0 =	rddreg [dreg:$0x0];
	s2 =	stileid.u32  }
0x2e1: {  	s1 =	rddreg [dreg:$0x1];
	p0 =	sne.s32 s2, $0x0  }
0x2e2: {  	s3 =	rddreg [dreg:$0x2];
	[bflag:$0x3] =	sbarrier.arrive $0xFFFF;
	s2 =	simm.s32 @!p0 $0x1C03  }
0x2e3: {  	[timem:s3], [sflag:s2] =	dma.local @!p0 [hbm:s0], s1  }
0x2e4: {  	s0 =	simm.s32 @!p0 $0x3  }
0x2e5: {  	_ =	swait.ge @!p0 [sflag:s0], s1  }
0x2e6: {  	s1 =	ssub.s32 @!p0 $0x0, s1;
	[sflag:s0] =	ssyncset.done @!p0 $0x0  }
0x2e7: {  	[sflag:s0] =	ssyncadd.s32 @!p0 s1  }
0x2e8: {  	[bflag:$0x3] =	sbarrier.arrive $0xFFFF  }
0x2e9: {  	_ =	shalt  }

</sc_bundles>
